<compile_context>
chip_gen: v7x
topology: tpu7x:2x2x1
jax: 0.10.2.dev20260603
libtpu: 0.0.44.dev20260713+nightly
codegen_flags: <defaults>
</compile_context>

<pallas_src>
import functools

import jax
import jax.numpy as jnp
from jax import lax
from jax.experimental import pallas as pl
from jax.experimental.pallas import tpu as pltpu
from jax.experimental.pallas import tpu_sc as plsc

_NC = 2
_NS = 16
_NW = _NC * _NS
_L = 16
_K = 8
_NBUF = 4


@functools.cache
def _emb_call(n_batch: int, n_seq: int, d: int):
    wpb = _NW // n_batch
    spw = n_seq // wpb
    nchunk = spw // _K
    mesh = plsc.VectorSubcoreMesh(core_axis_name="c", subcore_axis_name="s")

    @functools.partial(
        pl.kernel,
        mesh=mesh,
        out_type=jax.ShapeDtypeStruct((n_seq, n_batch, d), jnp.float32),
        scratch_types=[
            pltpu.VMEM((spw,), jnp.int32),
            pltpu.VMEM((spw,), jnp.int32),
            pltpu.VMEM((_NBUF, _K, d), jnp.float32),
            pltpu.VMEM((_NBUF, _K, d), jnp.float32),
        ] + [pltpu.SemaphoreType.DMA] * (2 * _NBUF),
    )
    def k(tok_hbm, pos_hbm, wt_hbm, pt_hbm, out_hbm, tok_v, pos_v, wbuf,
          pbuf, *sems):
        gsem = sems[:_NBUF]
        osem = sems[_NBUF:]
        wid = lax.axis_index("s") * _NC + lax.axis_index("c")
        b = wid // wpb
        s0w = (wid % wpb) * spw
        ci = pltpu.async_copy(tok_hbm.at[b, pl.ds(s0w, spw)], tok_v,
                              sems[0])
        cj = pltpu.async_copy(pos_hbm.at[b, pl.ds(s0w, spw)], pos_v,
                              sems[0])
        ci.wait()
        cj.wait()

        def gather_desc(g, s):
            off = g * _K
            cw = pltpu.make_async_copy(wt_hbm.at[tok_v.at[pl.ds(off, _K)]],
                                       wbuf.at[s], gsem[s])
            cp = pltpu.make_async_copy(pt_hbm.at[pos_v.at[pl.ds(off, _K)]],
                                       pbuf.at[s], gsem[s])
            return cw, cp

        def out_desc(g, s):
            return pltpu.make_async_copy(
                wbuf.at[s], out_hbm.at[pl.ds(s0w + g * _K, _K), b], osem[s])

        for s in range(_NBUF - 1):
            cw, cp = gather_desc(s, s)
            cw.start()
            cp.start()

        def block_body(blk, carry):
            for s in range(_NBUF):
                h = blk * _NBUF + s
                cw, cp = gather_desc(h, s)
                cw.wait()
                cp.wait()

                nxt = h + _NBUF - 1
                s2 = (s + _NBUF - 1) % _NBUF

                @pl.when(jnp.logical_and(h >= 1, nxt < nchunk))
                def _():
                    out_desc(h - 1, s2).wait()

                @pl.when(nxt < nchunk)
                def _():
                    cw2, cp2 = gather_desc(nxt, s2)
                    cw2.start()
                    cp2.start()

                def row_body(r, c2, s=s):
                    for c in range(d // _L):
                        sl = pl.ds(c * _L, _L)
                        plsc.addupdate(wbuf.at[s, r, sl], pbuf[s, r, sl])
                    return c2

                lax.fori_loop(0, _K, row_body, 0)
                out_desc(h, s).start()
            return carry

        nmain = nchunk - nchunk % _NBUF
        lax.fori_loop(0, nmain // _NBUF, block_body, 0)
        for g in range(nmain, nchunk):
            sr = g % _NBUF
            cw, cp = gather_desc(g, sr)
            cw.wait()
            cp.wait()

            def row_body(r, c2, sr=sr):
                for c in range(d // _L):
                    sl = pl.ds(c * _L, _L)
                    plsc.addupdate(wbuf.at[sr, r, sl], pbuf[sr, r, sl])
                return c2

            lax.fori_loop(0, _K, row_body, 0)
            out_desc(g, sr).start()
        for j in range(_NBUF):
            g = nchunk - _NBUF + j
            out_desc(g, g % _NBUF).wait()

    return k


def kernel(tokens, position_ids, word_table, pos_table):
    b, s = tokens.shape
    d = word_table.shape[1]
    tok = tokens.astype(jnp.int32)
    pos = position_ids.astype(jnp.int32)
    return _emb_call(b, s, d)(tok, pos, word_table, pos_table)

# --- scband reference (transcript-rebuilt; emitter-appended) ---
"""Pipeline reference for scband-embedding-ex-42880953484141 (READ-ONLY COPY).

The authoritative reference and input builder live on the scoring server;
editing this copy changes nothing except your own understanding.
"""

import jax, jax.numpy as jnp
import numpy as np

VOCAB = 100000
MAX_SEQ = 8192
EMBED_DIM = 1024
B, S = 4, 4096

def setup_inputs(seed: int = 0) -> dict:
    key = jax.random.key(seed)
    k1, k2, k3, k4 = jax.random.split(key, 4)
    tokens = jax.random.randint(k1, (B, S), 0, VOCAB, dtype=jnp.int64)
    position_ids = jax.random.randint(k2, (B, S), 0, S, dtype=jnp.int64)
    word_table = jax.random.normal(k3, (VOCAB, EMBED_DIM), dtype=jnp.float32) * 0.02
    pos_table = jax.random.normal(k4, (MAX_SEQ, EMBED_DIM), dtype=jnp.float32) * 0.02
    return {"tokens": tokens, "position_ids": position_ids, "word_table": word_table, "pos_table": pos_table}

def reference(tokens, position_ids, word_table, pos_table):
    # word embedding lookup (VocabParallelEmbedding -> plain gather here)
    words_embeddings = jnp.take(word_table, tokens, axis=0)          # [B, S, D]
    position_embeddings = jnp.take(pos_table, position_ids, axis=0)  # [B, S, D]
    embeddings = words_embeddings + position_embeddings
    # transpose(0, 1).contiguous() -> [S, B, D]
    embeddings = jnp.transpose(embeddings, (1, 0, 2))
    # dropout with p=0.0 (eval) is identity
    return embeddings

if __name__ == "__main__":
    import jax
    _d = setup_inputs()
    print(jax.jit(kernel)(*tuple(_d.values())))

</pallas_src>

<mosaic_0001>
#map = affine_map<(d0, d1) -> (0, 0)>
#map1 = affine_map<(d0, d1) -> (0, 0, 0)>
module attributes {stable_mosaic.version = 14 : i64} {
  func.func @k(%arg0: i32, %arg1: i32, %arg2: memref<4x4096xi32, #tpu.memory_space<hbm>>, %arg3: memref<4x4096xi32, #tpu.memory_space<hbm>>, %arg4: memref<100000x1024xf32, #tpu.memory_space<hbm>>, %arg5: memref<8192x1024xf32, #tpu.memory_space<hbm>>, %arg6: memref<4096x4x1024xf32, #tpu.memory_space<hbm>>, %arg7: memref<512xi32, #tpu.memory_space<vmem>>, %arg8: memref<512xi32, #tpu.memory_space<vmem>>, %arg9: memref<4x8x1024xf32, #tpu.memory_space<vmem>>, %arg10: memref<4x8x1024xf32, #tpu.memory_space<vmem>>, %arg11: memref<!tpu.dma_semaphore, #tpu.memory_space<semaphore_mem>>, %arg12: memref<!tpu.dma_semaphore, #tpu.memory_space<semaphore_mem>>, %arg13: memref<!tpu.dma_semaphore, #tpu.memory_space<semaphore_mem>>, %arg14: memref<!tpu.dma_semaphore, #tpu.memory_space<semaphore_mem>>, %arg15: memref<!tpu.dma_semaphore, #tpu.memory_space<semaphore_mem>>, %arg16: memref<!tpu.dma_semaphore, #tpu.memory_space<semaphore_mem>>, %arg17: memref<!tpu.dma_semaphore, #tpu.memory_space<semaphore_mem>>, %arg18: memref<!tpu.dma_semaphore, #tpu.memory_space<semaphore_mem>>) attributes {dimension_semantics = [#tpu.dimension_semantics<core_parallel>, #tpu.dimension_semantics<subcore_parallel>], iteration_bounds = array<i64: 2, 16>, scalar_prefetch = 0 : i64, scratch_operands = 12 : i64, tpu.core_type = #tpu.core_type<sc_vector_subcore>, window_params = [{transform_indices = #map}, {transform_indices = #map}, {transform_indices = #map}, {transform_indices = #map}, {transform_indices = #map1}]} {
    %mul3A = arith.constant 2 : i32
    %mul3A_0 = arith.muli %arg1, %mul3A : i32
    %add3A = arith.addi %mul3A_0, %arg0 : i32
    %jit3A = arith.constant 8 : i32
    %div3A = arith.divsi %add3A, %jit3A : i32
    %sign3A = arith.constant 0 : i32
    %sign3A_1 = arith.cmpi sgt, %add3A, %sign3A : i32
    %sign3A_2 = arith.extui %sign3A_1 : i1 to i32
    %sign3A_3 = arith.constant 0 : i32
    %sign3A_4 = arith.cmpi slt, %add3A, %sign3A_3 : i32
    %sign3A_5 = arith.extui %sign3A_4 : i1 to i32
    %sign3A_6 = arith.subi %sign3A_2, %sign3A_5 : i32
    %sign3A_7 = arith.constant 0 : i32
    %sign3A_8 = arith.cmpi sgt, %jit3A, %sign3A_7 : i32
    %sign3A_9 = arith.extui %sign3A_8 : i1 to i32
    %sign3A_10 = arith.constant 0 : i32
    %sign3A_11 = arith.cmpi slt, %jit3A, %sign3A_10 : i32
    %sign3A_12 = arith.extui %sign3A_11 : i1 to i32
    %sign3A_13 = arith.subi %sign3A_9, %sign3A_12 : i32
    %ne3A = arith.cmpi ne, %sign3A_6, %sign3A_13 : i32
    %rem3A = arith.remsi %add3A, %jit3A : i32
    %ne3A_14 = arith.constant 0 : i32
    %ne3A_15 = arith.cmpi ne, %rem3A, %ne3A_14 : i32
    %and3A = arith.andi %ne3A, %ne3A_15 : i1
    %sub3A = arith.constant 1 : i32
    %sub3A_16 = arith.subi %div3A, %sub3A : i32
    %select_n3A = arith.select %and3A, %sub3A_16, %div3A : i32
    %jit3A_17 = arith.constant 8 : i32
    %eq3A = arith.constant 0 : i32
    %eq3A_18 = arith.cmpi eq, %jit3A_17, %eq3A : i32
    %jit3A_19 = arith.constant 1 : i32
    %select_n3A_20 = arith.select %eq3A_18, %jit3A_19, %jit3A_17 : i32
    %rem3A_21 = arith.remsi %add3A, %select_n3A_20 : i32
    %ne3A_22 = arith.constant 0 : i32
    %ne3A_23 = arith.cmpi ne, %rem3A_21, %ne3A_22 : i32
    %lt3A = arith.constant 0 : i32
    %lt3A_24 = arith.cmpi slt, %rem3A_21, %lt3A : i32
    %lt3A_25 = arith.constant 0 : i32
    %lt3A_26 = arith.cmpi slt, %select_n3A_20, %lt3A_25 : i32
    %ne3A_27 = arith.xori %lt3A_24, %lt3A_26 : i1
    %and3A_28 = arith.andi %ne3A_27, %ne3A_23 : i1
    %add3A_29 = arith.addi %rem3A_21, %select_n3A_20 : i32
    %select_n3A_30 = arith.select %and3A_28, %add3A_29, %rem3A_21 : i32
    %mul3A_31 = arith.constant 512 : i32
    %mul3A_32 = arith.muli %select_n3A_30, %mul3A_31 : i32
    %dma_start3A = tpu.memref_slice %arg2[%select_n3A, %mul3A_32] : memref<4x4096xi32, #tpu.memory_space<hbm>> -> memref<1x512xi32, #tpu.memory_space<hbm>>
    %dma_start3A_33 = tpu.memref_squeeze %dma_start3A : memref<1x512xi32, #tpu.memory_space<hbm>> -> memref<512xi32, #tpu.memory_space<hbm>>
    %dma_start3A_34 = tpu.memref_slice %arg2[%select_n3A, %mul3A_32] : memref<4x4096xi32, #tpu.memory_space<hbm>> -> memref<1x512xi32, #tpu.memory_space<hbm>>
    %dma_start3A_35 = tpu.memref_squeeze %dma_start3A_34 : memref<1x512xi32, #tpu.memory_space<hbm>> -> memref<512xi32, #tpu.memory_space<hbm>>
    tpu.enqueue_dma source(%dma_start3A_35 : memref<512xi32, #tpu.memory_space<hbm>>) target(%arg7 : memref<512xi32, #tpu.memory_space<vmem>>) target_semaphore(%arg11 : memref<!tpu.dma_semaphore, #tpu.memory_space<semaphore_mem>>)
    %dma_start3A_36 = tpu.memref_slice %arg3[%select_n3A, %mul3A_32] : memref<4x4096xi32, #tpu.memory_space<hbm>> -> memref<1x512xi32, #tpu.memory_space<hbm>>
    %dma_start3A_37 = tpu.memref_squeeze %dma_start3A_36 : memref<1x512xi32, #tpu.memory_space<hbm>> -> memref<512xi32, #tpu.memory_space<hbm>>
    %dma_start3A_38 = tpu.memref_slice %arg3[%select_n3A, %mul3A_32] : memref<4x4096xi32, #tpu.memory_space<hbm>> -> memref<1x512xi32, #tpu.memory_space<hbm>>
    %dma_start3A_39 = tpu.memref_squeeze %dma_start3A_38 : memref<1x512xi32, #tpu.memory_space<hbm>> -> memref<512xi32, #tpu.memory_space<hbm>>
    tpu.enqueue_dma source(%dma_start3A_39 : memref<512xi32, #tpu.memory_space<hbm>>) target(%arg8 : memref<512xi32, #tpu.memory_space<vmem>>) target_semaphore(%arg11 : memref<!tpu.dma_semaphore, #tpu.memory_space<semaphore_mem>>)
    %dma_wait3A = tpu.memref_slice %arg2[%select_n3A, %mul3A_32] : memref<4x4096xi32, #tpu.memory_space<hbm>> -> memref<1x512xi32, #tpu.memory_space<hbm>>
    %dma_wait3A_40 = tpu.memref_squeeze %dma_wait3A : memref<1x512xi32, #tpu.memory_space<hbm>> -> memref<512xi32, #tpu.memory_space<hbm>>
    %dma_wait3A_41 = tpu.memref_slice %arg2[%select_n3A, %mul3A_32] : memref<4x4096xi32, #tpu.memory_space<hbm>> -> memref<1x512xi32, #tpu.memory_space<hbm>>
    %dma_wait3A_42 = tpu.memref_squeeze %dma_wait3A_41 : memref<1x512xi32, #tpu.memory_space<hbm>> -> memref<512xi32, #tpu.memory_space<hbm>>
    tpu.wait_dma2 semaphore(%arg11 : memref<!tpu.dma_semaphore, #tpu.memory_space<semaphore_mem>>) src(%dma_wait3A_42 : memref<512xi32, #tpu.memory_space<hbm>>) dst(%arg7 : memref<512xi32, #tpu.memory_space<vmem>>)
    %dma_wait3A_43 = tpu.memref_slice %arg3[%select_n3A, %mul3A_32] : memref<4x4096xi32, #tpu.memory_space<hbm>> -> memref<1x512xi32, #tpu.memory_space<hbm>>
    %dma_wait3A_44 = tpu.memref_squeeze %dma_wait3A_43 : memref<1x512xi32, #tpu.memory_space<hbm>> -> memref<512xi32, #tpu.memory_space<hbm>>
    %dma_wait3A_45 = tpu.memref_slice %arg3[%select_n3A, %mul3A_32] : memref<4x4096xi32, #tpu.memory_space<hbm>> -> memref<1x512xi32, #tpu.memory_space<hbm>>
    %dma_wait3A_46 = tpu.memref_squeeze %dma_wait3A_45 : memref<1x512xi32, #tpu.memory_space<hbm>> -> memref<512xi32, #tpu.memory_space<hbm>>
    tpu.wait_dma2 semaphore(%arg11 : memref<!tpu.dma_semaphore, #tpu.memory_space<semaphore_mem>>) src(%dma_wait3A_46 : memref<512xi32, #tpu.memory_space<hbm>>) dst(%arg8 : memref<512xi32, #tpu.memory_space<vmem>>)
    %dma_start3A_47 = arith.constant 0 : i32
    %dma_start3A_48 = arith.constant 0 : i32
    %dma_start3A_49 = arith.constant 0 : i32
    %dma_start3A_50 = tpu.memref_slice %arg9[%dma_start3A_47, %dma_start3A_48, %dma_start3A_49] : memref<4x8x1024xf32, #tpu.memory_space<vmem>> -> memref<1x8x1024xf32, #tpu.memory_space<vmem>>
    %dma_start3A_51 = tpu.memref_squeeze %dma_start3A_50 : memref<1x8x1024xf32, #tpu.memory_space<vmem>> -> memref<8x1024xf32, #tpu.memory_space<vmem>>
    %dma_start3A_52 = arith.constant 0 : i32
    %dma_start3A_53 = tpu.memref_slice %arg7[%dma_start3A_52] : memref<512xi32, #tpu.memory_space<vmem>> -> memref<8xi32, #tpu.memory_space<vmem>>
    %dma_start3A_54 = arith.constant 0 : i32
    %dma_start3A_55 = arith.constant 0 : i32
    %dma_start3A_56 = tpu.memref_slice %arg4[%dma_start3A_54, %dma_start3A_55] : memref<100000x1024xf32, #tpu.memory_space<hbm>> -> memref<100000x1024xf32, #tpu.memory_space<hbm>>
    tpu.enqueue_indirect_dma source(%dma_start3A_56 : memref<100000x1024xf32, #tpu.memory_space<hbm>>) target(%dma_start3A_51 : memref<8x1024xf32, #tpu.memory_space<vmem>>) offsets(%dma_start3A_53 : memref<8xi32, #tpu.memory_space<vmem>>) semaphore(%arg11 : memref<!tpu.dma_semaphore, #tpu.memory_space<semaphore_mem>>)
    %dma_start3A_57 = arith.constant 0 : i32
    %dma_start3A_58 = arith.constant 0 : i32
    %dma_start3A_59 = arith.constant 0 : i32
    %dma_start3A_60 = tpu.memref_slice %arg10[%dma_start3A_57, %dma_start3A_58, %dma_start3A_59] : memref<4x8x1024xf32, #tpu.memory_space<vmem>> -> memref<1x8x1024xf32, #tpu.memory_space<vmem>>
    %dma_start3A_61 = tpu.memref_squeeze %dma_start3A_60 : memref<1x8x1024xf32, #tpu.memory_space<vmem>> -> memref<8x1024xf32, #tpu.memory_space<vmem>>
    %dma_start3A_62 = arith.constant 0 : i32
    %dma_start3A_63 = tpu.memref_slice %arg8[%dma_start3A_62] : memref<512xi32, #tpu.memory_space<vmem>> -> memref<8xi32, #tpu.memory_space<vmem>>
    %dma_start3A_64 = arith.constant 0 : i32
    %dma_start3A_65 = arith.constant 0 : i32
    %dma_start3A_66 = tpu.memref_slice %arg5[%dma_start3A_64, %dma_start3A_65] : memref<8192x1024xf32, #tpu.memory_space<hbm>> -> memref<8192x1024xf32, #tpu.memory_space<hbm>>
    tpu.enqueue_indirect_dma source(%dma_start3A_66 : memref<8192x1024xf32, #tpu.memory_space<hbm>>) target(%dma_start3A_61 : memref<8x1024xf32, #tpu.memory_space<vmem>>) offsets(%dma_start3A_63 : memref<8xi32, #tpu.memory_space<vmem>>) semaphore(%arg11 : memref<!tpu.dma_semaphore, #tpu.memory_space<semaphore_mem>>)
    %dma_start3A_67 = arith.constant 1 : i32
    %dma_start3A_68 = arith.constant 0 : i32
    %dma_start3A_69 = arith.constant 0 : i32
    %dma_start3A_70 = tpu.memref_slice %arg9[%dma_start3A_67, %dma_start3A_68, %dma_start3A_69] : memref<4x8x1024xf32, #tpu.memory_space<vmem>> -> memref<1x8x1024xf32, #tpu.memory_space<vmem>>
    %dma_start3A_71 = tpu.memref_squeeze %dma_start3A_70 : memref<1x8x1024xf32, #tpu.memory_space<vmem>> -> memref<8x1024xf32, #tpu.memory_space<vmem>>
    %dma_start3A_72 = arith.constant 8 : i32
    %dma_start3A_73 = tpu.memref_slice %arg7[%dma_start3A_72] : memref<512xi32, #tpu.memory_space<vmem>> -> memref<8xi32, #tpu.memory_space<vmem>>
    %dma_start3A_74 = arith.constant 0 : i32
    %dma_start3A_75 = arith.constant 0 : i32
    %dma_start3A_76 = tpu.memref_slice %arg4[%dma_start3A_74, %dma_start3A_75] : memref<100000x1024xf32, #tpu.memory_space<hbm>> -> memref<100000x1024xf32, #tpu.memory_space<hbm>>
    tpu.enqueue_indirect_dma source(%dma_start3A_76 : memref<100000x1024xf32, #tpu.memory_space<hbm>>) target(%dma_start3A_71 : memref<8x1024xf32, #tpu.memory_space<vmem>>) offsets(%dma_start3A_73 : memref<8xi32, #tpu.memory_space<vmem>>) semaphore(%arg12 : memref<!tpu.dma_semaphore, #tpu.memory_space<semaphore_mem>>)
    %dma_start3A_77 = arith.constant 1 : i32
    %dma_start3A_78 = arith.constant 0 : i32
    %dma_start3A_79 = arith.constant 0 : i32
    %dma_start3A_80 = tpu.memref_slice %arg10[%dma_start3A_77, %dma_start3A_78, %dma_start3A_79] : memref<4x8x1024xf32, #tpu.memory_space<vmem>> -> memref<1x8x1024xf32, #tpu.memory_space<vmem>>
    %dma_start3A_81 = tpu.memref_squeeze %dma_start3A_80 : memref<1x8x1024xf32, #tpu.memory_space<vmem>> -> memref<8x1024xf32, #tpu.memory_space<vmem>>
    %dma_start3A_82 = arith.constant 8 : i32
    %dma_start3A_83 = tpu.memref_slice %arg8[%dma_start3A_82] : memref<512xi32, #tpu.memory_space<vmem>> -> memref<8xi32, #tpu.memory_space<vmem>>
    %dma_start3A_84 = arith.constant 0 : i32
    %dma_start3A_85 = arith.constant 0 : i32
    %dma_start3A_86 = tpu.memref_slice %arg5[%dma_start3A_84, %dma_start3A_85] : memref<8192x1024xf32, #tpu.memory_space<hbm>> -> memref<8192x1024xf32, #tpu.memory_space<hbm>>
    tpu.enqueue_indirect_dma source(%dma_start3A_86 : memref<8192x1024xf32, #tpu.memory_space<hbm>>) target(%dma_start3A_81 : memref<8x1024xf32, #tpu.memory_space<vmem>>) offsets(%dma_start3A_83 : memref<8xi32, #tpu.memory_space<vmem>>) semaphore(%arg12 : memref<!tpu.dma_semaphore, #tpu.memory_space<semaphore_mem>>)
    %dma_start3A_87 = arith.constant 2 : i32
    %dma_start3A_88 = arith.constant 0 : i32
    %dma_start3A_89 = arith.constant 0 : i32
    %dma_start3A_90 = tpu.memref_slice %arg9[%dma_start3A_87, %dma_start3A_88, %dma_start3A_89] : memref<4x8x1024xf32, #tpu.memory_space<vmem>> -> memref<1x8x1024xf32, #tpu.memory_space<vmem>>
    %dma_start3A_91 = tpu.memref_squeeze %dma_start3A_90 : memref<1x8x1024xf32, #tpu.memory_space<vmem>> -> memref<8x1024xf32, #tpu.memory_space<vmem>>
    %dma_start3A_92 = arith.constant 16 : i32
    %dma_start3A_93 = tpu.memref_slice %arg7[%dma_start3A_92] : memref<512xi32, #tpu.memory_space<vmem>> -> memref<8xi32, #tpu.memory_space<vmem>>
    %dma_start3A_94 = arith.constant 0 : i32
    %dma_start3A_95 = arith.constant 0 : i32
    %dma_start3A_96 = tpu.memref_slice %arg4[%dma_start3A_94, %dma_start3A_95] : memref<100000x1024xf32, #tpu.memory_space<hbm>> -> memref<100000x1024xf32, #tpu.memory_space<hbm>>
    tpu.enqueue_indirect_dma source(%dma_start3A_96 : memref<100000x1024xf32, #tpu.memory_space<hbm>>) target(%dma_start3A_91 : memref<8x1024xf32, #tpu.memory_space<vmem>>) offsets(%dma_start3A_93 : memref<8xi32, #tpu.memory_space<vmem>>) semaphore(%arg13 : memref<!tpu.dma_semaphore, #tpu.memory_space<semaphore_mem>>)
    %dma_start3A_97 = arith.constant 2 : i32
    %dma_start3A_98 = arith.constant 0 : i32
    %dma_start3A_99 = arith.constant 0 : i32
    %dma_start3A_100 = tpu.memref_slice %arg10[%dma_start3A_97, %dma_start3A_98, %dma_start3A_99] : memref<4x8x1024xf32, #tpu.memory_space<vmem>> -> memref<1x8x1024xf32, #tpu.memory_space<vmem>>
    %dma_start3A_101 = tpu.memref_squeeze %dma_start3A_100 : memref<1x8x1024xf32, #tpu.memory_space<vmem>> -> memref<8x1024xf32, #tpu.memory_space<vmem>>
    %dma_start3A_102 = arith.constant 16 : i32
    %dma_start3A_103 = tpu.memref_slice %arg8[%dma_start3A_102] : memref<512xi32, #tpu.memory_space<vmem>> -> memref<8xi32, #tpu.memory_space<vmem>>
    %dma_start3A_104 = arith.constant 0 : i32
    %dma_start3A_105 = arith.constant 0 : i32
    %dma_start3A_106 = tpu.memref_slice %arg5[%dma_start3A_104, %dma_start3A_105] : memref<8192x1024xf32, #tpu.memory_space<hbm>> -> memref<8192x1024xf32, #tpu.memory_space<hbm>>
    tpu.enqueue_indirect_dma source(%dma_start3A_106 : memref<8192x1024xf32, #tpu.memory_space<hbm>>) target(%dma_start3A_101 : memref<8x1024xf32, #tpu.memory_space<vmem>>) offsets(%dma_start3A_103 : memref<8xi32, #tpu.memory_space<vmem>>) semaphore(%arg13 : memref<!tpu.dma_semaphore, #tpu.memory_space<semaphore_mem>>)
    %scan3A = arith.constant 0 : i32
    %scan3A_107 = arith.constant 0 : i32
    %scan3A_108 = arith.constant 16 : i32
    %scan3A_109 = arith.addi %scan3A_107, %scan3A_108 : i32
    %scan3A_110 = arith.constant 1 : i32
    scf.for %scan3A_180 = %scan3A_107 to %scan3A_109 step %scan3A_110  : i32 {
      %mul3A_181 = arith.constant 4 : i32
      %mul3A_182 = arith.muli %scan3A_180, %mul3A_181 : i32
      %add3A_183 = arith.constant 0 : i32
      %add3A_184 = arith.addi %mul3A_182, %add3A_183 : i32
      %mul3A_185 = arith.constant 8 : i32
      %mul3A_186 = arith.muli %add3A_184, %mul3A_185 : i32
      %dma_wait3A_187 = arith.constant 0 : i32
      %dma_wait3A_188 = arith.constant 0 : i32
      %dma_wait3A_189 = arith.constant 0 : i32
      %dma_wait3A_190 = tpu.memref_slice %arg9[%dma_wait3A_187, %dma_wait3A_188, %dma_wait3A_189] : memref<4x8x1024xf32, #tpu.memory_space<vmem>> -> memref<1x8x1024xf32, #tpu.memory_space<vmem>>
      %dma_wait3A_191 = tpu.memref_squeeze %dma_wait3A_190 : memref<1x8x1024xf32, #tpu.memory_space<vmem>> -> memref<8x1024xf32, #tpu.memory_space<vmem>>
      %dma_wait3A_192 = tpu.memref_slice %arg7[%mul3A_186] : memref<512xi32, #tpu.memory_space<vmem>> -> memref<8xi32, #tpu.memory_space<vmem>>
      %dma_wait3A_193 = arith.constant 0 : i32
      %dma_wait3A_194 = arith.constant 0 : i32
      %dma_wait3A_195 = tpu.memref_slice %arg4[%dma_wait3A_193, %dma_wait3A_194] : memref<100000x1024xf32, #tpu.memory_space<hbm>> -> memref<100000x1024xf32, #tpu.memory_space<hbm>>
      tpu.wait_indirect_dma semaphore(%arg11 : memref<!tpu.dma_semaphore, #tpu.memory_space<semaphore_mem>>) src(%dma_wait3A_195 : memref<100000x1024xf32, #tpu.memory_space<hbm>>) dst(%dma_wait3A_191 : memref<8x1024xf32, #tpu.memory_space<vmem>>)
      %dma_wait3A_196 = arith.constant 0 : i32
      %dma_wait3A_197 = arith.constant 0 : i32
      %dma_wait3A_198 = arith.constant 0 : i32
      %dma_wait3A_199 = tpu.memref_slice %arg10[%dma_wait3A_196, %dma_wait3A_197, %dma_wait3A_198] : memref<4x8x1024xf32, #tpu.memory_space<vmem>> -> memref<1x8x1024xf32, #tpu.memory_space<vmem>>
      %dma_wait3A_200 = tpu.memref_squeeze %dma_wait3A_199 : memref<1x8x1024xf32, #tpu.memory_space<vmem>> -> memref<8x1024xf32, #tpu.memory_space<vmem>>
      %dma_wait3A_201 = tpu.memref_slice %arg8[%mul3A_186] : memref<512xi32, #tpu.memory_space<vmem>> -> memref<8xi32, #tpu.memory_space<vmem>>
      %dma_wait3A_202 = arith.constant 0 : i32
      %dma_wait3A_203 = arith.constant 0 : i32
      %dma_wait3A_204 = tpu.memref_slice %arg5[%dma_wait3A_202, %dma_wait3A_203] : memref<8192x1024xf32, #tpu.memory_space<hbm>> -> memref<8192x1024xf32, #tpu.memory_space<hbm>>
      tpu.wait_indirect_dma semaphore(%arg11 : memref<!tpu.dma_semaphore, #tpu.memory_space<semaphore_mem>>) src(%dma_wait3A_204 : memref<8192x1024xf32, #tpu.memory_space<hbm>>) dst(%dma_wait3A_200 : memref<8x1024xf32, #tpu.memory_space<vmem>>)
      %add3A_205 = arith.constant 4 : i32
      %add3A_206 = arith.addi %add3A_184, %add3A_205 : i32
      %sub3A_207 = arith.constant 1 : i32
      %sub3A_208 = arith.subi %add3A_206, %sub3A_207 : i32
      %ge3A = arith.constant 1 : i32
      %ge3A_209 = arith.cmpi sge, %add3A_184, %ge3A : i32
      %lt3A_210 = arith.constant 64 : i32
      %lt3A_211 = arith.cmpi slt, %sub3A_208, %lt3A_210 : i32
      %and3A_212 = arith.andi %ge3A_209, %lt3A_211 : i1
      %convert_element_type3A = arith.extui %and3A_212 : i1 to i32
      %cond3A = arith.constant 0 : i32
      %cond3A_213 = arith.cmpi ne, %convert_element_type3A, %cond3A : i32
      scf.if %cond3A_213 {
        %sub3A_438 = arith.constant 1 : i32
        %sub3A_439 = arith.subi %add3A_184, %sub3A_438 : i32
        %mul3A_440 = arith.constant 8 : i32
        %mul3A_441 = arith.muli %sub3A_439, %mul3A_440 : i32
        %add3A_442 = arith.addi %mul3A_32, %mul3A_441 : i32
        %dma_wait3A_443 = arith.constant 3 : i32
        %dma_wait3A_444 = arith.constant 0 : i32
        %dma_wait3A_445 = arith.constant 0 : i32
        %dma_wait3A_446 = tpu.memref_slice %arg9[%dma_wait3A_443, %dma_wait3A_444, %dma_wait3A_445] : memref<4x8x1024xf32, #tpu.memory_space<vmem>> -> memref<1x8x1024xf32, #tpu.memory_space<vmem>>
        %dma_wait3A_447 = tpu.memref_squeeze %dma_wait3A_446 : memref<1x8x1024xf32, #tpu.memory_space<vmem>> -> memref<8x1024xf32, #tpu.memory_space<vmem>>
        %dma_wait3A_448 = arith.constant 0 : i32
        %dma_wait3A_449 = tpu.memref_slice %arg6[%add3A_442, %select_n3A, %dma_wait3A_448] : memref<4096x4x1024xf32, #tpu.memory_space<hbm>> -> memref<8x1x1024xf32, #tpu.memory_space<hbm>>
        %dma_wait3A_450 = tpu.memref_squeeze %dma_wait3A_449 : memref<8x1x1024xf32, #tpu.memory_space<hbm>> -> memref<8x1024xf32, #tpu.memory_space<hbm>>
        %dma_wait3A_451 = arith.constant 0 : i32
        %dma_wait3A_452 = tpu.memref_slice %arg6[%add3A_442, %select_n3A, %dma_wait3A_451] : memref<4096x4x1024xf32, #tpu.memory_space<hbm>> -> memref<8x1x1024xf32, #tpu.memory_space<hbm>>
        %dma_wait3A_453 = tpu.memref_squeeze %dma_wait3A_452 : memref<8x1x1024xf32, #tpu.memory_space<hbm>> -> memref<8x1024xf32, #tpu.memory_space<hbm>>
        %dma_wait3A_454 = arith.constant 0 : i32
        %dma_wait3A_455 = arith.constant 0 : i32
        %dma_wait3A_456 = tpu.memref_slice %arg9[%dma_wait3A_443, %dma_wait3A_454, %dma_wait3A_455] : memref<4x8x1024xf32, #tpu.memory_space<vmem>> -> memref<1x8x1024xf32, #tpu.memory_space<vmem>>
        %dma_wait3A_457 = tpu.memref_squeeze %dma_wait3A_456 : memref<1x8x1024xf32, #tpu.memory_space<vmem>> -> memref<8x1024xf32, #tpu.memory_space<vmem>>
        tpu.wait_dma2 semaphore(%arg18 : memref<!tpu.dma_semaphore, #tpu.memory_space<semaphore_mem>>) src(%dma_wait3A_457 : memref<8x1024xf32, #tpu.memory_space<vmem>>) dst(%dma_wait3A_453 : memref<8x1024xf32, #tpu.memory_space<hbm>>)
      } else {
      }
      %lt3A_214 = arith.constant 64 : i32
      %lt3A_215 = arith.cmpi slt, %sub3A_208, %lt3A_214 : i32
      %convert_element_type3A_216 = arith.extui %lt3A_215 : i1 to i32
      %cond3A_217 = arith.constant 0 : i32
      %cond3A_218 = arith.cmpi ne, %convert_element_type3A_216, %cond3A_217 : i32
      scf.if %cond3A_218 {
        %mul3A_438 = arith.constant 8 : i32
        %mul3A_439 = arith.muli %sub3A_208, %mul3A_438 : i32
        %dma_start3A_440 = arith.constant 3 : i32
        %dma_start3A_441 = arith.constant 0 : i32
        %dma_start3A_442 = arith.constant 0 : i32
        %dma_start3A_443 = tpu.memref_slice %arg9[%dma_start3A_440, %dma_start3A_441, %dma_start3A_442] : memref<4x8x1024xf32, #tpu.memory_space<vmem>> -> memref<1x8x1024xf32, #tpu.memory_space<vmem>>
        %dma_start3A_444 = tpu.memref_squeeze %dma_start3A_443 : memref<1x8x1024xf32, #tpu.memory_space<vmem>> -> memref<8x1024xf32, #tpu.memory_space<vmem>>
        %dma_start3A_445 = tpu.memref_slice %arg7[%mul3A_439] : memref<512xi32, #tpu.memory_space<vmem>> -> memref<8xi32, #tpu.memory_space<vmem>>
        %dma_start3A_446 = arith.constant 0 : i32
        %dma_start3A_447 = arith.constant 0 : i32
        %dma_start3A_448 = tpu.memref_slice %arg4[%dma_start3A_446, %dma_start3A_447] : memref<100000x1024xf32, #tpu.memory_space<hbm>> -> memref<100000x1024xf32, #tpu.memory_space<hbm>>
        tpu.enqueue_indirect_dma source(%dma_start3A_448 : memref<100000x1024xf32, #tpu.memory_space<hbm>>) target(%dma_start3A_444 : memref<8x1024xf32, #tpu.memory_space<vmem>>) offsets(%dma_start3A_445 : memref<8xi32, #tpu.memory_space<vmem>>) semaphore(%arg14 : memref<!tpu.dma_semaphore, #tpu.memory_space<semaphore_mem>>)
        %dma_start3A_449 = arith.constant 3 : i32
        %dma_start3A_450 = arith.constant 0 : i32
        %dma_start3A_451 = arith.constant 0 : i32
        %dma_start3A_452 = tpu.memref_slice %arg10[%dma_start3A_449, %dma_start3A_450, %dma_start3A_451] : memref<4x8x1024xf32, #tpu.memory_space<vmem>> -> memref<1x8x1024xf32, #tpu.memory_space<vmem>>
        %dma_start3A_453 = tpu.memref_squeeze %dma_start3A_452 : memref<1x8x1024xf32, #tpu.memory_space<vmem>> -> memref<8x1024xf32, #tpu.memory_space<vmem>>
        %dma_start3A_454 = tpu.memref_slice %arg8[%mul3A_439] : memref<512xi32, #tpu.memory_space<vmem>> -> memref<8xi32, #tpu.memory_space<vmem>>
        %dma_start3A_455 = arith.constant 0 : i32
        %dma_start3A_456 = arith.constant 0 : i32
        %dma_start3A_457 = tpu.memref_slice %arg5[%dma_start3A_455, %dma_start3A_456] : memref<8192x1024xf32, #tpu.memory_space<hbm>> -> memref<8192x1024xf32, #tpu.memory_space<hbm>>
        tpu.enqueue_indirect_dma source(%dma_start3A_457 : memref<8192x1024xf32, #tpu.memory_space<hbm>>) target(%dma_start3A_453 : memref<8x1024xf32, #tpu.memory_space<vmem>>) offsets(%dma_start3A_454 : memref<8xi32, #tpu.memory_space<vmem>>) semaphore(%arg14 : memref<!tpu.dma_semaphore, #tpu.memory_space<semaphore_mem>>)
      } else {
      }
      %scan3A_219 = arith.constant 0 : i32
      %scan3A_220 = arith.constant 0 : i32
      %scan3A_221 = arith.constant 8 : i32
      %scan3A_222 = arith.addi %scan3A_220, %scan3A_221 : i32
      %scan3A_223 = arith.constant 1 : i32
      scf.for %scan3A_438 = %scan3A_220 to %scan3A_222 step %scan3A_223  : i32 {
        %get3A = arith.constant 0 : i32
        %get3A_439 = arith.index_cast %get3A : i32 to index
        %get3A_440 = arith.index_cast %scan3A_438 : i32 to index
        %get3A_441 = arith.constant 0 : index
        %get3A_442 = tpu.vector_load %arg10[%get3A_439, %get3A_440, %get3A_441] {strides = array<i32>} : memref<4x8x1024xf32, #tpu.memory_space<vmem>>, vector<1x1x16xf32>,
        %get3A_443 = vector.shape_cast %get3A_442 : vector<1x1x16xf32> to vector<16xf32>
        %swap3A = arith.constant 0 : i32
        %swap3A_444 = arith.index_cast %swap3A : i32 to index
        %swap3A_445 = arith.index_cast %scan3A_438 : i32 to index
        %swap3A_446 = arith.constant 0 : index
        %swap3A_447 = tpu.vector_load %arg9[%swap3A_444, %swap3A_445, %swap3A_446] {strides = array<i32>} : memref<4x8x1024xf32, #tpu.memory_space<vmem>>, vector<1x1x16xf32>,
        %swap3A_448 = vector.shape_cast %swap3A_447 : vector<1x1x16xf32> to vector<16xf32>
        %swap3A_449 = vector.shape_cast %get3A_443 : vector<16xf32> to vector<1x1x16xf32>
        tpu.vector_store %arg9[%swap3A_444, %swap3A_445, %swap3A_446], %swap3A_449 {add = true, strides = array<i32>} : memref<4x8x1024xf32, #tpu.memory_space<vmem>>, vector<1x1x16xf32>,
        %get3A_450 = arith.constant 0 : i32
        %get3A_451 = arith.index_cast %get3A_450 : i32 to index
        %get3A_452 = arith.index_cast %scan3A_438 : i32 to index
        %get3A_453 = arith.constant 16 : index
        %get3A_454 = tpu.vector_load %arg10[%get3A_451, %get3A_452, %get3A_453] {strides = array<i32>} : memref<4x8x1024xf32, #tpu.memory_space<vmem>>, vector<1x1x16xf32>,
        %get3A_455 = vector.shape_cast %get3A_454 : vector<1x1x16xf32> to vector<16xf32>
        %swap3A_456 = arith.constant 0 : i32
        %swap3A_457 = arith.index_cast %swap3A_456 : i32 to index
        %swap3A_458 = arith.index_cast %scan3A_438 : i32 to index
        %swap3A_459 = arith.constant 16 : index
        %swap3A_460 = tpu.vector_load %arg9[%swap3A_457, %swap3A_458, %swap3A_459] {strides = array<i32>} : memref<4x8x1024xf32, #tpu.memory_space<vmem>>, vector<1x1x16xf32>,
        %swap3A_461 = vector.shape_cast %swap3A_460 : vector<1x1x16xf32> to vector<16xf32>
        %swap3A_462 = vector.shape_cast %get3A_455 : vector<16xf32> to vector<1x1x16xf32>
        tpu.vector_store %arg9[%swap3A_457, %swap3A_458, %swap3A_459], %swap3A_462 {add = true, strides = array<i32>} : memref<4x8x1024xf32, #tpu.memory_space<vmem>>, vector<1x1x16xf32>,
        %get3A_463 = arith.constant 0 : i32
        %get3A_464 = arith.index_cast %get3A_463 : i32 to index
        %get3A_465 = arith.index_cast %scan3A_438 : i32 to index
        %get3A_466 = arith.constant 32 : index
        %get3A_467 = tpu.vector_load %arg10[%get3A_464, %get3A_465, %get3A_466] {strides = array<i32>} : memref<4x8x1024xf32, #tpu.memory_space<vmem>>, vector<1x1x16xf32>,
        %get3A_468 = vector.shape_cast %get3A_467 : vector<1x1x16xf32> to vector<16xf32>
        %swap3A_469 = arith.constant 0 : i32
        %swap3A_470 = arith.index_cast %swap3A_469 : i32 to index
        %swap3A_471 = arith.index_cast %scan3A_438 : i32 to index
        %swap3A_472 = arith.constant 32 : index
        %swap3A_473 = tpu.vector_load %arg9[%swap3A_470, %swap3A_471, %swap3A_472] {strides = array<i32>} : memref<4x8x1024xf32, #tpu.memory_space<vmem>>, vector<1x1x16xf32>,
        %swap3A_474 = vector.shape_cast %swap3A_473 : vector<1x1x16xf32> to vector<16xf32>
        %swap3A_475 = vector.shape_cast %get3A_468 : vector<16xf32> to vector<1x1x16xf32>
        tpu.vector_store %arg9[%swap3A_470, %swap3A_471, %swap3A_472], %swap3A_475 {add = true, strides = array<i32>} : memref<4x8x1024xf32, #tpu.memory_space<vmem>>, vector<1x1x16xf32>,
        %get3A_476 = arith.constant 0 : i32
        %get3A_477 = arith.index_cast %get3A_476 : i32 to index
        %get3A_478 = arith.index_cast %scan3A_438 : i32 to index
        %get3A_479 = arith.constant 48 : index
        %get3A_480 = tpu.vector_load %arg10[%get3A_477, %get3A_478, %get3A_479] {strides = array<i32>} : memref<4x8x1024xf32, #tpu.memory_space<vmem>>, vector<1x1x16xf32>,
        %get3A_481 = vector.shape_cast %get3A_480 : vector<1x1x16xf32> to vector<16xf32>
        %swap3A_482 = arith.constant 0 : i32
        %swap3A_483 = arith.index_cast %swap3A_482 : i32 to index
        %swap3A_484 = arith.index_cast %scan3A_438 : i32 to index
        %swap3A_485 = arith.constant 48 : index
        %swap3A_486 = tpu.vector_load %arg9[%swap3A_483, %swap3A_484, %swap3A_485] {strides = array<i32>} : memref<4x8x1024xf32, #tpu.memory_space<vmem>>, vector<1x1x16xf32>,
        %swap3A_487 = vector.shape_cast %swap3A_486 : vector<1x1x16xf32> to vector<16xf32>
        %swap3A_488 = vector.shape_cast %get3A_481 : vector<16xf32> to vector<1x1x16xf32>
        tpu.vector_store %arg9[%swap3A_483, %swap3A_484, %swap3A_485], %swap3A_488 {add = true, strides = array<i32>} : memref<4x8x1024xf32, #tpu.memory_space<vmem>>, vector<1x1x16xf32>,
        %get3A_489 = arith.constant 0 : i32
        %get3A_490 = arith.index_cast %get3A_489 : i32 to index
        %get3A_491 = arith.index_cast %scan3A_438 : i32 to index
        %get3A_492 = arith.constant 64 : index
        %get3A_493 = tpu.vector_load %arg10[%get3A_490, %get3A_491, %get3A_492] {strides = array<i32>} : memref<4x8x1024xf32, #tpu.memory_space<vmem>>, vector<1x1x16xf32>,
        %get3A_494 = vector.shape_cast %get3A_493 : vector<1x1x16xf32> to vector<16xf32>
        %swap3A_495 = arith.constant 0 : i32
        %swap3A_496 = arith.index_cast %swap3A_495 : i32 to index
        %swap3A_497 = arith.index_cast %scan3A_438 : i32 to index
        %swap3A_498 = arith.constant 64 : index
        %swap3A_499 = tpu.vector_load %arg9[%swap3A_496, %swap3A_497, %swap3A_498] {strides = array<i32>} : memref<4x8x1024xf32, #tpu.memory_space<vmem>>, vector<1x1x16xf32>,
        %swap3A_500 = vector.shape_cast %swap3A_499 : vector<1x1x16xf32> to vector<16xf32>
        %swap3A_501 = vector.shape_cast %get3A_494 : vector<16xf32> to vector<1x1x16xf32>
        tpu.vector_store %arg9[%swap3A_496, %swap3A_497, %swap3A_498], %swap3A_501 {add = true, strides = array<i32>} : memref<4x8x1024xf32, #tpu.memory_space<vmem>>, vector<1x1x16xf32>,
        %get3A_502 = arith.constant 0 : i32
        %get3A_503 = arith.index_cast %get3A_502 : i32 to index
        %get3A_504 = arith.index_cast %scan3A_438 : i32 to index
        %get3A_505 = arith.constant 80 : index
        %get3A_506 = tpu.vector_load %arg10[%get3A_503, %get3A_504, %get3A_505] {strides = array<i32>} : memref<4x8x1024xf32, #tpu.memory_space<vmem>>, vector<1x1x16xf32>,
        %get3A_507 = vector.shape_cast %get3A_506 : vector<1x1x16xf32> to vector<16xf32>
        %swap3A_508 = arith.constant 0 : i32
        %swap3A_509 = arith.index_cast %swap3A_508 : i32 to index
        %swap3A_510 = arith.index_cast %scan3A_438 : i32 to index
        %swap3A_511 = arith.constant 80 : index
        %swap3A_512 = tpu.vector_load %arg9[%swap3A_509, %swap3A_510, %swap3A_511] {strides = array<i32>} : memref<4x8x1024xf32, #tpu.memory_space<vmem>>, vector<1x1x16xf32>,
        %swap3A_513 = vector.shape_cast %swap3A_512 : vector<1x1x16xf32> to vector<16xf32>
        %swap3A_514 = vector.shape_cast %get3A_507 : vector<16xf32> to vector<1x1x16xf32>
        tpu.vector_store %arg9[%swap3A_509, %swap3A_510, %swap3A_511], %swap3A_514 {add = true, strides = array<i32>} : memref<4x8x1024xf32, #tpu.memory_space<vmem>>, vector<1x1x16xf32>,
        %get3A_515 = arith.constant 0 : i32
        %get3A_516 = arith.index_cast %get3A_515 : i32 to index
        %get3A_517 = arith.index_cast %scan3A_438 : i32 to index
        %get3A_518 = arith.constant 96 : index
        %get3A_519 = tpu.vector_load %arg10[%get3A_516, %get3A_517, %get3A_518] {strides = array<i32>} : memref<4x8x1024xf32, #tpu.memory_space<vmem>>, vector<1x1x16xf32>,
        %get3A_520 = vector.shape_cast %get3A_519 : vector<1x1x16xf32> to vector<16xf32>
        %swap3A_521 = arith.constant 0 : i32
        %swap3A_522 = arith.index_cast %swap3A_521 : i32 to index
        %swap3A_523 = arith.index_cast %scan3A_438 : i32 to index
        %swap3A_524 = arith.constant 96 : index
        %swap3A_525 = tpu.vector_load %arg9[%swap3A_522, %swap3A_523, %swap3A_524] {strides = array<i32>} : memref<4x8x1024xf32, #tpu.memory_space<vmem>>, vector<1x1x16xf32>,
        %swap3A_526 = vector.shape_cast %swap3A_525 : vector<1x1x16xf32> to vector<16xf32>
        %swap3A_527 = vector.shape_cast %get3A_520 : vector<16xf32> to vector<1x1x16xf32>
        tpu.vector_store %arg9[%swap3A_522, %swap3A_523, %swap3A_524], %swap3A_527 {add = true, strides = array<i32>} : memref<4x8x1024xf32, #tpu.memory_space<vmem>>, vector<1x1x16xf32>,
        %get3A_528 = arith.constant 0 : i32
        %get3A_529 = arith.index_cast %get3A_528 : i32 to index
        %get3A_530 = arith.index_cast %scan3A_438 : i32 to index
        %get3A_531 = arith.constant 112 : index
        %get3A_532 = tpu.vector_load %arg10[%get3A_529, %get3A_530, %get3A_531] {strides = array<i32>} : memref<4x8x1024xf32, #tpu.memory_space<vmem>>, vector<1x1x16xf32>,
        %get3A_533 = vector.shape_cast %get3A_532 : vector<1x1x16xf32> to vector<16xf32>
        %swap3A_534 = arith.constant 0 : i32
        %swap3A_535 = arith.index_cast %swap3A_534 : i32 to index
        %swap3A_536 = arith.index_cast %scan3A_438 : i32 to index
        %swap3A_537 = arith.constant 112 : index
        %swap3A_538 = tpu.vector_load %arg9[%swap3A_535, %swap3A_536, %swap3A_537] {strides = array<i32>} : memref<4x8x1024xf32, #tpu.memory_space<vmem>>, vector<1x1x16xf32>,
        %swap3A_539 = vector.shape_cast %swap3A_538 : vector<1x1x16xf32> to vector<16xf32>
        %swap3A_540 = vector.shape_cast %get3A_533 : vector<16xf32> to vector<1x1x16xf32>
        tpu.vector_store %arg9[%swap3A_535, %swap3A_536, %swap3A_537], %swap3A_540 {add = true, strides = array<i32>} : memref<4x8x1024xf32, #tpu.memory_space<vmem>>, vector<1x1x16xf32>,
        %get3A_541 = arith.constant 0 : i32
        %get3A_542 = arith.index_cast %get3A_541 : i32 to index
        %get3A_543 = arith.index_cast %scan3A_438 : i32 to index
        %get3A_544 = arith.constant 128 : index
        %get3A_545 = tpu.vector_load %arg10[%get3A_542, %get3A_543, %get3A_544] {strides = array<i32>} : memref<4x8x1024xf32, #tpu.memory_space<vmem>>, vector<1x1x16xf32>,
        %get3A_546 = vector.shape_cast %get3A_545 : vector<1x1x16xf32> to vector<16xf32>
        %swap3A_547 = arith.constant 0 : i32
        %swap3A_548 = arith.index_cast %swap3A_547 : i32 to index
        %swap3A_549 = arith.index_cast %scan3A_438 : i32 to index
        %swap3A_550 = arith.constant 128 : index
        %swap3A_551 = tpu.vector_load %arg9[%swap3A_548, %swap3A_549, %swap3A_550] {strides = array<i32>} : memref<4x8x1024xf32, #tpu.memory_space<vmem>>, vector<1x1x16xf32>,
        %swap3A_552 = vector.shape_cast %swap3A_551 : vector<1x1x16xf32> to vector<16xf32>
        %swap3A_553 = vector.shape_cast %get3A_546 : vector<16xf32> to vector<1x1x16xf32>
        tpu.vector_store %arg9[%swap3A_548, %swap3A_549, %swap3A_550], %swap3A_553 {add = true, strides = array<i32>} : memref<4x8x1024xf32, #tpu.memory_space<vmem>>, vector<1x1x16xf32>,
        %get3A_554 = arith.constant 0 : i32
        %get3A_555 = arith.index_cast %get3A_554 : i32 to index
        %get3A_556 = arith.index_cast %scan3A_438 : i32 to index
        %get3A_557 = arith.constant 144 : index
        %get3A_558 = tpu.vector_load %arg10[%get3A_555, %get3A_556, %get3A_557] {strides = array<i32>} : memref<4x8x1024xf32, #tpu.memory_space<vmem>>, vector<1x1x16xf32>,
        %get3A_559 = vector.shape_cast %get3A_558 : vector<1x1x16xf32> to vector<16xf32>
        %swap3A_560 = arith.constant 0 : i32
        %swap3A_561 = arith.index_cast %swap3A_560 : i32 to index
        %swap3A_562 = arith.index_cast %scan3A_438 : i32 to index
        %swap3A_563 = arith.constant 144 : index
        %swap3A_564 = tpu.vector_load %arg9[%swap3A_561, %swap3A_562, %swap3A_563] {strides = array<i32>} : memref<4x8x1024xf32, #tpu.memory_space<vmem>>, vector<1x1x16xf32>,
        %swap3A_565 = vector.shape_cast %swap3A_564 : vector<1x1x16xf32> to vector<16xf32>
        %swap3A_566 = vector.shape_cast %get3A_559 : vector<16xf32> to vector<1x1x16xf32>
        tpu.vector_store %arg9[%swap3A_561, %swap3A_562, %swap3A_563], %swap3A_566 {add = true, strides = array<i32>} : memref<4x8x1024xf32, #tpu.memory_space<vmem>>, vector<1x1x16xf32>,
        %get3A_567 = arith.constant 0 : i32
        %get3A_568 = arith.index_cast %get3A_567 : i32 to index
        %get3A_569 = arith.index_cast %scan3A_438 : i32 to index
        %get3A_570 = arith.constant 160 : index
        %get3A_571 = tpu.vector_load %arg10[%get3A_568, %get3A_569, %get3A_570] {strides = array<i32>} : memref<4x8x1024xf32, #tpu.memory_space<vmem>>, vector<1x1x16xf32>,
        %get3A_572 = vector.shape_cast %get3A_571 : vector<1x1x16xf32> to vector<16xf32>
        %swap3A_573 = arith.constant 0 : i32
        %swap3A_574 = arith.index_cast %swap3A_573 : i32 to index
        %swap3A_575 = arith.index_cast %scan3A_438 : i32 to index
        %swap3A_576 = arith.constant 160 : index
        %swap3A_577 = tpu.vector_load %arg9[%swap3A_574, %swap3A_575, %swap3A_576] {strides = array<i32>} : memref<4x8x1024xf32, #tpu.memory_space<vmem>>, vector<1x1x16xf32>,
        %swap3A_578 = vector.shape_cast %swap3A_577 : vector<1x1x16xf32> to vector<16xf32>
        %swap3A_579 = vector.shape_cast %get3A_572 : vector<16xf32> to vector<1x1x16xf32>
        tpu.vector_store %arg9[%swap3A_574, %swap3A_575, %swap3A_576], %swap3A_579 {add = true, strides = array<i32>} : memref<4x8x1024xf32, #tpu.memory_space<vmem>>, vector<1x1x16xf32>,
        %get3A_580 = arith.constant 0 : i32
        %get3A_581 = arith.index_cast %get3A_580 : i32 to index
        %get3A_582 = arith.index_cast %scan3A_438 : i32 to index
        %get3A_583 = arith.constant 176 : index
        %get3A_584 = tpu.vector_load %arg10[%get3A_581, %get3A_582, %get3A_583] {strides = array<i32>} : memref<4x8x1024xf32, #tpu.memory_space<vmem>>, vector<1x1x16xf32>,
        %get3A_585 = vector.shape_cast %get3A_584 : vector<1x1x16xf32> to vector<16xf32>
        %swap3A_586 = arith.constant 0 : i32
        %swap3A_587 = arith.index_cast %swap3A_586 : i32 to index
        %swap3A_588 = arith.index_cast %scan3A_438 : i32 to index
        %swap3A_589 = arith.constant 176 : index
        %swap3A_590 = tpu.vector_load %arg9[%swap3A_587, %swap3A_588, %swap3A_589] {strides = array<i32>} : memref<4x8x1024xf32, #tpu.memory_space<vmem>>, vector<1x1x16xf32>,
        %swap3A_591 = vector.shape_cast %swap3A_590 : vector<1x1x16xf32> to vector<16xf32>
        %swap3A_592 = vector.shape_cast %get3A_585 : vector<16xf32> to vector<1x1x16xf32>
        tpu.vector_store %arg9[%swap3A_587, %swap3A_588, %swap3A_589], %swap3A_592 {add = true, strides = array<i32>} : memref<4x8x1024xf32, #tpu.memory_space<vmem>>, vector<1x1x16xf32>,
        %get3A_593 = arith.constant 0 : i32
        %get3A_594 = arith.index_cast %get3A_593 : i32 to index
        %get3A_595 = arith.index_cast %scan3A_438 : i32 to index
        %get3A_596 = arith.constant 192 : index
        %get3A_597 = tpu.vector_load %arg10[%get3A_594, %get3A_595, %get3A_596] {strides = array<i32>} : memref<4x8x1024xf32, #tpu.memory_space<vmem>>, vector<1x1x16xf32>,
        %get3A_598 = vector.shape_cast %get3A_597 : vector<1x1x16xf32> to vector<16xf32>
        %swap3A_599 = arith.constant 0 : i32
        %swap3A_600 = arith.index_cast %swap3A_599 : i32 to index
        %swap3A_601 = arith.index_cast %scan3A_438 : i32 to index
        %swap3A_602 = arith.constant 192 : index
        %swap3A_603 = tpu.vector_load %arg9[%swap3A_600, %swap3A_601, %swap3A_602] {strides = array<i32>} : memref<4x8x1024xf32, #tpu.memory_space<vmem>>, vector<1x1x16xf32>,
        %swap3A_604 = vector.shape_cast %swap3A_603 : vector<1x1x16xf32> to vector<16xf32>
        %swap3A_605 = vector.shape_cast %get3A_598 : vector<16xf32> to vector<1x1x16xf32>
        tpu.vector_store %arg9[%swap3A_600, %swap3A_601, %swap3A_602], %swap3A_605 {add = true, strides = array<i32>} : memref<4x8x1024xf32, #tpu.memory_space<vmem>>, vector<1x1x16xf32>,
        %get3A_606 = arith.constant 0 : i32
        %get3A_607 = arith.index_cast %get3A_606 : i32 to index
        %get3A_608 = arith.index_cast %scan3A_438 : i32 to index
        %get3A_609 = arith.constant 208 : index
        %get3A_610 = tpu.vector_load %arg10[%get3A_607, %get3A_608, %get3A_609] {strides = array<i32>} : memref<4x8x1024xf32, #tpu.memory_space<vmem>>, vector<1x1x16xf32>,
        %get3A_611 = vector.shape_cast %get3A_610 : vector<1x1x16xf32> to vector<16xf32>
        %swap3A_612 = arith.constant 0 : i32
        %swap3A_613 = arith.index_cast %swap3A_612 : i32 to index
        %swap3A_614 = arith.index_cast %scan3A_438 : i32 to index
        %swap3A_615 = arith.constant 208 : index
        %swap3A_616 = tpu.vector_load %arg9[%swap3A_613, %swap3A_614, %swap3A_615] {strides = array<i32>} : memref<4x8x1024xf32, #tpu.memory_space<vmem>>, vector<1x1x16xf32>,
        %swap3A_617 = vector.shape_cast %swap3A_616 : vector<1x1x16xf32> to vector<16xf32>
        %swap3A_618 = vector.shape_cast %get3A_611 : vector<16xf32> to vector<1x1x16xf32>
        tpu.vector_store %arg9[%swap3A_613, %swap3A_614, %swap3A_615], %swap3A_618 {add = true, strides = array<i32>} : memref<4x8x1024xf32, #tpu.memory_space<vmem>>, vector<1x1x16xf32>,
        %get3A_619 = arith.constant 0 : i32
        %get3A_620 = arith.index_cast %get3A_619 : i32 to index
        %get3A_621 = arith.index_cast %scan3A_438 : i32 to index
        %get3A_622 = arith.constant 224 : index
        %get3A_623 = tpu.vector_load %arg10[%get3A_620, %get3A_621, %get3A_622] {strides = array<i32>} : memref<4x8x1024xf32, #tpu.memory_space<vmem>>, vector<1x1x16xf32>,
        %get3A_624 = vector.shape_cast %get3A_623 : vector<1x1x16xf32> to vector<16xf32>
        %swap3A_625 = arith.constant 0 : i32
        %swap3A_626 = arith.index_cast %swap3A_625 : i32 to index
        %swap3A_627 = arith.index_cast %scan3A_438 : i32 to index
        %swap3A_628 = arith.constant 224 : index
        %swap3A_629 = tpu.vector_load %arg9[%swap3A_626, %swap3A_627, %swap3A_628] {strides = array<i32>} : memref<4x8x1024xf32, #tpu.memory_space<vmem>>, vector<1x1x16xf32>,
        %swap3A_630 = vector.shape_cast %swap3A_629 : vector<1x1x16xf32> to vector<16xf32>
        %swap3A_631 = vector.shape_cast %get3A_624 : vector<16xf32> to vector<1x1x16xf32>
        tpu.vector_store %arg9[%swap3A_626, %swap3A_627, %swap3A_628], %swap3A_631 {add = true, strides = array<i32>} : memref<4x8x1024xf32, #tpu.memory_space<vmem>>, vector<1x1x16xf32>,
        %get3A_632 = arith.constant 0 : i32
        %get3A_633 = arith.index_cast %get3A_632 : i32 to index
        %get3A_634 = arith.index_cast %scan3A_438 : i32 to index
        %get3A_635 = arith.constant 240 : index
        %get3A_636 = tpu.vector_load %arg10[%get3A_633, %get3A_634, %get3A_635] {strides = array<i32>} : memref<4x8x1024xf32, #tpu.memory_space<vmem>>, vector<1x1x16xf32>,
        %get3A_637 = vector.shape_cast %get3A_636 : vector<1x1x16xf32> to vector<16xf32>
        %swap3A_638 = arith.constant 0 : i32
        %swap3A_639 = arith.index_cast %swap3A_638 : i32 to index
        %swap3A_640 = arith.index_cast %scan3A_438 : i32 to index
        %swap3A_641 = arith.constant 240 : index
        %swap3A_642 = tpu.vector_load %arg9[%swap3A_639, %swap3A_640, %swap3A_641] {strides = array<i32>} : memref<4x8x1024xf32, #tpu.memory_space<vmem>>, vector<1x1x16xf32>,
        %swap3A_643 = vector.shape_cast %swap3A_642 : vector<1x1x16xf32> to vector<16xf32>
        %swap3A_644 = vector.shape_cast %get3A_637 : vector<16xf32> to vector<1x1x16xf32>
        tpu.vector_store %arg9[%swap3A_639, %swap3A_640, %swap3A_641], %swap3A_644 {add = true, strides = array<i32>} : memref<4x8x1024xf32, #tpu.memory_space<vmem>>, vector<1x1x16xf32>,
        %get3A_645 = arith.constant 0 : i32
        %get3A_646 = arith.index_cast %get3A_645 : i32 to index
        %get3A_647 = arith.index_cast %scan3A_438 : i32 to index
        %get3A_648 = arith.constant 256 : index
        %get3A_649 = tpu.vector_load %arg10[%get3A_646, %get3A_647, %get3A_648] {strides = array<i32>} : memref<4x8x1024xf32, #tpu.memory_space<vmem>>, vector<1x1x16xf32>,
        %get3A_650 = vector.shape_cast %get3A_649 : vector<1x1x16xf32> to vector<16xf32>
        %swap3A_651 = arith.constant 0 : i32
        %swap3A_652 = arith.index_cast %swap3A_651 : i32 to index
        %swap3A_653 = arith.index_cast %scan3A_438 : i32 to index
        %swap3A_654 = arith.constant 256 : index
        %swap3A_655 = tpu.vector_load %arg9[%swap3A_652, %swap3A_653, %swap3A_654] {strides = array<i32>} : memref<4x8x1024xf32, #tpu.memory_space<vmem>>, vector<1x1x16xf32>,
        %swap3A_656 = vector.shape_cast %swap3A_655 : vector<1x1x16xf32> to vector<16xf32>
        %swap3A_657 = vector.shape_cast %get3A_650 : vector<16xf32> to vector<1x1x16xf32>
        tpu.vector_store %arg9[%swap3A_652, %swap3A_653, %swap3A_654], %swap3A_657 {add = true, strides = array<i32>} : memref<4x8x1024xf32, #tpu.memory_space<vmem>>, vector<1x1x16xf32>,
        %get3A_658 = arith.constant 0 : i32
        %get3A_659 = arith.index_cast %get3A_658 : i32 to index
        %get3A_660 = arith.index_cast %scan3A_438 : i32 to index
        %get3A_661 = arith.constant 272 : index
        %get3A_662 = tpu.vector_load %arg10[%get3A_659, %get3A_660, %get3A_661] {strides = array<i32>} : memref<4x8x1024xf32, #tpu.memory_space<vmem>>, vector<1x1x16xf32>,
        %get3A_663 = vector.shape_cast %get3A_662 : vector<1x1x16xf32> to vector<16xf32>
        %swap3A_664 = arith.constant 0 : i32
        %swap3A_665 = arith.index_cast %swap3A_664 : i32 to index
        %swap3A_666 = arith.index_cast %scan3A_438 : i32 to index
        %swap3A_667 = arith.constant 272 : index
        %swap3A_668 = tpu.vector_load %arg9[%swap3A_665, %swap3A_666, %swap3A_667] {strides = array<i32>} : memref<4x8x1024xf32, #tpu.memory_space<vmem>>, vector<1x1x16xf32>,
        %swap3A_669 = vector.shape_cast %swap3A_668 : vector<1x1x16xf32> to vector<16xf32>
        %swap3A_670 = vector.shape_cast %get3A_663 : vector<16xf32> to vector<1x1x16xf32>
        tpu.vector_store %arg9[%swap3A_665, %swap3A_666, %swap3A_667], %swap3A_670 {add = true, strides = array<i32>} : memref<4x8x1024xf32, #tpu.memory_space<vmem>>, vector<1x1x16xf32>,
        %get3A_671 = arith.constant 0 : i32
        %get3A_672 = arith.index_cast %get3A_671 : i32 to index
        %get3A_673 = arith.index_cast %scan3A_438 : i32 to index
        %get3A_674 = arith.constant 288 : index
        %get3A_675 = tpu.vector_load %arg10[%get3A_672, %get3A_673, %get3A_674] {strides = array<i32>} : memref<4x8x1024xf32, #tpu.memory_space<vmem>>, vector<1x1x16xf32>,
        %get3A_676 = vector.shape_cast %get3A_675 : vector<1x1x16xf32> to vector<16xf32>
        %swap3A_677 = arith.constant 0 : i32
        %swap3A_678 = arith.index_cast %swap3A_677 : i32 to index
        %swap3A_679 = arith.index_cast %scan3A_438 : i32 to index
        %swap3A_680 = arith.constant 288 : index
        %swap3A_681 = tpu.vector_load %arg9[%swap3A_678, %swap3A_679, %swap3A_680] {strides = array<i32>} : memref<4x8x1024xf32, #tpu.memory_space<vmem>>, vector<1x1x16xf32>,
        %swap3A_682 = vector.shape_cast %swap3A_681 : vector<1x1x16xf32> to vector<16xf32>
        %swap3A_683 = vector.shape_cast %get3A_676 : vector<16xf32> to vector<1x1x16xf32>
        tpu.vector_store %arg9[%swap3A_678, %swap3A_679, %swap3A_680], %swap3A_683 {add = true, strides = array<i32>} : memref<4x8x1024xf32, #tpu.memory_space<vmem>>, vector<1x1x16xf32>,
        %get3A_684 = arith.constant 0 : i32
        %get3A_685 = arith.index_cast %get3A_684 : i32 to index
        %get3A_686 = arith.index_cast %scan3A_438 : i32 to index
        %get3A_687 = arith.constant 304 : index
        %get3A_688 = tpu.vector_load %arg10[%get3A_685, %get3A_686, %get3A_687] {strides = array<i32>} : memref<4x8x1024xf32, #tpu.memory_space<vmem>>, vector<1x1x16xf32>,
        %get3A_689 = vector.shape_cast %get3A_688 : vector<1x1x16xf32> to vector<16xf32>
        %swap3A_690 = arith.constant 0 : i32
        %swap3A_691 = arith.index_cast %swap3A_690 : i32 to index
        %swap3A_692 = arith.index_cast %scan3A_438 : i32 to index
        %swap3A_693 = arith.constant 304 : index
        %swap3A_694 = tpu.vector_load %arg9[%swap3A_691, %swap3A_692, %swap3A_693] {strides = array<i32>} : memref<4x8x1024xf32, #tpu.memory_space<vmem>>, vector<1x1x16xf32>,
        %swap3A_695 = vector.shape_cast %swap3A_694 : vector<1x1x16xf32> to vector<16xf32>
        %swap3A_696 = vector.shape_cast %get3A_689 : vector<16xf32> to vector<1x1x16xf32>
        tpu.vector_store %arg9[%swap3A_691, %swap3A_692, %swap3A_693], %swap3A_696 {add = true, strides = array<i32>} : memref<4x8x1024xf32, #tpu.memory_space<vmem>>, vector<1x1x16xf32>,
        %get3A_697 = arith.constant 0 : i32
        %get3A_698 = arith.index_cast %get3A_697 : i32 to index
        %get3A_699 = arith.index_cast %scan3A_438 : i32 to index
        %get3A_700 = arith.constant 320 : index
        %get3A_701 = tpu.vector_load %arg10[%get3A_698, %get3A_699, %get3A_700] {strides = array<i32>} : memref<4x8x1024xf32, #tpu.memory_space<vmem>>, vector<1x1x16xf32>,
        %get3A_702 = vector.shape_cast %get3A_701 : vector<1x1x16xf32> to vector<16xf32>
        %swap3A_703 = arith.constant 0 : i32
        %swap3A_704 = arith.index_cast %swap3A_703 : i32 to index
        %swap3A_705 = arith.index_cast %scan3A_438 : i32 to index
        %swap3A_706 = arith.constant 320 : index
        %swap3A_707 = tpu.vector_load %arg9[%swap3A_704, %swap3A_705, %swap3A_706] {strides = array<i32>} : memref<4x8x1024xf32, #tpu.memory_space<vmem>>, vector<1x1x16xf32>,
        %swap3A_708 = vector.shape_cast %swap3A_707 : vector<1x1x16xf32> to vector<16xf32>
        %swap3A_709 = vector.shape_cast %get3A_702 : vector<16xf32> to vector<1x1x16xf32>
        tpu.vector_store %arg9[%swap3A_704, %swap3A_705, %swap3A_706], %swap3A_709 {add = true, strides = array<i32>} : memref<4x8x1024xf32, #tpu.memory_space<vmem>>, vector<1x1x16xf32>,
        %get3A_710 = arith.constant 0 : i32
        %get3A_711 = arith.index_cast %get3A_710 : i32 to index
        %get3A_712 = arith.index_cast %scan3A_438 : i32 to index
        %get3A_713 = arith.constant 336 : index
        %get3A_714 = tpu.vector_load %arg10[%get3A_711, %get3A_712, %get3A_713] {strides = array<i32>} : memref<4x8x1024xf32, #tpu.memory_space<vmem>>, vector<1x1x16xf32>,
        %get3A_715 = vector.shape_cast %get3A_714 : vector<1x1x16xf32> to vector<16xf32>
        %swap3A_716 = arith.constant 0 : i32
        %swap3A_717 = arith.index_cast %swap3A_716 : i32 to index
        %swap3A_718 = arith.index_cast %scan3A_438 : i32 to index
        %swap3A_719 = arith.constant 336 : index
        %swap3A_720 = tpu.vector_load %arg9[%swap3A_717, %swap3A_718, %swap3A_719] {strides = array<i32>} : memref<4x8x1024xf32, #tpu.memory_space<vmem>>, vector<1x1x16xf32>,
        %swap3A_721 = vector.shape_cast %swap3A_720 : vector<1x1x16xf32> to vector<16xf32>
        %swap3A_722 = vector.shape_cast %get3A_715 : vector<16xf32> to vector<1x1x16xf32>
        tpu.vector_store %arg9[%swap3A_717, %swap3A_718, %swap3A_719], %swap3A_722 {add = true, strides = array<i32>} : memref<4x8x1024xf32, #tpu.memory_space<vmem>>, vector<1x1x16xf32>,
        %get3A_723 = arith.constant 0 : i32
        %get3A_724 = arith.index_cast %get3A_723 : i32 to index
        %get3A_725 = arith.index_cast %scan3A_438 : i32 to index
        %get3A_726 = arith.constant 352 : index
        %get3A_727 = tpu.vector_load %arg10[%get3A_724, %get3A_725, %get3A_726] {strides = array<i32>} : memref<4x8x1024xf32, #tpu.memory_space<vmem>>, vector<1x1x16xf32>,
        %get3A_728 = vector.shape_cast %get3A_727 : vector<1x1x16xf32> to vector<16xf32>
        %swap3A_729 = arith.constant 0 : i32
        %swap3A_730 = arith.index_cast %swap3A_729 : i32 to index
        %swap3A_731 = arith.index_cast %scan3A_438 : i32 to index
        %swap3A_732 = arith.constant 352 : index
        %swap3A_733 = tpu.vector_load %arg9[%swap3A_730, %swap3A_731, %swap3A_732] {strides = array<i32>} : memref<4x8x1024xf32, #tpu.memory_space<vmem>>, vector<1x1x16xf32>,
        %swap3A_734 = vector.shape_cast %swap3A_733 : vector<1x1x16xf32> to vector<16xf32>
        %swap3A_735 = vector.shape_cast %get3A_728 : vector<16xf32> to vector<1x1x16xf32>
        tpu.vector_store %arg9[%swap3A_730, %swap3A_731, %swap3A_732], %swap3A_735 {add = true, strides = array<i32>} : memref<4x8x1024xf32, #tpu.memory_space<vmem>>, vector<1x1x16xf32>,
        %get3A_736 = arith.constant 0 : i32
        %get3A_737 = arith.index_cast %get3A_736 : i32 to index
        %get3A_738 = arith.index_cast %scan3A_438 : i32 to index
        %get3A_739 = arith.constant 368 : index
        %get3A_740 = tpu.vector_load %arg10[%get3A_737, %get3A_738, %get3A_739] {strides = array<i32>} : memref<4x8x1024xf32, #tpu.memory_space<vmem>>, vector<1x1x16xf32>,
        %get3A_741 = vector.shape_cast %get3A_740 : vector<1x1x16xf32> to vector<16xf32>
        %swap3A_742 = arith.constant 0 : i32
        %swap3A_743 = arith.index_cast %swap3A_742 : i32 to index
        %swap3A_744 = arith.index_cast %scan3A_438 : i32 to index
        %swap3A_745 = arith.constant 368 : index
        %swap3A_746 = tpu.vector_load %arg9[%swap3A_743, %swap3A_744, %swap3A_745] {strides = array<i32>} : memref<4x8x1024xf32, #tpu.memory_space<vmem>>, vector<1x1x16xf32>,
        %swap3A_747 = vector.shape_cast %swap3A_746 : vector<1x1x16xf32> to vector<16xf32>
        %swap3A_748 = vector.shape_cast %get3A_741 : vector<16xf32> to vector<1x1x16xf32>
        tpu.vector_store %arg9[%swap3A_743, %swap3A_744, %swap3A_745], %swap3A_748 {add = true, strides = array<i32>} : memref<4x8x1024xf32, #tpu.memory_space<vmem>>, vector<1x1x16xf32>,
        %get3A_749 = arith.constant 0 : i32
        %get3A_750 = arith.index_cast %get3A_749 : i32 to index
        %get3A_751 = arith.index_cast %scan3A_438 : i32 to index
        %get3A_752 = arith.constant 384 : index
        %get3A_753 = tpu.vector_load %arg10[%get3A_750, %get3A_751, %get3A_752] {strides = array<i32>} : memref<4x8x1024xf32, #tpu.memory_space<vmem>>, vector<1x1x16xf32>,
        %get3A_754 = vector.shape_cast %get3A_753 : vector<1x1x16xf32> to vector<16xf32>
        %swap3A_755 = arith.constant 0 : i32
        %swap3A_756 = arith.index_cast %swap3A_755 : i32 to index
        %swap3A_757 = arith.index_cast %scan3A_438 : i32 to index
        %swap3A_758 = arith.constant 384 : index
        %swap3A_759 = tpu.vector_load %arg9[%swap3A_756, %swap3A_757, %swap3A_758] {strides = array<i32>} : memref<4x8x1024xf32, #tpu.memory_space<vmem>>, vector<1x1x16xf32>,
        %swap3A_760 = vector.shape_cast %swap3A_759 : vector<1x1x16xf32> to vector<16xf32>
        %swap3A_761 = vector.shape_cast %get3A_754 : vector<16xf32> to vector<1x1x16xf32>
        tpu.vector_store %arg9[%swap3A_756, %swap3A_757, %swap3A_758], %swap3A_761 {add = true, strides = array<i32>} : memref<4x8x1024xf32, #tpu.memory_space<vmem>>, vector<1x1x16xf32>,
        %get3A_762 = arith.constant 0 : i32
        %get3A_763 = arith.index_cast %get3A_762 : i32 to index
        %get3A_764 = arith.index_cast %scan3A_438 : i32 to index
        %get3A_765 = arith.constant 400 : index
        %get3A_766 = tpu.vector_load %arg10[%get3A_763, %get3A_764, %get3A_765] {strides = array<i32>} : memref<4x8x1024xf32, #tpu.memory_space<vmem>>, vector<1x1x16xf32>,
        %get3A_767 = vector.shape_cast %get3A_766 : vector<1x1x16xf32> to vector<16xf32>
        %swap3A_768 = arith.constant 0 : i32
        %swap3A_769 = arith.index_cast %swap3A_768 : i32 to index
        %swap3A_770 = arith.index_cast %scan3A_438 : i32 to index
        %swap3A_771 = arith.constant 400 : index
        %swap3A_772 = tpu.vector_load %arg9[%swap3A_769, %swap3A_770, %swap3A_771] {strides = array<i32>} : memref<4x8x1024xf32, #tpu.memory_space<vmem>>, vector<1x1x16xf32>,
        %swap3A_773 = vector.shape_cast %swap3A_772 : vector<1x1x16xf32> to vector<16xf32>
        %swap3A_774 = vector.shape_cast %get3A_767 : vector<16xf32> to vector<1x1x16xf32>
        tpu.vector_store %arg9[%swap3A_769, %swap3A_770, %swap3A_771], %swap3A_774 {add = true, strides = array<i32>} : memref<4x8x1024xf32, #tpu.memory_space<vmem>>, vector<1x1x16xf32>,
        %get3A_775 = arith.constant 0 : i32
        %get3A_776 = arith.index_cast %get3A_775 : i32 to index
        %get3A_777 = arith.index_cast %scan3A_438 : i32 to index
        %get3A_778 = arith.constant 416 : index
        %get3A_779 = tpu.vector_load %arg10[%get3A_776, %get3A_777, %get3A_778] {strides = array<i32>} : memref<4x8x1024xf32, #tpu.memory_space<vmem>>, vector<1x1x16xf32>,
        %get3A_780 = vector.shape_cast %get3A_779 : vector<1x1x16xf32> to vector<16xf32>
        %swap3A_781 = arith.constant 0 : i32
        %swap3A_782 = arith.index_cast %swap3A_781 : i32 to index
        %swap3A_783 = arith.index_cast %scan3A_438 : i32 to index
        %swap3A_784 = arith.constant 416 : index
        %swap3A_785 = tpu.vector_load %arg9[%swap3A_782, %swap3A_783, %swap3A_784] {strides = array<i32>} : memref<4x8x1024xf32, #tpu.memory_space<vmem>>, vector<1x1x16xf32>,
        %swap3A_786 = vector.shape_cast %swap3A_785 : vector<1x1x16xf32> to vector<16xf32>
        %swap3A_787 = vector.shape_cast %get3A_780 : vector<16xf32> to vector<1x1x16xf32>
        tpu.vector_store %arg9[%swap3A_782, %swap3A_783, %swap3A_784], %swap3A_787 {add = true, strides = array<i32>} : memref<4x8x1024xf32, #tpu.memory_space<vmem>>, vector<1x1x16xf32>,
        %get3A_788 = arith.constant 0 : i32
        %get3A_789 = arith.index_cast %get3A_788 : i32 to index
        %get3A_790 = arith.index_cast %scan3A_438 : i32 to index
        %get3A_791 = arith.constant 432 : index
        %get3A_792 = tpu.vector_load %arg10[%get3A_789, %get3A_790, %get3A_791] {strides = array<i32>} : memref<4x8x1024xf32, #tpu.memory_space<vmem>>, vector<1x1x16xf32>,
        %get3A_793 = vector.shape_cast %get3A_792 : vector<1x1x16xf32> to vector<16xf32>
        %swap3A_794 = arith.constant 0 : i32
        %swap3A_795 = arith.index_cast %swap3A_794 : i32 to index
        %swap3A_796 = arith.index_cast %scan3A_438 : i32 to index
        %swap3A_797 = arith.constant 432 : index
        %swap3A_798 = tpu.vector_load %arg9[%swap3A_795, %swap3A_796, %swap3A_797] {strides = array<i32>} : memref<4x8x1024xf32, #tpu.memory_space<vmem>>, vector<1x1x16xf32>,
        %swap3A_799 = vector.shape_cast %swap3A_798 : vector<1x1x16xf32> to vector<16xf32>
        %swap3A_800 = vector.shape_cast %get3A_793 : vector<16xf32> to vector<1x1x16xf32>
        tpu.vector_store %arg9[%swap3A_795, %swap3A_796, %swap3A_797], %swap3A_800 {add = true, strides = array<i32>} : memref<4x8x1024xf32, #tpu.memory_space<vmem>>, vector<1x1x16xf32>,
        %get3A_801 = arith.constant 0 : i32
        %get3A_802 = arith.index_cast %get3A_801 : i32 to index
        %get3A_803 = arith.index_cast %scan3A_438 : i32 to index
        %get3A_804 = arith.constant 448 : index
        %get3A_805 = tpu.vector_load %arg10[%get3A_802, %get3A_803, %get3A_804] {strides = array<i32>} : memref<4x8x1024xf32, #tpu.memory_space<vmem>>, vector<1x1x16xf32>,
        %get3A_806 = vector.shape_cast %get3A_805 : vector<1x1x16xf32> to vector<16xf32>
        %swap3A_807 = arith.constant 0 : i32
        %swap3A_808 = arith.index_cast %swap3A_807 : i32 to index
        %swap3A_809 = arith.index_cast %scan3A_438 : i32 to index
        %swap3A_810 = arith.constant 448 : index
        %swap3A_811 = tpu.vector_load %arg9[%swap3A_808, %swap3A_809, %swap3A_810] {strides = array<i32>} : memref<4x8x1024xf32, #tpu.memory_space<vmem>>, vector<1x1x16xf32>,
        %swap3A_812 = vector.shape_cast %swap3A_811 : vector<1x1x16xf32> to vector<16xf32>
        %swap3A_813 = vector.shape_cast %get3A_806 : vector<16xf32> to vector<1x1x16xf32>
        tpu.vector_store %arg9[%swap3A_808, %swap3A_809, %swap3A_810], %swap3A_813 {add = true, strides = array<i32>} : memref<4x8x1024xf32, #tpu.memory_space<vmem>>, vector<1x1x16xf32>,
        %get3A_814 = arith.constant 0 : i32
        %get3A_815 = arith.index_cast %get3A_814 : i32 to index
        %get3A_816 = arith.index_cast %scan3A_438 : i32 to index
        %get3A_817 = arith.constant 464 : index
        %get3A_818 = tpu.vector_load %arg10[%get3A_815, %get3A_816, %get3A_817] {strides = array<i32>} : memref<4x8x1024xf32, #tpu.memory_space<vmem>>, vector<1x1x16xf32>,
        %get3A_819 = vector.shape_cast %get3A_818 : vector<1x1x16xf32> to vector<16xf32>
        %swap3A_820 = arith.constant 0 : i32
        %swap3A_821 = arith.index_cast %swap3A_820 : i32 to index
        %swap3A_822 = arith.index_cast %scan3A_438 : i32 to index
        %swap3A_823 = arith.constant 464 : index
        %swap3A_824 = tpu.vector_load %arg9[%swap3A_821, %swap3A_822, %swap3A_823] {strides = array<i32>} : memref<4x8x1024xf32, #tpu.memory_space<vmem>>, vector<1x1x16xf32>,
        %swap3A_825 = vector.shape_cast %swap3A_824 : vector<1x1x16xf32> to vector<16xf32>
        %swap3A_826 = vector.shape_cast %get3A_819 : vector<16xf32> to vector<1x1x16xf32>
        tpu.vector_store %arg9[%swap3A_821, %swap3A_822, %swap3A_823], %swap3A_826 {add = true, strides = array<i32>} : memref<4x8x1024xf32, #tpu.memory_space<vmem>>, vector<1x1x16xf32>,
        %get3A_827 = arith.constant 0 : i32
        %get3A_828 = arith.index_cast %get3A_827 : i32 to index
        %get3A_829 = arith.index_cast %scan3A_438 : i32 to index
        %get3A_830 = arith.constant 480 : index
        %get3A_831 = tpu.vector_load %arg10[%get3A_828, %get3A_829, %get3A_830] {strides = array<i32>} : memref<4x8x1024xf32, #tpu.memory_space<vmem>>, vector<1x1x16xf32>,
        %get3A_832 = vector.shape_cast %get3A_831 : vector<1x1x16xf32> to vector<16xf32>
        %swap3A_833 = arith.constant 0 : i32
        %swap3A_834 = arith.index_cast %swap3A_833 : i32 to index
        %swap3A_835 = arith.index_cast %scan3A_438 : i32 to index
        %swap3A_836 = arith.constant 480 : index
        %swap3A_837 = tpu.vector_load %arg9[%swap3A_834, %swap3A_835, %swap3A_836] {strides = array<i32>} : memref<4x8x1024xf32, #tpu.memory_space<vmem>>, vector<1x1x16xf32>,
        %swap3A_838 = vector.shape_cast %swap3A_837 : vector<1x1x16xf32> to vector<16xf32>
        %swap3A_839 = vector.shape_cast %get3A_832 : vector<16xf32> to vector<1x1x16xf32>
        tpu.vector_store %arg9[%swap3A_834, %swap3A_835, %swap3A_836], %swap3A_839 {add = true, strides = array<i32>} : memref<4x8x1024xf32, #tpu.memory_space<vmem>>, vector<1x1x16xf32>,
        %get3A_840 = arith.constant 0 : i32
        %get3A_841 = arith.index_cast %get3A_840 : i32 to index
        %get3A_842 = arith.index_cast %scan3A_438 : i32 to index
        %get3A_843 = arith.constant 496 : index
        %get3A_844 = tpu.vector_load %arg10[%get3A_841, %get3A_842, %get3A_843] {strides = array<i32>} : memref<4x8x1024xf32, #tpu.memory_space<vmem>>, vector<1x1x16xf32>,
        %get3A_845 = vector.shape_cast %get3A_844 : vector<1x1x16xf32> to vector<16xf32>
        %swap3A_846 = arith.constant 0 : i32
        %swap3A_847 = arith.index_cast %swap3A_846 : i32 to index
        %swap3A_848 = arith.index_cast %scan3A_438 : i32 to index
        %swap3A_849 = arith.constant 496 : index
        %swap3A_850 = tpu.vector_load %arg9[%swap3A_847, %swap3A_848, %swap3A_849] {strides = array<i32>} : memref<4x8x1024xf32, #tpu.memory_space<vmem>>, vector<1x1x16xf32>,
        %swap3A_851 = vector.shape_cast %swap3A_850 : vector<1x1x16xf32> to vector<16xf32>
        %swap3A_852 = vector.shape_cast %get3A_845 : vector<16xf32> to vector<1x1x16xf32>
        tpu.vector_store %arg9[%swap3A_847, %swap3A_848, %swap3A_849], %swap3A_852 {add = true, strides = array<i32>} : memref<4x8x1024xf32, #tpu.memory_space<vmem>>, vector<1x1x16xf32>,
        %get3A_853 = arith.constant 0 : i32
        %get3A_854 = arith.index_cast %get3A_853 : i32 to index
        %get3A_855 = arith.index_cast %scan3A_438 : i32 to index
        %get3A_856 = arith.constant 512 : index
        %get3A_857 = tpu.vector_load %arg10[%get3A_854, %get3A_855, %get3A_856] {strides = array<i32>} : memref<4x8x1024xf32, #tpu.memory_space<vmem>>, vector<1x1x16xf32>,
        %get3A_858 = vector.shape_cast %get3A_857 : vector<1x1x16xf32> to vector<16xf32>
        %swap3A_859 = arith.constant 0 : i32
        %swap3A_860 = arith.index_cast %swap3A_859 : i32 to index
        %swap3A_861 = arith.index_cast %scan3A_438 : i32 to index
        %swap3A_862 = arith.constant 512 : index
        %swap3A_863 = tpu.vector_load %arg9[%swap3A_860, %swap3A_861, %swap3A_862] {strides = array<i32>} : memref<4x8x1024xf32, #tpu.memory_space<vmem>>, vector<1x1x16xf32>,
        %swap3A_864 = vector.shape_cast %swap3A_863 : vector<1x1x16xf32> to vector<16xf32>
        %swap3A_865 = vector.shape_cast %get3A_858 : vector<16xf32> to vector<1x1x16xf32>
        tpu.vector_store %arg9[%swap3A_860, %swap3A_861, %swap3A_862], %swap3A_865 {add = true, strides = array<i32>} : memref<4x8x1024xf32, #tpu.memory_space<vmem>>, vector<1x1x16xf32>,
        %get3A_866 = arith.constant 0 : i32
        %get3A_867 = arith.index_cast %get3A_866 : i32 to index
        %get3A_868 = arith.index_cast %scan3A_438 : i32 to index
        %get3A_869 = arith.constant 528 : index
        %get3A_870 = tpu.vector_load %arg10[%get3A_867, %get3A_868, %get3A_869] {strides = array<i32>} : memref<4x8x1024xf32, #tpu.memory_space<vmem>>, vector<1x1x16xf32>,
        %get3A_871 = vector.shape_cast %get3A_870 : vector<1x1x16xf32> to vector<16xf32>
        %swap3A_872 = arith.constant 0 : i32
        %swap3A_873 = arith.index_cast %swap3A_872 : i32 to index
        %swap3A_874 = arith.index_cast %scan3A_438 : i32 to index
        %swap3A_875 = arith.constant 528 : index
        %swap3A_876 = tpu.vector_load %arg9[%swap3A_873, %swap3A_874, %swap3A_875] {strides = array<i32>} : memref<4x8x1024xf32, #tpu.memory_space<vmem>>, vector<1x1x16xf32>,
        %swap3A_877 = vector.shape_cast %swap3A_876 : vector<1x1x16xf32> to vector<16xf32>
        %swap3A_878 = vector.shape_cast %get3A_871 : vector<16xf32> to vector<1x1x16xf32>
        tpu.vector_store %arg9[%swap3A_873, %swap3A_874, %swap3A_875], %swap3A_878 {add = true, strides = array<i32>} : memref<4x8x1024xf32, #tpu.memory_space<vmem>>, vector<1x1x16xf32>,
        %get3A_879 = arith.constant 0 : i32
        %get3A_880 = arith.index_cast %get3A_879 : i32 to index
        %get3A_881 = arith.index_cast %scan3A_438 : i32 to index
        %get3A_882 = arith.constant 544 : index
        %get3A_883 = tpu.vector_load %arg10[%get3A_880, %get3A_881, %get3A_882] {strides = array<i32>} : memref<4x8x1024xf32, #tpu.memory_space<vmem>>, vector<1x1x16xf32>,
        %get3A_884 = vector.shape_cast %get3A_883 : vector<1x1x16xf32> to vector<16xf32>
        %swap3A_885 = arith.constant 0 : i32
        %swap3A_886 = arith.index_cast %swap3A_885 : i32 to index
        %swap3A_887 = arith.index_cast %scan3A_438 : i32 to index
        %swap3A_888 = arith.constant 544 : index
        %swap3A_889 = tpu.vector_load %arg9[%swap3A_886, %swap3A_887, %swap3A_888] {strides = array<i32>} : memref<4x8x1024xf32, #tpu.memory_space<vmem>>, vector<1x1x16xf32>,
        %swap3A_890 = vector.shape_cast %swap3A_889 : vector<1x1x16xf32> to vector<16xf32>
        %swap3A_891 = vector.shape_cast %get3A_884 : vector<16xf32> to vector<1x1x16xf32>
        tpu.vector_store %arg9[%swap3A_886, %swap3A_887, %swap3A_888], %swap3A_891 {add = true, strides = array<i32>} : memref<4x8x1024xf32, #tpu.memory_space<vmem>>, vector<1x1x16xf32>,
        %get3A_892 = arith.constant 0 : i32
        %get3A_893 = arith.index_cast %get3A_892 : i32 to index
        %get3A_894 = arith.index_cast %scan3A_438 : i32 to index
        %get3A_895 = arith.constant 560 : index
        %get3A_896 = tpu.vector_load %arg10[%get3A_893, %get3A_894, %get3A_895] {strides = array<i32>} : memref<4x8x1024xf32, #tpu.memory_space<vmem>>, vector<1x1x16xf32>,
        %get3A_897 = vector.shape_cast %get3A_896 : vector<1x1x16xf32> to vector<16xf32>
        %swap3A_898 = arith.constant 0 : i32
        %swap3A_899 = arith.index_cast %swap3A_898 : i32 to index
        %swap3A_900 = arith.index_cast %scan3A_438 : i32 to index
        %swap3A_901 = arith.constant 560 : index
        %swap3A_902 = tpu.vector_load %arg9[%swap3A_899, %swap3A_900, %swap3A_901] {strides = array<i32>} : memref<4x8x1024xf32, #tpu.memory_space<vmem>>, vector<1x1x16xf32>,
        %swap3A_903 = vector.shape_cast %swap3A_902 : vector<1x1x16xf32> to vector<16xf32>
        %swap3A_904 = vector.shape_cast %get3A_897 : vector<16xf32> to vector<1x1x16xf32>
        tpu.vector_store %arg9[%swap3A_899, %swap3A_900, %swap3A_901], %swap3A_904 {add = true, strides = array<i32>} : memref<4x8x1024xf32, #tpu.memory_space<vmem>>, vector<1x1x16xf32>,
        %get3A_905 = arith.constant 0 : i32
        %get3A_906 = arith.index_cast %get3A_905 : i32 to index
        %get3A_907 = arith.index_cast %scan3A_438 : i32 to index
        %get3A_908 = arith.constant 576 : index
        %get3A_909 = tpu.vector_load %arg10[%get3A_906, %get3A_907, %get3A_908] {strides = array<i32>} : memref<4x8x1024xf32, #tpu.memory_space<vmem>>, vector<1x1x16xf32>,
        %get3A_910 = vector.shape_cast %get3A_909 : vector<1x1x16xf32> to vector<16xf32>
        %swap3A_911 = arith.constant 0 : i32
        %swap3A_912 = arith.index_cast %swap3A_911 : i32 to index
        %swap3A_913 = arith.index_cast %scan3A_438 : i32 to index
        %swap3A_914 = arith.constant 576 : index
        %swap3A_915 = tpu.vector_load %arg9[%swap3A_912, %swap3A_913, %swap3A_914] {strides = array<i32>} : memref<4x8x1024xf32, #tpu.memory_space<vmem>>, vector<1x1x16xf32>,
        %swap3A_916 = vector.shape_cast %swap3A_915 : vector<1x1x16xf32> to vector<16xf32>
        %swap3A_917 = vector.shape_cast %get3A_910 : vector<16xf32> to vector<1x1x16xf32>
        tpu.vector_store %arg9[%swap3A_912, %swap3A_913, %swap3A_914], %swap3A_917 {add = true, strides = array<i32>} : memref<4x8x1024xf32, #tpu.memory_space<vmem>>, vector<1x1x16xf32>,
        %get3A_918 = arith.constant 0 : i32
        %get3A_919 = arith.index_cast %get3A_918 : i32 to index
        %get3A_920 = arith.index_cast %scan3A_438 : i32 to index
        %get3A_921 = arith.constant 592 : index
        %get3A_922 = tpu.vector_load %arg10[%get3A_919, %get3A_920, %get3A_921] {strides = array<i32>} : memref<4x8x1024xf32, #tpu.memory_space<vmem>>, vector<1x1x16xf32>,
        %get3A_923 = vector.shape_cast %get3A_922 : vector<1x1x16xf32> to vector<16xf32>
        %swap3A_924 = arith.constant 0 : i32
        %swap3A_925 = arith.index_cast %swap3A_924 : i32 to index
        %swap3A_926 = arith.index_cast %scan3A_438 : i32 to index
        %swap3A_927 = arith.constant 592 : index
        %swap3A_928 = tpu.vector_load %arg9[%swap3A_925, %swap3A_926, %swap3A_927] {strides = array<i32>} : memref<4x8x1024xf32, #tpu.memory_space<vmem>>, vector<1x1x16xf32>,
        %swap3A_929 = vector.shape_cast %swap3A_928 : vector<1x1x16xf32> to vector<16xf32>
        %swap3A_930 = vector.shape_cast %get3A_923 : vector<16xf32> to vector<1x1x16xf32>
        tpu.vector_store %arg9[%swap3A_925, %swap3A_926, %swap3A_927], %swap3A_930 {add = true, strides = array<i32>} : memref<4x8x1024xf32, #tpu.memory_space<vmem>>, vector<1x1x16xf32>,
        %get3A_931 = arith.constant 0 : i32
        %get3A_932 = arith.index_cast %get3A_931 : i32 to index
        %get3A_933 = arith.index_cast %scan3A_438 : i32 to index
        %get3A_934 = arith.constant 608 : index
        %get3A_935 = tpu.vector_load %arg10[%get3A_932, %get3A_933, %get3A_934] {strides = array<i32>} : memref<4x8x1024xf32, #tpu.memory_space<vmem>>, vector<1x1x16xf32>,
        %get3A_936 = vector.shape_cast %get3A_935 : vector<1x1x16xf32> to vector<16xf32>
        %swap3A_937 = arith.constant 0 : i32
        %swap3A_938 = arith.index_cast %swap3A_937 : i32 to index
        %swap3A_939 = arith.index_cast %scan3A_438 : i32 to index
        %swap3A_940 = arith.constant 608 : index
        %swap3A_941 = tpu.vector_load %arg9[%swap3A_938, %swap3A_939, %swap3A_940] {strides = array<i32>} : memref<4x8x1024xf32, #tpu.memory_space<vmem>>, vector<1x1x16xf32>,
        %swap3A_942 = vector.shape_cast %swap3A_941 : vector<1x1x16xf32> to vector<16xf32>
        %swap3A_943 = vector.shape_cast %get3A_936 : vector<16xf32> to vector<1x1x16xf32>
        tpu.vector_store %arg9[%swap3A_938, %swap3A_939, %swap3A_940], %swap3A_943 {add = true, strides = array<i32>} : memref<4x8x1024xf32, #tpu.memory_space<vmem>>, vector<1x1x16xf32>,
        %get3A_944 = arith.constant 0 : i32
        %get3A_945 = arith.index_cast %get3A_944 : i32 to index
        %get3A_946 = arith.index_cast %scan3A_438 : i32 to index
        %get3A_947 = arith.constant 624 : index
        %get3A_948 = tpu.vector_load %arg10[%get3A_945, %get3A_946, %get3A_947] {strides = array<i32>} : memref<4x8x1024xf32, #tpu.memory_space<vmem>>, vector<1x1x16xf32>,
        %get3A_949 = vector.shape_cast %get3A_948 : vector<1x1x16xf32> to vector<16xf32>
        %swap3A_950 = arith.constant 0 : i32
        %swap3A_951 = arith.index_cast %swap3A_950 : i32 to index
        %swap3A_952 = arith.index_cast %scan3A_438 : i32 to index
        %swap3A_953 = arith.constant 624 : index
        %swap3A_954 = tpu.vector_load %arg9[%swap3A_951, %swap3A_952, %swap3A_953] {strides = array<i32>} : memref<4x8x1024xf32, #tpu.memory_space<vmem>>, vector<1x1x16xf32>,
        %swap3A_955 = vector.shape_cast %swap3A_954 : vector<1x1x16xf32> to vector<16xf32>
        %swap3A_956 = vector.shape_cast %get3A_949 : vector<16xf32> to vector<1x1x16xf32>
        tpu.vector_store %arg9[%swap3A_951, %swap3A_952, %swap3A_953], %swap3A_956 {add = true, strides = array<i32>} : memref<4x8x1024xf32, #tpu.memory_space<vmem>>, vector<1x1x16xf32>,
        %get3A_957 = arith.constant 0 : i32
        %get3A_958 = arith.index_cast %get3A_957 : i32 to index
        %get3A_959 = arith.index_cast %scan3A_438 : i32 to index
        %get3A_960 = arith.constant 640 : index
        %get3A_961 = tpu.vector_load %arg10[%get3A_958, %get3A_959, %get3A_960] {strides = array<i32>} : memref<4x8x1024xf32, #tpu.memory_space<vmem>>, vector<1x1x16xf32>,
        %get3A_962 = vector.shape_cast %get3A_961 : vector<1x1x16xf32> to vector<16xf32>
        %swap3A_963 = arith.constant 0 : i32
        %swap3A_964 = arith.index_cast %swap3A_963 : i32 to index
        %swap3A_965 = arith.index_cast %scan3A_438 : i32 to index
        %swap3A_966 = arith.constant 640 : index
        %swap3A_967 = tpu.vector_load %arg9[%swap3A_964, %swap3A_965, %swap3A_966] {strides = array<i32>} : memref<4x8x1024xf32, #tpu.memory_space<vmem>>, vector<1x1x16xf32>,
        %swap3A_968 = vector.shape_cast %swap3A_967 : vector<1x1x16xf32> to vector<16xf32>
        %swap3A_969 = vector.shape_cast %get3A_962 : vector<16xf32> to vector<1x1x16xf32>
        tpu.vector_store %arg9[%swap3A_964, %swap3A_965, %swap3A_966], %swap3A_969 {add = true, strides = array<i32>} : memref<4x8x1024xf32, #tpu.memory_space<vmem>>, vector<1x1x16xf32>,
        %get3A_970 = arith.constant 0 : i32
        %get3A_971 = arith.index_cast %get3A_970 : i32 to index
        %get3A_972 = arith.index_cast %scan3A_438 : i32 to index
        %get3A_973 = arith.constant 656 : index
        %get3A_974 = tpu.vector_load %arg10[%get3A_971, %get3A_972, %get3A_973] {strides = array<i32>} : memref<4x8x1024xf32, #tpu.memory_space<vmem>>, vector<1x1x16xf32>,
        %get3A_975 = vector.shape_cast %get3A_974 : vector<1x1x16xf32> to vector<16xf32>
        %swap3A_976 = arith.constant 0 : i32
        %swap3A_977 = arith.index_cast %swap3A_976 : i32 to index
        %swap3A_978 = arith.index_cast %scan3A_438 : i32 to index
        %swap3A_979 = arith.constant 656 : index
        %swap3A_980 = tpu.vector_load %arg9[%swap3A_977, %swap3A_978, %swap3A_979] {strides = array<i32>} : memref<4x8x1024xf32, #tpu.memory_space<vmem>>, vector<1x1x16xf32>,
        %swap3A_981 = vector.shape_cast %swap3A_980 : vector<1x1x16xf32> to vector<16xf32>
        %swap3A_982 = vector.shape_cast %get3A_975 : vector<16xf32> to vector<1x1x16xf32>
        tpu.vector_store %arg9[%swap3A_977, %swap3A_978, %swap3A_979], %swap3A_982 {add = true, strides = array<i32>} : memref<4x8x1024xf32, #tpu.memory_space<vmem>>, vector<1x1x16xf32>,
        %get3A_983 = arith.constant 0 : i32
        %get3A_984 = arith.index_cast %get3A_983 : i32 to index
        %get3A_985 = arith.index_cast %scan3A_438 : i32 to index
        %get3A_986 = arith.constant 672 : index
        %get3A_987 = tpu.vector_load %arg10[%get3A_984, %get3A_985, %get3A_986] {strides = array<i32>} : memref<4x8x1024xf32, #tpu.memory_space<vmem>>, vector<1x1x16xf32>,
        %get3A_988 = vector.shape_cast %get3A_987 : vector<1x1x16xf32> to vector<16xf32>
        %swap3A_989 = arith.constant 0 : i32
        %swap3A_990 = arith.index_cast %swap3A_989 : i32 to index
        %swap3A_991 = arith.index_cast %scan3A_438 : i32 to index
        %swap3A_992 = arith.constant 672 : index
        %swap3A_993 = tpu.vector_load %arg9[%swap3A_990, %swap3A_991, %swap3A_992] {strides = array<i32>} : memref<4x8x1024xf32, #tpu.memory_space<vmem>>, vector<1x1x16xf32>,
        %swap3A_994 = vector.shape_cast %swap3A_993 : vector<1x1x16xf32> to vector<16xf32>
        %swap3A_995 = vector.shape_cast %get3A_988 : vector<16xf32> to vector<1x1x16xf32>
        tpu.vector_store %arg9[%swap3A_990, %swap3A_991, %swap3A_992], %swap3A_995 {add = true, strides = array<i32>} : memref<4x8x1024xf32, #tpu.memory_space<vmem>>, vector<1x1x16xf32>,
        %get3A_996 = arith.constant 0 : i32
        %get3A_997 = arith.index_cast %get3A_996 : i32 to index
        %get3A_998 = arith.index_cast %scan3A_438 : i32 to index
        %get3A_999 = arith.constant 688 : index
        %get3A_1000 = tpu.vector_load %arg10[%get3A_997, %get3A_998, %get3A_999] {strides = array<i32>} : memref<4x8x1024xf32, #tpu.memory_space<vmem>>, vector<1x1x16xf32>,
        %get3A_1001 = vector.shape_cast %get3A_1000 : vector<1x1x16xf32> to vector<16xf32>
        %swap3A_1002 = arith.constant 0 : i32
        %swap3A_1003 = arith.index_cast %swap3A_1002 : i32 to index
        %swap3A_1004 = arith.index_cast %scan3A_438 : i32 to index
        %swap3A_1005 = arith.constant 688 : index
        %swap3A_1006 = tpu.vector_load %arg9[%swap3A_1003, %swap3A_1004, %swap3A_1005] {strides = array<i32>} : memref<4x8x1024xf32, #tpu.memory_space<vmem>>, vector<1x1x16xf32>,
        %swap3A_1007 = vector.shape_cast %swap3A_1006 : vector<1x1x16xf32> to vector<16xf32>
        %swap3A_1008 = vector.shape_cast %get3A_1001 : vector<16xf32> to vector<1x1x16xf32>
        tpu.vector_store %arg9[%swap3A_1003, %swap3A_1004, %swap3A_1005], %swap3A_1008 {add = true, strides = array<i32>} : memref<4x8x1024xf32, #tpu.memory_space<vmem>>, vector<1x1x16xf32>,
        %get3A_1009 = arith.constant 0 : i32
        %get3A_1010 = arith.index_cast %get3A_1009 : i32 to index
        %get3A_1011 = arith.index_cast %scan3A_438 : i32 to index
        %get3A_1012 = arith.constant 704 : index
        %get3A_1013 = tpu.vector_load %arg10[%get3A_1010, %get3A_1011, %get3A_1012] {strides = array<i32>} : memref<4x8x1024xf32, #tpu.memory_space<vmem>>, vector<1x1x16xf32>,
        %get3A_1014 = vector.shape_cast %get3A_1013 : vector<1x1x16xf32> to vector<16xf32>
        %swap3A_1015 = arith.constant 0 : i32
        %swap3A_1016 = arith.index_cast %swap3A_1015 : i32 to index
        %swap3A_1017 = arith.index_cast %scan3A_438 : i32 to index
        %swap3A_1018 = arith.constant 704 : index
        %swap3A_1019 = tpu.vector_load %arg9[%swap3A_1016, %swap3A_1017, %swap3A_1018] {strides = array<i32>} : memref<4x8x1024xf32, #tpu.memory_space<vmem>>, vector<1x1x16xf32>,
        %swap3A_1020 = vector.shape_cast %swap3A_1019 : vector<1x1x16xf32> to vector<16xf32>
        %swap3A_1021 = vector.shape_cast %get3A_1014 : vector<16xf32> to vector<1x1x16xf32>
        tpu.vector_store %arg9[%swap3A_1016, %swap3A_1017, %swap3A_1018], %swap3A_1021 {add = true, strides = array<i32>} : memref<4x8x1024xf32, #tpu.memory_space<vmem>>, vector<1x1x16xf32>,
        %get3A_1022 = arith.constant 0 : i32
        %get3A_1023 = arith.index_cast %get3A_1022 : i32 to index
        %get3A_1024 = arith.index_cast %scan3A_438 : i32 to index
        %get3A_1025 = arith.constant 720 : index
        %get3A_1026 = tpu.vector_load %arg10[%get3A_1023, %get3A_1024, %get3A_1025] {strides = array<i32>} : memref<4x8x1024xf32, #tpu.memory_space<vmem>>, vector<1x1x16xf32>,
        %get3A_1027 = vector.shape_cast %get3A_1026 : vector<1x1x16xf32> to vector<16xf32>
        %swap3A_1028 = arith.constant 0 : i32
        %swap3A_1029 = arith.index_cast %swap3A_1028 : i32 to index
        %swap3A_1030 = arith.index_cast %scan3A_438 : i32 to index
        %swap3A_1031 = arith.constant 720 : index
        %swap3A_1032 = tpu.vector_load %arg9[%swap3A_1029, %swap3A_1030, %swap3A_1031] {strides = array<i32>} : memref<4x8x1024xf32, #tpu.memory_space<vmem>>, vector<1x1x16xf32>,
        %swap3A_1033 = vector.shape_cast %swap3A_1032 : vector<1x1x16xf32> to vector<16xf32>
        %swap3A_1034 = vector.shape_cast %get3A_1027 : vector<16xf32> to vector<1x1x16xf32>
        tpu.vector_store %arg9[%swap3A_1029, %swap3A_1030, %swap3A_1031], %swap3A_1034 {add = true, strides = array<i32>} : memref<4x8x1024xf32, #tpu.memory_space<vmem>>, vector<1x1x16xf32>,
        %get3A_1035 = arith.constant 0 : i32
        %get3A_1036 = arith.index_cast %get3A_1035 : i32 to index
        %get3A_1037 = arith.index_cast %scan3A_438 : i32 to index
        %get3A_1038 = arith.constant 736 : index
        %get3A_1039 = tpu.vector_load %arg10[%get3A_1036, %get3A_1037, %get3A_1038] {strides = array<i32>} : memref<4x8x1024xf32, #tpu.memory_space<vmem>>, vector<1x1x16xf32>,
        %get3A_1040 = vector.shape_cast %get3A_1039 : vector<1x1x16xf32> to vector<16xf32>
        %swap3A_1041 = arith.constant 0 : i32
        %swap3A_1042 = arith.index_cast %swap3A_1041 : i32 to index
        %swap3A_1043 = arith.index_cast %scan3A_438 : i32 to index
        %swap3A_1044 = arith.constant 736 : index
        %swap3A_1045 = tpu.vector_load %arg9[%swap3A_1042, %swap3A_1043, %swap3A_1044] {strides = array<i32>} : memref<4x8x1024xf32, #tpu.memory_space<vmem>>, vector<1x1x16xf32>,
        %swap3A_1046 = vector.shape_cast %swap3A_1045 : vector<1x1x16xf32> to vector<16xf32>
        %swap3A_1047 = vector.shape_cast %get3A_1040 : vector<16xf32> to vector<1x1x16xf32>
        tpu.vector_store %arg9[%swap3A_1042, %swap3A_1043, %swap3A_1044], %swap3A_1047 {add = true, strides = array<i32>} : memref<4x8x1024xf32, #tpu.memory_space<vmem>>, vector<1x1x16xf32>,
        %get3A_1048 = arith.constant 0 : i32
        %get3A_1049 = arith.index_cast %get3A_1048 : i32 to index
        %get3A_1050 = arith.index_cast %scan3A_438 : i32 to index
        %get3A_1051 = arith.constant 752 : index
        %get3A_1052 = tpu.vector_load %arg10[%get3A_1049, %get3A_1050, %get3A_1051] {strides = array<i32>} : memref<4x8x1024xf32, #tpu.memory_space<vmem>>, vector<1x1x16xf32>,
        %get3A_1053 = vector.shape_cast %get3A_1052 : vector<1x1x16xf32> to vector<16xf32>
        %swap3A_1054 = arith.constant 0 : i32
        %swap3A_1055 = arith.index_cast %swap3A_1054 : i32 to index
        %swap3A_1056 = arith.index_cast %scan3A_438 : i32 to index
        %swap3A_1057 = arith.constant 752 : index
        %swap3A_1058 = tpu.vector_load %arg9[%swap3A_1055, %swap3A_1056, %swap3A_1057] {strides = array<i32>} : memref<4x8x1024xf32, #tpu.memory_space<vmem>>, vector<1x1x16xf32>,
        %swap3A_1059 = vector.shape_cast %swap3A_1058 : vector<1x1x16xf32> to vector<16xf32>
        %swap3A_1060 = vector.shape_cast %get3A_1053 : vector<16xf32> to vector<1x1x16xf32>
        tpu.vector_store %arg9[%swap3A_1055, %swap3A_1056, %swap3A_1057], %swap3A_1060 {add = true, strides = array<i32>} : memref<4x8x1024xf32, #tpu.memory_space<vmem>>, vector<1x1x16xf32>,
        %get3A_1061 = arith.constant 0 : i32
        %get3A_1062 = arith.index_cast %get3A_1061 : i32 to index
        %get3A_1063 = arith.index_cast %scan3A_438 : i32 to index
        %get3A_1064 = arith.constant 768 : index
        %get3A_1065 = tpu.vector_load %arg10[%get3A_1062, %get3A_1063, %get3A_1064] {strides = array<i32>} : memref<4x8x1024xf32, #tpu.memory_space<vmem>>, vector<1x1x16xf32>,
        %get3A_1066 = vector.shape_cast %get3A_1065 : vector<1x1x16xf32> to vector<16xf32>
        %swap3A_1067 = arith.constant 0 : i32
        %swap3A_1068 = arith.index_cast %swap3A_1067 : i32 to index
        %swap3A_1069 = arith.index_cast %scan3A_438 : i32 to index
        %swap3A_1070 = arith.constant 768 : index
        %swap3A_1071 = tpu.vector_load %arg9[%swap3A_1068, %swap3A_1069, %swap3A_1070] {strides = array<i32>} : memref<4x8x1024xf32, #tpu.memory_space<vmem>>, vector<1x1x16xf32>,
        %swap3A_1072 = vector.shape_cast %swap3A_1071 : vector<1x1x16xf32> to vector<16xf32>
        %swap3A_1073 = vector.shape_cast %get3A_1066 : vector<16xf32> to vector<1x1x16xf32>
        tpu.vector_store %arg9[%swap3A_1068, %swap3A_1069, %swap3A_1070], %swap3A_1073 {add = true, strides = array<i32>} : memref<4x8x1024xf32, #tpu.memory_space<vmem>>, vector<1x1x16xf32>,
        %get3A_1074 = arith.constant 0 : i32
        %get3A_1075 = arith.index_cast %get3A_1074 : i32 to index
        %get3A_1076 = arith.index_cast %scan3A_438 : i32 to index
        %get3A_1077 = arith.constant 784 : index
        %get3A_1078 = tpu.vector_load %arg10[%get3A_1075, %get3A_1076, %get3A_1077] {strides = array<i32>} : memref<4x8x1024xf32, #tpu.memory_space<vmem>>, vector<1x1x16xf32>,
        %get3A_1079 = vector.shape_cast %get3A_1078 : vector<1x1x16xf32> to vector<16xf32>
        %swap3A_1080 = arith.constant 0 : i32
        %swap3A_1081 = arith.index_cast %swap3A_1080 : i32 to index
        %swap3A_1082 = arith.index_cast %scan3A_438 : i32 to index
        %swap3A_1083 = arith.constant 784 : index
        %swap3A_1084 = tpu.vector_load %arg9[%swap3A_1081, %swap3A_1082, %swap3A_1083] {strides = array<i32>} : memref<4x8x1024xf32, #tpu.memory_space<vmem>>, vector<1x1x16xf32>,
        %swap3A_1085 = vector.shape_cast %swap3A_1084 : vector<1x1x16xf32> to vector<16xf32>
        %swap3A_1086 = vector.shape_cast %get3A_1079 : vector<16xf32> to vector<1x1x16xf32>
        tpu.vector_store %arg9[%swap3A_1081, %swap3A_1082, %swap3A_1083], %swap3A_1086 {add = true, strides = array<i32>} : memref<4x8x1024xf32, #tpu.memory_space<vmem>>, vector<1x1x16xf32>,
        %get3A_1087 = arith.constant 0 : i32
        %get3A_1088 = arith.index_cast %get3A_1087 : i32 to index
        %get3A_1089 = arith.index_cast %scan3A_438 : i32 to index
        %get3A_1090 = arith.constant 800 : index
        %get3A_1091 = tpu.vector_load %arg10[%get3A_1088, %get3A_1089, %get3A_1090] {strides = array<i32>} : memref<4x8x1024xf32, #tpu.memory_space<vmem>>, vector<1x1x16xf32>,
        %get3A_1092 = vector.shape_cast %get3A_1091 : vector<1x1x16xf32> to vector<16xf32>
        %swap3A_1093 = arith.constant 0 : i32
        %swap3A_1094 = arith.index_cast %swap3A_1093 : i32 to index
        %swap3A_1095 = arith.index_cast %scan3A_438 : i32 to index
        %swap3A_1096 = arith.constant 800 : index
        %swap3A_1097 = tpu.vector_load %arg9[%swap3A_1094, %swap3A_1095, %swap3A_1096] {strides = array<i32>} : memref<4x8x1024xf32, #tpu.memory_space<vmem>>, vector<1x1x16xf32>,
        %swap3A_1098 = vector.shape_cast %swap3A_1097 : vector<1x1x16xf32> to vector<16xf32>
        %swap3A_1099 = vector.shape_cast %get3A_1092 : vector<16xf32> to vector<1x1x16xf32>
        tpu.vector_store %arg9[%swap3A_1094, %swap3A_1095, %swap3A_1096], %swap3A_1099 {add = true, strides = array<i32>} : memref<4x8x1024xf32, #tpu.memory_space<vmem>>, vector<1x1x16xf32>,
        %get3A_1100 = arith.constant 0 : i32
        %get3A_1101 = arith.index_cast %get3A_1100 : i32 to index
        %get3A_1102 = arith.index_cast %scan3A_438 : i32 to index
        %get3A_1103 = arith.constant 816 : index
        %get3A_1104 = tpu.vector_load %arg10[%get3A_1101, %get3A_1102, %get3A_1103] {strides = array<i32>} : memref<4x8x1024xf32, #tpu.memory_space<vmem>>, vector<1x1x16xf32>,
        %get3A_1105 = vector.shape_cast %get3A_1104 : vector<1x1x16xf32> to vector<16xf32>
        %swap3A_1106 = arith.constant 0 : i32
        %swap3A_1107 = arith.index_cast %swap3A_1106 : i32 to index
        %swap3A_1108 = arith.index_cast %scan3A_438 : i32 to index
        %swap3A_1109 = arith.constant 816 : index
        %swap3A_1110 = tpu.vector_load %arg9[%swap3A_1107, %swap3A_1108, %swap3A_1109] {strides = array<i32>} : memref<4x8x1024xf32, #tpu.memory_space<vmem>>, vector<1x1x16xf32>,
        %swap3A_1111 = vector.shape_cast %swap3A_1110 : vector<1x1x16xf32> to vector<16xf32>
        %swap3A_1112 = vector.shape_cast %get3A_1105 : vector<16xf32> to vector<1x1x16xf32>
        tpu.vector_store %arg9[%swap3A_1107, %swap3A_1108, %swap3A_1109], %swap3A_1112 {add = true, strides = array<i32>} : memref<4x8x1024xf32, #tpu.memory_space<vmem>>, vector<1x1x16xf32>,
        %get3A_1113 = arith.constant 0 : i32
        %get3A_1114 = arith.index_cast %get3A_1113 : i32 to index
        %get3A_1115 = arith.index_cast %scan3A_438 : i32 to index
        %get3A_1116 = arith.constant 832 : index
        %get3A_1117 = tpu.vector_load %arg10[%get3A_1114, %get3A_1115, %get3A_1116] {strides = array<i32>} : memref<4x8x1024xf32, #tpu.memory_space<vmem>>, vector<1x1x16xf32>,
        %get3A_1118 = vector.shape_cast %get3A_1117 : vector<1x1x16xf32> to vector<16xf32>
        %swap3A_1119 = arith.constant 0 : i32
        %swap3A_1120 = arith.index_cast %swap3A_1119 : i32 to index
        %swap3A_1121 = arith.index_cast %scan3A_438 : i32 to index
        %swap3A_1122 = arith.constant 832 : index
        %swap3A_1123 = tpu.vector_load %arg9[%swap3A_1120, %swap3A_1121, %swap3A_1122] {strides = array<i32>} : memref<4x8x1024xf32, #tpu.memory_space<vmem>>, vector<1x1x16xf32>,
        %swap3A_1124 = vector.shape_cast %swap3A_1123 : vector<1x1x16xf32> to vector<16xf32>
        %swap3A_1125 = vector.shape_cast %get3A_1118 : vector<16xf32> to vector<1x1x16xf32>
        tpu.vector_store %arg9[%swap3A_1120, %swap3A_1121, %swap3A_1122], %swap3A_1125 {add = true, strides = array<i32>} : memref<4x8x1024xf32, #tpu.memory_space<vmem>>, vector<1x1x16xf32>,
        %get3A_1126 = arith.constant 0 : i32
        %get3A_1127 = arith.index_cast %get3A_1126 : i32 to index
        %get3A_1128 = arith.index_cast %scan3A_438 : i32 to index
        %get3A_1129 = arith.constant 848 : index
        %get3A_1130 = tpu.vector_load %arg10[%get3A_1127, %get3A_1128, %get3A_1129] {strides = array<i32>} : memref<4x8x1024xf32, #tpu.memory_space<vmem>>, vector<1x1x16xf32>,
        %get3A_1131 = vector.shape_cast %get3A_1130 : vector<1x1x16xf32> to vector<16xf32>
        %swap3A_1132 = arith.constant 0 : i32
        %swap3A_1133 = arith.index_cast %swap3A_1132 : i32 to index
        %swap3A_1134 = arith.index_cast %scan3A_438 : i32 to index
        %swap3A_1135 = arith.constant 848 : index
        %swap3A_1136 = tpu.vector_load %arg9[%swap3A_1133, %swap3A_1134, %swap3A_1135] {strides = array<i32>} : memref<4x8x1024xf32, #tpu.memory_space<vmem>>, vector<1x1x16xf32>,
        %swap3A_1137 = vector.shape_cast %swap3A_1136 : vector<1x1x16xf32> to vector<16xf32>
        %swap3A_1138 = vector.shape_cast %get3A_1131 : vector<16xf32> to vector<1x1x16xf32>
        tpu.vector_store %arg9[%swap3A_1133, %swap3A_1134, %swap3A_1135], %swap3A_1138 {add = true, strides = array<i32>} : memref<4x8x1024xf32, #tpu.memory_space<vmem>>, vector<1x1x16xf32>,
        %get3A_1139 = arith.constant 0 : i32
        %get3A_1140 = arith.index_cast %get3A_1139 : i32 to index
        %get3A_1141 = arith.index_cast %scan3A_438 : i32 to index
        %get3A_1142 = arith.constant 864 : index
        %get3A_1143 = tpu.vector_load %arg10[%get3A_1140, %get3A_1141, %get3A_1142] {strides = array<i32>} : memref<4x8x1024xf32, #tpu.memory_space<vmem>>, vector<1x1x16xf32>,
        %get3A_1144 = vector.shape_cast %get3A_1143 : vector<1x1x16xf32> to vector<16xf32>
        %swap3A_1145 = arith.constant 0 : i32
        %swap3A_1146 = arith.index_cast %swap3A_1145 : i32 to index
        %swap3A_1147 = arith.index_cast %scan3A_438 : i32 to index
        %swap3A_1148 = arith.constant 864 : index
        %swap3A_1149 = tpu.vector_load %arg9[%swap3A_1146, %swap3A_1147, %swap3A_1148] {strides = array<i32>} : memref<4x8x1024xf32, #tpu.memory_space<vmem>>, vector<1x1x16xf32>,
        %swap3A_1150 = vector.shape_cast %swap3A_1149 : vector<1x1x16xf32> to vector<16xf32>
        %swap3A_1151 = vector.shape_cast %get3A_1144 : vector<16xf32> to vector<1x1x16xf32>
        tpu.vector_store %arg9[%swap3A_1146, %swap3A_1147, %swap3A_1148], %swap3A_1151 {add = true, strides = array<i32>} : memref<4x8x1024xf32, #tpu.memory_space<vmem>>, vector<1x1x16xf32>,
        %get3A_1152 = arith.constant 0 : i32
        %get3A_1153 = arith.index_cast %get3A_1152 : i32 to index
        %get3A_1154 = arith.index_cast %scan3A_438 : i32 to index
        %get3A_1155 = arith.constant 880 : index
        %get3A_1156 = tpu.vector_load %arg10[%get3A_1153, %get3A_1154, %get3A_1155] {strides = array<i32>} : memref<4x8x1024xf32, #tpu.memory_space<vmem>>, vector<1x1x16xf32>,
        %get3A_1157 = vector.shape_cast %get3A_1156 : vector<1x1x16xf32> to vector<16xf32>
        %swap3A_1158 = arith.constant 0 : i32
        %swap3A_1159 = arith.index_cast %swap3A_1158 : i32 to index
        %swap3A_1160 = arith.index_cast %scan3A_438 : i32 to index
        %swap3A_1161 = arith.constant 880 : index
        %swap3A_1162 = tpu.vector_load %arg9[%swap3A_1159, %swap3A_1160, %swap3A_1161] {strides = array<i32>} : memref<4x8x1024xf32, #tpu.memory_space<vmem>>, vector<1x1x16xf32>,
        %swap3A_1163 = vector.shape_cast %swap3A_1162 : vector<1x1x16xf32> to vector<16xf32>
        %swap3A_1164 = vector.shape_cast %get3A_1157 : vector<16xf32> to vector<1x1x16xf32>
        tpu.vector_store %arg9[%swap3A_1159, %swap3A_1160, %swap3A_1161], %swap3A_1164 {add = true, strides = array<i32>} : memref<4x8x1024xf32, #tpu.memory_space<vmem>>, vector<1x1x16xf32>,
        %get3A_1165 = arith.constant 0 : i32
        %get3A_1166 = arith.index_cast %get3A_1165 : i32 to index
        %get3A_1167 = arith.index_cast %scan3A_438 : i32 to index
        %get3A_1168 = arith.constant 896 : index
        %get3A_1169 = tpu.vector_load %arg10[%get3A_1166, %get3A_1167, %get3A_1168] {strides = array<i32>} : memref<4x8x1024xf32, #tpu.memory_space<vmem>>, vector<1x1x16xf32>,
        %get3A_1170 = vector.shape_cast %get3A_1169 : vector<1x1x16xf32> to vector<16xf32>
        %swap3A_1171 = arith.constant 0 : i32
        %swap3A_1172 = arith.index_cast %swap3A_1171 : i32 to index
        %swap3A_1173 = arith.index_cast %scan3A_438 : i32 to index
        %swap3A_1174 = arith.constant 896 : index
        %swap3A_1175 = tpu.vector_load %arg9[%swap3A_1172, %swap3A_1173, %swap3A_1174] {strides = array<i32>} : memref<4x8x1024xf32, #tpu.memory_space<vmem>>, vector<1x1x16xf32>,
        %swap3A_1176 = vector.shape_cast %swap3A_1175 : vector<1x1x16xf32> to vector<16xf32>
        %swap3A_1177 = vector.shape_cast %get3A_1170 : vector<16xf32> to vector<1x1x16xf32>
        tpu.vector_store %arg9[%swap3A_1172, %swap3A_1173, %swap3A_1174], %swap3A_1177 {add = true, strides = array<i32>} : memref<4x8x1024xf32, #tpu.memory_space<vmem>>, vector<1x1x16xf32>,
        %get3A_1178 = arith.constant 0 : i32
        %get3A_1179 = arith.index_cast %get3A_1178 : i32 to index
        %get3A_1180 = arith.index_cast %scan3A_438 : i32 to index
        %get3A_1181 = arith.constant 912 : index
        %get3A_1182 = tpu.vector_load %arg10[%get3A_1179, %get3A_1180, %get3A_1181] {strides = array<i32>} : memref<4x8x1024xf32, #tpu.memory_space<vmem>>, vector<1x1x16xf32>,
        %get3A_1183 = vector.shape_cast %get3A_1182 : vector<1x1x16xf32> to vector<16xf32>
        %swap3A_1184 = arith.constant 0 : i32
        %swap3A_1185 = arith.index_cast %swap3A_1184 : i32 to index
        %swap3A_1186 = arith.index_cast %scan3A_438 : i32 to index
        %swap3A_1187 = arith.constant 912 : index
        %swap3A_1188 = tpu.vector_load %arg9[%swap3A_1185, %swap3A_1186, %swap3A_1187] {strides = array<i32>} : memref<4x8x1024xf32, #tpu.memory_space<vmem>>, vector<1x1x16xf32>,
        %swap3A_1189 = vector.shape_cast %swap3A_1188 : vector<1x1x16xf32> to vector<16xf32>
        %swap3A_1190 = vector.shape_cast %get3A_1183 : vector<16xf32> to vector<1x1x16xf32>
        tpu.vector_store %arg9[%swap3A_1185, %swap3A_1186, %swap3A_1187], %swap3A_1190 {add = true, strides = array<i32>} : memref<4x8x1024xf32, #tpu.memory_space<vmem>>, vector<1x1x16xf32>,
        %get3A_1191 = arith.constant 0 : i32
        %get3A_1192 = arith.index_cast %get3A_1191 : i32 to index
        %get3A_1193 = arith.index_cast %scan3A_438 : i32 to index
        %get3A_1194 = arith.constant 928 : index
        %get3A_1195 = tpu.vector_load %arg10[%get3A_1192, %get3A_1193, %get3A_1194] {strides = array<i32>} : memref<4x8x1024xf32, #tpu.memory_space<vmem>>, vector<1x1x16xf32>,
        %get3A_1196 = vector.shape_cast %get3A_1195 : vector<1x1x16xf32> to vector<16xf32>
        %swap3A_1197 = arith.constant 0 : i32
        %swap3A_1198 = arith.index_cast %swap3A_1197 : i32 to index
        %swap3A_1199 = arith.index_cast %scan3A_438 : i32 to index
        %swap3A_1200 = arith.constant 928 : index
        %swap3A_1201 = tpu.vector_load %arg9[%swap3A_1198, %swap3A_1199, %swap3A_1200] {strides = array<i32>} : memref<4x8x1024xf32, #tpu.memory_space<vmem>>, vector<1x1x16xf32>,
        %swap3A_1202 = vector.shape_cast %swap3A_1201 : vector<1x1x16xf32> to vector<16xf32>
        %swap3A_1203 = vector.shape_cast %get3A_1196 : vector<16xf32> to vector<1x1x16xf32>
        tpu.vector_store %arg9[%swap3A_1198, %swap3A_1199, %swap3A_1200], %swap3A_1203 {add = true, strides = array<i32>} : memref<4x8x1024xf32, #tpu.memory_space<vmem>>, vector<1x1x16xf32>,
        %get3A_1204 = arith.constant 0 : i32
        %get3A_1205 = arith.index_cast %get3A_1204 : i32 to index
        %get3A_1206 = arith.index_cast %scan3A_438 : i32 to index
        %get3A_1207 = arith.constant 944 : index
        %get3A_1208 = tpu.vector_load %arg10[%get3A_1205, %get3A_1206, %get3A_1207] {strides = array<i32>} : memref<4x8x1024xf32, #tpu.memory_space<vmem>>, vector<1x1x16xf32>,
        %get3A_1209 = vector.shape_cast %get3A_1208 : vector<1x1x16xf32> to vector<16xf32>
        %swap3A_1210 = arith.constant 0 : i32
        %swap3A_1211 = arith.index_cast %swap3A_1210 : i32 to index
        %swap3A_1212 = arith.index_cast %scan3A_438 : i32 to index
        %swap3A_1213 = arith.constant 944 : index
        %swap3A_1214 = tpu.vector_load %arg9[%swap3A_1211, %swap3A_1212, %swap3A_1213] {strides = array<i32>} : memref<4x8x1024xf32, #tpu.memory_space<vmem>>, vector<1x1x16xf32>,
        %swap3A_1215 = vector.shape_cast %swap3A_1214 : vector<1x1x16xf32> to vector<16xf32>
        %swap3A_1216 = vector.shape_cast %get3A_1209 : vector<16xf32> to vector<1x1x16xf32>
        tpu.vector_store %arg9[%swap3A_1211, %swap3A_1212, %swap3A_1213], %swap3A_1216 {add = true, strides = array<i32>} : memref<4x8x1024xf32, #tpu.memory_space<vmem>>, vector<1x1x16xf32>,
        %get3A_1217 = arith.constant 0 : i32
        %get3A_1218 = arith.index_cast %get3A_1217 : i32 to index
        %get3A_1219 = arith.index_cast %scan3A_438 : i32 to index
        %get3A_1220 = arith.constant 960 : index
        %get3A_1221 = tpu.vector_load %arg10[%get3A_1218, %get3A_1219, %get3A_1220] {strides = array<i32>} : memref<4x8x1024xf32, #tpu.memory_space<vmem>>, vector<1x1x16xf32>,
        %get3A_1222 = vector.shape_cast %get3A_1221 : vector<1x1x16xf32> to vector<16xf32>
        %swap3A_1223 = arith.constant 0 : i32
        %swap3A_1224 = arith.index_cast %swap3A_1223 : i32 to index
        %swap3A_1225 = arith.index_cast %scan3A_438 : i32 to index
        %swap3A_1226 = arith.constant 960 : index
        %swap3A_1227 = tpu.vector_load %arg9[%swap3A_1224, %swap3A_1225, %swap3A_1226] {strides = array<i32>} : memref<4x8x1024xf32, #tpu.memory_space<vmem>>, vector<1x1x16xf32>,
        %swap3A_1228 = vector.shape_cast %swap3A_1227 : vector<1x1x16xf32> to vector<16xf32>
        %swap3A_1229 = vector.shape_cast %get3A_1222 : vector<16xf32> to vector<1x1x16xf32>
        tpu.vector_store %arg9[%swap3A_1224, %swap3A_1225, %swap3A_1226], %swap3A_1229 {add = true, strides = array<i32>} : memref<4x8x1024xf32, #tpu.memory_space<vmem>>, vector<1x1x16xf32>,
        %get3A_1230 = arith.constant 0 : i32
        %get3A_1231 = arith.index_cast %get3A_1230 : i32 to index
        %get3A_1232 = arith.index_cast %scan3A_438 : i32 to index
        %get3A_1233 = arith.constant 976 : index
        %get3A_1234 = tpu.vector_load %arg10[%get3A_1231, %get3A_1232, %get3A_1233] {strides = array<i32>} : memref<4x8x1024xf32, #tpu.memory_space<vmem>>, vector<1x1x16xf32>,
        %get3A_1235 = vector.shape_cast %get3A_1234 : vector<1x1x16xf32> to vector<16xf32>
        %swap3A_1236 = arith.constant 0 : i32
        %swap3A_1237 = arith.index_cast %swap3A_1236 : i32 to index
        %swap3A_1238 = arith.index_cast %scan3A_438 : i32 to index
        %swap3A_1239 = arith.constant 976 : index
        %swap3A_1240 = tpu.vector_load %arg9[%swap3A_1237, %swap3A_1238, %swap3A_1239] {strides = array<i32>} : memref<4x8x1024xf32, #tpu.memory_space<vmem>>, vector<1x1x16xf32>,
        %swap3A_1241 = vector.shape_cast %swap3A_1240 : vector<1x1x16xf32> to vector<16xf32>
        %swap3A_1242 = vector.shape_cast %get3A_1235 : vector<16xf32> to vector<1x1x16xf32>
        tpu.vector_store %arg9[%swap3A_1237, %swap3A_1238, %swap3A_1239], %swap3A_1242 {add = true, strides = array<i32>} : memref<4x8x1024xf32, #tpu.memory_space<vmem>>, vector<1x1x16xf32>,
        %get3A_1243 = arith.constant 0 : i32
        %get3A_1244 = arith.index_cast %get3A_1243 : i32 to index
        %get3A_1245 = arith.index_cast %scan3A_438 : i32 to index
        %get3A_1246 = arith.constant 992 : index
        %get3A_1247 = tpu.vector_load %arg10[%get3A_1244, %get3A_1245, %get3A_1246] {strides = array<i32>} : memref<4x8x1024xf32, #tpu.memory_space<vmem>>, vector<1x1x16xf32>,
        %get3A_1248 = vector.shape_cast %get3A_1247 : vector<1x1x16xf32> to vector<16xf32>
        %swap3A_1249 = arith.constant 0 : i32
        %swap3A_1250 = arith.index_cast %swap3A_1249 : i32 to index
        %swap3A_1251 = arith.index_cast %scan3A_438 : i32 to index
        %swap3A_1252 = arith.constant 992 : index
        %swap3A_1253 = tpu.vector_load %arg9[%swap3A_1250, %swap3A_1251, %swap3A_1252] {strides = array<i32>} : memref<4x8x1024xf32, #tpu.memory_space<vmem>>, vector<1x1x16xf32>,
        %swap3A_1254 = vector.shape_cast %swap3A_1253 : vector<1x1x16xf32> to vector<16xf32>
        %swap3A_1255 = vector.shape_cast %get3A_1248 : vector<16xf32> to vector<1x1x16xf32>
        tpu.vector_store %arg9[%swap3A_1250, %swap3A_1251, %swap3A_1252], %swap3A_1255 {add = true, strides = array<i32>} : memref<4x8x1024xf32, #tpu.memory_space<vmem>>, vector<1x1x16xf32>,
        %get3A_1256 = arith.constant 0 : i32
        %get3A_1257 = arith.index_cast %get3A_1256 : i32 to index
        %get3A_1258 = arith.index_cast %scan3A_438 : i32 to index
        %get3A_1259 = arith.constant 1008 : index
        %get3A_1260 = tpu.vector_load %arg10[%get3A_1257, %get3A_1258, %get3A_1259] {strides = array<i32>} : memref<4x8x1024xf32, #tpu.memory_space<vmem>>, vector<1x1x16xf32>,
        %get3A_1261 = vector.shape_cast %get3A_1260 : vector<1x1x16xf32> to vector<16xf32>
        %swap3A_1262 = arith.constant 0 : i32
        %swap3A_1263 = arith.index_cast %swap3A_1262 : i32 to index
        %swap3A_1264 = arith.index_cast %scan3A_438 : i32 to index
        %swap3A_1265 = arith.constant 1008 : index
        %swap3A_1266 = tpu.vector_load %arg9[%swap3A_1263, %swap3A_1264, %swap3A_1265] {strides = array<i32>} : memref<4x8x1024xf32, #tpu.memory_space<vmem>>, vector<1x1x16xf32>,
        %swap3A_1267 = vector.shape_cast %swap3A_1266 : vector<1x1x16xf32> to vector<16xf32>
        %swap3A_1268 = vector.shape_cast %get3A_1261 : vector<16xf32> to vector<1x1x16xf32>
        tpu.vector_store %arg9[%swap3A_1263, %swap3A_1264, %swap3A_1265], %swap3A_1268 {add = true, strides = array<i32>} : memref<4x8x1024xf32, #tpu.memory_space<vmem>>, vector<1x1x16xf32>,
      }
      %scan3A_224 = arith.constant 8 : i32
      %mul3A_225 = arith.constant 8 : i32
      %mul3A_226 = arith.muli %add3A_184, %mul3A_225 : i32
      %add3A_227 = arith.addi %mul3A_32, %mul3A_226 : i32
      %dma_start3A_228 = arith.constant 0 : i32
      %dma_start3A_229 = arith.constant 0 : i32
      %dma_start3A_230 = arith.constant 0 : i32
      %dma_start3A_231 = tpu.memref_slice %arg9[%dma_start3A_228, %dma_start3A_229, %dma_start3A_230] : memref<4x8x1024xf32, #tpu.memory_space<vmem>> -> memref<1x8x1024xf32, #tpu.memory_space<vmem>>
      %dma_start3A_232 = tpu.memref_squeeze %dma_start3A_231 : memref<1x8x1024xf32, #tpu.memory_space<vmem>> -> memref<8x1024xf32, #tpu.memory_space<vmem>>
      %dma_start3A_233 = arith.constant 0 : i32
      %dma_start3A_234 = tpu.memref_slice %arg6[%add3A_227, %select_n3A, %dma_start3A_233] : memref<4096x4x1024xf32, #tpu.memory_space<hbm>> -> memref<8x1x1024xf32, #tpu.memory_space<hbm>>
      %dma_start3A_235 = tpu.memref_squeeze %dma_start3A_234 : memref<8x1x1024xf32, #tpu.memory_space<hbm>> -> memref<8x1024xf32, #tpu.memory_space<hbm>>
      %dma_start3A_236 = arith.constant 0 : i32
      %dma_start3A_237 = tpu.memref_slice %arg6[%add3A_227, %select_n3A, %dma_start3A_236] : memref<4096x4x1024xf32, #tpu.memory_space<hbm>> -> memref<8x1x1024xf32, #tpu.memory_space<hbm>>
      %dma_start3A_238 = tpu.memref_squeeze %dma_start3A_237 : memref<8x1x1024xf32, #tpu.memory_space<hbm>> -> memref<8x1024xf32, #tpu.memory_space<hbm>>
      %dma_start3A_239 = arith.constant 0 : i32
      %dma_start3A_240 = arith.constant 0 : i32
      %dma_start3A_241 = tpu.memref_slice %arg9[%dma_start3A_228, %dma_start3A_239, %dma_start3A_240] : memref<4x8x1024xf32, #tpu.memory_space<vmem>> -> memref<1x8x1024xf32, #tpu.memory_space<vmem>>
      %dma_start3A_242 = tpu.memref_squeeze %dma_start3A_241 : memref<1x8x1024xf32, #tpu.memory_space<vmem>> -> memref<8x1024xf32, #tpu.memory_space<vmem>>
      tpu.enqueue_dma source(%dma_start3A_242 : memref<8x1024xf32, #tpu.memory_space<vmem>>) target(%dma_start3A_238 : memref<8x1024xf32, #tpu.memory_space<hbm>>) target_semaphore(%arg15 : memref<!tpu.dma_semaphore, #tpu.memory_space<semaphore_mem>>)
      %mul3A_243 = arith.constant 4 : i32
      %mul3A_244 = arith.muli %scan3A_180, %mul3A_243 : i32
      %add3A_245 = arith.constant 1 : i32
      %add3A_246 = arith.addi %mul3A_244, %add3A_245 : i32
      %mul3A_247 = arith.constant 8 : i32
      %mul3A_248 = arith.muli %add3A_246, %mul3A_247 : i32
      %dma_wait3A_249 = arith.constant 1 : i32
      %dma_wait3A_250 = arith.constant 0 : i32
      %dma_wait3A_251 = arith.constant 0 : i32
      %dma_wait3A_252 = tpu.memref_slice %arg9[%dma_wait3A_249, %dma_wait3A_250, %dma_wait3A_251] : memref<4x8x1024xf32, #tpu.memory_space<vmem>> -> memref<1x8x1024xf32, #tpu.memory_space<vmem>>
      %dma_wait3A_253 = tpu.memref_squeeze %dma_wait3A_252 : memref<1x8x1024xf32, #tpu.memory_space<vmem>> -> memref<8x1024xf32, #tpu.memory_space<vmem>>
      %dma_wait3A_254 = tpu.memref_slice %arg7[%mul3A_248] : memref<512xi32, #tpu.memory_space<vmem>> -> memref<8xi32, #tpu.memory_space<vmem>>
      %dma_wait3A_255 = arith.constant 0 : i32
      %dma_wait3A_256 = arith.constant 0 : i32
      %dma_wait3A_257 = tpu.memref_slice %arg4[%dma_wait3A_255, %dma_wait3A_256] : memref<100000x1024xf32, #tpu.memory_space<hbm>> -> memref<100000x1024xf32, #tpu.memory_space<hbm>>
      tpu.wait_indirect_dma semaphore(%arg12 : memref<!tpu.dma_semaphore, #tpu.memory_space<semaphore_mem>>) src(%dma_wait3A_257 : memref<100000x1024xf32, #tpu.memory_space<hbm>>) dst(%dma_wait3A_253 : memref<8x1024xf32, #tpu.memory_space<vmem>>)
      %dma_wait3A_258 = arith.constant 1 : i32
      %dma_wait3A_259 = arith.constant 0 : i32
      %dma_wait3A_260 = arith.constant 0 : i32
      %dma_wait3A_261 = tpu.memref_slice %arg10[%dma_wait3A_258, %dma_wait3A_259, %dma_wait3A_260] : memref<4x8x1024xf32, #tpu.memory_space<vmem>> -> memref<1x8x1024xf32, #tpu.memory_space<vmem>>
      %dma_wait3A_262 = tpu.memref_squeeze %dma_wait3A_261 : memref<1x8x1024xf32, #tpu.memory_space<vmem>> -> memref<8x1024xf32, #tpu.memory_space<vmem>>
      %dma_wait3A_263 = tpu.memref_slice %arg8[%mul3A_248] : memref<512xi32, #tpu.memory_space<vmem>> -> memref<8xi32, #tpu.memory_space<vmem>>
      %dma_wait3A_264 = arith.constant 0 : i32
      %dma_wait3A_265 = arith.constant 0 : i32
      %dma_wait3A_266 = tpu.memref_slice %arg5[%dma_wait3A_264, %dma_wait3A_265] : memref<8192x1024xf32, #tpu.memory_space<hbm>> -> memref<8192x1024xf32, #tpu.memory_space<hbm>>
      tpu.wait_indirect_dma semaphore(%arg12 : memref<!tpu.dma_semaphore, #tpu.memory_space<semaphore_mem>>) src(%dma_wait3A_266 : memref<8192x1024xf32, #tpu.memory_space<hbm>>) dst(%dma_wait3A_262 : memref<8x1024xf32, #tpu.memory_space<vmem>>)
      %add3A_267 = arith.constant 4 : i32
      %add3A_268 = arith.addi %add3A_246, %add3A_267 : i32
      %sub3A_269 = arith.constant 1 : i32
      %sub3A_270 = arith.subi %add3A_268, %sub3A_269 : i32
      %ge3A_271 = arith.constant 1 : i32
      %ge3A_272 = arith.cmpi sge, %add3A_246, %ge3A_271 : i32
      %lt3A_273 = arith.constant 64 : i32
      %lt3A_274 = arith.cmpi slt, %sub3A_270, %lt3A_273 : i32
      %and3A_275 = arith.andi %ge3A_272, %lt3A_274 : i1
      %convert_element_type3A_276 = arith.extui %and3A_275 : i1 to i32
      %cond3A_277 = arith.constant 0 : i32
      %cond3A_278 = arith.cmpi ne, %convert_element_type3A_276, %cond3A_277 : i32
      scf.if %cond3A_278 {
        %sub3A_438 = arith.constant 1 : i32
        %sub3A_439 = arith.subi %add3A_246, %sub3A_438 : i32
        %mul3A_440 = arith.constant 8 : i32
        %mul3A_441 = arith.muli %sub3A_439, %mul3A_440 : i32
        %add3A_442 = arith.addi %mul3A_32, %mul3A_441 : i32
        %dma_wait3A_443 = arith.constant 0 : i32
        %dma_wait3A_444 = arith.constant 0 : i32
        %dma_wait3A_445 = arith.constant 0 : i32
        %dma_wait3A_446 = tpu.memref_slice %arg9[%dma_wait3A_443, %dma_wait3A_444, %dma_wait3A_445] : memref<4x8x1024xf32, #tpu.memory_space<vmem>> -> memref<1x8x1024xf32, #tpu.memory_space<vmem>>
        %dma_wait3A_447 = tpu.memref_squeeze %dma_wait3A_446 : memref<1x8x1024xf32, #tpu.memory_space<vmem>> -> memref<8x1024xf32, #tpu.memory_space<vmem>>
        %dma_wait3A_448 = arith.constant 0 : i32
        %dma_wait3A_449 = tpu.memref_slice %arg6[%add3A_442, %select_n3A, %dma_wait3A_448] : memref<4096x4x1024xf32, #tpu.memory_space<hbm>> -> memref<8x1x1024xf32, #tpu.memory_space<hbm>>
        %dma_wait3A_450 = tpu.memref_squeeze %dma_wait3A_449 : memref<8x1x1024xf32, #tpu.memory_space<hbm>> -> memref<8x1024xf32, #tpu.memory_space<hbm>>
        %dma_wait3A_451 = arith.constant 0 : i32
        %dma_wait3A_452 = tpu.memref_slice %arg6[%add3A_442, %select_n3A, %dma_wait3A_451] : memref<4096x4x1024xf32, #tpu.memory_space<hbm>> -> memref<8x1x1024xf32, #tpu.memory_space<hbm>>
        %dma_wait3A_453 = tpu.memref_squeeze %dma_wait3A_452 : memref<8x1x1024xf32, #tpu.memory_space<hbm>> -> memref<8x1024xf32, #tpu.memory_space<hbm>>
        %dma_wait3A_454 = arith.constant 0 : i32
        %dma_wait3A_455 = arith.constant 0 : i32
        %dma_wait3A_456 = tpu.memref_slice %arg9[%dma_wait3A_443, %dma_wait3A_454, %dma_wait3A_455] : memref<4x8x1024xf32, #tpu.memory_space<vmem>> -> memref<1x8x1024xf32, #tpu.memory_space<vmem>>
        %dma_wait3A_457 = tpu.memref_squeeze %dma_wait3A_456 : memref<1x8x1024xf32, #tpu.memory_space<vmem>> -> memref<8x1024xf32, #tpu.memory_space<vmem>>
        tpu.wait_dma2 semaphore(%arg15 : memref<!tpu.dma_semaphore, #tpu.memory_space<semaphore_mem>>) src(%dma_wait3A_457 : memref<8x1024xf32, #tpu.memory_space<vmem>>) dst(%dma_wait3A_453 : memref<8x1024xf32, #tpu.memory_space<hbm>>)
      } else {
      }
      %lt3A_279 = arith.constant 64 : i32
      %lt3A_280 = arith.cmpi slt, %sub3A_270, %lt3A_279 : i32
      %convert_element_type3A_281 = arith.extui %lt3A_280 : i1 to i32
      %cond3A_282 = arith.constant 0 : i32
      %cond3A_283 = arith.cmpi ne, %convert_element_type3A_281, %cond3A_282 : i32
      scf.if %cond3A_283 {
        %mul3A_438 = arith.constant 8 : i32
        %mul3A_439 = arith.muli %sub3A_270, %mul3A_438 : i32
        %dma_start3A_440 = arith.constant 0 : i32
        %dma_start3A_441 = arith.constant 0 : i32
        %dma_start3A_442 = arith.constant 0 : i32
        %dma_start3A_443 = tpu.memref_slice %arg9[%dma_start3A_440, %dma_start3A_441, %dma_start3A_442] : memref<4x8x1024xf32, #tpu.memory_space<vmem>> -> memref<1x8x1024xf32, #tpu.memory_space<vmem>>
        %dma_start3A_444 = tpu.memref_squeeze %dma_start3A_443 : memref<1x8x1024xf32, #tpu.memory_space<vmem>> -> memref<8x1024xf32, #tpu.memory_space<vmem>>
        %dma_start3A_445 = tpu.memref_slice %arg7[%mul3A_439] : memref<512xi32, #tpu.memory_space<vmem>> -> memref<8xi32, #tpu.memory_space<vmem>>
        %dma_start3A_446 = arith.constant 0 : i32
        %dma_start3A_447 = arith.constant 0 : i32
        %dma_start3A_448 = tpu.memref_slice %arg4[%dma_start3A_446, %dma_start3A_447] : memref<100000x1024xf32, #tpu.memory_space<hbm>> -> memref<100000x1024xf32, #tpu.memory_space<hbm>>
        tpu.enqueue_indirect_dma source(%dma_start3A_448 : memref<100000x1024xf32, #tpu.memory_space<hbm>>) target(%dma_start3A_444 : memref<8x1024xf32, #tpu.memory_space<vmem>>) offsets(%dma_start3A_445 : memref<8xi32, #tpu.memory_space<vmem>>) semaphore(%arg11 : memref<!tpu.dma_semaphore, #tpu.memory_space<semaphore_mem>>)
        %dma_start3A_449 = arith.constant 0 : i32
        %dma_start3A_450 = arith.constant 0 : i32
        %dma_start3A_451 = arith.constant 0 : i32
        %dma_start3A_452 = tpu.memref_slice %arg10[%dma_start3A_449, %dma_start3A_450, %dma_start3A_451] : memref<4x8x1024xf32, #tpu.memory_space<vmem>> -> memref<1x8x1024xf32, #tpu.memory_space<vmem>>
        %dma_start3A_453 = tpu.memref_squeeze %dma_start3A_452 : memref<1x8x1024xf32, #tpu.memory_space<vmem>> -> memref<8x1024xf32, #tpu.memory_space<vmem>>
        %dma_start3A_454 = tpu.memref_slice %arg8[%mul3A_439] : memref<512xi32, #tpu.memory_space<vmem>> -> memref<8xi32, #tpu.memory_space<vmem>>
        %dma_start3A_455 = arith.constant 0 : i32
        %dma_start3A_456 = arith.constant 0 : i32
        %dma_start3A_457 = tpu.memref_slice %arg5[%dma_start3A_455, %dma_start3A_456] : memref<8192x1024xf32, #tpu.memory_space<hbm>> -> memref<8192x1024xf32, #tpu.memory_space<hbm>>
        tpu.enqueue_indirect_dma source(%dma_start3A_457 : memref<8192x1024xf32, #tpu.memory_space<hbm>>) target(%dma_start3A_453 : memref<8x1024xf32, #tpu.memory_space<vmem>>) offsets(%dma_start3A_454 : memref<8xi32, #tpu.memory_space<vmem>>) semaphore(%arg11 : memref<!tpu.dma_semaphore, #tpu.memory_space<semaphore_mem>>)
      } else {
      }
      %scan3A_284 = arith.constant 0 : i32
      %scan3A_285 = arith.constant 0 : i32
      %scan3A_286 = arith.constant 8 : i32
      %scan3A_287 = arith.addi %scan3A_285, %scan3A_286 : i32
      %scan3A_288 = arith.constant 1 : i32
      scf.for %scan3A_438 = %scan3A_285 to %scan3A_287 step %scan3A_288  : i32 {
        %get3A = arith.constant 1 : i32
        %get3A_439 = arith.index_cast %get3A : i32 to index
        %get3A_440 = arith.index_cast %scan3A_438 : i32 to index
        %get3A_441 = arith.constant 0 : index
        %get3A_442 = tpu.vector_load %arg10[%get3A_439, %get3A_440, %get3A_441] {strides = array<i32>} : memref<4x8x1024xf32, #tpu.memory_space<vmem>>, vector<1x1x16xf32>,
        %get3A_443 = vector.shape_cast %get3A_442 : vector<1x1x16xf32> to vector<16xf32>
        %swap3A = arith.constant 1 : i32
        %swap3A_444 = arith.index_cast %swap3A : i32 to index
        %swap3A_445 = arith.index_cast %scan3A_438 : i32 to index
        %swap3A_446 = arith.constant 0 : index
        %swap3A_447 = tpu.vector_load %arg9[%swap3A_444, %swap3A_445, %swap3A_446] {strides = array<i32>} : memref<4x8x1024xf32, #tpu.memory_space<vmem>>, vector<1x1x16xf32>,
        %swap3A_448 = vector.shape_cast %swap3A_447 : vector<1x1x16xf32> to vector<16xf32>
        %swap3A_449 = vector.shape_cast %get3A_443 : vector<16xf32> to vector<1x1x16xf32>
        tpu.vector_store %arg9[%swap3A_444, %swap3A_445, %swap3A_446], %swap3A_449 {add = true, strides = array<i32>} : memref<4x8x1024xf32, #tpu.memory_space<vmem>>, vector<1x1x16xf32>,
        %get3A_450 = arith.constant 1 : i32
        %get3A_451 = arith.index_cast %get3A_450 : i32 to index
        %get3A_452 = arith.index_cast %scan3A_438 : i32 to index
        %get3A_453 = arith.constant 16 : index
        %get3A_454 = tpu.vector_load %arg10[%get3A_451, %get3A_452, %get3A_453] {strides = array<i32>} : memref<4x8x1024xf32, #tpu.memory_space<vmem>>, vector<1x1x16xf32>,
        %get3A_455 = vector.shape_cast %get3A_454 : vector<1x1x16xf32> to vector<16xf32>
        %swap3A_456 = arith.constant 1 : i32
        %swap3A_457 = arith.index_cast %swap3A_456 : i32 to index
        %swap3A_458 = arith.index_cast %scan3A_438 : i32 to index
        %swap3A_459 = arith.constant 16 : index
        %swap3A_460 = tpu.vector_load %arg9[%swap3A_457, %swap3A_458, %swap3A_459] {strides = array<i32>} : memref<4x8x1024xf32, #tpu.memory_space<vmem>>, vector<1x1x16xf32>,
        %swap3A_461 = vector.shape_cast %swap3A_460 : vector<1x1x16xf32> to vector<16xf32>
        %swap3A_462 = vector.shape_cast %get3A_455 : vector<16xf32> to vector<1x1x16xf32>
        tpu.vector_store %arg9[%swap3A_457, %swap3A_458, %swap3A_459], %swap3A_462 {add = true, strides = array<i32>} : memref<4x8x1024xf32, #tpu.memory_space<vmem>>, vector<1x1x16xf32>,
        %get3A_463 = arith.constant 1 : i32
        %get3A_464 = arith.index_cast %get3A_463 : i32 to index
        %get3A_465 = arith.index_cast %scan3A_438 : i32 to index
        %get3A_466 = arith.constant 32 : index
        %get3A_467 = tpu.vector_load %arg10[%get3A_464, %get3A_465, %get3A_466] {strides = array<i32>} : memref<4x8x1024xf32, #tpu.memory_space<vmem>>, vector<1x1x16xf32>,
        %get3A_468 = vector.shape_cast %get3A_467 : vector<1x1x16xf32> to vector<16xf32>
        %swap3A_469 = arith.constant 1 : i32
        %swap3A_470 = arith.index_cast %swap3A_469 : i32 to index
        %swap3A_471 = arith.index_cast %scan3A_438 : i32 to index
        %swap3A_472 = arith.constant 32 : index
        %swap3A_473 = tpu.vector_load %arg9[%swap3A_470, %swap3A_471, %swap3A_472] {strides = array<i32>} : memref<4x8x1024xf32, #tpu.memory_space<vmem>>, vector<1x1x16xf32>,
        %swap3A_474 = vector.shape_cast %swap3A_473 : vector<1x1x16xf32> to vector<16xf32>
        %swap3A_475 = vector.shape_cast %get3A_468 : vector<16xf32> to vector<1x1x16xf32>
        tpu.vector_store %arg9[%swap3A_470, %swap3A_471, %swap3A_472], %swap3A_475 {add = true, strides = array<i32>} : memref<4x8x1024xf32, #tpu.memory_space<vmem>>, vector<1x1x16xf32>,
        %get3A_476 = arith.constant 1 : i32
        %get3A_477 = arith.index_cast %get3A_476 : i32 to index
        %get3A_478 = arith.index_cast %scan3A_438 : i32 to index
        %get3A_479 = arith.constant 48 : index
        %get3A_480 = tpu.vector_load %arg10[%get3A_477, %get3A_478, %get3A_479] {strides = array<i32>} : memref<4x8x1024xf32, #tpu.memory_space<vmem>>, vector<1x1x16xf32>,
        %get3A_481 = vector.shape_cast %get3A_480 : vector<1x1x16xf32> to vector<16xf32>
        %swap3A_482 = arith.constant 1 : i32
        %swap3A_483 = arith.index_cast %swap3A_482 : i32 to index
        %swap3A_484 = arith.index_cast %scan3A_438 : i32 to index
        %swap3A_485 = arith.constant 48 : index
        %swap3A_486 = tpu.vector_load %arg9[%swap3A_483, %swap3A_484, %swap3A_485] {strides = array<i32>} : memref<4x8x1024xf32, #tpu.memory_space<vmem>>, vector<1x1x16xf32>,
        %swap3A_487 = vector.shape_cast %swap3A_486 : vector<1x1x16xf32> to vector<16xf32>
        %swap3A_488 = vector.shape_cast %get3A_481 : vector<16xf32> to vector<1x1x16xf32>
        tpu.vector_store %arg9[%swap3A_483, %swap3A_484, %swap3A_485], %swap3A_488 {add = true, strides = array<i32>} : memref<4x8x1024xf32, #tpu.memory_space<vmem>>, vector<1x1x16xf32>,
        %get3A_489 = arith.constant 1 : i32
        %get3A_490 = arith.index_cast %get3A_489 : i32 to index
        %get3A_491 = arith.index_cast %scan3A_438 : i32 to index
        %get3A_492 = arith.constant 64 : index
        %get3A_493 = tpu.vector_load %arg10[%get3A_490, %get3A_491, %get3A_492] {strides = array<i32>} : memref<4x8x1024xf32, #tpu.memory_space<vmem>>, vector<1x1x16xf32>,
        %get3A_494 = vector.shape_cast %get3A_493 : vector<1x1x16xf32> to vector<16xf32>
        %swap3A_495 = arith.constant 1 : i32
        %swap3A_496 = arith.index_cast %swap3A_495 : i32 to index
        %swap3A_497 = arith.index_cast %scan3A_438 : i32 to index
        %swap3A_498 = arith.constant 64 : index
        %swap3A_499 = tpu.vector_load %arg9[%swap3A_496, %swap3A_497, %swap3A_498] {strides = array<i32>} : memref<4x8x1024xf32, #tpu.memory_space<vmem>>, vector<1x1x16xf32>,
        %swap3A_500 = vector.shape_cast %swap3A_499 : vector<1x1x16xf32> to vector<16xf32>
        %swap3A_501 = vector.shape_cast %get3A_494 : vector<16xf32> to vector<1x1x16xf32>
        tpu.vector_store %arg9[%swap3A_496, %swap3A_497, %swap3A_498], %swap3A_501 {add = true, strides = array<i32>} : memref<4x8x1024xf32, #tpu.memory_space<vmem>>, vector<1x1x16xf32>,
        %get3A_502 = arith.constant 1 : i32
        %get3A_503 = arith.index_cast %get3A_502 : i32 to index
        %get3A_504 = arith.index_cast %scan3A_438 : i32 to index
        %get3A_505 = arith.constant 80 : index
        %get3A_506 = tpu.vector_load %arg10[%get3A_503, %get3A_504, %get3A_505] {strides = array<i32>} : memref<4x8x1024xf32, #tpu.memory_space<vmem>>, vector<1x1x16xf32>,
        %get3A_507 = vector.shape_cast %get3A_506 : vector<1x1x16xf32> to vector<16xf32>
        %swap3A_508 = arith.constant 1 : i32
        %swap3A_509 = arith.index_cast %swap3A_508 : i32 to index
        %swap3A_510 = arith.index_cast %scan3A_438 : i32 to index
        %swap3A_511 = arith.constant 80 : index
        %swap3A_512 = tpu.vector_load %arg9[%swap3A_509, %swap3A_510, %swap3A_511] {strides = array<i32>} : memref<4x8x1024xf32, #tpu.memory_space<vmem>>, vector<1x1x16xf32>,
        %swap3A_513 = vector.shape_cast %swap3A_512 : vector<1x1x16xf32> to vector<16xf32>
        %swap3A_514 = vector.shape_cast %get3A_507 : vector<16xf32> to vector<1x1x16xf32>
        tpu.vector_store %arg9[%swap3A_509, %swap3A_510, %swap3A_511], %swap3A_514 {add = true, strides = array<i32>} : memref<4x8x1024xf32, #tpu.memory_space<vmem>>, vector<1x1x16xf32>,
        %get3A_515 = arith.constant 1 : i32
        %get3A_516 = arith.index_cast %get3A_515 : i32 to index
        %get3A_517 = arith.index_cast %scan3A_438 : i32 to index
        %get3A_518 = arith.constant 96 : index
        %get3A_519 = tpu.vector_load %arg10[%get3A_516, %get3A_517, %get3A_518] {strides = array<i32>} : memref<4x8x1024xf32, #tpu.memory_space<vmem>>, vector<1x1x16xf32>,
        %get3A_520 = vector.shape_cast %get3A_519 : vector<1x1x16xf32> to vector<16xf32>
        %swap3A_521 = arith.constant 1 : i32
        %swap3A_522 = arith.index_cast %swap3A_521 : i32 to index
        %swap3A_523 = arith.index_cast %scan3A_438 : i32 to index
        %swap3A_524 = arith.constant 96 : index
        %swap3A_525 = tpu.vector_load %arg9[%swap3A_522, %swap3A_523, %swap3A_524] {strides = array<i32>} : memref<4x8x1024xf32, #tpu.memory_space<vmem>>, vector<1x1x16xf32>,
        %swap3A_526 = vector.shape_cast %swap3A_525 : vector<1x1x16xf32> to vector<16xf32>
        %swap3A_527 = vector.shape_cast %get3A_520 : vector<16xf32> to vector<1x1x16xf32>
        tpu.vector_store %arg9[%swap3A_522, %swap3A_523, %swap3A_524], %swap3A_527 {add = true, strides = array<i32>} : memref<4x8x1024xf32, #tpu.memory_space<vmem>>, vector<1x1x16xf32>,
        %get3A_528 = arith.constant 1 : i32
        %get3A_529 = arith.index_cast %get3A_528 : i32 to index
        %get3A_530 = arith.index_cast %scan3A_438 : i32 to index
        %get3A_531 = arith.constant 112 : index
        %get3A_532 = tpu.vector_load %arg10[%get3A_529, %get3A_530, %get3A_531] {strides = array<i32>} : memref<4x8x1024xf32, #tpu.memory_space<vmem>>, vector<1x1x16xf32>,
        %get3A_533 = vector.shape_cast %get3A_532 : vector<1x1x16xf32> to vector<16xf32>
        %swap3A_534 = arith.constant 1 : i32
        %swap3A_535 = arith.index_cast %swap3A_534 : i32 to index
        %swap3A_536 = arith.index_cast %scan3A_438 : i32 to index
        %swap3A_537 = arith.constant 112 : index
        %swap3A_538 = tpu.vector_load %arg9[%swap3A_535, %swap3A_536, %swap3A_537] {strides = array<i32>} : memref<4x8x1024xf32, #tpu.memory_space<vmem>>, vector<1x1x16xf32>,
        %swap3A_539 = vector.shape_cast %swap3A_538 : vector<1x1x16xf32> to vector<16xf32>
        %swap3A_540 = vector.shape_cast %get3A_533 : vector<16xf32> to vector<1x1x16xf32>
        tpu.vector_store %arg9[%swap3A_535, %swap3A_536, %swap3A_537], %swap3A_540 {add = true, strides = array<i32>} : memref<4x8x1024xf32, #tpu.memory_space<vmem>>, vector<1x1x16xf32>,
        %get3A_541 = arith.constant 1 : i32
        %get3A_542 = arith.index_cast %get3A_541 : i32 to index
        %get3A_543 = arith.index_cast %scan3A_438 : i32 to index
        %get3A_544 = arith.constant 128 : index
        %get3A_545 = tpu.vector_load %arg10[%get3A_542, %get3A_543, %get3A_544] {strides = array<i32>} : memref<4x8x1024xf32, #tpu.memory_space<vmem>>, vector<1x1x16xf32>,
        %get3A_546 = vector.shape_cast %get3A_545 : vector<1x1x16xf32> to vector<16xf32>
        %swap3A_547 = arith.constant 1 : i32
        %swap3A_548 = arith.index_cast %swap3A_547 : i32 to index
        %swap3A_549 = arith.index_cast %scan3A_438 : i32 to index
        %swap3A_550 = arith.constant 128 : index
        %swap3A_551 = tpu.vector_load %arg9[%swap3A_548, %swap3A_549, %swap3A_550] {strides = array<i32>} : memref<4x8x1024xf32, #tpu.memory_space<vmem>>, vector<1x1x16xf32>,
        %swap3A_552 = vector.shape_cast %swap3A_551 : vector<1x1x16xf32> to vector<16xf32>
        %swap3A_553 = vector.shape_cast %get3A_546 : vector<16xf32> to vector<1x1x16xf32>
        tpu.vector_store %arg9[%swap3A_548, %swap3A_549, %swap3A_550], %swap3A_553 {add = true, strides = array<i32>} : memref<4x8x1024xf32, #tpu.memory_space<vmem>>, vector<1x1x16xf32>,
        %get3A_554 = arith.constant 1 : i32
        %get3A_555 = arith.index_cast %get3A_554 : i32 to index
        %get3A_556 = arith.index_cast %scan3A_438 : i32 to index
        %get3A_557 = arith.constant 144 : index
        %get3A_558 = tpu.vector_load %arg10[%get3A_555, %get3A_556, %get3A_557] {strides = array<i32>} : memref<4x8x1024xf32, #tpu.memory_space<vmem>>, vector<1x1x16xf32>,
        %get3A_559 = vector.shape_cast %get3A_558 : vector<1x1x16xf32> to vector<16xf32>
        %swap3A_560 = arith.constant 1 : i32
        %swap3A_561 = arith.index_cast %swap3A_560 : i32 to index
        %swap3A_562 = arith.index_cast %scan3A_438 : i32 to index
        %swap3A_563 = arith.constant 144 : index
        %swap3A_564 = tpu.vector_load %arg9[%swap3A_561, %swap3A_562, %swap3A_563] {strides = array<i32>} : memref<4x8x1024xf32, #tpu.memory_space<vmem>>, vector<1x1x16xf32>,
        %swap3A_565 = vector.shape_cast %swap3A_564 : vector<1x1x16xf32> to vector<16xf32>
        %swap3A_566 = vector.shape_cast %get3A_559 : vector<16xf32> to vector<1x1x16xf32>
        tpu.vector_store %arg9[%swap3A_561, %swap3A_562, %swap3A_563], %swap3A_566 {add = true, strides = array<i32>} : memref<4x8x1024xf32, #tpu.memory_space<vmem>>, vector<1x1x16xf32>,
        %get3A_567 = arith.constant 1 : i32
        %get3A_568 = arith.index_cast %get3A_567 : i32 to index
        %get3A_569 = arith.index_cast %scan3A_438 : i32 to index
        %get3A_570 = arith.constant 160 : index
        %get3A_571 = tpu.vector_load %arg10[%get3A_568, %get3A_569, %get3A_570] {strides = array<i32>} : memref<4x8x1024xf32, #tpu.memory_space<vmem>>, vector<1x1x16xf32>,
        %get3A_572 = vector.shape_cast %get3A_571 : vector<1x1x16xf32> to vector<16xf32>
        %swap3A_573 = arith.constant 1 : i32
        %swap3A_574 = arith.index_cast %swap3A_573 : i32 to index
        %swap3A_575 = arith.index_cast %scan3A_438 : i32 to index
        %swap3A_576 = arith.constant 160 : index
        %swap3A_577 = tpu.vector_load %arg9[%swap3A_574, %swap3A_575, %swap3A_576] {strides = array<i32>} : memref<4x8x1024xf32, #tpu.memory_space<vmem>>, vector<1x1x16xf32>,
        %swap3A_578 = vector.shape_cast %swap3A_577 : vector<1x1x16xf32> to vector<16xf32>
        %swap3A_579 = vector.shape_cast %get3A_572 : vector<16xf32> to vector<1x1x16xf32>
        tpu.vector_store %arg9[%swap3A_574, %swap3A_575, %swap3A_576], %swap3A_579 {add = true, strides = array<i32>} : memref<4x8x1024xf32, #tpu.memory_space<vmem>>, vector<1x1x16xf32>,
        %get3A_580 = arith.constant 1 : i32
        %get3A_581 = arith.index_cast %get3A_580 : i32 to index
        %get3A_582 = arith.index_cast %scan3A_438 : i32 to index
        %get3A_583 = arith.constant 176 : index
        %get3A_584 = tpu.vector_load %arg10[%get3A_581, %get3A_582, %get3A_583] {strides = array<i32>} : memref<4x8x1024xf32, #tpu.memory_space<vmem>>, vector<1x1x16xf32>,
        %get3A_585 = vector.shape_cast %get3A_584 : vector<1x1x16xf32> to vector<16xf32>
        %swap3A_586 = arith.constant 1 : i32
        %swap3A_587 = arith.index_cast %swap3A_586 : i32 to index
        %swap3A_588 = arith.index_cast %scan3A_438 : i32 to index
        %swap3A_589 = arith.constant 176 : index
        %swap3A_590 = tpu.vector_load %arg9[%swap3A_587, %swap3A_588, %swap3A_589] {strides = array<i32>} : memref<4x8x1024xf32, #tpu.memory_space<vmem>>, vector<1x1x16xf32>,
        %swap3A_591 = vector.shape_cast %swap3A_590 : vector<1x1x16xf32> to vector<16xf32>
        %swap3A_592 = vector.shape_cast %get3A_585 : vector<16xf32> to vector<1x1x16xf32>
        tpu.vector_store %arg9[%swap3A_587, %swap3A_588, %swap3A_589], %swap3A_592 {add = true, strides = array<i32>} : memref<4x8x1024xf32, #tpu.memory_space<vmem>>, vector<1x1x16xf32>,
        %get3A_593 = arith.constant 1 : i32
        %get3A_594 = arith.index_cast %get3A_593 : i32 to index
        %get3A_595 = arith.index_cast %scan3A_438 : i32 to index
        %get3A_596 = arith.constant 192 : index
        %get3A_597 = tpu.vector_load %arg10[%get3A_594, %get3A_595, %get3A_596] {strides = array<i32>} : memref<4x8x1024xf32, #tpu.memory_space<vmem>>, vector<1x1x16xf32>,
        %get3A_598 = vector.shape_cast %get3A_597 : vector<1x1x16xf32> to vector<16xf32>
        %swap3A_599 = arith.constant 1 : i32
        %swap3A_600 = arith.index_cast %swap3A_599 : i32 to index
        %swap3A_601 = arith.index_cast %scan3A_438 : i32 to index
        %swap3A_602 = arith.constant 192 : index
        %swap3A_603 = tpu.vector_load %arg9[%swap3A_600, %swap3A_601, %swap3A_602] {strides = array<i32>} : memref<4x8x1024xf32, #tpu.memory_space<vmem>>, vector<1x1x16xf32>,
        %swap3A_604 = vector.shape_cast %swap3A_603 : vector<1x1x16xf32> to vector<16xf32>
        %swap3A_605 = vector.shape_cast %get3A_598 : vector<16xf32> to vector<1x1x16xf32>
        tpu.vector_store %arg9[%swap3A_600, %swap3A_601, %swap3A_602], %swap3A_605 {add = true, strides = array<i32>} : memref<4x8x1024xf32, #tpu.memory_space<vmem>>, vector<1x1x16xf32>,
        %get3A_606 = arith.constant 1 : i32
        %get3A_607 = arith.index_cast %get3A_606 : i32 to index
        %get3A_608 = arith.index_cast %scan3A_438 : i32 to index
        %get3A_609 = arith.constant 208 : index
        %get3A_610 = tpu.vector_load %arg10[%get3A_607, %get3A_608, %get3A_609] {strides = array<i32>} : memref<4x8x1024xf32, #tpu.memory_space<vmem>>, vector<1x1x16xf32>,
        %get3A_611 = vector.shape_cast %get3A_610 : vector<1x1x16xf32> to vector<16xf32>
        %swap3A_612 = arith.constant 1 : i32
        %swap3A_613 = arith.index_cast %swap3A_612 : i32 to index
        %swap3A_614 = arith.index_cast %scan3A_438 : i32 to index
        %swap3A_615 = arith.constant 208 : index
        %swap3A_616 = tpu.vector_load %arg9[%swap3A_613, %swap3A_614, %swap3A_615] {strides = array<i32>} : memref<4x8x1024xf32, #tpu.memory_space<vmem>>, vector<1x1x16xf32>,
        %swap3A_617 = vector.shape_cast %swap3A_616 : vector<1x1x16xf32> to vector<16xf32>
        %swap3A_618 = vector.shape_cast %get3A_611 : vector<16xf32> to vector<1x1x16xf32>
        tpu.vector_store %arg9[%swap3A_613, %swap3A_614, %swap3A_615], %swap3A_618 {add = true, strides = array<i32>} : memref<4x8x1024xf32, #tpu.memory_space<vmem>>, vector<1x1x16xf32>,
        %get3A_619 = arith.constant 1 : i32
        %get3A_620 = arith.index_cast %get3A_619 : i32 to index
        %get3A_621 = arith.index_cast %scan3A_438 : i32 to index
        %get3A_622 = arith.constant 224 : index
        %get3A_623 = tpu.vector_load %arg10[%get3A_620, %get3A_621, %get3A_622] {strides = array<i32>} : memref<4x8x1024xf32, #tpu.memory_space<vmem>>, vector<1x1x16xf32>,
        %get3A_624 = vector.shape_cast %get3A_623 : vector<1x1x16xf32> to vector<16xf32>
        %swap3A_625 = arith.constant 1 : i32
        %swap3A_626 = arith.index_cast %swap3A_625 : i32 to index
        %swap3A_627 = arith.index_cast %scan3A_438 : i32 to index
        %swap3A_628 = arith.constant 224 : index
        %swap3A_629 = tpu.vector_load %arg9[%swap3A_626, %swap3A_627, %swap3A_628] {strides = array<i32>} : memref<4x8x1024xf32, #tpu.memory_space<vmem>>, vector<1x1x16xf32>,
        %swap3A_630 = vector.shape_cast %swap3A_629 : vector<1x1x16xf32> to vector<16xf32>
        %swap3A_631 = vector.shape_cast %get3A_624 : vector<16xf32> to vector<1x1x16xf32>
        tpu.vector_store %arg9[%swap3A_626, %swap3A_627, %swap3A_628], %swap3A_631 {add = true, strides = array<i32>} : memref<4x8x1024xf32, #tpu.memory_space<vmem>>, vector<1x1x16xf32>,
        %get3A_632 = arith.constant 1 : i32
        %get3A_633 = arith.index_cast %get3A_632 : i32 to index
        %get3A_634 = arith.index_cast %scan3A_438 : i32 to index
        %get3A_635 = arith.constant 240 : index
        %get3A_636 = tpu.vector_load %arg10[%get3A_633, %get3A_634, %get3A_635] {strides = array<i32>} : memref<4x8x1024xf32, #tpu.memory_space<vmem>>, vector<1x1x16xf32>,
        %get3A_637 = vector.shape_cast %get3A_636 : vector<1x1x16xf32> to vector<16xf32>
        %swap3A_638 = arith.constant 1 : i32
        %swap3A_639 = arith.index_cast %swap3A_638 : i32 to index
        %swap3A_640 = arith.index_cast %scan3A_438 : i32 to index
        %swap3A_641 = arith.constant 240 : index
        %swap3A_642 = tpu.vector_load %arg9[%swap3A_639, %swap3A_640, %swap3A_641] {strides = array<i32>} : memref<4x8x1024xf32, #tpu.memory_space<vmem>>, vector<1x1x16xf32>,
        %swap3A_643 = vector.shape_cast %swap3A_642 : vector<1x1x16xf32> to vector<16xf32>
        %swap3A_644 = vector.shape_cast %get3A_637 : vector<16xf32> to vector<1x1x16xf32>
        tpu.vector_store %arg9[%swap3A_639, %swap3A_640, %swap3A_641], %swap3A_644 {add = true, strides = array<i32>} : memref<4x8x1024xf32, #tpu.memory_space<vmem>>, vector<1x1x16xf32>,
        %get3A_645 = arith.constant 1 : i32
        %get3A_646 = arith.index_cast %get3A_645 : i32 to index
        %get3A_647 = arith.index_cast %scan3A_438 : i32 to index
        %get3A_648 = arith.constant 256 : index
        %get3A_649 = tpu.vector_load %arg10[%get3A_646, %get3A_647, %get3A_648] {strides = array<i32>} : memref<4x8x1024xf32, #tpu.memory_space<vmem>>, vector<1x1x16xf32>,
        %get3A_650 = vector.shape_cast %get3A_649 : vector<1x1x16xf32> to vector<16xf32>
        %swap3A_651 = arith.constant 1 : i32
        %swap3A_652 = arith.index_cast %swap3A_651 : i32 to index
        %swap3A_653 = arith.index_cast %scan3A_438 : i32 to index
        %swap3A_654 = arith.constant 256 : index
        %swap3A_655 = tpu.vector_load %arg9[%swap3A_652, %swap3A_653, %swap3A_654] {strides = array<i32>} : memref<4x8x1024xf32, #tpu.memory_space<vmem>>, vector<1x1x16xf32>,
        %swap3A_656 = vector.shape_cast %swap3A_655 : vector<1x1x16xf32> to vector<16xf32>
        %swap3A_657 = vector.shape_cast %get3A_650 : vector<16xf32> to vector<1x1x16xf32>
        tpu.vector_store %arg9[%swap3A_652, %swap3A_653, %swap3A_654], %swap3A_657 {add = true, strides = array<i32>} : memref<4x8x1024xf32, #tpu.memory_space<vmem>>, vector<1x1x16xf32>,
        %get3A_658 = arith.constant 1 : i32
        %get3A_659 = arith.index_cast %get3A_658 : i32 to index
        %get3A_660 = arith.index_cast %scan3A_438 : i32 to index
        %get3A_661 = arith.constant 272 : index
        %get3A_662 = tpu.vector_load %arg10[%get3A_659, %get3A_660, %get3A_661] {strides = array<i32>} : memref<4x8x1024xf32, #tpu.memory_space<vmem>>, vector<1x1x16xf32>,
        %get3A_663 = vector.shape_cast %get3A_662 : vector<1x1x16xf32> to vector<16xf32>
        %swap3A_664 = arith.constant 1 : i32
        %swap3A_665 = arith.index_cast %swap3A_664 : i32 to index
        %swap3A_666 = arith.index_cast %scan3A_438 : i32 to index
        %swap3A_667 = arith.constant 272 : index
        %swap3A_668 = tpu.vector_load %arg9[%swap3A_665, %swap3A_666, %swap3A_667] {strides = array<i32>} : memref<4x8x1024xf32, #tpu.memory_space<vmem>>, vector<1x1x16xf32>,
        %swap3A_669 = vector.shape_cast %swap3A_668 : vector<1x1x16xf32> to vector<16xf32>
        %swap3A_670 = vector.shape_cast %get3A_663 : vector<16xf32> to vector<1x1x16xf32>
        tpu.vector_store %arg9[%swap3A_665, %swap3A_666, %swap3A_667], %swap3A_670 {add = true, strides = array<i32>} : memref<4x8x1024xf32, #tpu.memory_space<vmem>>, vector<1x1x16xf32>,
        %get3A_671 = arith.constant 1 : i32
        %get3A_672 = arith.index_cast %get3A_671 : i32 to index
        %get3A_673 = arith.index_cast %scan3A_438 : i32 to index
        %get3A_674 = arith.constant 288 : index
        %get3A_675 = tpu.vector_load %arg10[%get3A_672, %get3A_673, %get3A_674] {strides = array<i32>} : memref<4x8x1024xf32, #tpu.memory_space<vmem>>, vector<1x1x16xf32>,
        %get3A_676 = vector.shape_cast %get3A_675 : vector<1x1x16xf32> to vector<16xf32>
        %swap3A_677 = arith.constant 1 : i32
        %swap3A_678 = arith.index_cast %swap3A_677 : i32 to index
        %swap3A_679 = arith.index_cast %scan3A_438 : i32 to index
        %swap3A_680 = arith.constant 288 : index
        %swap3A_681 = tpu.vector_load %arg9[%swap3A_678, %swap3A_679, %swap3A_680] {strides = array<i32>} : memref<4x8x1024xf32, #tpu.memory_space<vmem>>, vector<1x1x16xf32>,
        %swap3A_682 = vector.shape_cast %swap3A_681 : vector<1x1x16xf32> to vector<16xf32>
        %swap3A_683 = vector.shape_cast %get3A_676 : vector<16xf32> to vector<1x1x16xf32>
        tpu.vector_store %arg9[%swap3A_678, %swap3A_679, %swap3A_680], %swap3A_683 {add = true, strides = array<i32>} : memref<4x8x1024xf32, #tpu.memory_space<vmem>>, vector<1x1x16xf32>,
        %get3A_684 = arith.constant 1 : i32
        %get3A_685 = arith.index_cast %get3A_684 : i32 to index
        %get3A_686 = arith.index_cast %scan3A_438 : i32 to index
        %get3A_687 = arith.constant 304 : index
        %get3A_688 = tpu.vector_load %arg10[%get3A_685, %get3A_686, %get3A_687] {strides = array<i32>} : memref<4x8x1024xf32, #tpu.memory_space<vmem>>, vector<1x1x16xf32>,
        %get3A_689 = vector.shape_cast %get3A_688 : vector<1x1x16xf32> to vector<16xf32>
        %swap3A_690 = arith.constant 1 : i32
        %swap3A_691 = arith.index_cast %swap3A_690 : i32 to index
        %swap3A_692 = arith.index_cast %scan3A_438 : i32 to index
        %swap3A_693 = arith.constant 304 : index
        %swap3A_694 = tpu.vector_load %arg9[%swap3A_691, %swap3A_692, %swap3A_693] {strides = array<i32>} : memref<4x8x1024xf32, #tpu.memory_space<vmem>>, vector<1x1x16xf32>,
        %swap3A_695 = vector.shape_cast %swap3A_694 : vector<1x1x16xf32> to vector<16xf32>
        %swap3A_696 = vector.shape_cast %get3A_689 : vector<16xf32> to vector<1x1x16xf32>
        tpu.vector_store %arg9[%swap3A_691, %swap3A_692, %swap3A_693], %swap3A_696 {add = true, strides = array<i32>} : memref<4x8x1024xf32, #tpu.memory_space<vmem>>, vector<1x1x16xf32>,
        %get3A_697 = arith.constant 1 : i32
        %get3A_698 = arith.index_cast %get3A_697 : i32 to index
        %get3A_699 = arith.index_cast %scan3A_438 : i32 to index
        %get3A_700 = arith.constant 320 : index
        %get3A_701 = tpu.vector_load %arg10[%get3A_698, %get3A_699, %get3A_700] {strides = array<i32>} : memref<4x8x1024xf32, #tpu.memory_space<vmem>>, vector<1x1x16xf32>,
        %get3A_702 = vector.shape_cast %get3A_701 : vector<1x1x16xf32> to vector<16xf32>
        %swap3A_703 = arith.constant 1 : i32
        %swap3A_704 = arith.index_cast %swap3A_703 : i32 to index
        %swap3A_705 = arith.index_cast %scan3A_438 : i32 to index
        %swap3A_706 = arith.constant 320 : index
        %swap3A_707 = tpu.vector_load %arg9[%swap3A_704, %swap3A_705, %swap3A_706] {strides = array<i32>} : memref<4x8x1024xf32, #tpu.memory_space<vmem>>, vector<1x1x16xf32>,
        %swap3A_708 = vector.shape_cast %swap3A_707 : vector<1x1x16xf32> to vector<16xf32>
        %swap3A_709 = vector.shape_cast %get3A_702 : vector<16xf32> to vector<1x1x16xf32>
        tpu.vector_store %arg9[%swap3A_704, %swap3A_705, %swap3A_706], %swap3A_709 {add = true, strides = array<i32>} : memref<4x8x1024xf32, #tpu.memory_space<vmem>>, vector<1x1x16xf32>,
        %get3A_710 = arith.constant 1 : i32
        %get3A_711 = arith.index_cast %get3A_710 : i32 to index
        %get3A_712 = arith.index_cast %scan3A_438 : i32 to index
        %get3A_713 = arith.constant 336 : index
        %get3A_714 = tpu.vector_load %arg10[%get3A_711, %get3A_712, %get3A_713] {strides = array<i32>} : memref<4x8x1024xf32, #tpu.memory_space<vmem>>, vector<1x1x16xf32>,
        %get3A_715 = vector.shape_cast %get3A_714 : vector<1x1x16xf32> to vector<16xf32>
        %swap3A_716 = arith.constant 1 : i32
        %swap3A_717 = arith.index_cast %swap3A_716 : i32 to index
        %swap3A_718 = arith.index_cast %scan3A_438 : i32 to index
        %swap3A_719 = arith.constant 336 : index
        %swap3A_720 = tpu.vector_load %arg9[%swap3A_717, %swap3A_718, %swap3A_719] {strides = array<i32>} : memref<4x8x1024xf32, #tpu.memory_space<vmem>>, vector<1x1x16xf32>,
        %swap3A_721 = vector.shape_cast %swap3A_720 : vector<1x1x16xf32> to vector<16xf32>
        %swap3A_722 = vector.shape_cast %get3A_715 : vector<16xf32> to vector<1x1x16xf32>
        tpu.vector_store %arg9[%swap3A_717, %swap3A_718, %swap3A_719], %swap3A_722 {add = true, strides = array<i32>} : memref<4x8x1024xf32, #tpu.memory_space<vmem>>, vector<1x1x16xf32>,
        %get3A_723 = arith.constant 1 : i32
        %get3A_724 = arith.index_cast %get3A_723 : i32 to index
        %get3A_725 = arith.index_cast %scan3A_438 : i32 to index
        %get3A_726 = arith.constant 352 : index
        %get3A_727 = tpu.vector_load %arg10[%get3A_724, %get3A_725, %get3A_726] {strides = array<i32>} : memref<4x8x1024xf32, #tpu.memory_space<vmem>>, vector<1x1x16xf32>,
        %get3A_728 = vector.shape_cast %get3A_727 : vector<1x1x16xf32> to vector<16xf32>
        %swap3A_729 = arith.constant 1 : i32
        %swap3A_730 = arith.index_cast %swap3A_729 : i32 to index
        %swap3A_731 = arith.index_cast %scan3A_438 : i32 to index
        %swap3A_732 = arith.constant 352 : index
        %swap3A_733 = tpu.vector_load %arg9[%swap3A_730, %swap3A_731, %swap3A_732] {strides = array<i32>} : memref<4x8x1024xf32, #tpu.memory_space<vmem>>, vector<1x1x16xf32>,
        %swap3A_734 = vector.shape_cast %swap3A_733 : vector<1x1x16xf32> to vector<16xf32>
        %swap3A_735 = vector.shape_cast %get3A_728 : vector<16xf32> to vector<1x1x16xf32>
        tpu.vector_store %arg9[%swap3A_730, %swap3A_731, %swap3A_732], %swap3A_735 {add = true, strides = array<i32>} : memref<4x8x1024xf32, #tpu.memory_space<vmem>>, vector<1x1x16xf32>,
        %get3A_736 = arith.constant 1 : i32
        %get3A_737 = arith.index_cast %get3A_736 : i32 to index
        %get3A_738 = arith.index_cast %scan3A_438 : i32 to index
        %get3A_739 = arith.constant 368 : index
        %get3A_740 = tpu.vector_load %arg10[%get3A_737, %get3A_738, %get3A_739] {strides = array<i32>} : memref<4x8x1024xf32, #tpu.memory_space<vmem>>, vector<1x1x16xf32>,
        %get3A_741 = vector.shape_cast %get3A_740 : vector<1x1x16xf32> to vector<16xf32>
        %swap3A_742 = arith.constant 1 : i32
        %swap3A_743 = arith.index_cast %swap3A_742 : i32 to index
        %swap3A_744 = arith.index_cast %scan3A_438 : i32 to index
        %swap3A_745 = arith.constant 368 : index
        %swap3A_746 = tpu.vector_load %arg9[%swap3A_743, %swap3A_744, %swap3A_745] {strides = array<i32>} : memref<4x8x1024xf32, #tpu.memory_space<vmem>>, vector<1x1x16xf32>,
        %swap3A_747 = vector.shape_cast %swap3A_746 : vector<1x1x16xf32> to vector<16xf32>
        %swap3A_748 = vector.shape_cast %get3A_741 : vector<16xf32> to vector<1x1x16xf32>
        tpu.vector_store %arg9[%swap3A_743, %swap3A_744, %swap3A_745], %swap3A_748 {add = true, strides = array<i32>} : memref<4x8x1024xf32, #tpu.memory_space<vmem>>, vector<1x1x16xf32>,
        %get3A_749 = arith.constant 1 : i32
        %get3A_750 = arith.index_cast %get3A_749 : i32 to index
        %get3A_751 = arith.index_cast %scan3A_438 : i32 to index
        %get3A_752 = arith.constant 384 : index
        %get3A_753 = tpu.vector_load %arg10[%get3A_750, %get3A_751, %get3A_752] {strides = array<i32>} : memref<4x8x1024xf32, #tpu.memory_space<vmem>>, vector<1x1x16xf32>,
        %get3A_754 = vector.shape_cast %get3A_753 : vector<1x1x16xf32> to vector<16xf32>
        %swap3A_755 = arith.constant 1 : i32
        %swap3A_756 = arith.index_cast %swap3A_755 : i32 to index
        %swap3A_757 = arith.index_cast %scan3A_438 : i32 to index
        %swap3A_758 = arith.constant 384 : index
        %swap3A_759 = tpu.vector_load %arg9[%swap3A_756, %swap3A_757, %swap3A_758] {strides = array<i32>} : memref<4x8x1024xf32, #tpu.memory_space<vmem>>, vector<1x1x16xf32>,
        %swap3A_760 = vector.shape_cast %swap3A_759 : vector<1x1x16xf32> to vector<16xf32>
        %swap3A_761 = vector.shape_cast %get3A_754 : vector<16xf32> to vector<1x1x16xf32>
        tpu.vector_store %arg9[%swap3A_756, %swap3A_757, %swap3A_758], %swap3A_761 {add = true, strides = array<i32>} : memref<4x8x1024xf32, #tpu.memory_space<vmem>>, vector<1x1x16xf32>,
        %get3A_762 = arith.constant 1 : i32
        %get3A_763 = arith.index_cast %get3A_762 : i32 to index
        %get3A_764 = arith.index_cast %scan3A_438 : i32 to index
        %get3A_765 = arith.constant 400 : index
        %get3A_766 = tpu.vector_load %arg10[%get3A_763, %get3A_764, %get3A_765] {strides = array<i32>} : memref<4x8x1024xf32, #tpu.memory_space<vmem>>, vector<1x1x16xf32>,
        %get3A_767 = vector.shape_cast %get3A_766 : vector<1x1x16xf32> to vector<16xf32>
        %swap3A_768 = arith.constant 1 : i32
        %swap3A_769 = arith.index_cast %swap3A_768 : i32 to index
        %swap3A_770 = arith.index_cast %scan3A_438 : i32 to index
        %swap3A_771 = arith.constant 400 : index
        %swap3A_772 = tpu.vector_load %arg9[%swap3A_769, %swap3A_770, %swap3A_771] {strides = array<i32>} : memref<4x8x1024xf32, #tpu.memory_space<vmem>>, vector<1x1x16xf32>,
        %swap3A_773 = vector.shape_cast %swap3A_772 : vector<1x1x16xf32> to vector<16xf32>
        %swap3A_774 = vector.shape_cast %get3A_767 : vector<16xf32> to vector<1x1x16xf32>
        tpu.vector_store %arg9[%swap3A_769, %swap3A_770, %swap3A_771], %swap3A_774 {add = true, strides = array<i32>} : memref<4x8x1024xf32, #tpu.memory_space<vmem>>, vector<1x1x16xf32>,
        %get3A_775 = arith.constant 1 : i32
        %get3A_776 = arith.index_cast %get3A_775 : i32 to index
        %get3A_777 = arith.index_cast %scan3A_438 : i32 to index
        %get3A_778 = arith.constant 416 : index
        %get3A_779 = tpu.vector_load %arg10[%get3A_776, %get3A_777, %get3A_778] {strides = array<i32>} : memref<4x8x1024xf32, #tpu.memory_space<vmem>>, vector<1x1x16xf32>,
        %get3A_780 = vector.shape_cast %get3A_779 : vector<1x1x16xf32> to vector<16xf32>
        %swap3A_781 = arith.constant 1 : i32
        %swap3A_782 = arith.index_cast %swap3A_781 : i32 to index
        %swap3A_783 = arith.index_cast %scan3A_438 : i32 to index
        %swap3A_784 = arith.constant 416 : index
        %swap3A_785 = tpu.vector_load %arg9[%swap3A_782, %swap3A_783, %swap3A_784] {strides = array<i32>} : memref<4x8x1024xf32, #tpu.memory_space<vmem>>, vector<1x1x16xf32>,
        %swap3A_786 = vector.shape_cast %swap3A_785 : vector<1x1x16xf32> to vector<16xf32>
        %swap3A_787 = vector.shape_cast %get3A_780 : vector<16xf32> to vector<1x1x16xf32>
        tpu.vector_store %arg9[%swap3A_782, %swap3A_783, %swap3A_784], %swap3A_787 {add = true, strides = array<i32>} : memref<4x8x1024xf32, #tpu.memory_space<vmem>>, vector<1x1x16xf32>,
        %get3A_788 = arith.constant 1 : i32
        %get3A_789 = arith.index_cast %get3A_788 : i32 to index
        %get3A_790 = arith.index_cast %scan3A_438 : i32 to index
        %get3A_791 = arith.constant 432 : index
        %get3A_792 = tpu.vector_load %arg10[%get3A_789, %get3A_790, %get3A_791] {strides = array<i32>} : memref<4x8x1024xf32, #tpu.memory_space<vmem>>, vector<1x1x16xf32>,
        %get3A_793 = vector.shape_cast %get3A_792 : vector<1x1x16xf32> to vector<16xf32>
        %swap3A_794 = arith.constant 1 : i32
        %swap3A_795 = arith.index_cast %swap3A_794 : i32 to index
        %swap3A_796 = arith.index_cast %scan3A_438 : i32 to index
        %swap3A_797 = arith.constant 432 : index
        %swap3A_798 = tpu.vector_load %arg9[%swap3A_795, %swap3A_796, %swap3A_797] {strides = array<i32>} : memref<4x8x1024xf32, #tpu.memory_space<vmem>>, vector<1x1x16xf32>,
        %swap3A_799 = vector.shape_cast %swap3A_798 : vector<1x1x16xf32> to vector<16xf32>
        %swap3A_800 = vector.shape_cast %get3A_793 : vector<16xf32> to vector<1x1x16xf32>
        tpu.vector_store %arg9[%swap3A_795, %swap3A_796, %swap3A_797], %swap3A_800 {add = true, strides = array<i32>} : memref<4x8x1024xf32, #tpu.memory_space<vmem>>, vector<1x1x16xf32>,
        %get3A_801 = arith.constant 1 : i32
        %get3A_802 = arith.index_cast %get3A_801 : i32 to index
        %get3A_803 = arith.index_cast %scan3A_438 : i32 to index
        %get3A_804 = arith.constant 448 : index
        %get3A_805 = tpu.vector_load %arg10[%get3A_802, %get3A_803, %get3A_804] {strides = array<i32>} : memref<4x8x1024xf32, #tpu.memory_space<vmem>>, vector<1x1x16xf32>,
        %get3A_806 = vector.shape_cast %get3A_805 : vector<1x1x16xf32> to vector<16xf32>
        %swap3A_807 = arith.constant 1 : i32
        %swap3A_808 = arith.index_cast %swap3A_807 : i32 to index
        %swap3A_809 = arith.index_cast %scan3A_438 : i32 to index
        %swap3A_810 = arith.constant 448 : index
        %swap3A_811 = tpu.vector_load %arg9[%swap3A_808, %swap3A_809, %swap3A_810] {strides = array<i32>} : memref<4x8x1024xf32, #tpu.memory_space<vmem>>, vector<1x1x16xf32>,
        %swap3A_812 = vector.shape_cast %swap3A_811 : vector<1x1x16xf32> to vector<16xf32>
        %swap3A_813 = vector.shape_cast %get3A_806 : vector<16xf32> to vector<1x1x16xf32>
        tpu.vector_store %arg9[%swap3A_808, %swap3A_809, %swap3A_810], %swap3A_813 {add = true, strides = array<i32>} : memref<4x8x1024xf32, #tpu.memory_space<vmem>>, vector<1x1x16xf32>,
        %get3A_814 = arith.constant 1 : i32
        %get3A_815 = arith.index_cast %get3A_814 : i32 to index
        %get3A_816 = arith.index_cast %scan3A_438 : i32 to index
        %get3A_817 = arith.constant 464 : index
        %get3A_818 = tpu.vector_load %arg10[%get3A_815, %get3A_816, %get3A_817] {strides = array<i32>} : memref<4x8x1024xf32, #tpu.memory_space<vmem>>, vector<1x1x16xf32>,
        %get3A_819 = vector.shape_cast %get3A_818 : vector<1x1x16xf32> to vector<16xf32>
        %swap3A_820 = arith.constant 1 : i32
        %swap3A_821 = arith.index_cast %swap3A_820 : i32 to index
        %swap3A_822 = arith.index_cast %scan3A_438 : i32 to index
        %swap3A_823 = arith.constant 464 : index
        %swap3A_824 = tpu.vector_load %arg9[%swap3A_821, %swap3A_822, %swap3A_823] {strides = array<i32>} : memref<4x8x1024xf32, #tpu.memory_space<vmem>>, vector<1x1x16xf32>,
        %swap3A_825 = vector.shape_cast %swap3A_824 : vector<1x1x16xf32> to vector<16xf32>
        %swap3A_826 = vector.shape_cast %get3A_819 : vector<16xf32> to vector<1x1x16xf32>
        tpu.vector_store %arg9[%swap3A_821, %swap3A_822, %swap3A_823], %swap3A_826 {add = true, strides = array<i32>} : memref<4x8x1024xf32, #tpu.memory_space<vmem>>, vector<1x1x16xf32>,
        %get3A_827 = arith.constant 1 : i32
        %get3A_828 = arith.index_cast %get3A_827 : i32 to index
        %get3A_829 = arith.index_cast %scan3A_438 : i32 to index
        %get3A_830 = arith.constant 480 : index
        %get3A_831 = tpu.vector_load %arg10[%get3A_828, %get3A_829, %get3A_830] {strides = array<i32>} : memref<4x8x1024xf32, #tpu.memory_space<vmem>>, vector<1x1x16xf32>,
        %get3A_832 = vector.shape_cast %get3A_831 : vector<1x1x16xf32> to vector<16xf32>
        %swap3A_833 = arith.constant 1 : i32
        %swap3A_834 = arith.index_cast %swap3A_833 : i32 to index
        %swap3A_835 = arith.index_cast %scan3A_438 : i32 to index
        %swap3A_836 = arith.constant 480 : index
        %swap3A_837 = tpu.vector_load %arg9[%swap3A_834, %swap3A_835, %swap3A_836] {strides = array<i32>} : memref<4x8x1024xf32, #tpu.memory_space<vmem>>, vector<1x1x16xf32>,
        %swap3A_838 = vector.shape_cast %swap3A_837 : vector<1x1x16xf32> to vector<16xf32>
        %swap3A_839 = vector.shape_cast %get3A_832 : vector<16xf32> to vector<1x1x16xf32>
        tpu.vector_store %arg9[%swap3A_834, %swap3A_835, %swap3A_836], %swap3A_839 {add = true, strides = array<i32>} : memref<4x8x1024xf32, #tpu.memory_space<vmem>>, vector<1x1x16xf32>,
        %get3A_840 = arith.constant 1 : i32
        %get3A_841 = arith.index_cast %get3A_840 : i32 to index
        %get3A_842 = arith.index_cast %scan3A_438 : i32 to index
        %get3A_843 = arith.constant 496 : index
        %get3A_844 = tpu.vector_load %arg10[%get3A_841, %get3A_842, %get3A_843] {strides = array<i32>} : memref<4x8x1024xf32, #tpu.memory_space<vmem>>, vector<1x1x16xf32>,
        %get3A_845 = vector.shape_cast %get3A_844 : vector<1x1x16xf32> to vector<16xf32>
        %swap3A_846 = arith.constant 1 : i32
        %swap3A_847 = arith.index_cast %swap3A_846 : i32 to index
        %swap3A_848 = arith.index_cast %scan3A_438 : i32 to index
        %swap3A_849 = arith.constant 496 : index
        %swap3A_850 = tpu.vector_load %arg9[%swap3A_847, %swap3A_848, %swap3A_849] {strides = array<i32>} : memref<4x8x1024xf32, #tpu.memory_space<vmem>>, vector<1x1x16xf32>,
        %swap3A_851 = vector.shape_cast %swap3A_850 : vector<1x1x16xf32> to vector<16xf32>
        %swap3A_852 = vector.shape_cast %get3A_845 : vector<16xf32> to vector<1x1x16xf32>
        tpu.vector_store %arg9[%swap3A_847, %swap3A_848, %swap3A_849], %swap3A_852 {add = true, strides = array<i32>} : memref<4x8x1024xf32, #tpu.memory_space<vmem>>, vector<1x1x16xf32>,
        %get3A_853 = arith.constant 1 : i32
        %get3A_854 = arith.index_cast %get3A_853 : i32 to index
        %get3A_855 = arith.index_cast %scan3A_438 : i32 to index
        %get3A_856 = arith.constant 512 : index
        %get3A_857 = tpu.vector_load %arg10[%get3A_854, %get3A_855, %get3A_856] {strides = array<i32>} : memref<4x8x1024xf32, #tpu.memory_space<vmem>>, vector<1x1x16xf32>,
        %get3A_858 = vector.shape_cast %get3A_857 : vector<1x1x16xf32> to vector<16xf32>
        %swap3A_859 = arith.constant 1 : i32
        %swap3A_860 = arith.index_cast %swap3A_859 : i32 to index
        %swap3A_861 = arith.index_cast %scan3A_438 : i32 to index
        %swap3A_862 = arith.constant 512 : index
        %swap3A_863 = tpu.vector_load %arg9[%swap3A_860, %swap3A_861, %swap3A_862] {strides = array<i32>} : memref<4x8x1024xf32, #tpu.memory_space<vmem>>, vector<1x1x16xf32>,
        %swap3A_864 = vector.shape_cast %swap3A_863 : vector<1x1x16xf32> to vector<16xf32>
        %swap3A_865 = vector.shape_cast %get3A_858 : vector<16xf32> to vector<1x1x16xf32>
        tpu.vector_store %arg9[%swap3A_860, %swap3A_861, %swap3A_862], %swap3A_865 {add = true, strides = array<i32>} : memref<4x8x1024xf32, #tpu.memory_space<vmem>>, vector<1x1x16xf32>,
        %get3A_866 = arith.constant 1 : i32
        %get3A_867 = arith.index_cast %get3A_866 : i32 to index
        %get3A_868 = arith.index_cast %scan3A_438 : i32 to index
        %get3A_869 = arith.constant 528 : index
        %get3A_870 = tpu.vector_load %arg10[%get3A_867, %get3A_868, %get3A_869] {strides = array<i32>} : memref<4x8x1024xf32, #tpu.memory_space<vmem>>, vector<1x1x16xf32>,
        %get3A_871 = vector.shape_cast %get3A_870 : vector<1x1x16xf32> to vector<16xf32>
        %swap3A_872 = arith.constant 1 : i32
        %swap3A_873 = arith.index_cast %swap3A_872 : i32 to index
        %swap3A_874 = arith.index_cast %scan3A_438 : i32 to index
        %swap3A_875 = arith.constant 528 : index
        %swap3A_876 = tpu.vector_load %arg9[%swap3A_873, %swap3A_874, %swap3A_875] {strides = array<i32>} : memref<4x8x1024xf32, #tpu.memory_space<vmem>>, vector<1x1x16xf32>,
        %swap3A_877 = vector.shape_cast %swap3A_876 : vector<1x1x16xf32> to vector<16xf32>
        %swap3A_878 = vector.shape_cast %get3A_871 : vector<16xf32> to vector<1x1x16xf32>
        tpu.vector_store %arg9[%swap3A_873, %swap3A_874, %swap3A_875], %swap3A_878 {add = true, strides = array<i32>} : memref<4x8x1024xf32, #tpu.memory_space<vmem>>, vector<1x1x16xf32>,
        %get3A_879 = arith.constant 1 : i32
        %get3A_880 = arith.index_cast %get3A_879 : i32 to index
        %get3A_881 = arith.index_cast %scan3A_438 : i32 to index
        %get3A_882 = arith.constant 544 : index
        %get3A_883 = tpu.vector_load %arg10[%get3A_880, %get3A_881, %get3A_882] {strides = array<i32>} : memref<4x8x1024xf32, #tpu.memory_space<vmem>>, vector<1x1x16xf32>,
        %get3A_884 = vector.shape_cast %get3A_883 : vector<1x1x16xf32> to vector<16xf32>
        %swap3A_885 = arith.constant 1 : i32
        %swap3A_886 = arith.index_cast %swap3A_885 : i32 to index
        %swap3A_887 = arith.index_cast %scan3A_438 : i32 to index
        %swap3A_888 = arith.constant 544 : index
        %swap3A_889 = tpu.vector_load %arg9[%swap3A_886, %swap3A_887, %swap3A_888] {strides = array<i32>} : memref<4x8x1024xf32, #tpu.memory_space<vmem>>, vector<1x1x16xf32>,
        %swap3A_890 = vector.shape_cast %swap3A_889 : vector<1x1x16xf32> to vector<16xf32>
        %swap3A_891 = vector.shape_cast %get3A_884 : vector<16xf32> to vector<1x1x16xf32>
        tpu.vector_store %arg9[%swap3A_886, %swap3A_887, %swap3A_888], %swap3A_891 {add = true, strides = array<i32>} : memref<4x8x1024xf32, #tpu.memory_space<vmem>>, vector<1x1x16xf32>,
        %get3A_892 = arith.constant 1 : i32
        %get3A_893 = arith.index_cast %get3A_892 : i32 to index
        %get3A_894 = arith.index_cast %scan3A_438 : i32 to index
        %get3A_895 = arith.constant 560 : index
        %get3A_896 = tpu.vector_load %arg10[%get3A_893, %get3A_894, %get3A_895] {strides = array<i32>} : memref<4x8x1024xf32, #tpu.memory_space<vmem>>, vector<1x1x16xf32>,
        %get3A_897 = vector.shape_cast %get3A_896 : vector<1x1x16xf32> to vector<16xf32>
        %swap3A_898 = arith.constant 1 : i32
        %swap3A_899 = arith.index_cast %swap3A_898 : i32 to index
        %swap3A_900 = arith.index_cast %scan3A_438 : i32 to index
        %swap3A_901 = arith.constant 560 : index
        %swap3A_902 = tpu.vector_load %arg9[%swap3A_899, %swap3A_900, %swap3A_901] {strides = array<i32>} : memref<4x8x1024xf32, #tpu.memory_space<vmem>>, vector<1x1x16xf32>,
        %swap3A_903 = vector.shape_cast %swap3A_902 : vector<1x1x16xf32> to vector<16xf32>
        %swap3A_904 = vector.shape_cast %get3A_897 : vector<16xf32> to vector<1x1x16xf32>
        tpu.vector_store %arg9[%swap3A_899, %swap3A_900, %swap3A_901], %swap3A_904 {add = true, strides = array<i32>} : memref<4x8x1024xf32, #tpu.memory_space<vmem>>, vector<1x1x16xf32>,
        %get3A_905 = arith.constant 1 : i32
        %get3A_906 = arith.index_cast %get3A_905 : i32 to index
        %get3A_907 = arith.index_cast %scan3A_438 : i32 to index
        %get3A_908 = arith.constant 576 : index
        %get3A_909 = tpu.vector_load %arg10[%get3A_906, %get3A_907, %get3A_908] {strides = array<i32>} : memref<4x8x1024xf32, #tpu.memory_space<vmem>>, vector<1x1x16xf32>,
        %get3A_910 = vector.shape_cast %get3A_909 : vector<1x1x16xf32> to vector<16xf32>
        %swap3A_911 = arith.constant 1 : i32
        %swap3A_912 = arith.index_cast %swap3A_911 : i32 to index
        %swap3A_913 = arith.index_cast %scan3A_438 : i32 to index
        %swap3A_914 = arith.constant 576 : index
        %swap3A_915 = tpu.vector_load %arg9[%swap3A_912, %swap3A_913, %swap3A_914] {strides = array<i32>} : memref<4x8x1024xf32, #tpu.memory_space<vmem>>, vector<1x1x16xf32>,
        %swap3A_916 = vector.shape_cast %swap3A_915 : vector<1x1x16xf32> to vector<16xf32>
        %swap3A_917 = vector.shape_cast %get3A_910 : vector<16xf32> to vector<1x1x16xf32>
        tpu.vector_store %arg9[%swap3A_912, %swap3A_913, %swap3A_914], %swap3A_917 {add = true, strides = array<i32>} : memref<4x8x1024xf32, #tpu.memory_space<vmem>>, vector<1x1x16xf32>,
        %get3A_918 = arith.constant 1 : i32
        %get3A_919 = arith.index_cast %get3A_918 : i32 to index
        %get3A_920 = arith.index_cast %scan3A_438 : i32 to index
        %get3A_921 = arith.constant 592 : index
        %get3A_922 = tpu.vector_load %arg10[%get3A_919, %get3A_920, %get3A_921] {strides = array<i32>} : memref<4x8x1024xf32, #tpu.memory_space<vmem>>, vector<1x1x16xf32>,
        %get3A_923 = vector.shape_cast %get3A_922 : vector<1x1x16xf32> to vector<16xf32>
        %swap3A_924 = arith.constant 1 : i32
        %swap3A_925 = arith.index_cast %swap3A_924 : i32 to index
        %swap3A_926 = arith.index_cast %scan3A_438 : i32 to index
        %swap3A_927 = arith.constant 592 : index
        %swap3A_928 = tpu.vector_load %arg9[%swap3A_925, %swap3A_926, %swap3A_927] {strides = array<i32>} : memref<4x8x1024xf32, #tpu.memory_space<vmem>>, vector<1x1x16xf32>,
        %swap3A_929 = vector.shape_cast %swap3A_928 : vector<1x1x16xf32> to vector<16xf32>
        %swap3A_930 = vector.shape_cast %get3A_923 : vector<16xf32> to vector<1x1x16xf32>
        tpu.vector_store %arg9[%swap3A_925, %swap3A_926, %swap3A_927], %swap3A_930 {add = true, strides = array<i32>} : memref<4x8x1024xf32, #tpu.memory_space<vmem>>, vector<1x1x16xf32>,
        %get3A_931 = arith.constant 1 : i32
        %get3A_932 = arith.index_cast %get3A_931 : i32 to index
        %get3A_933 = arith.index_cast %scan3A_438 : i32 to index
        %get3A_934 = arith.constant 608 : index
        %get3A_935 = tpu.vector_load %arg10[%get3A_932, %get3A_933, %get3A_934] {strides = array<i32>} : memref<4x8x1024xf32, #tpu.memory_space<vmem>>, vector<1x1x16xf32>,
        %get3A_936 = vector.shape_cast %get3A_935 : vector<1x1x16xf32> to vector<16xf32>
        %swap3A_937 = arith.constant 1 : i32
        %swap3A_938 = arith.index_cast %swap3A_937 : i32 to index
        %swap3A_939 = arith.index_cast %scan3A_438 : i32 to index
        %swap3A_940 = arith.constant 608 : index
        %swap3A_941 = tpu.vector_load %arg9[%swap3A_938, %swap3A_939, %swap3A_940] {strides = array<i32>} : memref<4x8x1024xf32, #tpu.memory_space<vmem>>, vector<1x1x16xf32>,
        %swap3A_942 = vector.shape_cast %swap3A_941 : vector<1x1x16xf32> to vector<16xf32>
        %swap3A_943 = vector.shape_cast %get3A_936 : vector<16xf32> to vector<1x1x16xf32>
        tpu.vector_store %arg9[%swap3A_938, %swap3A_939, %swap3A_940], %swap3A_943 {add = true, strides = array<i32>} : memref<4x8x1024xf32, #tpu.memory_space<vmem>>, vector<1x1x16xf32>,
        %get3A_944 = arith.constant 1 : i32
        %get3A_945 = arith.index_cast %get3A_944 : i32 to index
        %get3A_946 = arith.index_cast %scan3A_438 : i32 to index
        %get3A_947 = arith.constant 624 : index
        %get3A_948 = tpu.vector_load %arg10[%get3A_945, %get3A_946, %get3A_947] {strides = array<i32>} : memref<4x8x1024xf32, #tpu.memory_space<vmem>>, vector<1x1x16xf32>,
        %get3A_949 = vector.shape_cast %get3A_948 : vector<1x1x16xf32> to vector<16xf32>
        %swap3A_950 = arith.constant 1 : i32
        %swap3A_951 = arith.index_cast %swap3A_950 : i32 to index
        %swap3A_952 = arith.index_cast %scan3A_438 : i32 to index
        %swap3A_953 = arith.constant 624 : index
        %swap3A_954 = tpu.vector_load %arg9[%swap3A_951, %swap3A_952, %swap3A_953] {strides = array<i32>} : memref<4x8x1024xf32, #tpu.memory_space<vmem>>, vector<1x1x16xf32>,
        %swap3A_955 = vector.shape_cast %swap3A_954 : vector<1x1x16xf32> to vector<16xf32>
        %swap3A_956 = vector.shape_cast %get3A_949 : vector<16xf32> to vector<1x1x16xf32>
        tpu.vector_store %arg9[%swap3A_951, %swap3A_952, %swap3A_953], %swap3A_956 {add = true, strides = array<i32>} : memref<4x8x1024xf32, #tpu.memory_space<vmem>>, vector<1x1x16xf32>,
        %get3A_957 = arith.constant 1 : i32
        %get3A_958 = arith.index_cast %get3A_957 : i32 to index
        %get3A_959 = arith.index_cast %scan3A_438 : i32 to index
        %get3A_960 = arith.constant 640 : index
        %get3A_961 = tpu.vector_load %arg10[%get3A_958, %get3A_959, %get3A_960] {strides = array<i32>} : memref<4x8x1024xf32, #tpu.memory_space<vmem>>, vector<1x1x16xf32>,
        %get3A_962 = vector.shape_cast %get3A_961 : vector<1x1x16xf32> to vector<16xf32>
        %swap3A_963 = arith.constant 1 : i32
        %swap3A_964 = arith.index_cast %swap3A_963 : i32 to index
        %swap3A_965 = arith.index_cast %scan3A_438 : i32 to index
        %swap3A_966 = arith.constant 640 : index
        %swap3A_967 = tpu.vector_load %arg9[%swap3A_964, %swap3A_965, %swap3A_966] {strides = array<i32>} : memref<4x8x1024xf32, #tpu.memory_space<vmem>>, vector<1x1x16xf32>,
        %swap3A_968 = vector.shape_cast %swap3A_967 : vector<1x1x16xf32> to vector<16xf32>
        %swap3A_969 = vector.shape_cast %get3A_962 : vector<16xf32> to vector<1x1x16xf32>
        tpu.vector_store %arg9[%swap3A_964, %swap3A_965, %swap3A_966], %swap3A_969 {add = true, strides = array<i32>} : memref<4x8x1024xf32, #tpu.memory_space<vmem>>, vector<1x1x16xf32>,
        %get3A_970 = arith.constant 1 : i32
        %get3A_971 = arith.index_cast %get3A_970 : i32 to index
        %get3A_972 = arith.index_cast %scan3A_438 : i32 to index
        %get3A_973 = arith.constant 656 : index
        %get3A_974 = tpu.vector_load %arg10[%get3A_971, %get3A_972, %get3A_973] {strides = array<i32>} : memref<4x8x1024xf32, #tpu.memory_space<vmem>>, vector<1x1x16xf32>,
        %get3A_975 = vector.shape_cast %get3A_974 : vector<1x1x16xf32> to vector<16xf32>
        %swap3A_976 = arith.constant 1 : i32
        %swap3A_977 = arith.index_cast %swap3A_976 : i32 to index
        %swap3A_978 = arith.index_cast %scan3A_438 : i32 to index
        %swap3A_979 = arith.constant 656 : index
        %swap3A_980 = tpu.vector_load %arg9[%swap3A_977, %swap3A_978, %swap3A_979] {strides = array<i32>} : memref<4x8x1024xf32, #tpu.memory_space<vmem>>, vector<1x1x16xf32>,
        %swap3A_981 = vector.shape_cast %swap3A_980 : vector<1x1x16xf32> to vector<16xf32>
        %swap3A_982 = vector.shape_cast %get3A_975 : vector<16xf32> to vector<1x1x16xf32>
        tpu.vector_store %arg9[%swap3A_977, %swap3A_978, %swap3A_979], %swap3A_982 {add = true, strides = array<i32>} : memref<4x8x1024xf32, #tpu.memory_space<vmem>>, vector<1x1x16xf32>,
        %get3A_983 = arith.constant 1 : i32
        %get3A_984 = arith.index_cast %get3A_983 : i32 to index
        %get3A_985 = arith.index_cast %scan3A_438 : i32 to index
        %get3A_986 = arith.constant 672 : index
        %get3A_987 = tpu.vector_load %arg10[%get3A_984, %get3A_985, %get3A_986] {strides = array<i32>} : memref<4x8x1024xf32, #tpu.memory_space<vmem>>, vector<1x1x16xf32>,
        %get3A_988 = vector.shape_cast %get3A_987 : vector<1x1x16xf32> to vector<16xf32>
        %swap3A_989 = arith.constant 1 : i32
        %swap3A_990 = arith.index_cast %swap3A_989 : i32 to index
        %swap3A_991 = arith.index_cast %scan3A_438 : i32 to index
        %swap3A_992 = arith.constant 672 : index
        %swap3A_993 = tpu.vector_load %arg9[%swap3A_990, %swap3A_991, %swap3A_992] {strides = array<i32>} : memref<4x8x1024xf32, #tpu.memory_space<vmem>>, vector<1x1x16xf32>,
        %swap3A_994 = vector.shape_cast %swap3A_993 : vector<1x1x16xf32> to vector<16xf32>
        %swap3A_995 = vector.shape_cast %get3A_988 : vector<16xf32> to vector<1x1x16xf32>
        tpu.vector_store %arg9[%swap3A_990, %swap3A_991, %swap3A_992], %swap3A_995 {add = true, strides = array<i32>} : memref<4x8x1024xf32, #tpu.memory_space<vmem>>, vector<1x1x16xf32>,
        %get3A_996 = arith.constant 1 : i32
        %get3A_997 = arith.index_cast %get3A_996 : i32 to index
        %get3A_998 = arith.index_cast %scan3A_438 : i32 to index
        %get3A_999 = arith.constant 688 : index
        %get3A_1000 = tpu.vector_load %arg10[%get3A_997, %get3A_998, %get3A_999] {strides = array<i32>} : memref<4x8x1024xf32, #tpu.memory_space<vmem>>, vector<1x1x16xf32>,
        %get3A_1001 = vector.shape_cast %get3A_1000 : vector<1x1x16xf32> to vector<16xf32>
        %swap3A_1002 = arith.constant 1 : i32
        %swap3A_1003 = arith.index_cast %swap3A_1002 : i32 to index
        %swap3A_1004 = arith.index_cast %scan3A_438 : i32 to index
        %swap3A_1005 = arith.constant 688 : index
        %swap3A_1006 = tpu.vector_load %arg9[%swap3A_1003, %swap3A_1004, %swap3A_1005] {strides = array<i32>} : memref<4x8x1024xf32, #tpu.memory_space<vmem>>, vector<1x1x16xf32>,
        %swap3A_1007 = vector.shape_cast %swap3A_1006 : vector<1x1x16xf32> to vector<16xf32>
        %swap3A_1008 = vector.shape_cast %get3A_1001 : vector<16xf32> to vector<1x1x16xf32>
        tpu.vector_store %arg9[%swap3A_1003, %swap3A_1004, %swap3A_1005], %swap3A_1008 {add = true, strides = array<i32>} : memref<4x8x1024xf32, #tpu.memory_space<vmem>>, vector<1x1x16xf32>,
        %get3A_1009 = arith.constant 1 : i32
        %get3A_1010 = arith.index_cast %get3A_1009 : i32 to index
        %get3A_1011 = arith.index_cast %scan3A_438 : i32 to index
        %get3A_1012 = arith.constant 704 : index
        %get3A_1013 = tpu.vector_load %arg10[%get3A_1010, %get3A_1011, %get3A_1012] {strides = array<i32>} : memref<4x8x1024xf32, #tpu.memory_space<vmem>>, vector<1x1x16xf32>,
        %get3A_1014 = vector.shape_cast %get3A_1013 : vector<1x1x16xf32> to vector<16xf32>
        %swap3A_1015 = arith.constant 1 : i32
        %swap3A_1016 = arith.index_cast %swap3A_1015 : i32 to index
        %swap3A_1017 = arith.index_cast %scan3A_438 : i32 to index
        %swap3A_1018 = arith.constant 704 : index
        %swap3A_1019 = tpu.vector_load %arg9[%swap3A_1016, %swap3A_1017, %swap3A_1018] {strides = array<i32>} : memref<4x8x1024xf32, #tpu.memory_space<vmem>>, vector<1x1x16xf32>,
        %swap3A_1020 = vector.shape_cast %swap3A_1019 : vector<1x1x16xf32> to vector<16xf32>
        %swap3A_1021 = vector.shape_cast %get3A_1014 : vector<16xf32> to vector<1x1x16xf32>
        tpu.vector_store %arg9[%swap3A_1016, %swap3A_1017, %swap3A_1018], %swap3A_1021 {add = true, strides = array<i32>} : memref<4x8x1024xf32, #tpu.memory_space<vmem>>, vector<1x1x16xf32>,
        %get3A_1022 = arith.constant 1 : i32
        %get3A_1023 = arith.index_cast %get3A_1022 : i32 to index
        %get3A_1024 = arith.index_cast %scan3A_438 : i32 to index
        %get3A_1025 = arith.constant 720 : index
        %get3A_1026 = tpu.vector_load %arg10[%get3A_1023, %get3A_1024, %get3A_1025] {strides = array<i32>} : memref<4x8x1024xf32, #tpu.memory_space<vmem>>, vector<1x1x16xf32>,
        %get3A_1027 = vector.shape_cast %get3A_1026 : vector<1x1x16xf32> to vector<16xf32>
        %swap3A_1028 = arith.constant 1 : i32
        %swap3A_1029 = arith.index_cast %swap3A_1028 : i32 to index
        %swap3A_1030 = arith.index_cast %scan3A_438 : i32 to index
        %swap3A_1031 = arith.constant 720 : index
        %swap3A_1032 = tpu.vector_load %arg9[%swap3A_1029, %swap3A_1030, %swap3A_1031] {strides = array<i32>} : memref<4x8x1024xf32, #tpu.memory_space<vmem>>, vector<1x1x16xf32>,
        %swap3A_1033 = vector.shape_cast %swap3A_1032 : vector<1x1x16xf32> to vector<16xf32>
        %swap3A_1034 = vector.shape_cast %get3A_1027 : vector<16xf32> to vector<1x1x16xf32>
        tpu.vector_store %arg9[%swap3A_1029, %swap3A_1030, %swap3A_1031], %swap3A_1034 {add = true, strides = array<i32>} : memref<4x8x1024xf32, #tpu.memory_space<vmem>>, vector<1x1x16xf32>,
        %get3A_1035 = arith.constant 1 : i32
        %get3A_1036 = arith.index_cast %get3A_1035 : i32 to index
        %get3A_1037 = arith.index_cast %scan3A_438 : i32 to index
        %get3A_1038 = arith.constant 736 : index
        %get3A_1039 = tpu.vector_load %arg10[%get3A_1036, %get3A_1037, %get3A_1038] {strides = array<i32>} : memref<4x8x1024xf32, #tpu.memory_space<vmem>>, vector<1x1x16xf32>,
        %get3A_1040 = vector.shape_cast %get3A_1039 : vector<1x1x16xf32> to vector<16xf32>
        %swap3A_1041 = arith.constant 1 : i32
        %swap3A_1042 = arith.index_cast %swap3A_1041 : i32 to index
        %swap3A_1043 = arith.index_cast %scan3A_438 : i32 to index
        %swap3A_1044 = arith.constant 736 : index
        %swap3A_1045 = tpu.vector_load %arg9[%swap3A_1042, %swap3A_1043, %swap3A_1044] {strides = array<i32>} : memref<4x8x1024xf32, #tpu.memory_space<vmem>>, vector<1x1x16xf32>,
        %swap3A_1046 = vector.shape_cast %swap3A_1045 : vector<1x1x16xf32> to vector<16xf32>
        %swap3A_1047 = vector.shape_cast %get3A_1040 : vector<16xf32> to vector<1x1x16xf32>
        tpu.vector_store %arg9[%swap3A_1042, %swap3A_1043, %swap3A_1044], %swap3A_1047 {add = true, strides = array<i32>} : memref<4x8x1024xf32, #tpu.memory_space<vmem>>, vector<1x1x16xf32>,
        %get3A_1048 = arith.constant 1 : i32
        %get3A_1049 = arith.index_cast %get3A_1048 : i32 to index
        %get3A_1050 = arith.index_cast %scan3A_438 : i32 to index
        %get3A_1051 = arith.constant 752 : index
        %get3A_1052 = tpu.vector_load %arg10[%get3A_1049, %get3A_1050, %get3A_1051] {strides = array<i32>} : memref<4x8x1024xf32, #tpu.memory_space<vmem>>, vector<1x1x16xf32>,
        %get3A_1053 = vector.shape_cast %get3A_1052 : vector<1x1x16xf32> to vector<16xf32>
        %swap3A_1054 = arith.constant 1 : i32
        %swap3A_1055 = arith.index_cast %swap3A_1054 : i32 to index
        %swap3A_1056 = arith.index_cast %scan3A_438 : i32 to index
        %swap3A_1057 = arith.constant 752 : index
        %swap3A_1058 = tpu.vector_load %arg9[%swap3A_1055, %swap3A_1056, %swap3A_1057] {strides = array<i32>} : memref<4x8x1024xf32, #tpu.memory_space<vmem>>, vector<1x1x16xf32>,
        %swap3A_1059 = vector.shape_cast %swap3A_1058 : vector<1x1x16xf32> to vector<16xf32>
        %swap3A_1060 = vector.shape_cast %get3A_1053 : vector<16xf32> to vector<1x1x16xf32>
        tpu.vector_store %arg9[%swap3A_1055, %swap3A_1056, %swap3A_1057], %swap3A_1060 {add = true, strides = array<i32>} : memref<4x8x1024xf32, #tpu.memory_space<vmem>>, vector<1x1x16xf32>,
        %get3A_1061 = arith.constant 1 : i32
        %get3A_1062 = arith.index_cast %get3A_1061 : i32 to index
        %get3A_1063 = arith.index_cast %scan3A_438 : i32 to index
        %get3A_1064 = arith.constant 768 : index
        %get3A_1065 = tpu.vector_load %arg10[%get3A_1062, %get3A_1063, %get3A_1064] {strides = array<i32>} : memref<4x8x1024xf32, #tpu.memory_space<vmem>>, vector<1x1x16xf32>,
        %get3A_1066 = vector.shape_cast %get3A_1065 : vector<1x1x16xf32> to vector<16xf32>
        %swap3A_1067 = arith.constant 1 : i32
        %swap3A_1068 = arith.index_cast %swap3A_1067 : i32 to index
        %swap3A_1069 = arith.index_cast %scan3A_438 : i32 to index
        %swap3A_1070 = arith.constant 768 : index
        %swap3A_1071 = tpu.vector_load %arg9[%swap3A_1068, %swap3A_1069, %swap3A_1070] {strides = array<i32>} : memref<4x8x1024xf32, #tpu.memory_space<vmem>>, vector<1x1x16xf32>,
        %swap3A_1072 = vector.shape_cast %swap3A_1071 : vector<1x1x16xf32> to vector<16xf32>
        %swap3A_1073 = vector.shape_cast %get3A_1066 : vector<16xf32> to vector<1x1x16xf32>
        tpu.vector_store %arg9[%swap3A_1068, %swap3A_1069, %swap3A_1070], %swap3A_1073 {add = true, strides = array<i32>} : memref<4x8x1024xf32, #tpu.memory_space<vmem>>, vector<1x1x16xf32>,
        %get3A_1074 = arith.constant 1 : i32
        %get3A_1075 = arith.index_cast %get3A_1074 : i32 to index
        %get3A_1076 = arith.index_cast %scan3A_438 : i32 to index
        %get3A_1077 = arith.constant 784 : index
        %get3A_1078 = tpu.vector_load %arg10[%get3A_1075, %get3A_1076, %get3A_1077] {strides = array<i32>} : memref<4x8x1024xf32, #tpu.memory_space<vmem>>, vector<1x1x16xf32>,
        %get3A_1079 = vector.shape_cast %get3A_1078 : vector<1x1x16xf32> to vector<16xf32>
        %swap3A_1080 = arith.constant 1 : i32
        %swap3A_1081 = arith.index_cast %swap3A_1080 : i32 to index
        %swap3A_1082 = arith.index_cast %scan3A_438 : i32 to index
        %swap3A_1083 = arith.constant 784 : index
        %swap3A_1084 = tpu.vector_load %arg9[%swap3A_1081, %swap3A_1082, %swap3A_1083] {strides = array<i32>} : memref<4x8x1024xf32, #tpu.memory_space<vmem>>, vector<1x1x16xf32>,
        %swap3A_1085 = vector.shape_cast %swap3A_1084 : vector<1x1x16xf32> to vector<16xf32>
        %swap3A_1086 = vector.shape_cast %get3A_1079 : vector<16xf32> to vector<1x1x16xf32>
        tpu.vector_store %arg9[%swap3A_1081, %swap3A_1082, %swap3A_1083], %swap3A_1086 {add = true, strides = array<i32>} : memref<4x8x1024xf32, #tpu.memory_space<vmem>>, vector<1x1x16xf32>,
        %get3A_1087 = arith.constant 1 : i32
        %get3A_1088 = arith.index_cast %get3A_1087 : i32 to index
        %get3A_1089 = arith.index_cast %scan3A_438 : i32 to index
        %get3A_1090 = arith.constant 800 : index
        %get3A_1091 = tpu.vector_load %arg10[%get3A_1088, %get3A_1089, %get3A_1090] {strides = array<i32>} : memref<4x8x1024xf32, #tpu.memory_space<vmem>>, vector<1x1x16xf32>,
        %get3A_1092 = vector.shape_cast %get3A_1091 : vector<1x1x16xf32> to vector<16xf32>
        %swap3A_1093 = arith.constant 1 : i32
        %swap3A_1094 = arith.index_cast %swap3A_1093 : i32 to index
        %swap3A_1095 = arith.index_cast %scan3A_438 : i32 to index
        %swap3A_1096 = arith.constant 800 : index
        %swap3A_1097 = tpu.vector_load %arg9[%swap3A_1094, %swap3A_1095, %swap3A_1096] {strides = array<i32>} : memref<4x8x1024xf32, #tpu.memory_space<vmem>>, vector<1x1x16xf32>,
        %swap3A_1098 = vector.shape_cast %swap3A_1097 : vector<1x1x16xf32> to vector<16xf32>
        %swap3A_1099 = vector.shape_cast %get3A_1092 : vector<16xf32> to vector<1x1x16xf32>
        tpu.vector_store %arg9[%swap3A_1094, %swap3A_1095, %swap3A_1096], %swap3A_1099 {add = true, strides = array<i32>} : memref<4x8x1024xf32, #tpu.memory_space<vmem>>, vector<1x1x16xf32>,
        %get3A_1100 = arith.constant 1 : i32
        %get3A_1101 = arith.index_cast %get3A_1100 : i32 to index
        %get3A_1102 = arith.index_cast %scan3A_438 : i32 to index
        %get3A_1103 = arith.constant 816 : index
        %get3A_1104 = tpu.vector_load %arg10[%get3A_1101, %get3A_1102, %get3A_1103] {strides = array<i32>} : memref<4x8x1024xf32, #tpu.memory_space<vmem>>, vector<1x1x16xf32>,
        %get3A_1105 = vector.shape_cast %get3A_1104 : vector<1x1x16xf32> to vector<16xf32>
        %swap3A_1106 = arith.constant 1 : i32
        %swap3A_1107 = arith.index_cast %swap3A_1106 : i32 to index
        %swap3A_1108 = arith.index_cast %scan3A_438 : i32 to index
        %swap3A_1109 = arith.constant 816 : index
        %swap3A_1110 = tpu.vector_load %arg9[%swap3A_1107, %swap3A_1108, %swap3A_1109] {strides = array<i32>} : memref<4x8x1024xf32, #tpu.memory_space<vmem>>, vector<1x1x16xf32>,
        %swap3A_1111 = vector.shape_cast %swap3A_1110 : vector<1x1x16xf32> to vector<16xf32>
        %swap3A_1112 = vector.shape_cast %get3A_1105 : vector<16xf32> to vector<1x1x16xf32>
        tpu.vector_store %arg9[%swap3A_1107, %swap3A_1108, %swap3A_1109], %swap3A_1112 {add = true, strides = array<i32>} : memref<4x8x1024xf32, #tpu.memory_space<vmem>>, vector<1x1x16xf32>,
        %get3A_1113 = arith.constant 1 : i32
        %get3A_1114 = arith.index_cast %get3A_1113 : i32 to index
        %get3A_1115 = arith.index_cast %scan3A_438 : i32 to index
        %get3A_1116 = arith.constant 832 : index
        %get3A_1117 = tpu.vector_load %arg10[%get3A_1114, %get3A_1115, %get3A_1116] {strides = array<i32>} : memref<4x8x1024xf32, #tpu.memory_space<vmem>>, vector<1x1x16xf32>,
        %get3A_1118 = vector.shape_cast %get3A_1117 : vector<1x1x16xf32> to vector<16xf32>
        %swap3A_1119 = arith.constant 1 : i32
        %swap3A_1120 = arith.index_cast %swap3A_1119 : i32 to index
        %swap3A_1121 = arith.index_cast %scan3A_438 : i32 to index
        %swap3A_1122 = arith.constant 832 : index
        %swap3A_1123 = tpu.vector_load %arg9[%swap3A_1120, %swap3A_1121, %swap3A_1122] {strides = array<i32>} : memref<4x8x1024xf32, #tpu.memory_space<vmem>>, vector<1x1x16xf32>,
        %swap3A_1124 = vector.shape_cast %swap3A_1123 : vector<1x1x16xf32> to vector<16xf32>
        %swap3A_1125 = vector.shape_cast %get3A_1118 : vector<16xf32> to vector<1x1x16xf32>
        tpu.vector_store %arg9[%swap3A_1120, %swap3A_1121, %swap3A_1122], %swap3A_1125 {add = true, strides = array<i32>} : memref<4x8x1024xf32, #tpu.memory_space<vmem>>, vector<1x1x16xf32>,
        %get3A_1126 = arith.constant 1 : i32
        %get3A_1127 = arith.index_cast %get3A_1126 : i32 to index
        %get3A_1128 = arith.index_cast %scan3A_438 : i32 to index
        %get3A_1129 = arith.constant 848 : index
        %get3A_1130 = tpu.vector_load %arg10[%get3A_1127, %get3A_1128, %get3A_1129] {strides = array<i32>} : memref<4x8x1024xf32, #tpu.memory_space<vmem>>, vector<1x1x16xf32>,
        %get3A_1131 = vector.shape_cast %get3A_1130 : vector<1x1x16xf32> to vector<16xf32>
        %swap3A_1132 = arith.constant 1 : i32
        %swap3A_1133 = arith.index_cast %swap3A_1132 : i32 to index
        %swap3A_1134 = arith.index_cast %scan3A_438 : i32 to index
        %swap3A_1135 = arith.constant 848 : index
        %swap3A_1136 = tpu.vector_load %arg9[%swap3A_1133, %swap3A_1134, %swap3A_1135] {strides = array<i32>} : memref<4x8x1024xf32, #tpu.memory_space<vmem>>, vector<1x1x16xf32>,
        %swap3A_1137 = vector.shape_cast %swap3A_1136 : vector<1x1x16xf32> to vector<16xf32>
        %swap3A_1138 = vector.shape_cast %get3A_1131 : vector<16xf32> to vector<1x1x16xf32>
        tpu.vector_store %arg9[%swap3A_1133, %swap3A_1134, %swap3A_1135], %swap3A_1138 {add = true, strides = array<i32>} : memref<4x8x1024xf32, #tpu.memory_space<vmem>>, vector<1x1x16xf32>,
        %get3A_1139 = arith.constant 1 : i32
        %get3A_1140 = arith.index_cast %get3A_1139 : i32 to index
        %get3A_1141 = arith.index_cast %scan3A_438 : i32 to index
        %get3A_1142 = arith.constant 864 : index
        %get3A_1143 = tpu.vector_load %arg10[%get3A_1140, %get3A_1141, %get3A_1142] {strides = array<i32>} : memref<4x8x1024xf32, #tpu.memory_space<vmem>>, vector<1x1x16xf32>,
        %get3A_1144 = vector.shape_cast %get3A_1143 : vector<1x1x16xf32> to vector<16xf32>
        %swap3A_1145 = arith.constant 1 : i32
        %swap3A_1146 = arith.index_cast %swap3A_1145 : i32 to index
        %swap3A_1147 = arith.index_cast %scan3A_438 : i32 to index
        %swap3A_1148 = arith.constant 864 : index
        %swap3A_1149 = tpu.vector_load %arg9[%swap3A_1146, %swap3A_1147, %swap3A_1148] {strides = array<i32>} : memref<4x8x1024xf32, #tpu.memory_space<vmem>>, vector<1x1x16xf32>,
        %swap3A_1150 = vector.shape_cast %swap3A_1149 : vector<1x1x16xf32> to vector<16xf32>
        %swap3A_1151 = vector.shape_cast %get3A_1144 : vector<16xf32> to vector<1x1x16xf32>
        tpu.vector_store %arg9[%swap3A_1146, %swap3A_1147, %swap3A_1148], %swap3A_1151 {add = true, strides = array<i32>} : memref<4x8x1024xf32, #tpu.memory_space<vmem>>, vector<1x1x16xf32>,
        %get3A_1152 = arith.constant 1 : i32
        %get3A_1153 = arith.index_cast %get3A_1152 : i32 to index
        %get3A_1154 = arith.index_cast %scan3A_438 : i32 to index
        %get3A_1155 = arith.constant 880 : index
        %get3A_1156 = tpu.vector_load %arg10[%get3A_1153, %get3A_1154, %get3A_1155] {strides = array<i32>} : memref<4x8x1024xf32, #tpu.memory_space<vmem>>, vector<1x1x16xf32>,
        %get3A_1157 = vector.shape_cast %get3A_1156 : vector<1x1x16xf32> to vector<16xf32>
        %swap3A_1158 = arith.constant 1 : i32
        %swap3A_1159 = arith.index_cast %swap3A_1158 : i32 to index
        %swap3A_1160 = arith.index_cast %scan3A_438 : i32 to index
        %swap3A_1161 = arith.constant 880 : index
        %swap3A_1162 = tpu.vector_load %arg9[%swap3A_1159, %swap3A_1160, %swap3A_1161] {strides = array<i32>} : memref<4x8x1024xf32, #tpu.memory_space<vmem>>, vector<1x1x16xf32>,
        %swap3A_1163 = vector.shape_cast %swap3A_1162 : vector<1x1x16xf32> to vector<16xf32>
        %swap3A_1164 = vector.shape_cast %get3A_1157 : vector<16xf32> to vector<1x1x16xf32>
        tpu.vector_store %arg9[%swap3A_1159, %swap3A_1160, %swap3A_1161], %swap3A_1164 {add = true, strides = array<i32>} : memref<4x8x1024xf32, #tpu.memory_space<vmem>>, vector<1x1x16xf32>,
        %get3A_1165 = arith.constant 1 : i32
        %get3A_1166 = arith.index_cast %get3A_1165 : i32 to index
        %get3A_1167 = arith.index_cast %scan3A_438 : i32 to index
        %get3A_1168 = arith.constant 896 : index
        %get3A_1169 = tpu.vector_load %arg10[%get3A_1166, %get3A_1167, %get3A_1168] {strides = array<i32>} : memref<4x8x1024xf32, #tpu.memory_space<vmem>>, vector<1x1x16xf32>,
        %get3A_1170 = vector.shape_cast %get3A_1169 : vector<1x1x16xf32> to vector<16xf32>
        %swap3A_1171 = arith.constant 1 : i32
        %swap3A_1172 = arith.index_cast %swap3A_1171 : i32 to index
        %swap3A_1173 = arith.index_cast %scan3A_438 : i32 to index
        %swap3A_1174 = arith.constant 896 : index
        %swap3A_1175 = tpu.vector_load %arg9[%swap3A_1172, %swap3A_1173, %swap3A_1174] {strides = array<i32>} : memref<4x8x1024xf32, #tpu.memory_space<vmem>>, vector<1x1x16xf32>,
        %swap3A_1176 = vector.shape_cast %swap3A_1175 : vector<1x1x16xf32> to vector<16xf32>
        %swap3A_1177 = vector.shape_cast %get3A_1170 : vector<16xf32> to vector<1x1x16xf32>
        tpu.vector_store %arg9[%swap3A_1172, %swap3A_1173, %swap3A_1174], %swap3A_1177 {add = true, strides = array<i32>} : memref<4x8x1024xf32, #tpu.memory_space<vmem>>, vector<1x1x16xf32>,
        %get3A_1178 = arith.constant 1 : i32
        %get3A_1179 = arith.index_cast %get3A_1178 : i32 to index
        %get3A_1180 = arith.index_cast %scan3A_438 : i32 to index
        %get3A_1181 = arith.constant 912 : index
        %get3A_1182 = tpu.vector_load %arg10[%get3A_1179, %get3A_1180, %get3A_1181] {strides = array<i32>} : memref<4x8x1024xf32, #tpu.memory_space<vmem>>, vector<1x1x16xf32>,
        %get3A_1183 = vector.shape_cast %get3A_1182 : vector<1x1x16xf32> to vector<16xf32>
        %swap3A_1184 = arith.constant 1 : i32
        %swap3A_1185 = arith.index_cast %swap3A_1184 : i32 to index
        %swap3A_1186 = arith.index_cast %scan3A_438 : i32 to index
        %swap3A_1187 = arith.constant 912 : index
        %swap3A_1188 = tpu.vector_load %arg9[%swap3A_1185, %swap3A_1186, %swap3A_1187] {strides = array<i32>} : memref<4x8x1024xf32, #tpu.memory_space<vmem>>, vector<1x1x16xf32>,
        %swap3A_1189 = vector.shape_cast %swap3A_1188 : vector<1x1x16xf32> to vector<16xf32>
        %swap3A_1190 = vector.shape_cast %get3A_1183 : vector<16xf32> to vector<1x1x16xf32>
        tpu.vector_store %arg9[%swap3A_1185, %swap3A_1186, %swap3A_1187], %swap3A_1190 {add = true, strides = array<i32>} : memref<4x8x1024xf32, #tpu.memory_space<vmem>>, vector<1x1x16xf32>,
        %get3A_1191 = arith.constant 1 : i32
        %get3A_1192 = arith.index_cast %get3A_1191 : i32 to index
        %get3A_1193 = arith.index_cast %scan3A_438 : i32 to index
        %get3A_1194 = arith.constant 928 : index
        %get3A_1195 = tpu.vector_load %arg10[%get3A_1192, %get3A_1193, %get3A_1194] {strides = array<i32>} : memref<4x8x1024xf32, #tpu.memory_space<vmem>>, vector<1x1x16xf32>,
        %get3A_1196 = vector.shape_cast %get3A_1195 : vector<1x1x16xf32> to vector<16xf32>
        %swap3A_1197 = arith.constant 1 : i32
        %swap3A_1198 = arith.index_cast %swap3A_1197 : i32 to index
        %swap3A_1199 = arith.index_cast %scan3A_438 : i32 to index
        %swap3A_1200 = arith.constant 928 : index
        %swap3A_1201 = tpu.vector_load %arg9[%swap3A_1198, %swap3A_1199, %swap3A_1200] {strides = array<i32>} : memref<4x8x1024xf32, #tpu.memory_space<vmem>>, vector<1x1x16xf32>,
        %swap3A_1202 = vector.shape_cast %swap3A_1201 : vector<1x1x16xf32> to vector<16xf32>
        %swap3A_1203 = vector.shape_cast %get3A_1196 : vector<16xf32> to vector<1x1x16xf32>
        tpu.vector_store %arg9[%swap3A_1198, %swap3A_1199, %swap3A_1200], %swap3A_1203 {add = true, strides = array<i32>} : memref<4x8x1024xf32, #tpu.memory_space<vmem>>, vector<1x1x16xf32>,
        %get3A_1204 = arith.constant 1 : i32
        %get3A_1205 = arith.index_cast %get3A_1204 : i32 to index
        %get3A_1206 = arith.index_cast %scan3A_438 : i32 to index
        %get3A_1207 = arith.constant 944 : index
        %get3A_1208 = tpu.vector_load %arg10[%get3A_1205, %get3A_1206, %get3A_1207] {strides = array<i32>} : memref<4x8x1024xf32, #tpu.memory_space<vmem>>, vector<1x1x16xf32>,
        %get3A_1209 = vector.shape_cast %get3A_1208 : vector<1x1x16xf32> to vector<16xf32>
        %swap3A_1210 = arith.constant 1 : i32
        %swap3A_1211 = arith.index_cast %swap3A_1210 : i32 to index
        %swap3A_1212 = arith.index_cast %scan3A_438 : i32 to index
        %swap3A_1213 = arith.constant 944 : index
        %swap3A_1214 = tpu.vector_load %arg9[%swap3A_1211, %swap3A_1212, %swap3A_1213] {strides = array<i32>} : memref<4x8x1024xf32, #tpu.memory_space<vmem>>, vector<1x1x16xf32>,
        %swap3A_1215 = vector.shape_cast %swap3A_1214 : vector<1x1x16xf32> to vector<16xf32>
        %swap3A_1216 = vector.shape_cast %get3A_1209 : vector<16xf32> to vector<1x1x16xf32>
        tpu.vector_store %arg9[%swap3A_1211, %swap3A_1212, %swap3A_1213], %swap3A_1216 {add = true, strides = array<i32>} : memref<4x8x1024xf32, #tpu.memory_space<vmem>>, vector<1x1x16xf32>,
        %get3A_1217 = arith.constant 1 : i32
        %get3A_1218 = arith.index_cast %get3A_1217 : i32 to index
        %get3A_1219 = arith.index_cast %scan3A_438 : i32 to index
        %get3A_1220 = arith.constant 960 : index
        %get3A_1221 = tpu.vector_load %arg10[%get3A_1218, %get3A_1219, %get3A_1220] {strides = array<i32>} : memref<4x8x1024xf32, #tpu.memory_space<vmem>>, vector<1x1x16xf32>,
        %get3A_1222 = vector.shape_cast %get3A_1221 : vector<1x1x16xf32> to vector<16xf32>
        %swap3A_1223 = arith.constant 1 : i32
        %swap3A_1224 = arith.index_cast %swap3A_1223 : i32 to index
        %swap3A_1225 = arith.index_cast %scan3A_438 : i32 to index
        %swap3A_1226 = arith.constant 960 : index
        %swap3A_1227 = tpu.vector_load %arg9[%swap3A_1224, %swap3A_1225, %swap3A_1226] {strides = array<i32>} : memref<4x8x1024xf32, #tpu.memory_space<vmem>>, vector<1x1x16xf32>,
        %swap3A_1228 = vector.shape_cast %swap3A_1227 : vector<1x1x16xf32> to vector<16xf32>
        %swap3A_1229 = vector.shape_cast %get3A_1222 : vector<16xf32> to vector<1x1x16xf32>
        tpu.vector_store %arg9[%swap3A_1224, %swap3A_1225, %swap3A_1226], %swap3A_1229 {add = true, strides = array<i32>} : memref<4x8x1024xf32, #tpu.memory_space<vmem>>, vector<1x1x16xf32>,
        %get3A_1230 = arith.constant 1 : i32
        %get3A_1231 = arith.index_cast %get3A_1230 : i32 to index
        %get3A_1232 = arith.index_cast %scan3A_438 : i32 to index
        %get3A_1233 = arith.constant 976 : index
        %get3A_1234 = tpu.vector_load %arg10[%get3A_1231, %get3A_1232, %get3A_1233] {strides = array<i32>} : memref<4x8x1024xf32, #tpu.memory_space<vmem>>, vector<1x1x16xf32>,
        %get3A_1235 = vector.shape_cast %get3A_1234 : vector<1x1x16xf32> to vector<16xf32>
        %swap3A_1236 = arith.constant 1 : i32
        %swap3A_1237 = arith.index_cast %swap3A_1236 : i32 to index
        %swap3A_1238 = arith.index_cast %scan3A_438 : i32 to index
        %swap3A_1239 = arith.constant 976 : index
        %swap3A_1240 = tpu.vector_load %arg9[%swap3A_1237, %swap3A_1238, %swap3A_1239] {strides = array<i32>} : memref<4x8x1024xf32, #tpu.memory_space<vmem>>, vector<1x1x16xf32>,
        %swap3A_1241 = vector.shape_cast %swap3A_1240 : vector<1x1x16xf32> to vector<16xf32>
        %swap3A_1242 = vector.shape_cast %get3A_1235 : vector<16xf32> to vector<1x1x16xf32>
        tpu.vector_store %arg9[%swap3A_1237, %swap3A_1238, %swap3A_1239], %swap3A_1242 {add = true, strides = array<i32>} : memref<4x8x1024xf32, #tpu.memory_space<vmem>>, vector<1x1x16xf32>,
        %get3A_1243 = arith.constant 1 : i32
        %get3A_1244 = arith.index_cast %get3A_1243 : i32 to index
        %get3A_1245 = arith.index_cast %scan3A_438 : i32 to index
        %get3A_1246 = arith.constant 992 : index
        %get3A_1247 = tpu.vector_load %arg10[%get3A_1244, %get3A_1245, %get3A_1246] {strides = array<i32>} : memref<4x8x1024xf32, #tpu.memory_space<vmem>>, vector<1x1x16xf32>,
        %get3A_1248 = vector.shape_cast %get3A_1247 : vector<1x1x16xf32> to vector<16xf32>
        %swap3A_1249 = arith.constant 1 : i32
        %swap3A_1250 = arith.index_cast %swap3A_1249 : i32 to index
        %swap3A_1251 = arith.index_cast %scan3A_438 : i32 to index
        %swap3A_1252 = arith.constant 992 : index
        %swap3A_1253 = tpu.vector_load %arg9[%swap3A_1250, %swap3A_1251, %swap3A_1252] {strides = array<i32>} : memref<4x8x1024xf32, #tpu.memory_space<vmem>>, vector<1x1x16xf32>,
        %swap3A_1254 = vector.shape_cast %swap3A_1253 : vector<1x1x16xf32> to vector<16xf32>
        %swap3A_1255 = vector.shape_cast %get3A_1248 : vector<16xf32> to vector<1x1x16xf32>
        tpu.vector_store %arg9[%swap3A_1250, %swap3A_1251, %swap3A_1252], %swap3A_1255 {add = true, strides = array<i32>} : memref<4x8x1024xf32, #tpu.memory_space<vmem>>, vector<1x1x16xf32>,
        %get3A_1256 = arith.constant 1 : i32
        %get3A_1257 = arith.index_cast %get3A_1256 : i32 to index
        %get3A_1258 = arith.index_cast %scan3A_438 : i32 to index
        %get3A_1259 = arith.constant 1008 : index
        %get3A_1260 = tpu.vector_load %arg10[%get3A_1257, %get3A_1258, %get3A_1259] {strides = array<i32>} : memref<4x8x1024xf32, #tpu.memory_space<vmem>>, vector<1x1x16xf32>,
        %get3A_1261 = vector.shape_cast %get3A_1260 : vector<1x1x16xf32> to vector<16xf32>
        %swap3A_1262 = arith.constant 1 : i32
        %swap3A_1263 = arith.index_cast %swap3A_1262 : i32 to index
        %swap3A_1264 = arith.index_cast %scan3A_438 : i32 to index
        %swap3A_1265 = arith.constant 1008 : index
        %swap3A_1266 = tpu.vector_load %arg9[%swap3A_1263, %swap3A_1264, %swap3A_1265] {strides = array<i32>} : memref<4x8x1024xf32, #tpu.memory_space<vmem>>, vector<1x1x16xf32>,
        %swap3A_1267 = vector.shape_cast %swap3A_1266 : vector<1x1x16xf32> to vector<16xf32>
        %swap3A_1268 = vector.shape_cast %get3A_1261 : vector<16xf32> to vector<1x1x16xf32>
        tpu.vector_store %arg9[%swap3A_1263, %swap3A_1264, %swap3A_1265], %swap3A_1268 {add = true, strides = array<i32>} : memref<4x8x1024xf32, #tpu.memory_space<vmem>>, vector<1x1x16xf32>,
      }
      %scan3A_289 = arith.constant 8 : i32
      %mul3A_290 = arith.constant 8 : i32
      %mul3A_291 = arith.muli %add3A_246, %mul3A_290 : i32
      %add3A_292 = arith.addi %mul3A_32, %mul3A_291 : i32
      %dma_start3A_293 = arith.constant 1 : i32
      %dma_start3A_294 = arith.constant 0 : i32
      %dma_start3A_295 = arith.constant 0 : i32
      %dma_start3A_296 = tpu.memref_slice %arg9[%dma_start3A_293, %dma_start3A_294, %dma_start3A_295] : memref<4x8x1024xf32, #tpu.memory_space<vmem>> -> memref<1x8x1024xf32, #tpu.memory_space<vmem>>
      %dma_start3A_297 = tpu.memref_squeeze %dma_start3A_296 : memref<1x8x1024xf32, #tpu.memory_space<vmem>> -> memref<8x1024xf32, #tpu.memory_space<vmem>>
      %dma_start3A_298 = arith.constant 0 : i32
      %dma_start3A_299 = tpu.memref_slice %arg6[%add3A_292, %select_n3A, %dma_start3A_298] : memref<4096x4x1024xf32, #tpu.memory_space<hbm>> -> memref<8x1x1024xf32, #tpu.memory_space<hbm>>
      %dma_start3A_300 = tpu.memref_squeeze %dma_start3A_299 : memref<8x1x1024xf32, #tpu.memory_space<hbm>> -> memref<8x1024xf32, #tpu.memory_space<hbm>>
      %dma_start3A_301 = arith.constant 0 : i32
      %dma_start3A_302 = tpu.memref_slice %arg6[%add3A_292, %select_n3A, %dma_start3A_301] : memref<4096x4x1024xf32, #tpu.memory_space<hbm>> -> memref<8x1x1024xf32, #tpu.memory_space<hbm>>
      %dma_start3A_303 = tpu.memref_squeeze %dma_start3A_302 : memref<8x1x1024xf32, #tpu.memory_space<hbm>> -> memref<8x1024xf32, #tpu.memory_space<hbm>>
      %dma_start3A_304 = arith.constant 0 : i32
      %dma_start3A_305 = arith.constant 0 : i32
      %dma_start3A_306 = tpu.memref_slice %arg9[%dma_start3A_293, %dma_start3A_304, %dma_start3A_305] : memref<4x8x1024xf32, #tpu.memory_space<vmem>> -> memref<1x8x1024xf32, #tpu.memory_space<vmem>>
      %dma_start3A_307 = tpu.memref_squeeze %dma_start3A_306 : memref<1x8x1024xf32, #tpu.memory_space<vmem>> -> memref<8x1024xf32, #tpu.memory_space<vmem>>
      tpu.enqueue_dma source(%dma_start3A_307 : memref<8x1024xf32, #tpu.memory_space<vmem>>) target(%dma_start3A_303 : memref<8x1024xf32, #tpu.memory_space<hbm>>) target_semaphore(%arg16 : memref<!tpu.dma_semaphore, #tpu.memory_space<semaphore_mem>>)
      %mul3A_308 = arith.constant 4 : i32
      %mul3A_309 = arith.muli %scan3A_180, %mul3A_308 : i32
      %add3A_310 = arith.constant 2 : i32
      %add3A_311 = arith.addi %mul3A_309, %add3A_310 : i32
      %mul3A_312 = arith.constant 8 : i32
      %mul3A_313 = arith.muli %add3A_311, %mul3A_312 : i32
      %dma_wait3A_314 = arith.constant 2 : i32
      %dma_wait3A_315 = arith.constant 0 : i32
      %dma_wait3A_316 = arith.constant 0 : i32
      %dma_wait3A_317 = tpu.memref_slice %arg9[%dma_wait3A_314, %dma_wait3A_315, %dma_wait3A_316] : memref<4x8x1024xf32, #tpu.memory_space<vmem>> -> memref<1x8x1024xf32, #tpu.memory_space<vmem>>
      %dma_wait3A_318 = tpu.memref_squeeze %dma_wait3A_317 : memref<1x8x1024xf32, #tpu.memory_space<vmem>> -> memref<8x1024xf32, #tpu.memory_space<vmem>>
      %dma_wait3A_319 = tpu.memref_slice %arg7[%mul3A_313] : memref<512xi32, #tpu.memory_space<vmem>> -> memref<8xi32, #tpu.memory_space<vmem>>
      %dma_wait3A_320 = arith.constant 0 : i32
      %dma_wait3A_321 = arith.constant 0 : i32
      %dma_wait3A_322 = tpu.memref_slice %arg4[%dma_wait3A_320, %dma_wait3A_321] : memref<100000x1024xf32, #tpu.memory_space<hbm>> -> memref<100000x1024xf32, #tpu.memory_space<hbm>>
      tpu.wait_indirect_dma semaphore(%arg13 : memref<!tpu.dma_semaphore, #tpu.memory_space<semaphore_mem>>) src(%dma_wait3A_322 : memref<100000x1024xf32, #tpu.memory_space<hbm>>) dst(%dma_wait3A_318 : memref<8x1024xf32, #tpu.memory_space<vmem>>)
      %dma_wait3A_323 = arith.constant 2 : i32
      %dma_wait3A_324 = arith.constant 0 : i32
      %dma_wait3A_325 = arith.constant 0 : i32
      %dma_wait3A_326 = tpu.memref_slice %arg10[%dma_wait3A_323, %dma_wait3A_324, %dma_wait3A_325] : memref<4x8x1024xf32, #tpu.memory_space<vmem>> -> memref<1x8x1024xf32, #tpu.memory_space<vmem>>
      %dma_wait3A_327 = tpu.memref_squeeze %dma_wait3A_326 : memref<1x8x1024xf32, #tpu.memory_space<vmem>> -> memref<8x1024xf32, #tpu.memory_space<vmem>>
      %dma_wait3A_328 = tpu.memref_slice %arg8[%mul3A_313] : memref<512xi32, #tpu.memory_space<vmem>> -> memref<8xi32, #tpu.memory_space<vmem>>
      %dma_wait3A_329 = arith.constant 0 : i32
      %dma_wait3A_330 = arith.constant 0 : i32
      %dma_wait3A_331 = tpu.memref_slice %arg5[%dma_wait3A_329, %dma_wait3A_330] : memref<8192x1024xf32, #tpu.memory_space<hbm>> -> memref<8192x1024xf32, #tpu.memory_space<hbm>>
      tpu.wait_indirect_dma semaphore(%arg13 : memref<!tpu.dma_semaphore, #tpu.memory_space<semaphore_mem>>) src(%dma_wait3A_331 : memref<8192x1024xf32, #tpu.memory_space<hbm>>) dst(%dma_wait3A_327 : memref<8x1024xf32, #tpu.memory_space<vmem>>)
      %add3A_332 = arith.constant 4 : i32
      %add3A_333 = arith.addi %add3A_311, %add3A_332 : i32
      %sub3A_334 = arith.constant 1 : i32
      %sub3A_335 = arith.subi %add3A_333, %sub3A_334 : i32
      %ge3A_336 = arith.constant 1 : i32
      %ge3A_337 = arith.cmpi sge, %add3A_311, %ge3A_336 : i32
      %lt3A_338 = arith.constant 64 : i32
      %lt3A_339 = arith.cmpi slt, %sub3A_335, %lt3A_338 : i32
      %and3A_340 = arith.andi %ge3A_337, %lt3A_339 : i1
      %convert_element_type3A_341 = arith.extui %and3A_340 : i1 to i32
      %cond3A_342 = arith.constant 0 : i32
      %cond3A_343 = arith.cmpi ne, %convert_element_type3A_341, %cond3A_342 : i32
      scf.if %cond3A_343 {
        %sub3A_438 = arith.constant 1 : i32
        %sub3A_439 = arith.subi %add3A_311, %sub3A_438 : i32
        %mul3A_440 = arith.constant 8 : i32
        %mul3A_441 = arith.muli %sub3A_439, %mul3A_440 : i32
        %add3A_442 = arith.addi %mul3A_32, %mul3A_441 : i32
        %dma_wait3A_443 = arith.constant 1 : i32
        %dma_wait3A_444 = arith.constant 0 : i32
        %dma_wait3A_445 = arith.constant 0 : i32
        %dma_wait3A_446 = tpu.memref_slice %arg9[%dma_wait3A_443, %dma_wait3A_444, %dma_wait3A_445] : memref<4x8x1024xf32, #tpu.memory_space<vmem>> -> memref<1x8x1024xf32, #tpu.memory_space<vmem>>
        %dma_wait3A_447 = tpu.memref_squeeze %dma_wait3A_446 : memref<1x8x1024xf32, #tpu.memory_space<vmem>> -> memref<8x1024xf32, #tpu.memory_space<vmem>>
        %dma_wait3A_448 = arith.constant 0 : i32
        %dma_wait3A_449 = tpu.memref_slice %arg6[%add3A_442, %select_n3A, %dma_wait3A_448] : memref<4096x4x1024xf32, #tpu.memory_space<hbm>> -> memref<8x1x1024xf32, #tpu.memory_space<hbm>>
        %dma_wait3A_450 = tpu.memref_squeeze %dma_wait3A_449 : memref<8x1x1024xf32, #tpu.memory_space<hbm>> -> memref<8x1024xf32, #tpu.memory_space<hbm>>
        %dma_wait3A_451 = arith.constant 0 : i32
        %dma_wait3A_452 = tpu.memref_slice %arg6[%add3A_442, %select_n3A, %dma_wait3A_451] : memref<4096x4x1024xf32, #tpu.memory_space<hbm>> -> memref<8x1x1024xf32, #tpu.memory_space<hbm>>
        %dma_wait3A_453 = tpu.memref_squeeze %dma_wait3A_452 : memref<8x1x1024xf32, #tpu.memory_space<hbm>> -> memref<8x1024xf32, #tpu.memory_space<hbm>>
        %dma_wait3A_454 = arith.constant 0 : i32
        %dma_wait3A_455 = arith.constant 0 : i32
        %dma_wait3A_456 = tpu.memref_slice %arg9[%dma_wait3A_443, %dma_wait3A_454, %dma_wait3A_455] : memref<4x8x1024xf32, #tpu.memory_space<vmem>> -> memref<1x8x1024xf32, #tpu.memory_space<vmem>>
        %dma_wait3A_457 = tpu.memref_squeeze %dma_wait3A_456 : memref<1x8x1024xf32, #tpu.memory_space<vmem>> -> memref<8x1024xf32, #tpu.memory_space<vmem>>
        tpu.wait_dma2 semaphore(%arg16 : memref<!tpu.dma_semaphore, #tpu.memory_space<semaphore_mem>>) src(%dma_wait3A_457 : memref<8x1024xf32, #tpu.memory_space<vmem>>) dst(%dma_wait3A_453 : memref<8x1024xf32, #tpu.memory_space<hbm>>)
      } else {
      }
      %lt3A_344 = arith.constant 64 : i32
      %lt3A_345 = arith.cmpi slt, %sub3A_335, %lt3A_344 : i32
      %convert_element_type3A_346 = arith.extui %lt3A_345 : i1 to i32
      %cond3A_347 = arith.constant 0 : i32
      %cond3A_348 = arith.cmpi ne, %convert_element_type3A_346, %cond3A_347 : i32
      scf.if %cond3A_348 {
        %mul3A_438 = arith.constant 8 : i32
        %mul3A_439 = arith.muli %sub3A_335, %mul3A_438 : i32
        %dma_start3A_440 = arith.constant 1 : i32
        %dma_start3A_441 = arith.constant 0 : i32
        %dma_start3A_442 = arith.constant 0 : i32
        %dma_start3A_443 = tpu.memref_slice %arg9[%dma_start3A_440, %dma_start3A_441, %dma_start3A_442] : memref<4x8x1024xf32, #tpu.memory_space<vmem>> -> memref<1x8x1024xf32, #tpu.memory_space<vmem>>
        %dma_start3A_444 = tpu.memref_squeeze %dma_start3A_443 : memref<1x8x1024xf32, #tpu.memory_space<vmem>> -> memref<8x1024xf32, #tpu.memory_space<vmem>>
        %dma_start3A_445 = tpu.memref_slice %arg7[%mul3A_439] : memref<512xi32, #tpu.memory_space<vmem>> -> memref<8xi32, #tpu.memory_space<vmem>>
        %dma_start3A_446 = arith.constant 0 : i32
        %dma_start3A_447 = arith.constant 0 : i32
        %dma_start3A_448 = tpu.memref_slice %arg4[%dma_start3A_446, %dma_start3A_447] : memref<100000x1024xf32, #tpu.memory_space<hbm>> -> memref<100000x1024xf32, #tpu.memory_space<hbm>>
        tpu.enqueue_indirect_dma source(%dma_start3A_448 : memref<100000x1024xf32, #tpu.memory_space<hbm>>) target(%dma_start3A_444 : memref<8x1024xf32, #tpu.memory_space<vmem>>) offsets(%dma_start3A_445 : memref<8xi32, #tpu.memory_space<vmem>>) semaphore(%arg12 : memref<!tpu.dma_semaphore, #tpu.memory_space<semaphore_mem>>)
        %dma_start3A_449 = arith.constant 1 : i32
        %dma_start3A_450 = arith.constant 0 : i32
        %dma_start3A_451 = arith.constant 0 : i32
        %dma_start3A_452 = tpu.memref_slice %arg10[%dma_start3A_449, %dma_start3A_450, %dma_start3A_451] : memref<4x8x1024xf32, #tpu.memory_space<vmem>> -> memref<1x8x1024xf32, #tpu.memory_space<vmem>>
        %dma_start3A_453 = tpu.memref_squeeze %dma_start3A_452 : memref<1x8x1024xf32, #tpu.memory_space<vmem>> -> memref<8x1024xf32, #tpu.memory_space<vmem>>
        %dma_start3A_454 = tpu.memref_slice %arg8[%mul3A_439] : memref<512xi32, #tpu.memory_space<vmem>> -> memref<8xi32, #tpu.memory_space<vmem>>
        %dma_start3A_455 = arith.constant 0 : i32
        %dma_start3A_456 = arith.constant 0 : i32
        %dma_start3A_457 = tpu.memref_slice %arg5[%dma_start3A_455, %dma_start3A_456] : memref<8192x1024xf32, #tpu.memory_space<hbm>> -> memref<8192x1024xf32, #tpu.memory_space<hbm>>
        tpu.enqueue_indirect_dma source(%dma_start3A_457 : memref<8192x1024xf32, #tpu.memory_space<hbm>>) target(%dma_start3A_453 : memref<8x1024xf32, #tpu.memory_space<vmem>>) offsets(%dma_start3A_454 : memref<8xi32, #tpu.memory_space<vmem>>) semaphore(%arg12 : memref<!tpu.dma_semaphore, #tpu.memory_space<semaphore_mem>>)
      } else {
      }
      %scan3A_349 = arith.constant 0 : i32
      %scan3A_350 = arith.constant 0 : i32
      %scan3A_351 = arith.constant 8 : i32
      %scan3A_352 = arith.addi %scan3A_350, %scan3A_351 : i32
      %scan3A_353 = arith.constant 1 : i32
      scf.for %scan3A_438 = %scan3A_350 to %scan3A_352 step %scan3A_353  : i32 {
        %get3A = arith.constant 2 : i32
        %get3A_439 = arith.index_cast %get3A : i32 to index
        %get3A_440 = arith.index_cast %scan3A_438 : i32 to index
        %get3A_441 = arith.constant 0 : index
        %get3A_442 = tpu.vector_load %arg10[%get3A_439, %get3A_440, %get3A_441] {strides = array<i32>} : memref<4x8x1024xf32, #tpu.memory_space<vmem>>, vector<1x1x16xf32>,
        %get3A_443 = vector.shape_cast %get3A_442 : vector<1x1x16xf32> to vector<16xf32>
        %swap3A = arith.constant 2 : i32
        %swap3A_444 = arith.index_cast %swap3A : i32 to index
        %swap3A_445 = arith.index_cast %scan3A_438 : i32 to index
        %swap3A_446 = arith.constant 0 : index
        %swap3A_447 = tpu.vector_load %arg9[%swap3A_444, %swap3A_445, %swap3A_446] {strides = array<i32>} : memref<4x8x1024xf32, #tpu.memory_space<vmem>>, vector<1x1x16xf32>,
        %swap3A_448 = vector.shape_cast %swap3A_447 : vector<1x1x16xf32> to vector<16xf32>
        %swap3A_449 = vector.shape_cast %get3A_443 : vector<16xf32> to vector<1x1x16xf32>
        tpu.vector_store %arg9[%swap3A_444, %swap3A_445, %swap3A_446], %swap3A_449 {add = true, strides = array<i32>} : memref<4x8x1024xf32, #tpu.memory_space<vmem>>, vector<1x1x16xf32>,
        %get3A_450 = arith.constant 2 : i32
        %get3A_451 = arith.index_cast %get3A_450 : i32 to index
        %get3A_452 = arith.index_cast %scan3A_438 : i32 to index
        %get3A_453 = arith.constant 16 : index
        %get3A_454 = tpu.vector_load %arg10[%get3A_451, %get3A_452, %get3A_453] {strides = array<i32>} : memref<4x8x1024xf32, #tpu.memory_space<vmem>>, vector<1x1x16xf32>,
        %get3A_455 = vector.shape_cast %get3A_454 : vector<1x1x16xf32> to vector<16xf32>
        %swap3A_456 = arith.constant 2 : i32
        %swap3A_457 = arith.index_cast %swap3A_456 : i32 to index
        %swap3A_458 = arith.index_cast %scan3A_438 : i32 to index
        %swap3A_459 = arith.constant 16 : index
        %swap3A_460 = tpu.vector_load %arg9[%swap3A_457, %swap3A_458, %swap3A_459] {strides = array<i32>} : memref<4x8x1024xf32, #tpu.memory_space<vmem>>, vector<1x1x16xf32>,
        %swap3A_461 = vector.shape_cast %swap3A_460 : vector<1x1x16xf32> to vector<16xf32>
        %swap3A_462 = vector.shape_cast %get3A_455 : vector<16xf32> to vector<1x1x16xf32>
        tpu.vector_store %arg9[%swap3A_457, %swap3A_458, %swap3A_459], %swap3A_462 {add = true, strides = array<i32>} : memref<4x8x1024xf32, #tpu.memory_space<vmem>>, vector<1x1x16xf32>,
        %get3A_463 = arith.constant 2 : i32
        %get3A_464 = arith.index_cast %get3A_463 : i32 to index
        %get3A_465 = arith.index_cast %scan3A_438 : i32 to index
        %get3A_466 = arith.constant 32 : index
        %get3A_467 = tpu.vector_load %arg10[%get3A_464, %get3A_465, %get3A_466] {strides = array<i32>} : memref<4x8x1024xf32, #tpu.memory_space<vmem>>, vector<1x1x16xf32>,
        %get3A_468 = vector.shape_cast %get3A_467 : vector<1x1x16xf32> to vector<16xf32>
        %swap3A_469 = arith.constant 2 : i32
        %swap3A_470 = arith.index_cast %swap3A_469 : i32 to index
        %swap3A_471 = arith.index_cast %scan3A_438 : i32 to index
        %swap3A_472 = arith.constant 32 : index
        %swap3A_473 = tpu.vector_load %arg9[%swap3A_470, %swap3A_471, %swap3A_472] {strides = array<i32>} : memref<4x8x1024xf32, #tpu.memory_space<vmem>>, vector<1x1x16xf32>,
        %swap3A_474 = vector.shape_cast %swap3A_473 : vector<1x1x16xf32> to vector<16xf32>
        %swap3A_475 = vector.shape_cast %get3A_468 : vector<16xf32> to vector<1x1x16xf32>
        tpu.vector_store %arg9[%swap3A_470, %swap3A_471, %swap3A_472], %swap3A_475 {add = true, strides = array<i32>} : memref<4x8x1024xf32, #tpu.memory_space<vmem>>, vector<1x1x16xf32>,
        %get3A_476 = arith.constant 2 : i32
        %get3A_477 = arith.index_cast %get3A_476 : i32 to index
        %get3A_478 = arith.index_cast %scan3A_438 : i32 to index
        %get3A_479 = arith.constant 48 : index
        %get3A_480 = tpu.vector_load %arg10[%get3A_477, %get3A_478, %get3A_479] {strides = array<i32>} : memref<4x8x1024xf32, #tpu.memory_space<vmem>>, vector<1x1x16xf32>,
        %get3A_481 = vector.shape_cast %get3A_480 : vector<1x1x16xf32> to vector<16xf32>
        %swap3A_482 = arith.constant 2 : i32
        %swap3A_483 = arith.index_cast %swap3A_482 : i32 to index
        %swap3A_484 = arith.index_cast %scan3A_438 : i32 to index
        %swap3A_485 = arith.constant 48 : index
        %swap3A_486 = tpu.vector_load %arg9[%swap3A_483, %swap3A_484, %swap3A_485] {strides = array<i32>} : memref<4x8x1024xf32, #tpu.memory_space<vmem>>, vector<1x1x16xf32>,
        %swap3A_487 = vector.shape_cast %swap3A_486 : vector<1x1x16xf32> to vector<16xf32>
        %swap3A_488 = vector.shape_cast %get3A_481 : vector<16xf32> to vector<1x1x16xf32>
        tpu.vector_store %arg9[%swap3A_483, %swap3A_484, %swap3A_485], %swap3A_488 {add = true, strides = array<i32>} : memref<4x8x1024xf32, #tpu.memory_space<vmem>>, vector<1x1x16xf32>,
        %get3A_489 = arith.constant 2 : i32
        %get3A_490 = arith.index_cast %get3A_489 : i32 to index
        %get3A_491 = arith.index_cast %scan3A_438 : i32 to index
        %get3A_492 = arith.constant 64 : index
        %get3A_493 = tpu.vector_load %arg10[%get3A_490, %get3A_491, %get3A_492] {strides = array<i32>} : memref<4x8x1024xf32, #tpu.memory_space<vmem>>, vector<1x1x16xf32>,
        %get3A_494 = vector.shape_cast %get3A_493 : vector<1x1x16xf32> to vector<16xf32>
        %swap3A_495 = arith.constant 2 : i32
        %swap3A_496 = arith.index_cast %swap3A_495 : i32 to index
        %swap3A_497 = arith.index_cast %scan3A_438 : i32 to index
        %swap3A_498 = arith.constant 64 : index
        %swap3A_499 = tpu.vector_load %arg9[%swap3A_496, %swap3A_497, %swap3A_498] {strides = array<i32>} : memref<4x8x1024xf32, #tpu.memory_space<vmem>>, vector<1x1x16xf32>,
        %swap3A_500 = vector.shape_cast %swap3A_499 : vector<1x1x16xf32> to vector<16xf32>
        %swap3A_501 = vector.shape_cast %get3A_494 : vector<16xf32> to vector<1x1x16xf32>
        tpu.vector_store %arg9[%swap3A_496, %swap3A_497, %swap3A_498], %swap3A_501 {add = true, strides = array<i32>} : memref<4x8x1024xf32, #tpu.memory_space<vmem>>, vector<1x1x16xf32>,
        %get3A_502 = arith.constant 2 : i32
        %get3A_503 = arith.index_cast %get3A_502 : i32 to index
        %get3A_504 = arith.index_cast %scan3A_438 : i32 to index
        %get3A_505 = arith.constant 80 : index
        %get3A_506 = tpu.vector_load %arg10[%get3A_503, %get3A_504, %get3A_505] {strides = array<i32>} : memref<4x8x1024xf32, #tpu.memory_space<vmem>>, vector<1x1x16xf32>,
        %get3A_507 = vector.shape_cast %get3A_506 : vector<1x1x16xf32> to vector<16xf32>
        %swap3A_508 = arith.constant 2 : i32
        %swap3A_509 = arith.index_cast %swap3A_508 : i32 to index
        %swap3A_510 = arith.index_cast %scan3A_438 : i32 to index
        %swap3A_511 = arith.constant 80 : index
        %swap3A_512 = tpu.vector_load %arg9[%swap3A_509, %swap3A_510, %swap3A_511] {strides = array<i32>} : memref<4x8x1024xf32, #tpu.memory_space<vmem>>, vector<1x1x16xf32>,
        %swap3A_513 = vector.shape_cast %swap3A_512 : vector<1x1x16xf32> to vector<16xf32>
        %swap3A_514 = vector.shape_cast %get3A_507 : vector<16xf32> to vector<1x1x16xf32>
        tpu.vector_store %arg9[%swap3A_509, %swap3A_510, %swap3A_511], %swap3A_514 {add = true, strides = array<i32>} : memref<4x8x1024xf32, #tpu.memory_space<vmem>>, vector<1x1x16xf32>,
        %get3A_515 = arith.constant 2 : i32
        %get3A_516 = arith.index_cast %get3A_515 : i32 to index
        %get3A_517 = arith.index_cast %scan3A_438 : i32 to index
        %get3A_518 = arith.constant 96 : index
        %get3A_519 = tpu.vector_load %arg10[%get3A_516, %get3A_517, %get3A_518] {strides = array<i32>} : memref<4x8x1024xf32, #tpu.memory_space<vmem>>, vector<1x1x16xf32>,
        %get3A_520 = vector.shape_cast %get3A_519 : vector<1x1x16xf32> to vector<16xf32>
        %swap3A_521 = arith.constant 2 : i32
        %swap3A_522 = arith.index_cast %swap3A_521 : i32 to index
        %swap3A_523 = arith.index_cast %scan3A_438 : i32 to index
        %swap3A_524 = arith.constant 96 : index
        %swap3A_525 = tpu.vector_load %arg9[%swap3A_522, %swap3A_523, %swap3A_524] {strides = array<i32>} : memref<4x8x1024xf32, #tpu.memory_space<vmem>>, vector<1x1x16xf32>,
        %swap3A_526 = vector.shape_cast %swap3A_525 : vector<1x1x16xf32> to vector<16xf32>
        %swap3A_527 = vector.shape_cast %get3A_520 : vector<16xf32> to vector<1x1x16xf32>
        tpu.vector_store %arg9[%swap3A_522, %swap3A_523, %swap3A_524], %swap3A_527 {add = true, strides = array<i32>} : memref<4x8x1024xf32, #tpu.memory_space<vmem>>, vector<1x1x16xf32>,
        %get3A_528 = arith.constant 2 : i32
        %get3A_529 = arith.index_cast %get3A_528 : i32 to index
        %get3A_530 = arith.index_cast %scan3A_438 : i32 to index
        %get3A_531 = arith.constant 112 : index
        %get3A_532 = tpu.vector_load %arg10[%get3A_529, %get3A_530, %get3A_531] {strides = array<i32>} : memref<4x8x1024xf32, #tpu.memory_space<vmem>>, vector<1x1x16xf32>,
        %get3A_533 = vector.shape_cast %get3A_532 : vector<1x1x16xf32> to vector<16xf32>
        %swap3A_534 = arith.constant 2 : i32
        %swap3A_535 = arith.index_cast %swap3A_534 : i32 to index
        %swap3A_536 = arith.index_cast %scan3A_438 : i32 to index
        %swap3A_537 = arith.constant 112 : index
        %swap3A_538 = tpu.vector_load %arg9[%swap3A_535, %swap3A_536, %swap3A_537] {strides = array<i32>} : memref<4x8x1024xf32, #tpu.memory_space<vmem>>, vector<1x1x16xf32>,
        %swap3A_539 = vector.shape_cast %swap3A_538 : vector<1x1x16xf32> to vector<16xf32>
        %swap3A_540 = vector.shape_cast %get3A_533 : vector<16xf32> to vector<1x1x16xf32>
        tpu.vector_store %arg9[%swap3A_535, %swap3A_536, %swap3A_537], %swap3A_540 {add = true, strides = array<i32>} : memref<4x8x1024xf32, #tpu.memory_space<vmem>>, vector<1x1x16xf32>,
        %get3A_541 = arith.constant 2 : i32
        %get3A_542 = arith.index_cast %get3A_541 : i32 to index
        %get3A_543 = arith.index_cast %scan3A_438 : i32 to index
        %get3A_544 = arith.constant 128 : index
        %get3A_545 = tpu.vector_load %arg10[%get3A_542, %get3A_543, %get3A_544] {strides = array<i32>} : memref<4x8x1024xf32, #tpu.memory_space<vmem>>, vector<1x1x16xf32>,
        %get3A_546 = vector.shape_cast %get3A_545 : vector<1x1x16xf32> to vector<16xf32>
        %swap3A_547 = arith.constant 2 : i32
        %swap3A_548 = arith.index_cast %swap3A_547 : i32 to index
        %swap3A_549 = arith.index_cast %scan3A_438 : i32 to index
        %swap3A_550 = arith.constant 128 : index
        %swap3A_551 = tpu.vector_load %arg9[%swap3A_548, %swap3A_549, %swap3A_550] {strides = array<i32>} : memref<4x8x1024xf32, #tpu.memory_space<vmem>>, vector<1x1x16xf32>,
        %swap3A_552 = vector.shape_cast %swap3A_551 : vector<1x1x16xf32> to vector<16xf32>
        %swap3A_553 = vector.shape_cast %get3A_546 : vector<16xf32> to vector<1x1x16xf32>
        tpu.vector_store %arg9[%swap3A_548, %swap3A_549, %swap3A_550], %swap3A_553 {add = true, strides = array<i32>} : memref<4x8x1024xf32, #tpu.memory_space<vmem>>, vector<1x1x16xf32>,
        %get3A_554 = arith.constant 2 : i32
        %get3A_555 = arith.index_cast %get3A_554 : i32 to index
        %get3A_556 = arith.index_cast %scan3A_438 : i32 to index
        %get3A_557 = arith.constant 144 : index
        %get3A_558 = tpu.vector_load %arg10[%get3A_555, %get3A_556, %get3A_557] {strides = array<i32>} : memref<4x8x1024xf32, #tpu.memory_space<vmem>>, vector<1x1x16xf32>,
        %get3A_559 = vector.shape_cast %get3A_558 : vector<1x1x16xf32> to vector<16xf32>
        %swap3A_560 = arith.constant 2 : i32
        %swap3A_561 = arith.index_cast %swap3A_560 : i32 to index
        %swap3A_562 = arith.index_cast %scan3A_438 : i32 to index
        %swap3A_563 = arith.constant 144 : index
        %swap3A_564 = tpu.vector_load %arg9[%swap3A_561, %swap3A_562, %swap3A_563] {strides = array<i32>} : memref<4x8x1024xf32, #tpu.memory_space<vmem>>, vector<1x1x16xf32>,
        %swap3A_565 = vector.shape_cast %swap3A_564 : vector<1x1x16xf32> to vector<16xf32>
        %swap3A_566 = vector.shape_cast %get3A_559 : vector<16xf32> to vector<1x1x16xf32>
        tpu.vector_store %arg9[%swap3A_561, %swap3A_562, %swap3A_563], %swap3A_566 {add = true, strides = array<i32>} : memref<4x8x1024xf32, #tpu.memory_space<vmem>>, vector<1x1x16xf32>,
        %get3A_567 = arith.constant 2 : i32
        %get3A_568 = arith.index_cast %get3A_567 : i32 to index
        %get3A_569 = arith.index_cast %scan3A_438 : i32 to index
        %get3A_570 = arith.constant 160 : index
        %get3A_571 = tpu.vector_load %arg10[%get3A_568, %get3A_569, %get3A_570] {strides = array<i32>} : memref<4x8x1024xf32, #tpu.memory_space<vmem>>, vector<1x1x16xf32>,
        %get3A_572 = vector.shape_cast %get3A_571 : vector<1x1x16xf32> to vector<16xf32>
        %swap3A_573 = arith.constant 2 : i32
        %swap3A_574 = arith.index_cast %swap3A_573 : i32 to index
        %swap3A_575 = arith.index_cast %scan3A_438 : i32 to index
        %swap3A_576 = arith.constant 160 : index
        %swap3A_577 = tpu.vector_load %arg9[%swap3A_574, %swap3A_575, %swap3A_576] {strides = array<i32>} : memref<4x8x1024xf32, #tpu.memory_space<vmem>>, vector<1x1x16xf32>,
        %swap3A_578 = vector.shape_cast %swap3A_577 : vector<1x1x16xf32> to vector<16xf32>
        %swap3A_579 = vector.shape_cast %get3A_572 : vector<16xf32> to vector<1x1x16xf32>
        tpu.vector_store %arg9[%swap3A_574, %swap3A_575, %swap3A_576], %swap3A_579 {add = true, strides = array<i32>} : memref<4x8x1024xf32, #tpu.memory_space<vmem>>, vector<1x1x16xf32>,
        %get3A_580 = arith.constant 2 : i32
        %get3A_581 = arith.index_cast %get3A_580 : i32 to index
        %get3A_582 = arith.index_cast %scan3A_438 : i32 to index
        %get3A_583 = arith.constant 176 : index
        %get3A_584 = tpu.vector_load %arg10[%get3A_581, %get3A_582, %get3A_583] {strides = array<i32>} : memref<4x8x1024xf32, #tpu.memory_space<vmem>>, vector<1x1x16xf32>,
        %get3A_585 = vector.shape_cast %get3A_584 : vector<1x1x16xf32> to vector<16xf32>
        %swap3A_586 = arith.constant 2 : i32
        %swap3A_587 = arith.index_cast %swap3A_586 : i32 to index
        %swap3A_588 = arith.index_cast %scan3A_438 : i32 to index
        %swap3A_589 = arith.constant 176 : index
        %swap3A_590 = tpu.vector_load %arg9[%swap3A_587, %swap3A_588, %swap3A_589] {strides = array<i32>} : memref<4x8x1024xf32, #tpu.memory_space<vmem>>, vector<1x1x16xf32>,
        %swap3A_591 = vector.shape_cast %swap3A_590 : vector<1x1x16xf32> to vector<16xf32>
        %swap3A_592 = vector.shape_cast %get3A_585 : vector<16xf32> to vector<1x1x16xf32>
        tpu.vector_store %arg9[%swap3A_587, %swap3A_588, %swap3A_589], %swap3A_592 {add = true, strides = array<i32>} : memref<4x8x1024xf32, #tpu.memory_space<vmem>>, vector<1x1x16xf32>,
        %get3A_593 = arith.constant 2 : i32
        %get3A_594 = arith.index_cast %get3A_593 : i32 to index
        %get3A_595 = arith.index_cast %scan3A_438 : i32 to index
        %get3A_596 = arith.constant 192 : index
        %get3A_597 = tpu.vector_load %arg10[%get3A_594, %get3A_595, %get3A_596] {strides = array<i32>} : memref<4x8x1024xf32, #tpu.memory_space<vmem>>, vector<1x1x16xf32>,
        %get3A_598 = vector.shape_cast %get3A_597 : vector<1x1x16xf32> to vector<16xf32>
        %swap3A_599 = arith.constant 2 : i32
        %swap3A_600 = arith.index_cast %swap3A_599 : i32 to index
        %swap3A_601 = arith.index_cast %scan3A_438 : i32 to index
        %swap3A_602 = arith.constant 192 : index
        %swap3A_603 = tpu.vector_load %arg9[%swap3A_600, %swap3A_601, %swap3A_602] {strides = array<i32>} : memref<4x8x1024xf32, #tpu.memory_space<vmem>>, vector<1x1x16xf32>,
        %swap3A_604 = vector.shape_cast %swap3A_603 : vector<1x1x16xf32> to vector<16xf32>
        %swap3A_605 = vector.shape_cast %get3A_598 : vector<16xf32> to vector<1x1x16xf32>
        tpu.vector_store %arg9[%swap3A_600, %swap3A_601, %swap3A_602], %swap3A_605 {add = true, strides = array<i32>} : memref<4x8x1024xf32, #tpu.memory_space<vmem>>, vector<1x1x16xf32>,
        %get3A_606 = arith.constant 2 : i32
        %get3A_607 = arith.index_cast %get3A_606 : i32 to index
        %get3A_608 = arith.index_cast %scan3A_438 : i32 to index
        %get3A_609 = arith.constant 208 : index
        %get3A_610 = tpu.vector_load %arg10[%get3A_607, %get3A_608, %get3A_609] {strides = array<i32>} : memref<4x8x1024xf32, #tpu.memory_space<vmem>>, vector<1x1x16xf32>,
        %get3A_611 = vector.shape_cast %get3A_610 : vector<1x1x16xf32> to vector<16xf32>
        %swap3A_612 = arith.constant 2 : i32
        %swap3A_613 = arith.index_cast %swap3A_612 : i32 to index
        %swap3A_614 = arith.index_cast %scan3A_438 : i32 to index
        %swap3A_615 = arith.constant 208 : index
        %swap3A_616 = tpu.vector_load %arg9[%swap3A_613, %swap3A_614, %swap3A_615] {strides = array<i32>} : memref<4x8x1024xf32, #tpu.memory_space<vmem>>, vector<1x1x16xf32>,
        %swap3A_617 = vector.shape_cast %swap3A_616 : vector<1x1x16xf32> to vector<16xf32>
        %swap3A_618 = vector.shape_cast %get3A_611 : vector<16xf32> to vector<1x1x16xf32>
        tpu.vector_store %arg9[%swap3A_613, %swap3A_614, %swap3A_615], %swap3A_618 {add = true, strides = array<i32>} : memref<4x8x1024xf32, #tpu.memory_space<vmem>>, vector<1x1x16xf32>,
        %get3A_619 = arith.constant 2 : i32
        %get3A_620 = arith.index_cast %get3A_619 : i32 to index
        %get3A_621 = arith.index_cast %scan3A_438 : i32 to index
        %get3A_622 = arith.constant 224 : index
        %get3A_623 = tpu.vector_load %arg10[%get3A_620, %get3A_621, %get3A_622] {strides = array<i32>} : memref<4x8x1024xf32, #tpu.memory_space<vmem>>, vector<1x1x16xf32>,
        %get3A_624 = vector.shape_cast %get3A_623 : vector<1x1x16xf32> to vector<16xf32>
        %swap3A_625 = arith.constant 2 : i32
        %swap3A_626 = arith.index_cast %swap3A_625 : i32 to index
        %swap3A_627 = arith.index_cast %scan3A_438 : i32 to index
        %swap3A_628 = arith.constant 224 : index
        %swap3A_629 = tpu.vector_load %arg9[%swap3A_626, %swap3A_627, %swap3A_628] {strides = array<i32>} : memref<4x8x1024xf32, #tpu.memory_space<vmem>>, vector<1x1x16xf32>,
        %swap3A_630 = vector.shape_cast %swap3A_629 : vector<1x1x16xf32> to vector<16xf32>
        %swap3A_631 = vector.shape_cast %get3A_624 : vector<16xf32> to vector<1x1x16xf32>
        tpu.vector_store %arg9[%swap3A_626, %swap3A_627, %swap3A_628], %swap3A_631 {add = true, strides = array<i32>} : memref<4x8x1024xf32, #tpu.memory_space<vmem>>, vector<1x1x16xf32>,
        %get3A_632 = arith.constant 2 : i32
        %get3A_633 = arith.index_cast %get3A_632 : i32 to index
        %get3A_634 = arith.index_cast %scan3A_438 : i32 to index
        %get3A_635 = arith.constant 240 : index
        %get3A_636 = tpu.vector_load %arg10[%get3A_633, %get3A_634, %get3A_635] {strides = array<i32>} : memref<4x8x1024xf32, #tpu.memory_space<vmem>>, vector<1x1x16xf32>,
        %get3A_637 = vector.shape_cast %get3A_636 : vector<1x1x16xf32> to vector<16xf32>
        %swap3A_638 = arith.constant 2 : i32
        %swap3A_639 = arith.index_cast %swap3A_638 : i32 to index
        %swap3A_640 = arith.index_cast %scan3A_438 : i32 to index
        %swap3A_641 = arith.constant 240 : index
        %swap3A_642 = tpu.vector_load %arg9[%swap3A_639, %swap3A_640, %swap3A_641] {strides = array<i32>} : memref<4x8x1024xf32, #tpu.memory_space<vmem>>, vector<1x1x16xf32>,
        %swap3A_643 = vector.shape_cast %swap3A_642 : vector<1x1x16xf32> to vector<16xf32>
        %swap3A_644 = vector.shape_cast %get3A_637 : vector<16xf32> to vector<1x1x16xf32>
        tpu.vector_store %arg9[%swap3A_639, %swap3A_640, %swap3A_641], %swap3A_644 {add = true, strides = array<i32>} : memref<4x8x1024xf32, #tpu.memory_space<vmem>>, vector<1x1x16xf32>,
        %get3A_645 = arith.constant 2 : i32
        %get3A_646 = arith.index_cast %get3A_645 : i32 to index
        %get3A_647 = arith.index_cast %scan3A_438 : i32 to index
        %get3A_648 = arith.constant 256 : index
        %get3A_649 = tpu.vector_load %arg10[%get3A_646, %get3A_647, %get3A_648] {strides = array<i32>} : memref<4x8x1024xf32, #tpu.memory_space<vmem>>, vector<1x1x16xf32>,
        %get3A_650 = vector.shape_cast %get3A_649 : vector<1x1x16xf32> to vector<16xf32>
        %swap3A_651 = arith.constant 2 : i32
        %swap3A_652 = arith.index_cast %swap3A_651 : i32 to index
        %swap3A_653 = arith.index_cast %scan3A_438 : i32 to index
        %swap3A_654 = arith.constant 256 : index
        %swap3A_655 = tpu.vector_load %arg9[%swap3A_652, %swap3A_653, %swap3A_654] {strides = array<i32>} : memref<4x8x1024xf32, #tpu.memory_space<vmem>>, vector<1x1x16xf32>,
        %swap3A_656 = vector.shape_cast %swap3A_655 : vector<1x1x16xf32> to vector<16xf32>
        %swap3A_657 = vector.shape_cast %get3A_650 : vector<16xf32> to vector<1x1x16xf32>
        tpu.vector_store %arg9[%swap3A_652, %swap3A_653, %swap3A_654], %swap3A_657 {add = true, strides = array<i32>} : memref<4x8x1024xf32, #tpu.memory_space<vmem>>, vector<1x1x16xf32>,
        %get3A_658 = arith.constant 2 : i32
        %get3A_659 = arith.index_cast %get3A_658 : i32 to index
        %get3A_660 = arith.index_cast %scan3A_438 : i32 to index
        %get3A_661 = arith.constant 272 : index
        %get3A_662 = tpu.vector_load %arg10[%get3A_659, %get3A_660, %get3A_661] {strides = array<i32>} : memref<4x8x1024xf32, #tpu.memory_space<vmem>>, vector<1x1x16xf32>,
        %get3A_663 = vector.shape_cast %get3A_662 : vector<1x1x16xf32> to vector<16xf32>
        %swap3A_664 = arith.constant 2 : i32
        %swap3A_665 = arith.index_cast %swap3A_664 : i32 to index
        %swap3A_666 = arith.index_cast %scan3A_438 : i32 to index
        %swap3A_667 = arith.constant 272 : index
        %swap3A_668 = tpu.vector_load %arg9[%swap3A_665, %swap3A_666, %swap3A_667] {strides = array<i32>} : memref<4x8x1024xf32, #tpu.memory_space<vmem>>, vector<1x1x16xf32>,
        %swap3A_669 = vector.shape_cast %swap3A_668 : vector<1x1x16xf32> to vector<16xf32>
        %swap3A_670 = vector.shape_cast %get3A_663 : vector<16xf32> to vector<1x1x16xf32>
        tpu.vector_store %arg9[%swap3A_665, %swap3A_666, %swap3A_667], %swap3A_670 {add = true, strides = array<i32>} : memref<4x8x1024xf32, #tpu.memory_space<vmem>>, vector<1x1x16xf32>,
        %get3A_671 = arith.constant 2 : i32
        %get3A_672 = arith.index_cast %get3A_671 : i32 to index
        %get3A_673 = arith.index_cast %scan3A_438 : i32 to index
        %get3A_674 = arith.constant 288 : index
        %get3A_675 = tpu.vector_load %arg10[%get3A_672, %get3A_673, %get3A_674] {strides = array<i32>} : memref<4x8x1024xf32, #tpu.memory_space<vmem>>, vector<1x1x16xf32>,
        %get3A_676 = vector.shape_cast %get3A_675 : vector<1x1x16xf32> to vector<16xf32>
        %swap3A_677 = arith.constant 2 : i32
        %swap3A_678 = arith.index_cast %swap3A_677 : i32 to index
        %swap3A_679 = arith.index_cast %scan3A_438 : i32 to index
        %swap3A_680 = arith.constant 288 : index
        %swap3A_681 = tpu.vector_load %arg9[%swap3A_678, %swap3A_679, %swap3A_680] {strides = array<i32>} : memref<4x8x1024xf32, #tpu.memory_space<vmem>>, vector<1x1x16xf32>,
        %swap3A_682 = vector.shape_cast %swap3A_681 : vector<1x1x16xf32> to vector<16xf32>
        %swap3A_683 = vector.shape_cast %get3A_676 : vector<16xf32> to vector<1x1x16xf32>
        tpu.vector_store %arg9[%swap3A_678, %swap3A_679, %swap3A_680], %swap3A_683 {add = true, strides = array<i32>} : memref<4x8x1024xf32, #tpu.memory_space<vmem>>, vector<1x1x16xf32>,
        %get3A_684 = arith.constant 2 : i32
        %get3A_685 = arith.index_cast %get3A_684 : i32 to index
        %get3A_686 = arith.index_cast %scan3A_438 : i32 to index
        %get3A_687 = arith.constant 304 : index
        %get3A_688 = tpu.vector_load %arg10[%get3A_685, %get3A_686, %get3A_687] {strides = array<i32>} : memref<4x8x1024xf32, #tpu.memory_space<vmem>>, vector<1x1x16xf32>,
        %get3A_689 = vector.shape_cast %get3A_688 : vector<1x1x16xf32> to vector<16xf32>
        %swap3A_690 = arith.constant 2 : i32
        %swap3A_691 = arith.index_cast %swap3A_690 : i32 to index
        %swap3A_692 = arith.index_cast %scan3A_438 : i32 to index
        %swap3A_693 = arith.constant 304 : index
        %swap3A_694 = tpu.vector_load %arg9[%swap3A_691, %swap3A_692, %swap3A_693] {strides = array<i32>} : memref<4x8x1024xf32, #tpu.memory_space<vmem>>, vector<1x1x16xf32>,
        %swap3A_695 = vector.shape_cast %swap3A_694 : vector<1x1x16xf32> to vector<16xf32>
        %swap3A_696 = vector.shape_cast %get3A_689 : vector<16xf32> to vector<1x1x16xf32>
        tpu.vector_store %arg9[%swap3A_691, %swap3A_692, %swap3A_693], %swap3A_696 {add = true, strides = array<i32>} : memref<4x8x1024xf32, #tpu.memory_space<vmem>>, vector<1x1x16xf32>,
        %get3A_697 = arith.constant 2 : i32
        %get3A_698 = arith.index_cast %get3A_697 : i32 to index
        %get3A_699 = arith.index_cast %scan3A_438 : i32 to index
        %get3A_700 = arith.constant 320 : index
        %get3A_701 = tpu.vector_load %arg10[%get3A_698, %get3A_699, %get3A_700] {strides = array<i32>} : memref<4x8x1024xf32, #tpu.memory_space<vmem>>, vector<1x1x16xf32>,
        %get3A_702 = vector.shape_cast %get3A_701 : vector<1x1x16xf32> to vector<16xf32>
        %swap3A_703 = arith.constant 2 : i32
        %swap3A_704 = arith.index_cast %swap3A_703 : i32 to index
        %swap3A_705 = arith.index_cast %scan3A_438 : i32 to index
        %swap3A_706 = arith.constant 320 : index
        %swap3A_707 = tpu.vector_load %arg9[%swap3A_704, %swap3A_705, %swap3A_706] {strides = array<i32>} : memref<4x8x1024xf32, #tpu.memory_space<vmem>>, vector<1x1x16xf32>,
        %swap3A_708 = vector.shape_cast %swap3A_707 : vector<1x1x16xf32> to vector<16xf32>
        %swap3A_709 = vector.shape_cast %get3A_702 : vector<16xf32> to vector<1x1x16xf32>
        tpu.vector_store %arg9[%swap3A_704, %swap3A_705, %swap3A_706], %swap3A_709 {add = true, strides = array<i32>} : memref<4x8x1024xf32, #tpu.memory_space<vmem>>, vector<1x1x16xf32>,
        %get3A_710 = arith.constant 2 : i32
        %get3A_711 = arith.index_cast %get3A_710 : i32 to index
        %get3A_712 = arith.index_cast %scan3A_438 : i32 to index
        %get3A_713 = arith.constant 336 : index
        %get3A_714 = tpu.vector_load %arg10[%get3A_711, %get3A_712, %get3A_713] {strides = array<i32>} : memref<4x8x1024xf32, #tpu.memory_space<vmem>>, vector<1x1x16xf32>,
        %get3A_715 = vector.shape_cast %get3A_714 : vector<1x1x16xf32> to vector<16xf32>
        %swap3A_716 = arith.constant 2 : i32
        %swap3A_717 = arith.index_cast %swap3A_716 : i32 to index
        %swap3A_718 = arith.index_cast %scan3A_438 : i32 to index
        %swap3A_719 = arith.constant 336 : index
        %swap3A_720 = tpu.vector_load %arg9[%swap3A_717, %swap3A_718, %swap3A_719] {strides = array<i32>} : memref<4x8x1024xf32, #tpu.memory_space<vmem>>, vector<1x1x16xf32>,
        %swap3A_721 = vector.shape_cast %swap3A_720 : vector<1x1x16xf32> to vector<16xf32>
        %swap3A_722 = vector.shape_cast %get3A_715 : vector<16xf32> to vector<1x1x16xf32>
        tpu.vector_store %arg9[%swap3A_717, %swap3A_718, %swap3A_719], %swap3A_722 {add = true, strides = array<i32>} : memref<4x8x1024xf32, #tpu.memory_space<vmem>>, vector<1x1x16xf32>,
        %get3A_723 = arith.constant 2 : i32
        %get3A_724 = arith.index_cast %get3A_723 : i32 to index
        %get3A_725 = arith.index_cast %scan3A_438 : i32 to index
        %get3A_726 = arith.constant 352 : index
        %get3A_727 = tpu.vector_load %arg10[%get3A_724, %get3A_725, %get3A_726] {strides = array<i32>} : memref<4x8x1024xf32, #tpu.memory_space<vmem>>, vector<1x1x16xf32>,
        %get3A_728 = vector.shape_cast %get3A_727 : vector<1x1x16xf32> to vector<16xf32>
        %swap3A_729 = arith.constant 2 : i32
        %swap3A_730 = arith.index_cast %swap3A_729 : i32 to index
        %swap3A_731 = arith.index_cast %scan3A_438 : i32 to index
        %swap3A_732 = arith.constant 352 : index
        %swap3A_733 = tpu.vector_load %arg9[%swap3A_730, %swap3A_731, %swap3A_732] {strides = array<i32>} : memref<4x8x1024xf32, #tpu.memory_space<vmem>>, vector<1x1x16xf32>,
        %swap3A_734 = vector.shape_cast %swap3A_733 : vector<1x1x16xf32> to vector<16xf32>
        %swap3A_735 = vector.shape_cast %get3A_728 : vector<16xf32> to vector<1x1x16xf32>
        tpu.vector_store %arg9[%swap3A_730, %swap3A_731, %swap3A_732], %swap3A_735 {add = true, strides = array<i32>} : memref<4x8x1024xf32, #tpu.memory_space<vmem>>, vector<1x1x16xf32>,
        %get3A_736 = arith.constant 2 : i32
        %get3A_737 = arith.index_cast %get3A_736 : i32 to index
        %get3A_738 = arith.index_cast %scan3A_438 : i32 to index
        %get3A_739 = arith.constant 368 : index
        %get3A_740 = tpu.vector_load %arg10[%get3A_737, %get3A_738, %get3A_739] {strides = array<i32>} : memref<4x8x1024xf32, #tpu.memory_space<vmem>>, vector<1x1x16xf32>,
        %get3A_741 = vector.shape_cast %get3A_740 : vector<1x1x16xf32> to vector<16xf32>
        %swap3A_742 = arith.constant 2 : i32
        %swap3A_743 = arith.index_cast %swap3A_742 : i32 to index
        %swap3A_744 = arith.index_cast %scan3A_438 : i32 to index
        %swap3A_745 = arith.constant 368 : index
        %swap3A_746 = tpu.vector_load %arg9[%swap3A_743, %swap3A_744, %swap3A_745] {strides = array<i32>} : memref<4x8x1024xf32, #tpu.memory_space<vmem>>, vector<1x1x16xf32>,
        %swap3A_747 = vector.shape_cast %swap3A_746 : vector<1x1x16xf32> to vector<16xf32>
        %swap3A_748 = vector.shape_cast %get3A_741 : vector<16xf32> to vector<1x1x16xf32>
        tpu.vector_store %arg9[%swap3A_743, %swap3A_744, %swap3A_745], %swap3A_748 {add = true, strides = array<i32>} : memref<4x8x1024xf32, #tpu.memory_space<vmem>>, vector<1x1x16xf32>,
        %get3A_749 = arith.constant 2 : i32
        %get3A_750 = arith.index_cast %get3A_749 : i32 to index
        %get3A_751 = arith.index_cast %scan3A_438 : i32 to index
        %get3A_752 = arith.constant 384 : index
        %get3A_753 = tpu.vector_load %arg10[%get3A_750, %get3A_751, %get3A_752] {strides = array<i32>} : memref<4x8x1024xf32, #tpu.memory_space<vmem>>, vector<1x1x16xf32>,
        %get3A_754 = vector.shape_cast %get3A_753 : vector<1x1x16xf32> to vector<16xf32>
        %swap3A_755 = arith.constant 2 : i32
        %swap3A_756 = arith.index_cast %swap3A_755 : i32 to index
        %swap3A_757 = arith.index_cast %scan3A_438 : i32 to index
        %swap3A_758 = arith.constant 384 : index
        %swap3A_759 = tpu.vector_load %arg9[%swap3A_756, %swap3A_757, %swap3A_758] {strides = array<i32>} : memref<4x8x1024xf32, #tpu.memory_space<vmem>>, vector<1x1x16xf32>,
        %swap3A_760 = vector.shape_cast %swap3A_759 : vector<1x1x16xf32> to vector<16xf32>
        %swap3A_761 = vector.shape_cast %get3A_754 : vector<16xf32> to vector<1x1x16xf32>
        tpu.vector_store %arg9[%swap3A_756, %swap3A_757, %swap3A_758], %swap3A_761 {add = true, strides = array<i32>} : memref<4x8x1024xf32, #tpu.memory_space<vmem>>, vector<1x1x16xf32>,
        %get3A_762 = arith.constant 2 : i32
        %get3A_763 = arith.index_cast %get3A_762 : i32 to index
        %get3A_764 = arith.index_cast %scan3A_438 : i32 to index
        %get3A_765 = arith.constant 400 : index
        %get3A_766 = tpu.vector_load %arg10[%get3A_763, %get3A_764, %get3A_765] {strides = array<i32>} : memref<4x8x1024xf32, #tpu.memory_space<vmem>>, vector<1x1x16xf32>,
        %get3A_767 = vector.shape_cast %get3A_766 : vector<1x1x16xf32> to vector<16xf32>
        %swap3A_768 = arith.constant 2 : i32
        %swap3A_769 = arith.index_cast %swap3A_768 : i32 to index
        %swap3A_770 = arith.index_cast %scan3A_438 : i32 to index
        %swap3A_771 = arith.constant 400 : index
        %swap3A_772 = tpu.vector_load %arg9[%swap3A_769, %swap3A_770, %swap3A_771] {strides = array<i32>} : memref<4x8x1024xf32, #tpu.memory_space<vmem>>, vector<1x1x16xf32>,
        %swap3A_773 = vector.shape_cast %swap3A_772 : vector<1x1x16xf32> to vector<16xf32>
        %swap3A_774 = vector.shape_cast %get3A_767 : vector<16xf32> to vector<1x1x16xf32>
        tpu.vector_store %arg9[%swap3A_769, %swap3A_770, %swap3A_771], %swap3A_774 {add = true, strides = array<i32>} : memref<4x8x1024xf32, #tpu.memory_space<vmem>>, vector<1x1x16xf32>,
        %get3A_775 = arith.constant 2 : i32
        %get3A_776 = arith.index_cast %get3A_775 : i32 to index
        %get3A_777 = arith.index_cast %scan3A_438 : i32 to index
        %get3A_778 = arith.constant 416 : index
        %get3A_779 = tpu.vector_load %arg10[%get3A_776, %get3A_777, %get3A_778] {strides = array<i32>} : memref<4x8x1024xf32, #tpu.memory_space<vmem>>, vector<1x1x16xf32>,
        %get3A_780 = vector.shape_cast %get3A_779 : vector<1x1x16xf32> to vector<16xf32>
        %swap3A_781 = arith.constant 2 : i32
        %swap3A_782 = arith.index_cast %swap3A_781 : i32 to index
        %swap3A_783 = arith.index_cast %scan3A_438 : i32 to index
        %swap3A_784 = arith.constant 416 : index
        %swap3A_785 = tpu.vector_load %arg9[%swap3A_782, %swap3A_783, %swap3A_784] {strides = array<i32>} : memref<4x8x1024xf32, #tpu.memory_space<vmem>>, vector<1x1x16xf32>,
        %swap3A_786 = vector.shape_cast %swap3A_785 : vector<1x1x16xf32> to vector<16xf32>
        %swap3A_787 = vector.shape_cast %get3A_780 : vector<16xf32> to vector<1x1x16xf32>
        tpu.vector_store %arg9[%swap3A_782, %swap3A_783, %swap3A_784], %swap3A_787 {add = true, strides = array<i32>} : memref<4x8x1024xf32, #tpu.memory_space<vmem>>, vector<1x1x16xf32>,
        %get3A_788 = arith.constant 2 : i32
        %get3A_789 = arith.index_cast %get3A_788 : i32 to index
        %get3A_790 = arith.index_cast %scan3A_438 : i32 to index
        %get3A_791 = arith.constant 432 : index
        %get3A_792 = tpu.vector_load %arg10[%get3A_789, %get3A_790, %get3A_791] {strides = array<i32>} : memref<4x8x1024xf32, #tpu.memory_space<vmem>>, vector<1x1x16xf32>,
        %get3A_793 = vector.shape_cast %get3A_792 : vector<1x1x16xf32> to vector<16xf32>
        %swap3A_794 = arith.constant 2 : i32
        %swap3A_795 = arith.index_cast %swap3A_794 : i32 to index
        %swap3A_796 = arith.index_cast %scan3A_438 : i32 to index
        %swap3A_797 = arith.constant 432 : index
        %swap3A_798 = tpu.vector_load %arg9[%swap3A_795, %swap3A_796, %swap3A_797] {strides = array<i32>} : memref<4x8x1024xf32, #tpu.memory_space<vmem>>, vector<1x1x16xf32>,
        %swap3A_799 = vector.shape_cast %swap3A_798 : vector<1x1x16xf32> to vector<16xf32>
        %swap3A_800 = vector.shape_cast %get3A_793 : vector<16xf32> to vector<1x1x16xf32>
        tpu.vector_store %arg9[%swap3A_795, %swap3A_796, %swap3A_797], %swap3A_800 {add = true, strides = array<i32>} : memref<4x8x1024xf32, #tpu.memory_space<vmem>>, vector<1x1x16xf32>,
        %get3A_801 = arith.constant 2 : i32
        %get3A_802 = arith.index_cast %get3A_801 : i32 to index
        %get3A_803 = arith.index_cast %scan3A_438 : i32 to index
        %get3A_804 = arith.constant 448 : index
        %get3A_805 = tpu.vector_load %arg10[%get3A_802, %get3A_803, %get3A_804] {strides = array<i32>} : memref<4x8x1024xf32, #tpu.memory_space<vmem>>, vector<1x1x16xf32>,
        %get3A_806 = vector.shape_cast %get3A_805 : vector<1x1x16xf32> to vector<16xf32>
        %swap3A_807 = arith.constant 2 : i32
        %swap3A_808 = arith.index_cast %swap3A_807 : i32 to index
        %swap3A_809 = arith.index_cast %scan3A_438 : i32 to index
        %swap3A_810 = arith.constant 448 : index
        %swap3A_811 = tpu.vector_load %arg9[%swap3A_808, %swap3A_809, %swap3A_810] {strides = array<i32>} : memref<4x8x1024xf32, #tpu.memory_space<vmem>>, vector<1x1x16xf32>,
        %swap3A_812 = vector.shape_cast %swap3A_811 : vector<1x1x16xf32> to vector<16xf32>
        %swap3A_813 = vector.shape_cast %get3A_806 : vector<16xf32> to vector<1x1x16xf32>
        tpu.vector_store %arg9[%swap3A_808, %swap3A_809, %swap3A_810], %swap3A_813 {add = true, strides = array<i32>} : memref<4x8x1024xf32, #tpu.memory_space<vmem>>, vector<1x1x16xf32>,
        %get3A_814 = arith.constant 2 : i32
        %get3A_815 = arith.index_cast %get3A_814 : i32 to index
        %get3A_816 = arith.index_cast %scan3A_438 : i32 to index
        %get3A_817 = arith.constant 464 : index
        %get3A_818 = tpu.vector_load %arg10[%get3A_815, %get3A_816, %get3A_817] {strides = array<i32>} : memref<4x8x1024xf32, #tpu.memory_space<vmem>>, vector<1x1x16xf32>,
        %get3A_819 = vector.shape_cast %get3A_818 : vector<1x1x16xf32> to vector<16xf32>
        %swap3A_820 = arith.constant 2 : i32
        %swap3A_821 = arith.index_cast %swap3A_820 : i32 to index
        %swap3A_822 = arith.index_cast %scan3A_438 : i32 to index
        %swap3A_823 = arith.constant 464 : index
        %swap3A_824 = tpu.vector_load %arg9[%swap3A_821, %swap3A_822, %swap3A_823] {strides = array<i32>} : memref<4x8x1024xf32, #tpu.memory_space<vmem>>, vector<1x1x16xf32>,
        %swap3A_825 = vector.shape_cast %swap3A_824 : vector<1x1x16xf32> to vector<16xf32>
        %swap3A_826 = vector.shape_cast %get3A_819 : vector<16xf32> to vector<1x1x16xf32>
        tpu.vector_store %arg9[%swap3A_821, %swap3A_822, %swap3A_823], %swap3A_826 {add = true, strides = array<i32>} : memref<4x8x1024xf32, #tpu.memory_space<vmem>>, vector<1x1x16xf32>,
        %get3A_827 = arith.constant 2 : i32
        %get3A_828 = arith.index_cast %get3A_827 : i32 to index
        %get3A_829 = arith.index_cast %scan3A_438 : i32 to index
        %get3A_830 = arith.constant 480 : index
        %get3A_831 = tpu.vector_load %arg10[%get3A_828, %get3A_829, %get3A_830] {strides = array<i32>} : memref<4x8x1024xf32, #tpu.memory_space<vmem>>, vector<1x1x16xf32>,
        %get3A_832 = vector.shape_cast %get3A_831 : vector<1x1x16xf32> to vector<16xf32>
        %swap3A_833 = arith.constant 2 : i32
        %swap3A_834 = arith.index_cast %swap3A_833 : i32 to index
        %swap3A_835 = arith.index_cast %scan3A_438 : i32 to index
        %swap3A_836 = arith.constant 480 : index
        %swap3A_837 = tpu.vector_load %arg9[%swap3A_834, %swap3A_835, %swap3A_836] {strides = array<i32>} : memref<4x8x1024xf32, #tpu.memory_space<vmem>>, vector<1x1x16xf32>,
        %swap3A_838 = vector.shape_cast %swap3A_837 : vector<1x1x16xf32> to vector<16xf32>
        %swap3A_839 = vector.shape_cast %get3A_832 : vector<16xf32> to vector<1x1x16xf32>
        tpu.vector_store %arg9[%swap3A_834, %swap3A_835, %swap3A_836], %swap3A_839 {add = true, strides = array<i32>} : memref<4x8x1024xf32, #tpu.memory_space<vmem>>, vector<1x1x16xf32>,
        %get3A_840 = arith.constant 2 : i32
        %get3A_841 = arith.index_cast %get3A_840 : i32 to index
        %get3A_842 = arith.index_cast %scan3A_438 : i32 to index
        %get3A_843 = arith.constant 496 : index
        %get3A_844 = tpu.vector_load %arg10[%get3A_841, %get3A_842, %get3A_843] {strides = array<i32>} : memref<4x8x1024xf32, #tpu.memory_space<vmem>>, vector<1x1x16xf32>,
        %get3A_845 = vector.shape_cast %get3A_844 : vector<1x1x16xf32> to vector<16xf32>
        %swap3A_846 = arith.constant 2 : i32
        %swap3A_847 = arith.index_cast %swap3A_846 : i32 to index
        %swap3A_848 = arith.index_cast %scan3A_438 : i32 to index
        %swap3A_849 = arith.constant 496 : index
        %swap3A_850 = tpu.vector_load %arg9[%swap3A_847, %swap3A_848, %swap3A_849] {strides = array<i32>} : memref<4x8x1024xf32, #tpu.memory_space<vmem>>, vector<1x1x16xf32>,
        %swap3A_851 = vector.shape_cast %swap3A_850 : vector<1x1x16xf32> to vector<16xf32>
        %swap3A_852 = vector.shape_cast %get3A_845 : vector<16xf32> to vector<1x1x16xf32>
        tpu.vector_store %arg9[%swap3A_847, %swap3A_848, %swap3A_849], %swap3A_852 {add = true, strides = array<i32>} : memref<4x8x1024xf32, #tpu.memory_space<vmem>>, vector<1x1x16xf32>,
        %get3A_853 = arith.constant 2 : i32
        %get3A_854 = arith.index_cast %get3A_853 : i32 to index
        %get3A_855 = arith.index_cast %scan3A_438 : i32 to index
        %get3A_856 = arith.constant 512 : index
        %get3A_857 = tpu.vector_load %arg10[%get3A_854, %get3A_855, %get3A_856] {strides = array<i32>} : memref<4x8x1024xf32, #tpu.memory_space<vmem>>, vector<1x1x16xf32>,
        %get3A_858 = vector.shape_cast %get3A_857 : vector<1x1x16xf32> to vector<16xf32>
        %swap3A_859 = arith.constant 2 : i32
        %swap3A_860 = arith.index_cast %swap3A_859 : i32 to index
        %swap3A_861 = arith.index_cast %scan3A_438 : i32 to index
        %swap3A_862 = arith.constant 512 : index
        %swap3A_863 = tpu.vector_load %arg9[%swap3A_860, %swap3A_861, %swap3A_862] {strides = array<i32>} : memref<4x8x1024xf32, #tpu.memory_space<vmem>>, vector<1x1x16xf32>,
        %swap3A_864 = vector.shape_cast %swap3A_863 : vector<1x1x16xf32> to vector<16xf32>
        %swap3A_865 = vector.shape_cast %get3A_858 : vector<16xf32> to vector<1x1x16xf32>
        tpu.vector_store %arg9[%swap3A_860, %swap3A_861, %swap3A_862], %swap3A_865 {add = true, strides = array<i32>} : memref<4x8x1024xf32, #tpu.memory_space<vmem>>, vector<1x1x16xf32>,
        %get3A_866 = arith.constant 2 : i32
        %get3A_867 = arith.index_cast %get3A_866 : i32 to index
        %get3A_868 = arith.index_cast %scan3A_438 : i32 to index
        %get3A_869 = arith.constant 528 : index
        %get3A_870 = tpu.vector_load %arg10[%get3A_867, %get3A_868, %get3A_869] {strides = array<i32>} : memref<4x8x1024xf32, #tpu.memory_space<vmem>>, vector<1x1x16xf32>,
        %get3A_871 = vector.shape_cast %get3A_870 : vector<1x1x16xf32> to vector<16xf32>
        %swap3A_872 = arith.constant 2 : i32
        %swap3A_873 = arith.index_cast %swap3A_872 : i32 to index
        %swap3A_874 = arith.index_cast %scan3A_438 : i32 to index
        %swap3A_875 = arith.constant 528 : index
        %swap3A_876 = tpu.vector_load %arg9[%swap3A_873, %swap3A_874, %swap3A_875] {strides = array<i32>} : memref<4x8x1024xf32, #tpu.memory_space<vmem>>, vector<1x1x16xf32>,
        %swap3A_877 = vector.shape_cast %swap3A_876 : vector<1x1x16xf32> to vector<16xf32>
        %swap3A_878 = vector.shape_cast %get3A_871 : vector<16xf32> to vector<1x1x16xf32>
        tpu.vector_store %arg9[%swap3A_873, %swap3A_874, %swap3A_875], %swap3A_878 {add = true, strides = array<i32>} : memref<4x8x1024xf32, #tpu.memory_space<vmem>>, vector<1x1x16xf32>,
        %get3A_879 = arith.constant 2 : i32
        %get3A_880 = arith.index_cast %get3A_879 : i32 to index
        %get3A_881 = arith.index_cast %scan3A_438 : i32 to index
        %get3A_882 = arith.constant 544 : index
        %get3A_883 = tpu.vector_load %arg10[%get3A_880, %get3A_881, %get3A_882] {strides = array<i32>} : memref<4x8x1024xf32, #tpu.memory_space<vmem>>, vector<1x1x16xf32>,
        %get3A_884 = vector.shape_cast %get3A_883 : vector<1x1x16xf32> to vector<16xf32>
        %swap3A_885 = arith.constant 2 : i32
        %swap3A_886 = arith.index_cast %swap3A_885 : i32 to index
        %swap3A_887 = arith.index_cast %scan3A_438 : i32 to index
        %swap3A_888 = arith.constant 544 : index
        %swap3A_889 = tpu.vector_load %arg9[%swap3A_886, %swap3A_887, %swap3A_888] {strides = array<i32>} : memref<4x8x1024xf32, #tpu.memory_space<vmem>>, vector<1x1x16xf32>,
        %swap3A_890 = vector.shape_cast %swap3A_889 : vector<1x1x16xf32> to vector<16xf32>
        %swap3A_891 = vector.shape_cast %get3A_884 : vector<16xf32> to vector<1x1x16xf32>
        tpu.vector_store %arg9[%swap3A_886, %swap3A_887, %swap3A_888], %swap3A_891 {add = true, strides = array<i32>} : memref<4x8x1024xf32, #tpu.memory_space<vmem>>, vector<1x1x16xf32>,
        %get3A_892 = arith.constant 2 : i32
        %get3A_893 = arith.index_cast %get3A_892 : i32 to index
        %get3A_894 = arith.index_cast %scan3A_438 : i32 to index
        %get3A_895 = arith.constant 560 : index
        %get3A_896 = tpu.vector_load %arg10[%get3A_893, %get3A_894, %get3A_895] {strides = array<i32>} : memref<4x8x1024xf32, #tpu.memory_space<vmem>>, vector<1x1x16xf32>,
        %get3A_897 = vector.shape_cast %get3A_896 : vector<1x1x16xf32> to vector<16xf32>
        %swap3A_898 = arith.constant 2 : i32
        %swap3A_899 = arith.index_cast %swap3A_898 : i32 to index
        %swap3A_900 = arith.index_cast %scan3A_438 : i32 to index
        %swap3A_901 = arith.constant 560 : index
        %swap3A_902 = tpu.vector_load %arg9[%swap3A_899, %swap3A_900, %swap3A_901] {strides = array<i32>} : memref<4x8x1024xf32, #tpu.memory_space<vmem>>, vector<1x1x16xf32>,
        %swap3A_903 = vector.shape_cast %swap3A_902 : vector<1x1x16xf32> to vector<16xf32>
        %swap3A_904 = vector.shape_cast %get3A_897 : vector<16xf32> to vector<1x1x16xf32>
        tpu.vector_store %arg9[%swap3A_899, %swap3A_900, %swap3A_901], %swap3A_904 {add = true, strides = array<i32>} : memref<4x8x1024xf32, #tpu.memory_space<vmem>>, vector<1x1x16xf32>,
        %get3A_905 = arith.constant 2 : i32
        %get3A_906 = arith.index_cast %get3A_905 : i32 to index
        %get3A_907 = arith.index_cast %scan3A_438 : i32 to index
        %get3A_908 = arith.constant 576 : index
        %get3A_909 = tpu.vector_load %arg10[%get3A_906, %get3A_907, %get3A_908] {strides = array<i32>} : memref<4x8x1024xf32, #tpu.memory_space<vmem>>, vector<1x1x16xf32>,
        %get3A_910 = vector.shape_cast %get3A_909 : vector<1x1x16xf32> to vector<16xf32>
        %swap3A_911 = arith.constant 2 : i32
        %swap3A_912 = arith.index_cast %swap3A_911 : i32 to index
        %swap3A_913 = arith.index_cast %scan3A_438 : i32 to index
        %swap3A_914 = arith.constant 576 : index
        %swap3A_915 = tpu.vector_load %arg9[%swap3A_912, %swap3A_913, %swap3A_914] {strides = array<i32>} : memref<4x8x1024xf32, #tpu.memory_space<vmem>>, vector<1x1x16xf32>,
        %swap3A_916 = vector.shape_cast %swap3A_915 : vector<1x1x16xf32> to vector<16xf32>
        %swap3A_917 = vector.shape_cast %get3A_910 : vector<16xf32> to vector<1x1x16xf32>
        tpu.vector_store %arg9[%swap3A_912, %swap3A_913, %swap3A_914], %swap3A_917 {add = true, strides = array<i32>} : memref<4x8x1024xf32, #tpu.memory_space<vmem>>, vector<1x1x16xf32>,
        %get3A_918 = arith.constant 2 : i32
        %get3A_919 = arith.index_cast %get3A_918 : i32 to index
        %get3A_920 = arith.index_cast %scan3A_438 : i32 to index
        %get3A_921 = arith.constant 592 : index
        %get3A_922 = tpu.vector_load %arg10[%get3A_919, %get3A_920, %get3A_921] {strides = array<i32>} : memref<4x8x1024xf32, #tpu.memory_space<vmem>>, vector<1x1x16xf32>,
        %get3A_923 = vector.shape_cast %get3A_922 : vector<1x1x16xf32> to vector<16xf32>
        %swap3A_924 = arith.constant 2 : i32
        %swap3A_925 = arith.index_cast %swap3A_924 : i32 to index
        %swap3A_926 = arith.index_cast %scan3A_438 : i32 to index
        %swap3A_927 = arith.constant 592 : index
        %swap3A_928 = tpu.vector_load %arg9[%swap3A_925, %swap3A_926, %swap3A_927] {strides = array<i32>} : memref<4x8x1024xf32, #tpu.memory_space<vmem>>, vector<1x1x16xf32>,
        %swap3A_929 = vector.shape_cast %swap3A_928 : vector<1x1x16xf32> to vector<16xf32>
        %swap3A_930 = vector.shape_cast %get3A_923 : vector<16xf32> to vector<1x1x16xf32>
        tpu.vector_store %arg9[%swap3A_925, %swap3A_926, %swap3A_927], %swap3A_930 {add = true, strides = array<i32>} : memref<4x8x1024xf32, #tpu.memory_space<vmem>>, vector<1x1x16xf32>,
        %get3A_931 = arith.constant 2 : i32
        %get3A_932 = arith.index_cast %get3A_931 : i32 to index
        %get3A_933 = arith.index_cast %scan3A_438 : i32 to index
        %get3A_934 = arith.constant 608 : index
        %get3A_935 = tpu.vector_load %arg10[%get3A_932, %get3A_933, %get3A_934] {strides = array<i32>} : memref<4x8x1024xf32, #tpu.memory_space<vmem>>, vector<1x1x16xf32>,
        %get3A_936 = vector.shape_cast %get3A_935 : vector<1x1x16xf32> to vector<16xf32>
        %swap3A_937 = arith.constant 2 : i32
        %swap3A_938 = arith.index_cast %swap3A_937 : i32 to index
        %swap3A_939 = arith.index_cast %scan3A_438 : i32 to index
        %swap3A_940 = arith.constant 608 : index
        %swap3A_941 = tpu.vector_load %arg9[%swap3A_938, %swap3A_939, %swap3A_940] {strides = array<i32>} : memref<4x8x1024xf32, #tpu.memory_space<vmem>>, vector<1x1x16xf32>,
        %swap3A_942 = vector.shape_cast %swap3A_941 : vector<1x1x16xf32> to vector<16xf32>
        %swap3A_943 = vector.shape_cast %get3A_936 : vector<16xf32> to vector<1x1x16xf32>
        tpu.vector_store %arg9[%swap3A_938, %swap3A_939, %swap3A_940], %swap3A_943 {add = true, strides = array<i32>} : memref<4x8x1024xf32, #tpu.memory_space<vmem>>, vector<1x1x16xf32>,
        %get3A_944 = arith.constant 2 : i32
        %get3A_945 = arith.index_cast %get3A_944 : i32 to index
        %get3A_946 = arith.index_cast %scan3A_438 : i32 to index
        %get3A_947 = arith.constant 624 : index
        %get3A_948 = tpu.vector_load %arg10[%get3A_945, %get3A_946, %get3A_947] {strides = array<i32>} : memref<4x8x1024xf32, #tpu.memory_space<vmem>>, vector<1x1x16xf32>,
        %get3A_949 = vector.shape_cast %get3A_948 : vector<1x1x16xf32> to vector<16xf32>
        %swap3A_950 = arith.constant 2 : i32
        %swap3A_951 = arith.index_cast %swap3A_950 : i32 to index
        %swap3A_952 = arith.index_cast %scan3A_438 : i32 to index
        %swap3A_953 = arith.constant 624 : index
        %swap3A_954 = tpu.vector_load %arg9[%swap3A_951, %swap3A_952, %swap3A_953] {strides = array<i32>} : memref<4x8x1024xf32, #tpu.memory_space<vmem>>, vector<1x1x16xf32>,
        %swap3A_955 = vector.shape_cast %swap3A_954 : vector<1x1x16xf32> to vector<16xf32>
        %swap3A_956 = vector.shape_cast %get3A_949 : vector<16xf32> to vector<1x1x16xf32>
        tpu.vector_store %arg9[%swap3A_951, %swap3A_952, %swap3A_953], %swap3A_956 {add = true, strides = array<i32>} : memref<4x8x1024xf32, #tpu.memory_space<vmem>>, vector<1x1x16xf32>,
        %get3A_957 = arith.constant 2 : i32
        %get3A_958 = arith.index_cast %get3A_957 : i32 to index
        %get3A_959 = arith.index_cast %scan3A_438 : i32 to index
        %get3A_960 = arith.constant 640 : index
        %get3A_961 = tpu.vector_load %arg10[%get3A_958, %get3A_959, %get3A_960] {strides = array<i32>} : memref<4x8x1024xf32, #tpu.memory_space<vmem>>, vector<1x1x16xf32>,
        %get3A_962 = vector.shape_cast %get3A_961 : vector<1x1x16xf32> to vector<16xf32>
        %swap3A_963 = arith.constant 2 : i32
        %swap3A_964 = arith.index_cast %swap3A_963 : i32 to index
        %swap3A_965 = arith.index_cast %scan3A_438 : i32 to index
        %swap3A_966 = arith.constant 640 : index
        %swap3A_967 = tpu.vector_load %arg9[%swap3A_964, %swap3A_965, %swap3A_966] {strides = array<i32>} : memref<4x8x1024xf32, #tpu.memory_space<vmem>>, vector<1x1x16xf32>,
        %swap3A_968 = vector.shape_cast %swap3A_967 : vector<1x1x16xf32> to vector<16xf32>
        %swap3A_969 = vector.shape_cast %get3A_962 : vector<16xf32> to vector<1x1x16xf32>
        tpu.vector_store %arg9[%swap3A_964, %swap3A_965, %swap3A_966], %swap3A_969 {add = true, strides = array<i32>} : memref<4x8x1024xf32, #tpu.memory_space<vmem>>, vector<1x1x16xf32>,
        %get3A_970 = arith.constant 2 : i32
        %get3A_971 = arith.index_cast %get3A_970 : i32 to index
        %get3A_972 = arith.index_cast %scan3A_438 : i32 to index
        %get3A_973 = arith.constant 656 : index
        %get3A_974 = tpu.vector_load %arg10[%get3A_971, %get3A_972, %get3A_973] {strides = array<i32>} : memref<4x8x1024xf32, #tpu.memory_space<vmem>>, vector<1x1x16xf32>,
        %get3A_975 = vector.shape_cast %get3A_974 : vector<1x1x16xf32> to vector<16xf32>
        %swap3A_976 = arith.constant 2 : i32
        %swap3A_977 = arith.index_cast %swap3A_976 : i32 to index
        %swap3A_978 = arith.index_cast %scan3A_438 : i32 to index
        %swap3A_979 = arith.constant 656 : index
        %swap3A_980 = tpu.vector_load %arg9[%swap3A_977, %swap3A_978, %swap3A_979] {strides = array<i32>} : memref<4x8x1024xf32, #tpu.memory_space<vmem>>, vector<1x1x16xf32>,
        %swap3A_981 = vector.shape_cast %swap3A_980 : vector<1x1x16xf32> to vector<16xf32>
        %swap3A_982 = vector.shape_cast %get3A_975 : vector<16xf32> to vector<1x1x16xf32>
        tpu.vector_store %arg9[%swap3A_977, %swap3A_978, %swap3A_979], %swap3A_982 {add = true, strides = array<i32>} : memref<4x8x1024xf32, #tpu.memory_space<vmem>>, vector<1x1x16xf32>,
        %get3A_983 = arith.constant 2 : i32
        %get3A_984 = arith.index_cast %get3A_983 : i32 to index
        %get3A_985 = arith.index_cast %scan3A_438 : i32 to index
        %get3A_986 = arith.constant 672 : index
        %get3A_987 = tpu.vector_load %arg10[%get3A_984, %get3A_985, %get3A_986] {strides = array<i32>} : memref<4x8x1024xf32, #tpu.memory_space<vmem>>, vector<1x1x16xf32>,
        %get3A_988 = vector.shape_cast %get3A_987 : vector<1x1x16xf32> to vector<16xf32>
        %swap3A_989 = arith.constant 2 : i32
        %swap3A_990 = arith.index_cast %swap3A_989 : i32 to index
        %swap3A_991 = arith.index_cast %scan3A_438 : i32 to index
        %swap3A_992 = arith.constant 672 : index
        %swap3A_993 = tpu.vector_load %arg9[%swap3A_990, %swap3A_991, %swap3A_992] {strides = array<i32>} : memref<4x8x1024xf32, #tpu.memory_space<vmem>>, vector<1x1x16xf32>,
        %swap3A_994 = vector.shape_cast %swap3A_993 : vector<1x1x16xf32> to vector<16xf32>
        %swap3A_995 = vector.shape_cast %get3A_988 : vector<16xf32> to vector<1x1x16xf32>
        tpu.vector_store %arg9[%swap3A_990, %swap3A_991, %swap3A_992], %swap3A_995 {add = true, strides = array<i32>} : memref<4x8x1024xf32, #tpu.memory_space<vmem>>, vector<1x1x16xf32>,
        %get3A_996 = arith.constant 2 : i32
        %get3A_997 = arith.index_cast %get3A_996 : i32 to index
        %get3A_998 = arith.index_cast %scan3A_438 : i32 to index
        %get3A_999 = arith.constant 688 : index
        %get3A_1000 = tpu.vector_load %arg10[%get3A_997, %get3A_998, %get3A_999] {strides = array<i32>} : memref<4x8x1024xf32, #tpu.memory_space<vmem>>, vector<1x1x16xf32>,
        %get3A_1001 = vector.shape_cast %get3A_1000 : vector<1x1x16xf32> to vector<16xf32>
        %swap3A_1002 = arith.constant 2 : i32
        %swap3A_1003 = arith.index_cast %swap3A_1002 : i32 to index
        %swap3A_1004 = arith.index_cast %scan3A_438 : i32 to index
        %swap3A_1005 = arith.constant 688 : index
        %swap3A_1006 = tpu.vector_load %arg9[%swap3A_1003, %swap3A_1004, %swap3A_1005] {strides = array<i32>} : memref<4x8x1024xf32, #tpu.memory_space<vmem>>, vector<1x1x16xf32>,
        %swap3A_1007 = vector.shape_cast %swap3A_1006 : vector<1x1x16xf32> to vector<16xf32>
        %swap3A_1008 = vector.shape_cast %get3A_1001 : vector<16xf32> to vector<1x1x16xf32>
        tpu.vector_store %arg9[%swap3A_1003, %swap3A_1004, %swap3A_1005], %swap3A_1008 {add = true, strides = array<i32>} : memref<4x8x1024xf32, #tpu.memory_space<vmem>>, vector<1x1x16xf32>,
        %get3A_1009 = arith.constant 2 : i32
        %get3A_1010 = arith.index_cast %get3A_1009 : i32 to index
        %get3A_1011 = arith.index_cast %scan3A_438 : i32 to index
        %get3A_1012 = arith.constant 704 : index
        %get3A_1013 = tpu.vector_load %arg10[%get3A_1010, %get3A_1011, %get3A_1012] {strides = array<i32>} : memref<4x8x1024xf32, #tpu.memory_space<vmem>>, vector<1x1x16xf32>,
        %get3A_1014 = vector.shape_cast %get3A_1013 : vector<1x1x16xf32> to vector<16xf32>
        %swap3A_1015 = arith.constant 2 : i32
        %swap3A_1016 = arith.index_cast %swap3A_1015 : i32 to index
        %swap3A_1017 = arith.index_cast %scan3A_438 : i32 to index
        %swap3A_1018 = arith.constant 704 : index
        %swap3A_1019 = tpu.vector_load %arg9[%swap3A_1016, %swap3A_1017, %swap3A_1018] {strides = array<i32>} : memref<4x8x1024xf32, #tpu.memory_space<vmem>>, vector<1x1x16xf32>,
        %swap3A_1020 = vector.shape_cast %swap3A_1019 : vector<1x1x16xf32> to vector<16xf32>
        %swap3A_1021 = vector.shape_cast %get3A_1014 : vector<16xf32> to vector<1x1x16xf32>
        tpu.vector_store %arg9[%swap3A_1016, %swap3A_1017, %swap3A_1018], %swap3A_1021 {add = true, strides = array<i32>} : memref<4x8x1024xf32, #tpu.memory_space<vmem>>, vector<1x1x16xf32>,
        %get3A_1022 = arith.constant 2 : i32
        %get3A_1023 = arith.index_cast %get3A_1022 : i32 to index
        %get3A_1024 = arith.index_cast %scan3A_438 : i32 to index
        %get3A_1025 = arith.constant 720 : index
        %get3A_1026 = tpu.vector_load %arg10[%get3A_1023, %get3A_1024, %get3A_1025] {strides = array<i32>} : memref<4x8x1024xf32, #tpu.memory_space<vmem>>, vector<1x1x16xf32>,
        %get3A_1027 = vector.shape_cast %get3A_1026 : vector<1x1x16xf32> to vector<16xf32>
        %swap3A_1028 = arith.constant 2 : i32
        %swap3A_1029 = arith.index_cast %swap3A_1028 : i32 to index
        %swap3A_1030 = arith.index_cast %scan3A_438 : i32 to index
        %swap3A_1031 = arith.constant 720 : index
        %swap3A_1032 = tpu.vector_load %arg9[%swap3A_1029, %swap3A_1030, %swap3A_1031] {strides = array<i32>} : memref<4x8x1024xf32, #tpu.memory_space<vmem>>, vector<1x1x16xf32>,
        %swap3A_1033 = vector.shape_cast %swap3A_1032 : vector<1x1x16xf32> to vector<16xf32>
        %swap3A_1034 = vector.shape_cast %get3A_1027 : vector<16xf32> to vector<1x1x16xf32>
        tpu.vector_store %arg9[%swap3A_1029, %swap3A_1030, %swap3A_1031], %swap3A_1034 {add = true, strides = array<i32>} : memref<4x8x1024xf32, #tpu.memory_space<vmem>>, vector<1x1x16xf32>,
        %get3A_1035 = arith.constant 2 : i32
        %get3A_1036 = arith.index_cast %get3A_1035 : i32 to index
        %get3A_1037 = arith.index_cast %scan3A_438 : i32 to index
        %get3A_1038 = arith.constant 736 : index
        %get3A_1039 = tpu.vector_load %arg10[%get3A_1036, %get3A_1037, %get3A_1038] {strides = array<i32>} : memref<4x8x1024xf32, #tpu.memory_space<vmem>>, vector<1x1x16xf32>,
        %get3A_1040 = vector.shape_cast %get3A_1039 : vector<1x1x16xf32> to vector<16xf32>
        %swap3A_1041 = arith.constant 2 : i32
        %swap3A_1042 = arith.index_cast %swap3A_1041 : i32 to index
        %swap3A_1043 = arith.index_cast %scan3A_438 : i32 to index
        %swap3A_1044 = arith.constant 736 : index
        %swap3A_1045 = tpu.vector_load %arg9[%swap3A_1042, %swap3A_1043, %swap3A_1044] {strides = array<i32>} : memref<4x8x1024xf32, #tpu.memory_space<vmem>>, vector<1x1x16xf32>,
        %swap3A_1046 = vector.shape_cast %swap3A_1045 : vector<1x1x16xf32> to vector<16xf32>
        %swap3A_1047 = vector.shape_cast %get3A_1040 : vector<16xf32> to vector<1x1x16xf32>
        tpu.vector_store %arg9[%swap3A_1042, %swap3A_1043, %swap3A_1044], %swap3A_1047 {add = true, strides = array<i32>} : memref<4x8x1024xf32, #tpu.memory_space<vmem>>, vector<1x1x16xf32>,
        %get3A_1048 = arith.constant 2 : i32
        %get3A_1049 = arith.index_cast %get3A_1048 : i32 to index
        %get3A_1050 = arith.index_cast %scan3A_438 : i32 to index
        %get3A_1051 = arith.constant 752 : index
        %get3A_1052 = tpu.vector_load %arg10[%get3A_1049, %get3A_1050, %get3A_1051] {strides = array<i32>} : memref<4x8x1024xf32, #tpu.memory_space<vmem>>, vector<1x1x16xf32>,
        %get3A_1053 = vector.shape_cast %get3A_1052 : vector<1x1x16xf32> to vector<16xf32>
        %swap3A_1054 = arith.constant 2 : i32
        %swap3A_1055 = arith.index_cast %swap3A_1054 : i32 to index
        %swap3A_1056 = arith.index_cast %scan3A_438 : i32 to index
        %swap3A_1057 = arith.constant 752 : index
        %swap3A_1058 = tpu.vector_load %arg9[%swap3A_1055, %swap3A_1056, %swap3A_1057] {strides = array<i32>} : memref<4x8x1024xf32, #tpu.memory_space<vmem>>, vector<1x1x16xf32>,
        %swap3A_1059 = vector.shape_cast %swap3A_1058 : vector<1x1x16xf32> to vector<16xf32>
        %swap3A_1060 = vector.shape_cast %get3A_1053 : vector<16xf32> to vector<1x1x16xf32>
        tpu.vector_store %arg9[%swap3A_1055, %swap3A_1056, %swap3A_1057], %swap3A_1060 {add = true, strides = array<i32>} : memref<4x8x1024xf32, #tpu.memory_space<vmem>>, vector<1x1x16xf32>,
        %get3A_1061 = arith.constant 2 : i32
        %get3A_1062 = arith.index_cast %get3A_1061 : i32 to index
        %get3A_1063 = arith.index_cast %scan3A_438 : i32 to index
        %get3A_1064 = arith.constant 768 : index
        %get3A_1065 = tpu.vector_load %arg10[%get3A_1062, %get3A_1063, %get3A_1064] {strides = array<i32>} : memref<4x8x1024xf32, #tpu.memory_space<vmem>>, vector<1x1x16xf32>,
        %get3A_1066 = vector.shape_cast %get3A_1065 : vector<1x1x16xf32> to vector<16xf32>
        %swap3A_1067 = arith.constant 2 : i32
        %swap3A_1068 = arith.index_cast %swap3A_1067 : i32 to index
        %swap3A_1069 = arith.index_cast %scan3A_438 : i32 to index
        %swap3A_1070 = arith.constant 768 : index
        %swap3A_1071 = tpu.vector_load %arg9[%swap3A_1068, %swap3A_1069, %swap3A_1070] {strides = array<i32>} : memref<4x8x1024xf32, #tpu.memory_space<vmem>>, vector<1x1x16xf32>,
        %swap3A_1072 = vector.shape_cast %swap3A_1071 : vector<1x1x16xf32> to vector<16xf32>
        %swap3A_1073 = vector.shape_cast %get3A_1066 : vector<16xf32> to vector<1x1x16xf32>
        tpu.vector_store %arg9[%swap3A_1068, %swap3A_1069, %swap3A_1070], %swap3A_1073 {add = true, strides = array<i32>} : memref<4x8x1024xf32, #tpu.memory_space<vmem>>, vector<1x1x16xf32>,
        %get3A_1074 = arith.constant 2 : i32
        %get3A_1075 = arith.index_cast %get3A_1074 : i32 to index
        %get3A_1076 = arith.index_cast %scan3A_438 : i32 to index
        %get3A_1077 = arith.constant 784 : index
        %get3A_1078 = tpu.vector_load %arg10[%get3A_1075, %get3A_1076, %get3A_1077] {strides = array<i32>} : memref<4x8x1024xf32, #tpu.memory_space<vmem>>, vector<1x1x16xf32>,
        %get3A_1079 = vector.shape_cast %get3A_1078 : vector<1x1x16xf32> to vector<16xf32>
        %swap3A_1080 = arith.constant 2 : i32
        %swap3A_1081 = arith.index_cast %swap3A_1080 : i32 to index
        %swap3A_1082 = arith.index_cast %scan3A_438 : i32 to index
        %swap3A_1083 = arith.constant 784 : index
        %swap3A_1084 = tpu.vector_load %arg9[%swap3A_1081, %swap3A_1082, %swap3A_1083] {strides = array<i32>} : memref<4x8x1024xf32, #tpu.memory_space<vmem>>, vector<1x1x16xf32>,
        %swap3A_1085 = vector.shape_cast %swap3A_1084 : vector<1x1x16xf32> to vector<16xf32>
        %swap3A_1086 = vector.shape_cast %get3A_1079 : vector<16xf32> to vector<1x1x16xf32>
        tpu.vector_store %arg9[%swap3A_1081, %swap3A_1082, %swap3A_1083], %swap3A_1086 {add = true, strides = array<i32>} : memref<4x8x1024xf32, #tpu.memory_space<vmem>>, vector<1x1x16xf32>,
        %get3A_1087 = arith.constant 2 : i32
        %get3A_1088 = arith.index_cast %get3A_1087 : i32 to index
        %get3A_1089 = arith.index_cast %scan3A_438 : i32 to index
        %get3A_1090 = arith.constant 800 : index
        %get3A_1091 = tpu.vector_load %arg10[%get3A_1088, %get3A_1089, %get3A_1090] {strides = array<i32>} : memref<4x8x1024xf32, #tpu.memory_space<vmem>>, vector<1x1x16xf32>,
        %get3A_1092 = vector.shape_cast %get3A_1091 : vector<1x1x16xf32> to vector<16xf32>
        %swap3A_1093 = arith.constant 2 : i32
        %swap3A_1094 = arith.index_cast %swap3A_1093 : i32 to index
        %swap3A_1095 = arith.index_cast %scan3A_438 : i32 to index
        %swap3A_1096 = arith.constant 800 : index
        %swap3A_1097 = tpu.vector_load %arg9[%swap3A_1094, %swap3A_1095, %swap3A_1096] {strides = array<i32>} : memref<4x8x1024xf32, #tpu.memory_space<vmem>>, vector<1x1x16xf32>,
        %swap3A_1098 = vector.shape_cast %swap3A_1097 : vector<1x1x16xf32> to vector<16xf32>
        %swap3A_1099 = vector.shape_cast %get3A_1092 : vector<16xf32> to vector<1x1x16xf32>
        tpu.vector_store %arg9[%swap3A_1094, %swap3A_1095, %swap3A_1096], %swap3A_1099 {add = true, strides = array<i32>} : memref<4x8x1024xf32, #tpu.memory_space<vmem>>, vector<1x1x16xf32>,
        %get3A_1100 = arith.constant 2 : i32
        %get3A_1101 = arith.index_cast %get3A_1100 : i32 to index
        %get3A_1102 = arith.index_cast %scan3A_438 : i32 to index
        %get3A_1103 = arith.constant 816 : index
        %get3A_1104 = tpu.vector_load %arg10[%get3A_1101, %get3A_1102, %get3A_1103] {strides = array<i32>} : memref<4x8x1024xf32, #tpu.memory_space<vmem>>, vector<1x1x16xf32>,
        %get3A_1105 = vector.shape_cast %get3A_1104 : vector<1x1x16xf32> to vector<16xf32>
        %swap3A_1106 = arith.constant 2 : i32
        %swap3A_1107 = arith.index_cast %swap3A_1106 : i32 to index
        %swap3A_1108 = arith.index_cast %scan3A_438 : i32 to index
        %swap3A_1109 = arith.constant 816 : index
        %swap3A_1110 = tpu.vector_load %arg9[%swap3A_1107, %swap3A_1108, %swap3A_1109] {strides = array<i32>} : memref<4x8x1024xf32, #tpu.memory_space<vmem>>, vector<1x1x16xf32>,
        %swap3A_1111 = vector.shape_cast %swap3A_1110 : vector<1x1x16xf32> to vector<16xf32>
        %swap3A_1112 = vector.shape_cast %get3A_1105 : vector<16xf32> to vector<1x1x16xf32>
        tpu.vector_store %arg9[%swap3A_1107, %swap3A_1108, %swap3A_1109], %swap3A_1112 {add = true, strides = array<i32>} : memref<4x8x1024xf32, #tpu.memory_space<vmem>>, vector<1x1x16xf32>,
        %get3A_1113 = arith.constant 2 : i32
        %get3A_1114 = arith.index_cast %get3A_1113 : i32 to index
        %get3A_1115 = arith.index_cast %scan3A_438 : i32 to index
        %get3A_1116 = arith.constant 832 : index
        %get3A_1117 = tpu.vector_load %arg10[%get3A_1114, %get3A_1115, %get3A_1116] {strides = array<i32>} : memref<4x8x1024xf32, #tpu.memory_space<vmem>>, vector<1x1x16xf32>,
        %get3A_1118 = vector.shape_cast %get3A_1117 : vector<1x1x16xf32> to vector<16xf32>
        %swap3A_1119 = arith.constant 2 : i32
        %swap3A_1120 = arith.index_cast %swap3A_1119 : i32 to index
        %swap3A_1121 = arith.index_cast %scan3A_438 : i32 to index
        %swap3A_1122 = arith.constant 832 : index
        %swap3A_1123 = tpu.vector_load %arg9[%swap3A_1120, %swap3A_1121, %swap3A_1122] {strides = array<i32>} : memref<4x8x1024xf32, #tpu.memory_space<vmem>>, vector<1x1x16xf32>,
        %swap3A_1124 = vector.shape_cast %swap3A_1123 : vector<1x1x16xf32> to vector<16xf32>
        %swap3A_1125 = vector.shape_cast %get3A_1118 : vector<16xf32> to vector<1x1x16xf32>
        tpu.vector_store %arg9[%swap3A_1120, %swap3A_1121, %swap3A_1122], %swap3A_1125 {add = true, strides = array<i32>} : memref<4x8x1024xf32, #tpu.memory_space<vmem>>, vector<1x1x16xf32>,
        %get3A_1126 = arith.constant 2 : i32
        %get3A_1127 = arith.index_cast %get3A_1126 : i32 to index
        %get3A_1128 = arith.index_cast %scan3A_438 : i32 to index
        %get3A_1129 = arith.constant 848 : index
        %get3A_1130 = tpu.vector_load %arg10[%get3A_1127, %get3A_1128, %get3A_1129] {strides = array<i32>} : memref<4x8x1024xf32, #tpu.memory_space<vmem>>, vector<1x1x16xf32>,
        %get3A_1131 = vector.shape_cast %get3A_1130 : vector<1x1x16xf32> to vector<16xf32>
        %swap3A_1132 = arith.constant 2 : i32
        %swap3A_1133 = arith.index_cast %swap3A_1132 : i32 to index
        %swap3A_1134 = arith.index_cast %scan3A_438 : i32 to index
        %swap3A_1135 = arith.constant 848 : index
        %swap3A_1136 = tpu.vector_load %arg9[%swap3A_1133, %swap3A_1134, %swap3A_1135] {strides = array<i32>} : memref<4x8x1024xf32, #tpu.memory_space<vmem>>, vector<1x1x16xf32>,
        %swap3A_1137 = vector.shape_cast %swap3A_1136 : vector<1x1x16xf32> to vector<16xf32>
        %swap3A_1138 = vector.shape_cast %get3A_1131 : vector<16xf32> to vector<1x1x16xf32>
        tpu.vector_store %arg9[%swap3A_1133, %swap3A_1134, %swap3A_1135], %swap3A_1138 {add = true, strides = array<i32>} : memref<4x8x1024xf32, #tpu.memory_space<vmem>>, vector<1x1x16xf32>,
        %get3A_1139 = arith.constant 2 : i32
        %get3A_1140 = arith.index_cast %get3A_1139 : i32 to index
        %get3A_1141 = arith.index_cast %scan3A_438 : i32 to index
        %get3A_1142 = arith.constant 864 : index
        %get3A_1143 = tpu.vector_load %arg10[%get3A_1140, %get3A_1141, %get3A_1142] {strides = array<i32>} : memref<4x8x1024xf32, #tpu.memory_space<vmem>>, vector<1x1x16xf32>,
        %get3A_1144 = vector.shape_cast %get3A_1143 : vector<1x1x16xf32> to vector<16xf32>
        %swap3A_1145 = arith.constant 2 : i32
        %swap3A_1146 = arith.index_cast %swap3A_1145 : i32 to index
        %swap3A_1147 = arith.index_cast %scan3A_438 : i32 to index
        %swap3A_1148 = arith.constant 864 : index
        %swap3A_1149 = tpu.vector_load %arg9[%swap3A_1146, %swap3A_1147, %swap3A_1148] {strides = array<i32>} : memref<4x8x1024xf32, #tpu.memory_space<vmem>>, vector<1x1x16xf32>,
        %swap3A_1150 = vector.shape_cast %swap3A_1149 : vector<1x1x16xf32> to vector<16xf32>
        %swap3A_1151 = vector.shape_cast %get3A_1144 : vector<16xf32> to vector<1x1x16xf32>
        tpu.vector_store %arg9[%swap3A_1146, %swap3A_1147, %swap3A_1148], %swap3A_1151 {add = true, strides = array<i32>} : memref<4x8x1024xf32, #tpu.memory_space<vmem>>, vector<1x1x16xf32>,
        %get3A_1152 = arith.constant 2 : i32
        %get3A_1153 = arith.index_cast %get3A_1152 : i32 to index
        %get3A_1154 = arith.index_cast %scan3A_438 : i32 to index
        %get3A_1155 = arith.constant 880 : index
        %get3A_1156 = tpu.vector_load %arg10[%get3A_1153, %get3A_1154, %get3A_1155] {strides = array<i32>} : memref<4x8x1024xf32, #tpu.memory_space<vmem>>, vector<1x1x16xf32>,
        %get3A_1157 = vector.shape_cast %get3A_1156 : vector<1x1x16xf32> to vector<16xf32>
        %swap3A_1158 = arith.constant 2 : i32
        %swap3A_1159 = arith.index_cast %swap3A_1158 : i32 to index
        %swap3A_1160 = arith.index_cast %scan3A_438 : i32 to index
        %swap3A_1161 = arith.constant 880 : index
        %swap3A_1162 = tpu.vector_load %arg9[%swap3A_1159, %swap3A_1160, %swap3A_1161] {strides = array<i32>} : memref<4x8x1024xf32, #tpu.memory_space<vmem>>, vector<1x1x16xf32>,
        %swap3A_1163 = vector.shape_cast %swap3A_1162 : vector<1x1x16xf32> to vector<16xf32>
        %swap3A_1164 = vector.shape_cast %get3A_1157 : vector<16xf32> to vector<1x1x16xf32>
        tpu.vector_store %arg9[%swap3A_1159, %swap3A_1160, %swap3A_1161], %swap3A_1164 {add = true, strides = array<i32>} : memref<4x8x1024xf32, #tpu.memory_space<vmem>>, vector<1x1x16xf32>,
        %get3A_1165 = arith.constant 2 : i32
        %get3A_1166 = arith.index_cast %get3A_1165 : i32 to index
        %get3A_1167 = arith.index_cast %scan3A_438 : i32 to index
        %get3A_1168 = arith.constant 896 : index
        %get3A_1169 = tpu.vector_load %arg10[%get3A_1166, %get3A_1167, %get3A_1168] {strides = array<i32>} : memref<4x8x1024xf32, #tpu.memory_space<vmem>>, vector<1x1x16xf32>,
        %get3A_1170 = vector.shape_cast %get3A_1169 : vector<1x1x16xf32> to vector<16xf32>
        %swap3A_1171 = arith.constant 2 : i32
        %swap3A_1172 = arith.index_cast %swap3A_1171 : i32 to index
        %swap3A_1173 = arith.index_cast %scan3A_438 : i32 to index
        %swap3A_1174 = arith.constant 896 : index
        %swap3A_1175 = tpu.vector_load %arg9[%swap3A_1172, %swap3A_1173, %swap3A_1174] {strides = array<i32>} : memref<4x8x1024xf32, #tpu.memory_space<vmem>>, vector<1x1x16xf32>,
        %swap3A_1176 = vector.shape_cast %swap3A_1175 : vector<1x1x16xf32> to vector<16xf32>
        %swap3A_1177 = vector.shape_cast %get3A_1170 : vector<16xf32> to vector<1x1x16xf32>
        tpu.vector_store %arg9[%swap3A_1172, %swap3A_1173, %swap3A_1174], %swap3A_1177 {add = true, strides = array<i32>} : memref<4x8x1024xf32, #tpu.memory_space<vmem>>, vector<1x1x16xf32>,
        %get3A_1178 = arith.constant 2 : i32
        %get3A_1179 = arith.index_cast %get3A_1178 : i32 to index
        %get3A_1180 = arith.index_cast %scan3A_438 : i32 to index
        %get3A_1181 = arith.constant 912 : index
        %get3A_1182 = tpu.vector_load %arg10[%get3A_1179, %get3A_1180, %get3A_1181] {strides = array<i32>} : memref<4x8x1024xf32, #tpu.memory_space<vmem>>, vector<1x1x16xf32>,
        %get3A_1183 = vector.shape_cast %get3A_1182 : vector<1x1x16xf32> to vector<16xf32>
        %swap3A_1184 = arith.constant 2 : i32
        %swap3A_1185 = arith.index_cast %swap3A_1184 : i32 to index
        %swap3A_1186 = arith.index_cast %scan3A_438 : i32 to index
        %swap3A_1187 = arith.constant 912 : index
        %swap3A_1188 = tpu.vector_load %arg9[%swap3A_1185, %swap3A_1186, %swap3A_1187] {strides = array<i32>} : memref<4x8x1024xf32, #tpu.memory_space<vmem>>, vector<1x1x16xf32>,
        %swap3A_1189 = vector.shape_cast %swap3A_1188 : vector<1x1x16xf32> to vector<16xf32>
        %swap3A_1190 = vector.shape_cast %get3A_1183 : vector<16xf32> to vector<1x1x16xf32>
        tpu.vector_store %arg9[%swap3A_1185, %swap3A_1186, %swap3A_1187], %swap3A_1190 {add = true, strides = array<i32>} : memref<4x8x1024xf32, #tpu.memory_space<vmem>>, vector<1x1x16xf32>,
        %get3A_1191 = arith.constant 2 : i32
        %get3A_1192 = arith.index_cast %get3A_1191 : i32 to index
        %get3A_1193 = arith.index_cast %scan3A_438 : i32 to index
        %get3A_1194 = arith.constant 928 : index
        %get3A_1195 = tpu.vector_load %arg10[%get3A_1192, %get3A_1193, %get3A_1194] {strides = array<i32>} : memref<4x8x1024xf32, #tpu.memory_space<vmem>>, vector<1x1x16xf32>,
        %get3A_1196 = vector.shape_cast %get3A_1195 : vector<1x1x16xf32> to vector<16xf32>
        %swap3A_1197 = arith.constant 2 : i32
        %swap3A_1198 = arith.index_cast %swap3A_1197 : i32 to index
        %swap3A_1199 = arith.index_cast %scan3A_438 : i32 to index
        %swap3A_1200 = arith.constant 928 : index
        %swap3A_1201 = tpu.vector_load %arg9[%swap3A_1198, %swap3A_1199, %swap3A_1200] {strides = array<i32>} : memref<4x8x1024xf32, #tpu.memory_space<vmem>>, vector<1x1x16xf32>,
        %swap3A_1202 = vector.shape_cast %swap3A_1201 : vector<1x1x16xf32> to vector<16xf32>
        %swap3A_1203 = vector.shape_cast %get3A_1196 : vector<16xf32> to vector<1x1x16xf32>
        tpu.vector_store %arg9[%swap3A_1198, %swap3A_1199, %swap3A_1200], %swap3A_1203 {add = true, strides = array<i32>} : memref<4x8x1024xf32, #tpu.memory_space<vmem>>, vector<1x1x16xf32>,
        %get3A_1204 = arith.constant 2 : i32
        %get3A_1205 = arith.index_cast %get3A_1204 : i32 to index
        %get3A_1206 = arith.index_cast %scan3A_438 : i32 to index
        %get3A_1207 = arith.constant 944 : index
        %get3A_1208 = tpu.vector_load %arg10[%get3A_1205, %get3A_1206, %get3A_1207] {strides = array<i32>} : memref<4x8x1024xf32, #tpu.memory_space<vmem>>, vector<1x1x16xf32>,
        %get3A_1209 = vector.shape_cast %get3A_1208 : vector<1x1x16xf32> to vector<16xf32>
        %swap3A_1210 = arith.constant 2 : i32
        %swap3A_1211 = arith.index_cast %swap3A_1210 : i32 to index
        %swap3A_1212 = arith.index_cast %scan3A_438 : i32 to index
        %swap3A_1213 = arith.constant 944 : index
        %swap3A_1214 = tpu.vector_load %arg9[%swap3A_1211, %swap3A_1212, %swap3A_1213] {strides = array<i32>} : memref<4x8x1024xf32, #tpu.memory_space<vmem>>, vector<1x1x16xf32>,
        %swap3A_1215 = vector.shape_cast %swap3A_1214 : vector<1x1x16xf32> to vector<16xf32>
        %swap3A_1216 = vector.shape_cast %get3A_1209 : vector<16xf32> to vector<1x1x16xf32>
        tpu.vector_store %arg9[%swap3A_1211, %swap3A_1212, %swap3A_1213], %swap3A_1216 {add = true, strides = array<i32>} : memref<4x8x1024xf32, #tpu.memory_space<vmem>>, vector<1x1x16xf32>,
        %get3A_1217 = arith.constant 2 : i32
        %get3A_1218 = arith.index_cast %get3A_1217 : i32 to index
        %get3A_1219 = arith.index_cast %scan3A_438 : i32 to index
        %get3A_1220 = arith.constant 960 : index
        %get3A_1221 = tpu.vector_load %arg10[%get3A_1218, %get3A_1219, %get3A_1220] {strides = array<i32>} : memref<4x8x1024xf32, #tpu.memory_space<vmem>>, vector<1x1x16xf32>,
        %get3A_1222 = vector.shape_cast %get3A_1221 : vector<1x1x16xf32> to vector<16xf32>
        %swap3A_1223 = arith.constant 2 : i32
        %swap3A_1224 = arith.index_cast %swap3A_1223 : i32 to index
        %swap3A_1225 = arith.index_cast %scan3A_438 : i32 to index
        %swap3A_1226 = arith.constant 960 : index
        %swap3A_1227 = tpu.vector_load %arg9[%swap3A_1224, %swap3A_1225, %swap3A_1226] {strides = array<i32>} : memref<4x8x1024xf32, #tpu.memory_space<vmem>>, vector<1x1x16xf32>,
        %swap3A_1228 = vector.shape_cast %swap3A_1227 : vector<1x1x16xf32> to vector<16xf32>
        %swap3A_1229 = vector.shape_cast %get3A_1222 : vector<16xf32> to vector<1x1x16xf32>
        tpu.vector_store %arg9[%swap3A_1224, %swap3A_1225, %swap3A_1226], %swap3A_1229 {add = true, strides = array<i32>} : memref<4x8x1024xf32, #tpu.memory_space<vmem>>, vector<1x1x16xf32>,
        %get3A_1230 = arith.constant 2 : i32
        %get3A_1231 = arith.index_cast %get3A_1230 : i32 to index
        %get3A_1232 = arith.index_cast %scan3A_438 : i32 to index
        %get3A_1233 = arith.constant 976 : index
        %get3A_1234 = tpu.vector_load %arg10[%get3A_1231, %get3A_1232, %get3A_1233] {strides = array<i32>} : memref<4x8x1024xf32, #tpu.memory_space<vmem>>, vector<1x1x16xf32>,
        %get3A_1235 = vector.shape_cast %get3A_1234 : vector<1x1x16xf32> to vector<16xf32>
        %swap3A_1236 = arith.constant 2 : i32
        %swap3A_1237 = arith.index_cast %swap3A_1236 : i32 to index
        %swap3A_1238 = arith.index_cast %scan3A_438 : i32 to index
        %swap3A_1239 = arith.constant 976 : index
        %swap3A_1240 = tpu.vector_load %arg9[%swap3A_1237, %swap3A_1238, %swap3A_1239] {strides = array<i32>} : memref<4x8x1024xf32, #tpu.memory_space<vmem>>, vector<1x1x16xf32>,
        %swap3A_1241 = vector.shape_cast %swap3A_1240 : vector<1x1x16xf32> to vector<16xf32>
        %swap3A_1242 = vector.shape_cast %get3A_1235 : vector<16xf32> to vector<1x1x16xf32>
        tpu.vector_store %arg9[%swap3A_1237, %swap3A_1238, %swap3A_1239], %swap3A_1242 {add = true, strides = array<i32>} : memref<4x8x1024xf32, #tpu.memory_space<vmem>>, vector<1x1x16xf32>,
        %get3A_1243 = arith.constant 2 : i32
        %get3A_1244 = arith.index_cast %get3A_1243 : i32 to index
        %get3A_1245 = arith.index_cast %scan3A_438 : i32 to index
        %get3A_1246 = arith.constant 992 : index
        %get3A_1247 = tpu.vector_load %arg10[%get3A_1244, %get3A_1245, %get3A_1246] {strides = array<i32>} : memref<4x8x1024xf32, #tpu.memory_space<vmem>>, vector<1x1x16xf32>,
        %get3A_1248 = vector.shape_cast %get3A_1247 : vector<1x1x16xf32> to vector<16xf32>
        %swap3A_1249 = arith.constant 2 : i32
        %swap3A_1250 = arith.index_cast %swap3A_1249 : i32 to index
        %swap3A_1251 = arith.index_cast %scan3A_438 : i32 to index
        %swap3A_1252 = arith.constant 992 : index
        %swap3A_1253 = tpu.vector_load %arg9[%swap3A_1250, %swap3A_1251, %swap3A_1252] {strides = array<i32>} : memref<4x8x1024xf32, #tpu.memory_space<vmem>>, vector<1x1x16xf32>,
        %swap3A_1254 = vector.shape_cast %swap3A_1253 : vector<1x1x16xf32> to vector<16xf32>
        %swap3A_1255 = vector.shape_cast %get3A_1248 : vector<16xf32> to vector<1x1x16xf32>
        tpu.vector_store %arg9[%swap3A_1250, %swap3A_1251, %swap3A_1252], %swap3A_1255 {add = true, strides = array<i32>} : memref<4x8x1024xf32, #tpu.memory_space<vmem>>, vector<1x1x16xf32>,
        %get3A_1256 = arith.constant 2 : i32
        %get3A_1257 = arith.index_cast %get3A_1256 : i32 to index
        %get3A_1258 = arith.index_cast %scan3A_438 : i32 to index
        %get3A_1259 = arith.constant 1008 : index
        %get3A_1260 = tpu.vector_load %arg10[%get3A_1257, %get3A_1258, %get3A_1259] {strides = array<i32>} : memref<4x8x1024xf32, #tpu.memory_space<vmem>>, vector<1x1x16xf32>,
        %get3A_1261 = vector.shape_cast %get3A_1260 : vector<1x1x16xf32> to vector<16xf32>
        %swap3A_1262 = arith.constant 2 : i32
        %swap3A_1263 = arith.index_cast %swap3A_1262 : i32 to index
        %swap3A_1264 = arith.index_cast %scan3A_438 : i32 to index
        %swap3A_1265 = arith.constant 1008 : index
        %swap3A_1266 = tpu.vector_load %arg9[%swap3A_1263, %swap3A_1264, %swap3A_1265] {strides = array<i32>} : memref<4x8x1024xf32, #tpu.memory_space<vmem>>, vector<1x1x16xf32>,
        %swap3A_1267 = vector.shape_cast %swap3A_1266 : vector<1x1x16xf32> to vector<16xf32>
        %swap3A_1268 = vector.shape_cast %get3A_1261 : vector<16xf32> to vector<1x1x16xf32>
        tpu.vector_store %arg9[%swap3A_1263, %swap3A_1264, %swap3A_1265], %swap3A_1268 {add = true, strides = array<i32>} : memref<4x8x1024xf32, #tpu.memory_space<vmem>>, vector<1x1x16xf32>,
      }
      %scan3A_354 = arith.constant 8 : i32
      %mul3A_355 = arith.constant 8 : i32
      %mul3A_356 = arith.muli %add3A_311, %mul3A_355 : i32
      %add3A_357 = arith.addi %mul3A_32, %mul3A_356 : i32
      %dma_start3A_358 = arith.constant 2 : i32
      %dma_start3A_359 = arith.constant 0 : i32
      %dma_start3A_360 = arith.constant 0 : i32
      %dma_start3A_361 = tpu.memref_slice %arg9[%dma_start3A_358, %dma_start3A_359, %dma_start3A_360] : memref<4x8x1024xf32, #tpu.memory_space<vmem>> -> memref<1x8x1024xf32, #tpu.memory_space<vmem>>
      %dma_start3A_362 = tpu.memref_squeeze %dma_start3A_361 : memref<1x8x1024xf32, #tpu.memory_space<vmem>> -> memref<8x1024xf32, #tpu.memory_space<vmem>>
      %dma_start3A_363 = arith.constant 0 : i32
      %dma_start3A_364 = tpu.memref_slice %arg6[%add3A_357, %select_n3A, %dma_start3A_363] : memref<4096x4x1024xf32, #tpu.memory_space<hbm>> -> memref<8x1x1024xf32, #tpu.memory_space<hbm>>
      %dma_start3A_365 = tpu.memref_squeeze %dma_start3A_364 : memref<8x1x1024xf32, #tpu.memory_space<hbm>> -> memref<8x1024xf32, #tpu.memory_space<hbm>>
      %dma_start3A_366 = arith.constant 0 : i32
      %dma_start3A_367 = tpu.memref_slice %arg6[%add3A_357, %select_n3A, %dma_start3A_366] : memref<4096x4x1024xf32, #tpu.memory_space<hbm>> -> memref<8x1x1024xf32, #tpu.memory_space<hbm>>
      %dma_start3A_368 = tpu.memref_squeeze %dma_start3A_367 : memref<8x1x1024xf32, #tpu.memory_space<hbm>> -> memref<8x1024xf32, #tpu.memory_space<hbm>>
      %dma_start3A_369 = arith.constant 0 : i32
      %dma_start3A_370 = arith.constant 0 : i32
      %dma_start3A_371 = tpu.memref_slice %arg9[%dma_start3A_358, %dma_start3A_369, %dma_start3A_370] : memref<4x8x1024xf32, #tpu.memory_space<vmem>> -> memref<1x8x1024xf32, #tpu.memory_space<vmem>>
      %dma_start3A_372 = tpu.memref_squeeze %dma_start3A_371 : memref<1x8x1024xf32, #tpu.memory_space<vmem>> -> memref<8x1024xf32, #tpu.memory_space<vmem>>
      tpu.enqueue_dma source(%dma_start3A_372 : memref<8x1024xf32, #tpu.memory_space<vmem>>) target(%dma_start3A_368 : memref<8x1024xf32, #tpu.memory_space<hbm>>) target_semaphore(%arg17 : memref<!tpu.dma_semaphore, #tpu.memory_space<semaphore_mem>>)
      %mul3A_373 = arith.constant 4 : i32
      %mul3A_374 = arith.muli %scan3A_180, %mul3A_373 : i32
      %add3A_375 = arith.constant 3 : i32
      %add3A_376 = arith.addi %mul3A_374, %add3A_375 : i32
      %mul3A_377 = arith.constant 8 : i32
      %mul3A_378 = arith.muli %add3A_376, %mul3A_377 : i32
      %dma_wait3A_379 = arith.constant 3 : i32
      %dma_wait3A_380 = arith.constant 0 : i32
      %dma_wait3A_381 = arith.constant 0 : i32
      %dma_wait3A_382 = tpu.memref_slice %arg9[%dma_wait3A_379, %dma_wait3A_380, %dma_wait3A_381] : memref<4x8x1024xf32, #tpu.memory_space<vmem>> -> memref<1x8x1024xf32, #tpu.memory_space<vmem>>
      %dma_wait3A_383 = tpu.memref_squeeze %dma_wait3A_382 : memref<1x8x1024xf32, #tpu.memory_space<vmem>> -> memref<8x1024xf32, #tpu.memory_space<vmem>>
      %dma_wait3A_384 = tpu.memref_slice %arg7[%mul3A_378] : memref<512xi32, #tpu.memory_space<vmem>> -> memref<8xi32, #tpu.memory_space<vmem>>
      %dma_wait3A_385 = arith.constant 0 : i32
      %dma_wait3A_386 = arith.constant 0 : i32
      %dma_wait3A_387 = tpu.memref_slice %arg4[%dma_wait3A_385, %dma_wait3A_386] : memref<100000x1024xf32, #tpu.memory_space<hbm>> -> memref<100000x1024xf32, #tpu.memory_space<hbm>>
      tpu.wait_indirect_dma semaphore(%arg14 : memref<!tpu.dma_semaphore, #tpu.memory_space<semaphore_mem>>) src(%dma_wait3A_387 : memref<100000x1024xf32, #tpu.memory_space<hbm>>) dst(%dma_wait3A_383 : memref<8x1024xf32, #tpu.memory_space<vmem>>)
      %dma_wait3A_388 = arith.constant 3 : i32
      %dma_wait3A_389 = arith.constant 0 : i32
      %dma_wait3A_390 = arith.constant 0 : i32
      %dma_wait3A_391 = tpu.memref_slice %arg10[%dma_wait3A_388, %dma_wait3A_389, %dma_wait3A_390] : memref<4x8x1024xf32, #tpu.memory_space<vmem>> -> memref<1x8x1024xf32, #tpu.memory_space<vmem>>
      %dma_wait3A_392 = tpu.memref_squeeze %dma_wait3A_391 : memref<1x8x1024xf32, #tpu.memory_space<vmem>> -> memref<8x1024xf32, #tpu.memory_space<vmem>>
      %dma_wait3A_393 = tpu.memref_slice %arg8[%mul3A_378] : memref<512xi32, #tpu.memory_space<vmem>> -> memref<8xi32, #tpu.memory_space<vmem>>
      %dma_wait3A_394 = arith.constant 0 : i32
      %dma_wait3A_395 = arith.constant 0 : i32
      %dma_wait3A_396 = tpu.memref_slice %arg5[%dma_wait3A_394, %dma_wait3A_395] : memref<8192x1024xf32, #tpu.memory_space<hbm>> -> memref<8192x1024xf32, #tpu.memory_space<hbm>>
      tpu.wait_indirect_dma semaphore(%arg14 : memref<!tpu.dma_semaphore, #tpu.memory_space<semaphore_mem>>) src(%dma_wait3A_396 : memref<8192x1024xf32, #tpu.memory_space<hbm>>) dst(%dma_wait3A_392 : memref<8x1024xf32, #tpu.memory_space<vmem>>)
      %add3A_397 = arith.constant 4 : i32
      %add3A_398 = arith.addi %add3A_376, %add3A_397 : i32
      %sub3A_399 = arith.constant 1 : i32
      %sub3A_400 = arith.subi %add3A_398, %sub3A_399 : i32
      %ge3A_401 = arith.constant 1 : i32
      %ge3A_402 = arith.cmpi sge, %add3A_376, %ge3A_401 : i32
      %lt3A_403 = arith.constant 64 : i32
      %lt3A_404 = arith.cmpi slt, %sub3A_400, %lt3A_403 : i32
      %and3A_405 = arith.andi %ge3A_402, %lt3A_404 : i1
      %convert_element_type3A_406 = arith.extui %and3A_405 : i1 to i32
      %cond3A_407 = arith.constant 0 : i32
      %cond3A_408 = arith.cmpi ne, %convert_element_type3A_406, %cond3A_407 : i32
      scf.if %cond3A_408 {
        %sub3A_438 = arith.constant 1 : i32
        %sub3A_439 = arith.subi %add3A_376, %sub3A_438 : i32
        %mul3A_440 = arith.constant 8 : i32
        %mul3A_441 = arith.muli %sub3A_439, %mul3A_440 : i32
        %add3A_442 = arith.addi %mul3A_32, %mul3A_441 : i32
        %dma_wait3A_443 = arith.constant 2 : i32
        %dma_wait3A_444 = arith.constant 0 : i32
        %dma_wait3A_445 = arith.constant 0 : i32
        %dma_wait3A_446 = tpu.memref_slice %arg9[%dma_wait3A_443, %dma_wait3A_444, %dma_wait3A_445] : memref<4x8x1024xf32, #tpu.memory_space<vmem>> -> memref<1x8x1024xf32, #tpu.memory_space<vmem>>
        %dma_wait3A_447 = tpu.memref_squeeze %dma_wait3A_446 : memref<1x8x1024xf32, #tpu.memory_space<vmem>> -> memref<8x1024xf32, #tpu.memory_space<vmem>>
        %dma_wait3A_448 = arith.constant 0 : i32
        %dma_wait3A_449 = tpu.memref_slice %arg6[%add3A_442, %select_n3A, %dma_wait3A_448] : memref<4096x4x1024xf32, #tpu.memory_space<hbm>> -> memref<8x1x1024xf32, #tpu.memory_space<hbm>>
        %dma_wait3A_450 = tpu.memref_squeeze %dma_wait3A_449 : memref<8x1x1024xf32, #tpu.memory_space<hbm>> -> memref<8x1024xf32, #tpu.memory_space<hbm>>
        %dma_wait3A_451 = arith.constant 0 : i32
        %dma_wait3A_452 = tpu.memref_slice %arg6[%add3A_442, %select_n3A, %dma_wait3A_451] : memref<4096x4x1024xf32, #tpu.memory_space<hbm>> -> memref<8x1x1024xf32, #tpu.memory_space<hbm>>
        %dma_wait3A_453 = tpu.memref_squeeze %dma_wait3A_452 : memref<8x1x1024xf32, #tpu.memory_space<hbm>> -> memref<8x1024xf32, #tpu.memory_space<hbm>>
        %dma_wait3A_454 = arith.constant 0 : i32
        %dma_wait3A_455 = arith.constant 0 : i32
        %dma_wait3A_456 = tpu.memref_slice %arg9[%dma_wait3A_443, %dma_wait3A_454, %dma_wait3A_455] : memref<4x8x1024xf32, #tpu.memory_space<vmem>> -> memref<1x8x1024xf32, #tpu.memory_space<vmem>>
        %dma_wait3A_457 = tpu.memref_squeeze %dma_wait3A_456 : memref<1x8x1024xf32, #tpu.memory_space<vmem>> -> memref<8x1024xf32, #tpu.memory_space<vmem>>
        tpu.wait_dma2 semaphore(%arg17 : memref<!tpu.dma_semaphore, #tpu.memory_space<semaphore_mem>>) src(%dma_wait3A_457 : memref<8x1024xf32, #tpu.memory_space<vmem>>) dst(%dma_wait3A_453 : memref<8x1024xf32, #tpu.memory_space<hbm>>)
      } else {
      }
      %lt3A_409 = arith.constant 64 : i32
      %lt3A_410 = arith.cmpi slt, %sub3A_400, %lt3A_409 : i32
      %convert_element_type3A_411 = arith.extui %lt3A_410 : i1 to i32
      %cond3A_412 = arith.constant 0 : i32
      %cond3A_413 = arith.cmpi ne, %convert_element_type3A_411, %cond3A_412 : i32
      scf.if %cond3A_413 {
        %mul3A_438 = arith.constant 8 : i32
        %mul3A_439 = arith.muli %sub3A_400, %mul3A_438 : i32
        %dma_start3A_440 = arith.constant 2 : i32
        %dma_start3A_441 = arith.constant 0 : i32
        %dma_start3A_442 = arith.constant 0 : i32
        %dma_start3A_443 = tpu.memref_slice %arg9[%dma_start3A_440, %dma_start3A_441, %dma_start3A_442] : memref<4x8x1024xf32, #tpu.memory_space<vmem>> -> memref<1x8x1024xf32, #tpu.memory_space<vmem>>
        %dma_start3A_444 = tpu.memref_squeeze %dma_start3A_443 : memref<1x8x1024xf32, #tpu.memory_space<vmem>> -> memref<8x1024xf32, #tpu.memory_space<vmem>>
        %dma_start3A_445 = tpu.memref_slice %arg7[%mul3A_439] : memref<512xi32, #tpu.memory_space<vmem>> -> memref<8xi32, #tpu.memory_space<vmem>>
        %dma_start3A_446 = arith.constant 0 : i32
        %dma_start3A_447 = arith.constant 0 : i32
        %dma_start3A_448 = tpu.memref_slice %arg4[%dma_start3A_446, %dma_start3A_447] : memref<100000x1024xf32, #tpu.memory_space<hbm>> -> memref<100000x1024xf32, #tpu.memory_space<hbm>>
        tpu.enqueue_indirect_dma source(%dma_start3A_448 : memref<100000x1024xf32, #tpu.memory_space<hbm>>) target(%dma_start3A_444 : memref<8x1024xf32, #tpu.memory_space<vmem>>) offsets(%dma_start3A_445 : memref<8xi32, #tpu.memory_space<vmem>>) semaphore(%arg13 : memref<!tpu.dma_semaphore, #tpu.memory_space<semaphore_mem>>)
        %dma_start3A_449 = arith.constant 2 : i32
        %dma_start3A_450 = arith.constant 0 : i32
        %dma_start3A_451 = arith.constant 0 : i32
        %dma_start3A_452 = tpu.memref_slice %arg10[%dma_start3A_449, %dma_start3A_450, %dma_start3A_451] : memref<4x8x1024xf32, #tpu.memory_space<vmem>> -> memref<1x8x1024xf32, #tpu.memory_space<vmem>>
        %dma_start3A_453 = tpu.memref_squeeze %dma_start3A_452 : memref<1x8x1024xf32, #tpu.memory_space<vmem>> -> memref<8x1024xf32, #tpu.memory_space<vmem>>
        %dma_start3A_454 = tpu.memref_slice %arg8[%mul3A_439] : memref<512xi32, #tpu.memory_space<vmem>> -> memref<8xi32, #tpu.memory_space<vmem>>
        %dma_start3A_455 = arith.constant 0 : i32
        %dma_start3A_456 = arith.constant 0 : i32
        %dma_start3A_457 = tpu.memref_slice %arg5[%dma_start3A_455, %dma_start3A_456] : memref<8192x1024xf32, #tpu.memory_space<hbm>> -> memref<8192x1024xf32, #tpu.memory_space<hbm>>
        tpu.enqueue_indirect_dma source(%dma_start3A_457 : memref<8192x1024xf32, #tpu.memory_space<hbm>>) target(%dma_start3A_453 : memref<8x1024xf32, #tpu.memory_space<vmem>>) offsets(%dma_start3A_454 : memref<8xi32, #tpu.memory_space<vmem>>) semaphore(%arg13 : memref<!tpu.dma_semaphore, #tpu.memory_space<semaphore_mem>>)
      } else {
      }
      %scan3A_414 = arith.constant 0 : i32
      %scan3A_415 = arith.constant 0 : i32
      %scan3A_416 = arith.constant 8 : i32
      %scan3A_417 = arith.addi %scan3A_415, %scan3A_416 : i32
      %scan3A_418 = arith.constant 1 : i32
      scf.for %scan3A_438 = %scan3A_415 to %scan3A_417 step %scan3A_418  : i32 {
        %get3A = arith.constant 3 : i32
        %get3A_439 = arith.index_cast %get3A : i32 to index
        %get3A_440 = arith.index_cast %scan3A_438 : i32 to index
        %get3A_441 = arith.constant 0 : index
        %get3A_442 = tpu.vector_load %arg10[%get3A_439, %get3A_440, %get3A_441] {strides = array<i32>} : memref<4x8x1024xf32, #tpu.memory_space<vmem>>, vector<1x1x16xf32>,
        %get3A_443 = vector.shape_cast %get3A_442 : vector<1x1x16xf32> to vector<16xf32>
        %swap3A = arith.constant 3 : i32
        %swap3A_444 = arith.index_cast %swap3A : i32 to index
        %swap3A_445 = arith.index_cast %scan3A_438 : i32 to index
        %swap3A_446 = arith.constant 0 : index
        %swap3A_447 = tpu.vector_load %arg9[%swap3A_444, %swap3A_445, %swap3A_446] {strides = array<i32>} : memref<4x8x1024xf32, #tpu.memory_space<vmem>>, vector<1x1x16xf32>,
        %swap3A_448 = vector.shape_cast %swap3A_447 : vector<1x1x16xf32> to vector<16xf32>
        %swap3A_449 = vector.shape_cast %get3A_443 : vector<16xf32> to vector<1x1x16xf32>
        tpu.vector_store %arg9[%swap3A_444, %swap3A_445, %swap3A_446], %swap3A_449 {add = true, strides = array<i32>} : memref<4x8x1024xf32, #tpu.memory_space<vmem>>, vector<1x1x16xf32>,
        %get3A_450 = arith.constant 3 : i32
        %get3A_451 = arith.index_cast %get3A_450 : i32 to index
        %get3A_452 = arith.index_cast %scan3A_438 : i32 to index
        %get3A_453 = arith.constant 16 : index
        %get3A_454 = tpu.vector_load %arg10[%get3A_451, %get3A_452, %get3A_453] {strides = array<i32>} : memref<4x8x1024xf32, #tpu.memory_space<vmem>>, vector<1x1x16xf32>,
        %get3A_455 = vector.shape_cast %get3A_454 : vector<1x1x16xf32> to vector<16xf32>
        %swap3A_456 = arith.constant 3 : i32
        %swap3A_457 = arith.index_cast %swap3A_456 : i32 to index
        %swap3A_458 = arith.index_cast %scan3A_438 : i32 to index
        %swap3A_459 = arith.constant 16 : index
        %swap3A_460 = tpu.vector_load %arg9[%swap3A_457, %swap3A_458, %swap3A_459] {strides = array<i32>} : memref<4x8x1024xf32, #tpu.memory_space<vmem>>, vector<1x1x16xf32>,
        %swap3A_461 = vector.shape_cast %swap3A_460 : vector<1x1x16xf32> to vector<16xf32>
        %swap3A_462 = vector.shape_cast %get3A_455 : vector<16xf32> to vector<1x1x16xf32>
        tpu.vector_store %arg9[%swap3A_457, %swap3A_458, %swap3A_459], %swap3A_462 {add = true, strides = array<i32>} : memref<4x8x1024xf32, #tpu.memory_space<vmem>>, vector<1x1x16xf32>,
        %get3A_463 = arith.constant 3 : i32
        %get3A_464 = arith.index_cast %get3A_463 : i32 to index
        %get3A_465 = arith.index_cast %scan3A_438 : i32 to index
        %get3A_466 = arith.constant 32 : index
        %get3A_467 = tpu.vector_load %arg10[%get3A_464, %get3A_465, %get3A_466] {strides = array<i32>} : memref<4x8x1024xf32, #tpu.memory_space<vmem>>, vector<1x1x16xf32>,
        %get3A_468 = vector.shape_cast %get3A_467 : vector<1x1x16xf32> to vector<16xf32>
        %swap3A_469 = arith.constant 3 : i32
        %swap3A_470 = arith.index_cast %swap3A_469 : i32 to index
        %swap3A_471 = arith.index_cast %scan3A_438 : i32 to index
        %swap3A_472 = arith.constant 32 : index
        %swap3A_473 = tpu.vector_load %arg9[%swap3A_470, %swap3A_471, %swap3A_472] {strides = array<i32>} : memref<4x8x1024xf32, #tpu.memory_space<vmem>>, vector<1x1x16xf32>,
        %swap3A_474 = vector.shape_cast %swap3A_473 : vector<1x1x16xf32> to vector<16xf32>
        %swap3A_475 = vector.shape_cast %get3A_468 : vector<16xf32> to vector<1x1x16xf32>
        tpu.vector_store %arg9[%swap3A_470, %swap3A_471, %swap3A_472], %swap3A_475 {add = true, strides = array<i32>} : memref<4x8x1024xf32, #tpu.memory_space<vmem>>, vector<1x1x16xf32>,
        %get3A_476 = arith.constant 3 : i32
        %get3A_477 = arith.index_cast %get3A_476 : i32 to index
        %get3A_478 = arith.index_cast %scan3A_438 : i32 to index
        %get3A_479 = arith.constant 48 : index
        %get3A_480 = tpu.vector_load %arg10[%get3A_477, %get3A_478, %get3A_479] {strides = array<i32>} : memref<4x8x1024xf32, #tpu.memory_space<vmem>>, vector<1x1x16xf32>,
        %get3A_481 = vector.shape_cast %get3A_480 : vector<1x1x16xf32> to vector<16xf32>
        %swap3A_482 = arith.constant 3 : i32
        %swap3A_483 = arith.index_cast %swap3A_482 : i32 to index
        %swap3A_484 = arith.index_cast %scan3A_438 : i32 to index
        %swap3A_485 = arith.constant 48 : index
        %swap3A_486 = tpu.vector_load %arg9[%swap3A_483, %swap3A_484, %swap3A_485] {strides = array<i32>} : memref<4x8x1024xf32, #tpu.memory_space<vmem>>, vector<1x1x16xf32>,
        %swap3A_487 = vector.shape_cast %swap3A_486 : vector<1x1x16xf32> to vector<16xf32>
        %swap3A_488 = vector.shape_cast %get3A_481 : vector<16xf32> to vector<1x1x16xf32>
        tpu.vector_store %arg9[%swap3A_483, %swap3A_484, %swap3A_485], %swap3A_488 {add = true, strides = array<i32>} : memref<4x8x1024xf32, #tpu.memory_space<vmem>>, vector<1x1x16xf32>,
        %get3A_489 = arith.constant 3 : i32
        %get3A_490 = arith.index_cast %get3A_489 : i32 to index
        %get3A_491 = arith.index_cast %scan3A_438 : i32 to index
        %get3A_492 = arith.constant 64 : index
        %get3A_493 = tpu.vector_load %arg10[%get3A_490, %get3A_491, %get3A_492] {strides = array<i32>} : memref<4x8x1024xf32, #tpu.memory_space<vmem>>, vector<1x1x16xf32>,
        %get3A_494 = vector.shape_cast %get3A_493 : vector<1x1x16xf32> to vector<16xf32>
        %swap3A_495 = arith.constant 3 : i32
        %swap3A_496 = arith.index_cast %swap3A_495 : i32 to index
        %swap3A_497 = arith.index_cast %scan3A_438 : i32 to index
        %swap3A_498 = arith.constant 64 : index
        %swap3A_499 = tpu.vector_load %arg9[%swap3A_496, %swap3A_497, %swap3A_498] {strides = array<i32>} : memref<4x8x1024xf32, #tpu.memory_space<vmem>>, vector<1x1x16xf32>,
        %swap3A_500 = vector.shape_cast %swap3A_499 : vector<1x1x16xf32> to vector<16xf32>
        %swap3A_501 = vector.shape_cast %get3A_494 : vector<16xf32> to vector<1x1x16xf32>
        tpu.vector_store %arg9[%swap3A_496, %swap3A_497, %swap3A_498], %swap3A_501 {add = true, strides = array<i32>} : memref<4x8x1024xf32, #tpu.memory_space<vmem>>, vector<1x1x16xf32>,
        %get3A_502 = arith.constant 3 : i32
        %get3A_503 = arith.index_cast %get3A_502 : i32 to index
        %get3A_504 = arith.index_cast %scan3A_438 : i32 to index
        %get3A_505 = arith.constant 80 : index
        %get3A_506 = tpu.vector_load %arg10[%get3A_503, %get3A_504, %get3A_505] {strides = array<i32>} : memref<4x8x1024xf32, #tpu.memory_space<vmem>>, vector<1x1x16xf32>,
        %get3A_507 = vector.shape_cast %get3A_506 : vector<1x1x16xf32> to vector<16xf32>
        %swap3A_508 = arith.constant 3 : i32
        %swap3A_509 = arith.index_cast %swap3A_508 : i32 to index
        %swap3A_510 = arith.index_cast %scan3A_438 : i32 to index
        %swap3A_511 = arith.constant 80 : index
        %swap3A_512 = tpu.vector_load %arg9[%swap3A_509, %swap3A_510, %swap3A_511] {strides = array<i32>} : memref<4x8x1024xf32, #tpu.memory_space<vmem>>, vector<1x1x16xf32>,
        %swap3A_513 = vector.shape_cast %swap3A_512 : vector<1x1x16xf32> to vector<16xf32>
        %swap3A_514 = vector.shape_cast %get3A_507 : vector<16xf32> to vector<1x1x16xf32>
        tpu.vector_store %arg9[%swap3A_509, %swap3A_510, %swap3A_511], %swap3A_514 {add = true, strides = array<i32>} : memref<4x8x1024xf32, #tpu.memory_space<vmem>>, vector<1x1x16xf32>,
        %get3A_515 = arith.constant 3 : i32
        %get3A_516 = arith.index_cast %get3A_515 : i32 to index
        %get3A_517 = arith.index_cast %scan3A_438 : i32 to index
        %get3A_518 = arith.constant 96 : index
        %get3A_519 = tpu.vector_load %arg10[%get3A_516, %get3A_517, %get3A_518] {strides = array<i32>} : memref<4x8x1024xf32, #tpu.memory_space<vmem>>, vector<1x1x16xf32>,
        %get3A_520 = vector.shape_cast %get3A_519 : vector<1x1x16xf32> to vector<16xf32>
        %swap3A_521 = arith.constant 3 : i32
        %swap3A_522 = arith.index_cast %swap3A_521 : i32 to index
        %swap3A_523 = arith.index_cast %scan3A_438 : i32 to index
        %swap3A_524 = arith.constant 96 : index
        %swap3A_525 = tpu.vector_load %arg9[%swap3A_522, %swap3A_523, %swap3A_524] {strides = array<i32>} : memref<4x8x1024xf32, #tpu.memory_space<vmem>>, vector<1x1x16xf32>,
        %swap3A_526 = vector.shape_cast %swap3A_525 : vector<1x1x16xf32> to vector<16xf32>
        %swap3A_527 = vector.shape_cast %get3A_520 : vector<16xf32> to vector<1x1x16xf32>
        tpu.vector_store %arg9[%swap3A_522, %swap3A_523, %swap3A_524], %swap3A_527 {add = true, strides = array<i32>} : memref<4x8x1024xf32, #tpu.memory_space<vmem>>, vector<1x1x16xf32>,
        %get3A_528 = arith.constant 3 : i32
        %get3A_529 = arith.index_cast %get3A_528 : i32 to index
        %get3A_530 = arith.index_cast %scan3A_438 : i32 to index
        %get3A_531 = arith.constant 112 : index
        %get3A_532 = tpu.vector_load %arg10[%get3A_529, %get3A_530, %get3A_531] {strides = array<i32>} : memref<4x8x1024xf32, #tpu.memory_space<vmem>>, vector<1x1x16xf32>,
        %get3A_533 = vector.shape_cast %get3A_532 : vector<1x1x16xf32> to vector<16xf32>
        %swap3A_534 = arith.constant 3 : i32
        %swap3A_535 = arith.index_cast %swap3A_534 : i32 to index
        %swap3A_536 = arith.index_cast %scan3A_438 : i32 to index
        %swap3A_537 = arith.constant 112 : index
        %swap3A_538 = tpu.vector_load %arg9[%swap3A_535, %swap3A_536, %swap3A_537] {strides = array<i32>} : memref<4x8x1024xf32, #tpu.memory_space<vmem>>, vector<1x1x16xf32>,
        %swap3A_539 = vector.shape_cast %swap3A_538 : vector<1x1x16xf32> to vector<16xf32>
        %swap3A_540 = vector.shape_cast %get3A_533 : vector<16xf32> to vector<1x1x16xf32>
        tpu.vector_store %arg9[%swap3A_535, %swap3A_536, %swap3A_537], %swap3A_540 {add = true, strides = array<i32>} : memref<4x8x1024xf32, #tpu.memory_space<vmem>>, vector<1x1x16xf32>,
        %get3A_541 = arith.constant 3 : i32
        %get3A_542 = arith.index_cast %get3A_541 : i32 to index
        %get3A_543 = arith.index_cast %scan3A_438 : i32 to index
        %get3A_544 = arith.constant 128 : index
        %get3A_545 = tpu.vector_load %arg10[%get3A_542, %get3A_543, %get3A_544] {strides = array<i32>} : memref<4x8x1024xf32, #tpu.memory_space<vmem>>, vector<1x1x16xf32>,
        %get3A_546 = vector.shape_cast %get3A_545 : vector<1x1x16xf32> to vector<16xf32>
        %swap3A_547 = arith.constant 3 : i32
        %swap3A_548 = arith.index_cast %swap3A_547 : i32 to index
        %swap3A_549 = arith.index_cast %scan3A_438 : i32 to index
        %swap3A_550 = arith.constant 128 : index
        %swap3A_551 = tpu.vector_load %arg9[%swap3A_548, %swap3A_549, %swap3A_550] {strides = array<i32>} : memref<4x8x1024xf32, #tpu.memory_space<vmem>>, vector<1x1x16xf32>,
        %swap3A_552 = vector.shape_cast %swap3A_551 : vector<1x1x16xf32> to vector<16xf32>
        %swap3A_553 = vector.shape_cast %get3A_546 : vector<16xf32> to vector<1x1x16xf32>
        tpu.vector_store %arg9[%swap3A_548, %swap3A_549, %swap3A_550], %swap3A_553 {add = true, strides = array<i32>} : memref<4x8x1024xf32, #tpu.memory_space<vmem>>, vector<1x1x16xf32>,
        %get3A_554 = arith.constant 3 : i32
        %get3A_555 = arith.index_cast %get3A_554 : i32 to index
        %get3A_556 = arith.index_cast %scan3A_438 : i32 to index
        %get3A_557 = arith.constant 144 : index
        %get3A_558 = tpu.vector_load %arg10[%get3A_555, %get3A_556, %get3A_557] {strides = array<i32>} : memref<4x8x1024xf32, #tpu.memory_space<vmem>>, vector<1x1x16xf32>,
        %get3A_559 = vector.shape_cast %get3A_558 : vector<1x1x16xf32> to vector<16xf32>
        %swap3A_560 = arith.constant 3 : i32
        %swap3A_561 = arith.index_cast %swap3A_560 : i32 to index
        %swap3A_562 = arith.index_cast %scan3A_438 : i32 to index
        %swap3A_563 = arith.constant 144 : index
        %swap3A_564 = tpu.vector_load %arg9[%swap3A_561, %swap3A_562, %swap3A_563] {strides = array<i32>} : memref<4x8x1024xf32, #tpu.memory_space<vmem>>, vector<1x1x16xf32>,
        %swap3A_565 = vector.shape_cast %swap3A_564 : vector<1x1x16xf32> to vector<16xf32>
        %swap3A_566 = vector.shape_cast %get3A_559 : vector<16xf32> to vector<1x1x16xf32>
        tpu.vector_store %arg9[%swap3A_561, %swap3A_562, %swap3A_563], %swap3A_566 {add = true, strides = array<i32>} : memref<4x8x1024xf32, #tpu.memory_space<vmem>>, vector<1x1x16xf32>,
        %get3A_567 = arith.constant 3 : i32
        %get3A_568 = arith.index_cast %get3A_567 : i32 to index
        %get3A_569 = arith.index_cast %scan3A_438 : i32 to index
        %get3A_570 = arith.constant 160 : index
        %get3A_571 = tpu.vector_load %arg10[%get3A_568, %get3A_569, %get3A_570] {strides = array<i32>} : memref<4x8x1024xf32, #tpu.memory_space<vmem>>, vector<1x1x16xf32>,
        %get3A_572 = vector.shape_cast %get3A_571 : vector<1x1x16xf32> to vector<16xf32>
        %swap3A_573 = arith.constant 3 : i32
        %swap3A_574 = arith.index_cast %swap3A_573 : i32 to index
        %swap3A_575 = arith.index_cast %scan3A_438 : i32 to index
        %swap3A_576 = arith.constant 160 : index
        %swap3A_577 = tpu.vector_load %arg9[%swap3A_574, %swap3A_575, %swap3A_576] {strides = array<i32>} : memref<4x8x1024xf32, #tpu.memory_space<vmem>>, vector<1x1x16xf32>,
        %swap3A_578 = vector.shape_cast %swap3A_577 : vector<1x1x16xf32> to vector<16xf32>
        %swap3A_579 = vector.shape_cast %get3A_572 : vector<16xf32> to vector<1x1x16xf32>
        tpu.vector_store %arg9[%swap3A_574, %swap3A_575, %swap3A_576], %swap3A_579 {add = true, strides = array<i32>} : memref<4x8x1024xf32, #tpu.memory_space<vmem>>, vector<1x1x16xf32>,
        %get3A_580 = arith.constant 3 : i32
        %get3A_581 = arith.index_cast %get3A_580 : i32 to index
        %get3A_582 = arith.index_cast %scan3A_438 : i32 to index
        %get3A_583 = arith.constant 176 : index
        %get3A_584 = tpu.vector_load %arg10[%get3A_581, %get3A_582, %get3A_583] {strides = array<i32>} : memref<4x8x1024xf32, #tpu.memory_space<vmem>>, vector<1x1x16xf32>,
        %get3A_585 = vector.shape_cast %get3A_584 : vector<1x1x16xf32> to vector<16xf32>
        %swap3A_586 = arith.constant 3 : i32
        %swap3A_587 = arith.index_cast %swap3A_586 : i32 to index
        %swap3A_588 = arith.index_cast %scan3A_438 : i32 to index
        %swap3A_589 = arith.constant 176 : index
        %swap3A_590 = tpu.vector_load %arg9[%swap3A_587, %swap3A_588, %swap3A_589] {strides = array<i32>} : memref<4x8x1024xf32, #tpu.memory_space<vmem>>, vector<1x1x16xf32>,
        %swap3A_591 = vector.shape_cast %swap3A_590 : vector<1x1x16xf32> to vector<16xf32>
        %swap3A_592 = vector.shape_cast %get3A_585 : vector<16xf32> to vector<1x1x16xf32>
        tpu.vector_store %arg9[%swap3A_587, %swap3A_588, %swap3A_589], %swap3A_592 {add = true, strides = array<i32>} : memref<4x8x1024xf32, #tpu.memory_space<vmem>>, vector<1x1x16xf32>,
        %get3A_593 = arith.constant 3 : i32
        %get3A_594 = arith.index_cast %get3A_593 : i32 to index
        %get3A_595 = arith.index_cast %scan3A_438 : i32 to index
        %get3A_596 = arith.constant 192 : index
        %get3A_597 = tpu.vector_load %arg10[%get3A_594, %get3A_595, %get3A_596] {strides = array<i32>} : memref<4x8x1024xf32, #tpu.memory_space<vmem>>, vector<1x1x16xf32>,
        %get3A_598 = vector.shape_cast %get3A_597 : vector<1x1x16xf32> to vector<16xf32>
        %swap3A_599 = arith.constant 3 : i32
        %swap3A_600 = arith.index_cast %swap3A_599 : i32 to index
        %swap3A_601 = arith.index_cast %scan3A_438 : i32 to index
        %swap3A_602 = arith.constant 192 : index
        %swap3A_603 = tpu.vector_load %arg9[%swap3A_600, %swap3A_601, %swap3A_602] {strides = array<i32>} : memref<4x8x1024xf32, #tpu.memory_space<vmem>>, vector<1x1x16xf32>,
        %swap3A_604 = vector.shape_cast %swap3A_603 : vector<1x1x16xf32> to vector<16xf32>
        %swap3A_605 = vector.shape_cast %get3A_598 : vector<16xf32> to vector<1x1x16xf32>
        tpu.vector_store %arg9[%swap3A_600, %swap3A_601, %swap3A_602], %swap3A_605 {add = true, strides = array<i32>} : memref<4x8x1024xf32, #tpu.memory_space<vmem>>, vector<1x1x16xf32>,
        %get3A_606 = arith.constant 3 : i32
        %get3A_607 = arith.index_cast %get3A_606 : i32 to index
        %get3A_608 = arith.index_cast %scan3A_438 : i32 to index
        %get3A_609 = arith.constant 208 : index
        %get3A_610 = tpu.vector_load %arg10[%get3A_607, %get3A_608, %get3A_609] {strides = array<i32>} : memref<4x8x1024xf32, #tpu.memory_space<vmem>>, vector<1x1x16xf32>,
        %get3A_611 = vector.shape_cast %get3A_610 : vector<1x1x16xf32> to vector<16xf32>
        %swap3A_612 = arith.constant 3 : i32
        %swap3A_613 = arith.index_cast %swap3A_612 : i32 to index
        %swap3A_614 = arith.index_cast %scan3A_438 : i32 to index
        %swap3A_615 = arith.constant 208 : index
        %swap3A_616 = tpu.vector_load %arg9[%swap3A_613, %swap3A_614, %swap3A_615] {strides = array<i32>} : memref<4x8x1024xf32, #tpu.memory_space<vmem>>, vector<1x1x16xf32>,
        %swap3A_617 = vector.shape_cast %swap3A_616 : vector<1x1x16xf32> to vector<16xf32>
        %swap3A_618 = vector.shape_cast %get3A_611 : vector<16xf32> to vector<1x1x16xf32>
        tpu.vector_store %arg9[%swap3A_613, %swap3A_614, %swap3A_615], %swap3A_618 {add = true, strides = array<i32>} : memref<4x8x1024xf32, #tpu.memory_space<vmem>>, vector<1x1x16xf32>,
        %get3A_619 = arith.constant 3 : i32
        %get3A_620 = arith.index_cast %get3A_619 : i32 to index
        %get3A_621 = arith.index_cast %scan3A_438 : i32 to index
        %get3A_622 = arith.constant 224 : index
        %get3A_623 = tpu.vector_load %arg10[%get3A_620, %get3A_621, %get3A_622] {strides = array<i32>} : memref<4x8x1024xf32, #tpu.memory_space<vmem>>, vector<1x1x16xf32>,
        %get3A_624 = vector.shape_cast %get3A_623 : vector<1x1x16xf32> to vector<16xf32>
        %swap3A_625 = arith.constant 3 : i32
        %swap3A_626 = arith.index_cast %swap3A_625 : i32 to index
        %swap3A_627 = arith.index_cast %scan3A_438 : i32 to index
        %swap3A_628 = arith.constant 224 : index
        %swap3A_629 = tpu.vector_load %arg9[%swap3A_626, %swap3A_627, %swap3A_628] {strides = array<i32>} : memref<4x8x1024xf32, #tpu.memory_space<vmem>>, vector<1x1x16xf32>,
        %swap3A_630 = vector.shape_cast %swap3A_629 : vector<1x1x16xf32> to vector<16xf32>
        %swap3A_631 = vector.shape_cast %get3A_624 : vector<16xf32> to vector<1x1x16xf32>
        tpu.vector_store %arg9[%swap3A_626, %swap3A_627, %swap3A_628], %swap3A_631 {add = true, strides = array<i32>} : memref<4x8x1024xf32, #tpu.memory_space<vmem>>, vector<1x1x16xf32>,
        %get3A_632 = arith.constant 3 : i32
        %get3A_633 = arith.index_cast %get3A_632 : i32 to index
        %get3A_634 = arith.index_cast %scan3A_438 : i32 to index
        %get3A_635 = arith.constant 240 : index
        %get3A_636 = tpu.vector_load %arg10[%get3A_633, %get3A_634, %get3A_635] {strides = array<i32>} : memref<4x8x1024xf32, #tpu.memory_space<vmem>>, vector<1x1x16xf32>,
        %get3A_637 = vector.shape_cast %get3A_636 : vector<1x1x16xf32> to vector<16xf32>
        %swap3A_638 = arith.constant 3 : i32
        %swap3A_639 = arith.index_cast %swap3A_638 : i32 to index
        %swap3A_640 = arith.index_cast %scan3A_438 : i32 to index
        %swap3A_641 = arith.constant 240 : index
        %swap3A_642 = tpu.vector_load %arg9[%swap3A_639, %swap3A_640, %swap3A_641] {strides = array<i32>} : memref<4x8x1024xf32, #tpu.memory_space<vmem>>, vector<1x1x16xf32>,
        %swap3A_643 = vector.shape_cast %swap3A_642 : vector<1x1x16xf32> to vector<16xf32>
        %swap3A_644 = vector.shape_cast %get3A_637 : vector<16xf32> to vector<1x1x16xf32>
        tpu.vector_store %arg9[%swap3A_639, %swap3A_640, %swap3A_641], %swap3A_644 {add = true, strides = array<i32>} : memref<4x8x1024xf32, #tpu.memory_space<vmem>>, vector<1x1x16xf32>,
        %get3A_645 = arith.constant 3 : i32
        %get3A_646 = arith.index_cast %get3A_645 : i32 to index
        %get3A_647 = arith.index_cast %scan3A_438 : i32 to index
        %get3A_648 = arith.constant 256 : index
        %get3A_649 = tpu.vector_load %arg10[%get3A_646, %get3A_647, %get3A_648] {strides = array<i32>} : memref<4x8x1024xf32, #tpu.memory_space<vmem>>, vector<1x1x16xf32>,
        %get3A_650 = vector.shape_cast %get3A_649 : vector<1x1x16xf32> to vector<16xf32>
        %swap3A_651 = arith.constant 3 : i32
        %swap3A_652 = arith.index_cast %swap3A_651 : i32 to index
        %swap3A_653 = arith.index_cast %scan3A_438 : i32 to index
        %swap3A_654 = arith.constant 256 : index
        %swap3A_655 = tpu.vector_load %arg9[%swap3A_652, %swap3A_653, %swap3A_654] {strides = array<i32>} : memref<4x8x1024xf32, #tpu.memory_space<vmem>>, vector<1x1x16xf32>,
        %swap3A_656 = vector.shape_cast %swap3A_655 : vector<1x1x16xf32> to vector<16xf32>
        %swap3A_657 = vector.shape_cast %get3A_650 : vector<16xf32> to vector<1x1x16xf32>
        tpu.vector_store %arg9[%swap3A_652, %swap3A_653, %swap3A_654], %swap3A_657 {add = true, strides = array<i32>} : memref<4x8x1024xf32, #tpu.memory_space<vmem>>, vector<1x1x16xf32>,
        %get3A_658 = arith.constant 3 : i32
        %get3A_659 = arith.index_cast %get3A_658 : i32 to index
        %get3A_660 = arith.index_cast %scan3A_438 : i32 to index
        %get3A_661 = arith.constant 272 : index
        %get3A_662 = tpu.vector_load %arg10[%get3A_659, %get3A_660, %get3A_661] {strides = array<i32>} : memref<4x8x1024xf32, #tpu.memory_space<vmem>>, vector<1x1x16xf32>,
        %get3A_663 = vector.shape_cast %get3A_662 : vector<1x1x16xf32> to vector<16xf32>
        %swap3A_664 = arith.constant 3 : i32
        %swap3A_665 = arith.index_cast %swap3A_664 : i32 to index
        %swap3A_666 = arith.index_cast %scan3A_438 : i32 to index
        %swap3A_667 = arith.constant 272 : index
        %swap3A_668 = tpu.vector_load %arg9[%swap3A_665, %swap3A_666, %swap3A_667] {strides = array<i32>} : memref<4x8x1024xf32, #tpu.memory_space<vmem>>, vector<1x1x16xf32>,
        %swap3A_669 = vector.shape_cast %swap3A_668 : vector<1x1x16xf32> to vector<16xf32>
        %swap3A_670 = vector.shape_cast %get3A_663 : vector<16xf32> to vector<1x1x16xf32>
        tpu.vector_store %arg9[%swap3A_665, %swap3A_666, %swap3A_667], %swap3A_670 {add = true, strides = array<i32>} : memref<4x8x1024xf32, #tpu.memory_space<vmem>>, vector<1x1x16xf32>,
        %get3A_671 = arith.constant 3 : i32
        %get3A_672 = arith.index_cast %get3A_671 : i32 to index
        %get3A_673 = arith.index_cast %scan3A_438 : i32 to index
        %get3A_674 = arith.constant 288 : index
        %get3A_675 = tpu.vector_load %arg10[%get3A_672, %get3A_673, %get3A_674] {strides = array<i32>} : memref<4x8x1024xf32, #tpu.memory_space<vmem>>, vector<1x1x16xf32>,
        %get3A_676 = vector.shape_cast %get3A_675 : vector<1x1x16xf32> to vector<16xf32>
        %swap3A_677 = arith.constant 3 : i32
        %swap3A_678 = arith.index_cast %swap3A_677 : i32 to index
        %swap3A_679 = arith.index_cast %scan3A_438 : i32 to index
        %swap3A_680 = arith.constant 288 : index
        %swap3A_681 = tpu.vector_load %arg9[%swap3A_678, %swap3A_679, %swap3A_680] {strides = array<i32>} : memref<4x8x1024xf32, #tpu.memory_space<vmem>>, vector<1x1x16xf32>,
        %swap3A_682 = vector.shape_cast %swap3A_681 : vector<1x1x16xf32> to vector<16xf32>
        %swap3A_683 = vector.shape_cast %get3A_676 : vector<16xf32> to vector<1x1x16xf32>
        tpu.vector_store %arg9[%swap3A_678, %swap3A_679, %swap3A_680], %swap3A_683 {add = true, strides = array<i32>} : memref<4x8x1024xf32, #tpu.memory_space<vmem>>, vector<1x1x16xf32>,
        %get3A_684 = arith.constant 3 : i32
        %get3A_685 = arith.index_cast %get3A_684 : i32 to index
        %get3A_686 = arith.index_cast %scan3A_438 : i32 to index
        %get3A_687 = arith.constant 304 : index
        %get3A_688 = tpu.vector_load %arg10[%get3A_685, %get3A_686, %get3A_687] {strides = array<i32>} : memref<4x8x1024xf32, #tpu.memory_space<vmem>>, vector<1x1x16xf32>,
        %get3A_689 = vector.shape_cast %get3A_688 : vector<1x1x16xf32> to vector<16xf32>
        %swap3A_690 = arith.constant 3 : i32
        %swap3A_691 = arith.index_cast %swap3A_690 : i32 to index
        %swap3A_692 = arith.index_cast %scan3A_438 : i32 to index
        %swap3A_693 = arith.constant 304 : index
        %swap3A_694 = tpu.vector_load %arg9[%swap3A_691, %swap3A_692, %swap3A_693] {strides = array<i32>} : memref<4x8x1024xf32, #tpu.memory_space<vmem>>, vector<1x1x16xf32>,
        %swap3A_695 = vector.shape_cast %swap3A_694 : vector<1x1x16xf32> to vector<16xf32>
        %swap3A_696 = vector.shape_cast %get3A_689 : vector<16xf32> to vector<1x1x16xf32>
        tpu.vector_store %arg9[%swap3A_691, %swap3A_692, %swap3A_693], %swap3A_696 {add = true, strides = array<i32>} : memref<4x8x1024xf32, #tpu.memory_space<vmem>>, vector<1x1x16xf32>,
        %get3A_697 = arith.constant 3 : i32
        %get3A_698 = arith.index_cast %get3A_697 : i32 to index
        %get3A_699 = arith.index_cast %scan3A_438 : i32 to index
        %get3A_700 = arith.constant 320 : index
        %get3A_701 = tpu.vector_load %arg10[%get3A_698, %get3A_699, %get3A_700] {strides = array<i32>} : memref<4x8x1024xf32, #tpu.memory_space<vmem>>, vector<1x1x16xf32>,
        %get3A_702 = vector.shape_cast %get3A_701 : vector<1x1x16xf32> to vector<16xf32>
        %swap3A_703 = arith.constant 3 : i32
        %swap3A_704 = arith.index_cast %swap3A_703 : i32 to index
        %swap3A_705 = arith.index_cast %scan3A_438 : i32 to index
        %swap3A_706 = arith.constant 320 : index
        %swap3A_707 = tpu.vector_load %arg9[%swap3A_704, %swap3A_705, %swap3A_706] {strides = array<i32>} : memref<4x8x1024xf32, #tpu.memory_space<vmem>>, vector<1x1x16xf32>,
        %swap3A_708 = vector.shape_cast %swap3A_707 : vector<1x1x16xf32> to vector<16xf32>
        %swap3A_709 = vector.shape_cast %get3A_702 : vector<16xf32> to vector<1x1x16xf32>
        tpu.vector_store %arg9[%swap3A_704, %swap3A_705, %swap3A_706], %swap3A_709 {add = true, strides = array<i32>} : memref<4x8x1024xf32, #tpu.memory_space<vmem>>, vector<1x1x16xf32>,
        %get3A_710 = arith.constant 3 : i32
        %get3A_711 = arith.index_cast %get3A_710 : i32 to index
        %get3A_712 = arith.index_cast %scan3A_438 : i32 to index
        %get3A_713 = arith.constant 336 : index
        %get3A_714 = tpu.vector_load %arg10[%get3A_711, %get3A_712, %get3A_713] {strides = array<i32>} : memref<4x8x1024xf32, #tpu.memory_space<vmem>>, vector<1x1x16xf32>,
        %get3A_715 = vector.shape_cast %get3A_714 : vector<1x1x16xf32> to vector<16xf32>
        %swap3A_716 = arith.constant 3 : i32
        %swap3A_717 = arith.index_cast %swap3A_716 : i32 to index
        %swap3A_718 = arith.index_cast %scan3A_438 : i32 to index
        %swap3A_719 = arith.constant 336 : index
        %swap3A_720 = tpu.vector_load %arg9[%swap3A_717, %swap3A_718, %swap3A_719] {strides = array<i32>} : memref<4x8x1024xf32, #tpu.memory_space<vmem>>, vector<1x1x16xf32>,
        %swap3A_721 = vector.shape_cast %swap3A_720 : vector<1x1x16xf32> to vector<16xf32>
        %swap3A_722 = vector.shape_cast %get3A_715 : vector<16xf32> to vector<1x1x16xf32>
        tpu.vector_store %arg9[%swap3A_717, %swap3A_718, %swap3A_719], %swap3A_722 {add = true, strides = array<i32>} : memref<4x8x1024xf32, #tpu.memory_space<vmem>>, vector<1x1x16xf32>,
        %get3A_723 = arith.constant 3 : i32
        %get3A_724 = arith.index_cast %get3A_723 : i32 to index
        %get3A_725 = arith.index_cast %scan3A_438 : i32 to index
        %get3A_726 = arith.constant 352 : index
        %get3A_727 = tpu.vector_load %arg10[%get3A_724, %get3A_725, %get3A_726] {strides = array<i32>} : memref<4x8x1024xf32, #tpu.memory_space<vmem>>, vector<1x1x16xf32>,
        %get3A_728 = vector.shape_cast %get3A_727 : vector<1x1x16xf32> to vector<16xf32>
        %swap3A_729 = arith.constant 3 : i32
        %swap3A_730 = arith.index_cast %swap3A_729 : i32 to index
        %swap3A_731 = arith.index_cast %scan3A_438 : i32 to index
        %swap3A_732 = arith.constant 352 : index
        %swap3A_733 = tpu.vector_load %arg9[%swap3A_730, %swap3A_731, %swap3A_732] {strides = array<i32>} : memref<4x8x1024xf32, #tpu.memory_space<vmem>>, vector<1x1x16xf32>,
        %swap3A_734 = vector.shape_cast %swap3A_733 : vector<1x1x16xf32> to vector<16xf32>
        %swap3A_735 = vector.shape_cast %get3A_728 : vector<16xf32> to vector<1x1x16xf32>
        tpu.vector_store %arg9[%swap3A_730, %swap3A_731, %swap3A_732], %swap3A_735 {add = true, strides = array<i32>} : memref<4x8x1024xf32, #tpu.memory_space<vmem>>, vector<1x1x16xf32>,
        %get3A_736 = arith.constant 3 : i32
        %get3A_737 = arith.index_cast %get3A_736 : i32 to index
        %get3A_738 = arith.index_cast %scan3A_438 : i32 to index
        %get3A_739 = arith.constant 368 : index
        %get3A_740 = tpu.vector_load %arg10[%get3A_737, %get3A_738, %get3A_739] {strides = array<i32>} : memref<4x8x1024xf32, #tpu.memory_space<vmem>>, vector<1x1x16xf32>,
        %get3A_741 = vector.shape_cast %get3A_740 : vector<1x1x16xf32> to vector<16xf32>
        %swap3A_742 = arith.constant 3 : i32
        %swap3A_743 = arith.index_cast %swap3A_742 : i32 to index
        %swap3A_744 = arith.index_cast %scan3A_438 : i32 to index
        %swap3A_745 = arith.constant 368 : index
        %swap3A_746 = tpu.vector_load %arg9[%swap3A_743, %swap3A_744, %swap3A_745] {strides = array<i32>} : memref<4x8x1024xf32, #tpu.memory_space<vmem>>, vector<1x1x16xf32>,
        %swap3A_747 = vector.shape_cast %swap3A_746 : vector<1x1x16xf32> to vector<16xf32>
        %swap3A_748 = vector.shape_cast %get3A_741 : vector<16xf32> to vector<1x1x16xf32>
        tpu.vector_store %arg9[%swap3A_743, %swap3A_744, %swap3A_745], %swap3A_748 {add = true, strides = array<i32>} : memref<4x8x1024xf32, #tpu.memory_space<vmem>>, vector<1x1x16xf32>,
        %get3A_749 = arith.constant 3 : i32
        %get3A_750 = arith.index_cast %get3A_749 : i32 to index
        %get3A_751 = arith.index_cast %scan3A_438 : i32 to index
        %get3A_752 = arith.constant 384 : index
        %get3A_753 = tpu.vector_load %arg10[%get3A_750, %get3A_751, %get3A_752] {strides = array<i32>} : memref<4x8x1024xf32, #tpu.memory_space<vmem>>, vector<1x1x16xf32>,
        %get3A_754 = vector.shape_cast %get3A_753 : vector<1x1x16xf32> to vector<16xf32>
        %swap3A_755 = arith.constant 3 : i32
        %swap3A_756 = arith.index_cast %swap3A_755 : i32 to index
        %swap3A_757 = arith.index_cast %scan3A_438 : i32 to index
        %swap3A_758 = arith.constant 384 : index
        %swap3A_759 = tpu.vector_load %arg9[%swap3A_756, %swap3A_757, %swap3A_758] {strides = array<i32>} : memref<4x8x1024xf32, #tpu.memory_space<vmem>>, vector<1x1x16xf32>,
        %swap3A_760 = vector.shape_cast %swap3A_759 : vector<1x1x16xf32> to vector<16xf32>
        %swap3A_761 = vector.shape_cast %get3A_754 : vector<16xf32> to vector<1x1x16xf32>
        tpu.vector_store %arg9[%swap3A_756, %swap3A_757, %swap3A_758], %swap3A_761 {add = true, strides = array<i32>} : memref<4x8x1024xf32, #tpu.memory_space<vmem>>, vector<1x1x16xf32>,
        %get3A_762 = arith.constant 3 : i32
        %get3A_763 = arith.index_cast %get3A_762 : i32 to index
        %get3A_764 = arith.index_cast %scan3A_438 : i32 to index
        %get3A_765 = arith.constant 400 : index
        %get3A_766 = tpu.vector_load %arg10[%get3A_763, %get3A_764, %get3A_765] {strides = array<i32>} : memref<4x8x1024xf32, #tpu.memory_space<vmem>>, vector<1x1x16xf32>,
        %get3A_767 = vector.shape_cast %get3A_766 : vector<1x1x16xf32> to vector<16xf32>
        %swap3A_768 = arith.constant 3 : i32
        %swap3A_769 = arith.index_cast %swap3A_768 : i32 to index
        %swap3A_770 = arith.index_cast %scan3A_438 : i32 to index
        %swap3A_771 = arith.constant 400 : index
        %swap3A_772 = tpu.vector_load %arg9[%swap3A_769, %swap3A_770, %swap3A_771] {strides = array<i32>} : memref<4x8x1024xf32, #tpu.memory_space<vmem>>, vector<1x1x16xf32>,
        %swap3A_773 = vector.shape_cast %swap3A_772 : vector<1x1x16xf32> to vector<16xf32>
        %swap3A_774 = vector.shape_cast %get3A_767 : vector<16xf32> to vector<1x1x16xf32>
        tpu.vector_store %arg9[%swap3A_769, %swap3A_770, %swap3A_771], %swap3A_774 {add = true, strides = array<i32>} : memref<4x8x1024xf32, #tpu.memory_space<vmem>>, vector<1x1x16xf32>,
        %get3A_775 = arith.constant 3 : i32
        %get3A_776 = arith.index_cast %get3A_775 : i32 to index
        %get3A_777 = arith.index_cast %scan3A_438 : i32 to index
        %get3A_778 = arith.constant 416 : index
        %get3A_779 = tpu.vector_load %arg10[%get3A_776, %get3A_777, %get3A_778] {strides = array<i32>} : memref<4x8x1024xf32, #tpu.memory_space<vmem>>, vector<1x1x16xf32>,
        %get3A_780 = vector.shape_cast %get3A_779 : vector<1x1x16xf32> to vector<16xf32>
        %swap3A_781 = arith.constant 3 : i32
        %swap3A_782 = arith.index_cast %swap3A_781 : i32 to index
        %swap3A_783 = arith.index_cast %scan3A_438 : i32 to index
        %swap3A_784 = arith.constant 416 : index
        %swap3A_785 = tpu.vector_load %arg9[%swap3A_782, %swap3A_783, %swap3A_784] {strides = array<i32>} : memref<4x8x1024xf32, #tpu.memory_space<vmem>>, vector<1x1x16xf32>,
        %swap3A_786 = vector.shape_cast %swap3A_785 : vector<1x1x16xf32> to vector<16xf32>
        %swap3A_787 = vector.shape_cast %get3A_780 : vector<16xf32> to vector<1x1x16xf32>
        tpu.vector_store %arg9[%swap3A_782, %swap3A_783, %swap3A_784], %swap3A_787 {add = true, strides = array<i32>} : memref<4x8x1024xf32, #tpu.memory_space<vmem>>, vector<1x1x16xf32>,
        %get3A_788 = arith.constant 3 : i32
        %get3A_789 = arith.index_cast %get3A_788 : i32 to index
        %get3A_790 = arith.index_cast %scan3A_438 : i32 to index
        %get3A_791 = arith.constant 432 : index
        %get3A_792 = tpu.vector_load %arg10[%get3A_789, %get3A_790, %get3A_791] {strides = array<i32>} : memref<4x8x1024xf32, #tpu.memory_space<vmem>>, vector<1x1x16xf32>,
        %get3A_793 = vector.shape_cast %get3A_792 : vector<1x1x16xf32> to vector<16xf32>
        %swap3A_794 = arith.constant 3 : i32
        %swap3A_795 = arith.index_cast %swap3A_794 : i32 to index
        %swap3A_796 = arith.index_cast %scan3A_438 : i32 to index
        %swap3A_797 = arith.constant 432 : index
        %swap3A_798 = tpu.vector_load %arg9[%swap3A_795, %swap3A_796, %swap3A_797] {strides = array<i32>} : memref<4x8x1024xf32, #tpu.memory_space<vmem>>, vector<1x1x16xf32>,
        %swap3A_799 = vector.shape_cast %swap3A_798 : vector<1x1x16xf32> to vector<16xf32>
        %swap3A_800 = vector.shape_cast %get3A_793 : vector<16xf32> to vector<1x1x16xf32>
        tpu.vector_store %arg9[%swap3A_795, %swap3A_796, %swap3A_797], %swap3A_800 {add = true, strides = array<i32>} : memref<4x8x1024xf32, #tpu.memory_space<vmem>>, vector<1x1x16xf32>,
        %get3A_801 = arith.constant 3 : i32
        %get3A_802 = arith.index_cast %get3A_801 : i32 to index
        %get3A_803 = arith.index_cast %scan3A_438 : i32 to index
        %get3A_804 = arith.constant 448 : index
        %get3A_805 = tpu.vector_load %arg10[%get3A_802, %get3A_803, %get3A_804] {strides = array<i32>} : memref<4x8x1024xf32, #tpu.memory_space<vmem>>, vector<1x1x16xf32>,
        %get3A_806 = vector.shape_cast %get3A_805 : vector<1x1x16xf32> to vector<16xf32>
        %swap3A_807 = arith.constant 3 : i32
        %swap3A_808 = arith.index_cast %swap3A_807 : i32 to index
        %swap3A_809 = arith.index_cast %scan3A_438 : i32 to index
        %swap3A_810 = arith.constant 448 : index
        %swap3A_811 = tpu.vector_load %arg9[%swap3A_808, %swap3A_809, %swap3A_810] {strides = array<i32>} : memref<4x8x1024xf32, #tpu.memory_space<vmem>>, vector<1x1x16xf32>,
        %swap3A_812 = vector.shape_cast %swap3A_811 : vector<1x1x16xf32> to vector<16xf32>
        %swap3A_813 = vector.shape_cast %get3A_806 : vector<16xf32> to vector<1x1x16xf32>
        tpu.vector_store %arg9[%swap3A_808, %swap3A_809, %swap3A_810], %swap3A_813 {add = true, strides = array<i32>} : memref<4x8x1024xf32, #tpu.memory_space<vmem>>, vector<1x1x16xf32>,
        %get3A_814 = arith.constant 3 : i32
        %get3A_815 = arith.index_cast %get3A_814 : i32 to index
        %get3A_816 = arith.index_cast %scan3A_438 : i32 to index
        %get3A_817 = arith.constant 464 : index
        %get3A_818 = tpu.vector_load %arg10[%get3A_815, %get3A_816, %get3A_817] {strides = array<i32>} : memref<4x8x1024xf32, #tpu.memory_space<vmem>>, vector<1x1x16xf32>,
        %get3A_819 = vector.shape_cast %get3A_818 : vector<1x1x16xf32> to vector<16xf32>
        %swap3A_820 = arith.constant 3 : i32
        %swap3A_821 = arith.index_cast %swap3A_820 : i32 to index
        %swap3A_822 = arith.index_cast %scan3A_438 : i32 to index
        %swap3A_823 = arith.constant 464 : index
        %swap3A_824 = tpu.vector_load %arg9[%swap3A_821, %swap3A_822, %swap3A_823] {strides = array<i32>} : memref<4x8x1024xf32, #tpu.memory_space<vmem>>, vector<1x1x16xf32>,
        %swap3A_825 = vector.shape_cast %swap3A_824 : vector<1x1x16xf32> to vector<16xf32>
        %swap3A_826 = vector.shape_cast %get3A_819 : vector<16xf32> to vector<1x1x16xf32>
        tpu.vector_store %arg9[%swap3A_821, %swap3A_822, %swap3A_823], %swap3A_826 {add = true, strides = array<i32>} : memref<4x8x1024xf32, #tpu.memory_space<vmem>>, vector<1x1x16xf32>,
        %get3A_827 = arith.constant 3 : i32
        %get3A_828 = arith.index_cast %get3A_827 : i32 to index
        %get3A_829 = arith.index_cast %scan3A_438 : i32 to index
        %get3A_830 = arith.constant 480 : index
        %get3A_831 = tpu.vector_load %arg10[%get3A_828, %get3A_829, %get3A_830] {strides = array<i32>} : memref<4x8x1024xf32, #tpu.memory_space<vmem>>, vector<1x1x16xf32>,
        %get3A_832 = vector.shape_cast %get3A_831 : vector<1x1x16xf32> to vector<16xf32>
        %swap3A_833 = arith.constant 3 : i32
        %swap3A_834 = arith.index_cast %swap3A_833 : i32 to index
        %swap3A_835 = arith.index_cast %scan3A_438 : i32 to index
        %swap3A_836 = arith.constant 480 : index
        %swap3A_837 = tpu.vector_load %arg9[%swap3A_834, %swap3A_835, %swap3A_836] {strides = array<i32>} : memref<4x8x1024xf32, #tpu.memory_space<vmem>>, vector<1x1x16xf32>,
        %swap3A_838 = vector.shape_cast %swap3A_837 : vector<1x1x16xf32> to vector<16xf32>
        %swap3A_839 = vector.shape_cast %get3A_832 : vector<16xf32> to vector<1x1x16xf32>
        tpu.vector_store %arg9[%swap3A_834, %swap3A_835, %swap3A_836], %swap3A_839 {add = true, strides = array<i32>} : memref<4x8x1024xf32, #tpu.memory_space<vmem>>, vector<1x1x16xf32>,
        %get3A_840 = arith.constant 3 : i32
        %get3A_841 = arith.index_cast %get3A_840 : i32 to index
        %get3A_842 = arith.index_cast %scan3A_438 : i32 to index
        %get3A_843 = arith.constant 496 : index
        %get3A_844 = tpu.vector_load %arg10[%get3A_841, %get3A_842, %get3A_843] {strides = array<i32>} : memref<4x8x1024xf32, #tpu.memory_space<vmem>>, vector<1x1x16xf32>,
        %get3A_845 = vector.shape_cast %get3A_844 : vector<1x1x16xf32> to vector<16xf32>
        %swap3A_846 = arith.constant 3 : i32
        %swap3A_847 = arith.index_cast %swap3A_846 : i32 to index
        %swap3A_848 = arith.index_cast %scan3A_438 : i32 to index
        %swap3A_849 = arith.constant 496 : index
        %swap3A_850 = tpu.vector_load %arg9[%swap3A_847, %swap3A_848, %swap3A_849] {strides = array<i32>} : memref<4x8x1024xf32, #tpu.memory_space<vmem>>, vector<1x1x16xf32>,
        %swap3A_851 = vector.shape_cast %swap3A_850 : vector<1x1x16xf32> to vector<16xf32>
        %swap3A_852 = vector.shape_cast %get3A_845 : vector<16xf32> to vector<1x1x16xf32>
        tpu.vector_store %arg9[%swap3A_847, %swap3A_848, %swap3A_849], %swap3A_852 {add = true, strides = array<i32>} : memref<4x8x1024xf32, #tpu.memory_space<vmem>>, vector<1x1x16xf32>,
        %get3A_853 = arith.constant 3 : i32
        %get3A_854 = arith.index_cast %get3A_853 : i32 to index
        %get3A_855 = arith.index_cast %scan3A_438 : i32 to index
        %get3A_856 = arith.constant 512 : index
        %get3A_857 = tpu.vector_load %arg10[%get3A_854, %get3A_855, %get3A_856] {strides = array<i32>} : memref<4x8x1024xf32, #tpu.memory_space<vmem>>, vector<1x1x16xf32>,
        %get3A_858 = vector.shape_cast %get3A_857 : vector<1x1x16xf32> to vector<16xf32>
        %swap3A_859 = arith.constant 3 : i32
        %swap3A_860 = arith.index_cast %swap3A_859 : i32 to index
        %swap3A_861 = arith.index_cast %scan3A_438 : i32 to index
        %swap3A_862 = arith.constant 512 : index
        %swap3A_863 = tpu.vector_load %arg9[%swap3A_860, %swap3A_861, %swap3A_862] {strides = array<i32>} : memref<4x8x1024xf32, #tpu.memory_space<vmem>>, vector<1x1x16xf32>,
        %swap3A_864 = vector.shape_cast %swap3A_863 : vector<1x1x16xf32> to vector<16xf32>
        %swap3A_865 = vector.shape_cast %get3A_858 : vector<16xf32> to vector<1x1x16xf32>
        tpu.vector_store %arg9[%swap3A_860, %swap3A_861, %swap3A_862], %swap3A_865 {add = true, strides = array<i32>} : memref<4x8x1024xf32, #tpu.memory_space<vmem>>, vector<1x1x16xf32>,
        %get3A_866 = arith.constant 3 : i32
        %get3A_867 = arith.index_cast %get3A_866 : i32 to index
        %get3A_868 = arith.index_cast %scan3A_438 : i32 to index
        %get3A_869 = arith.constant 528 : index
        %get3A_870 = tpu.vector_load %arg10[%get3A_867, %get3A_868, %get3A_869] {strides = array<i32>} : memref<4x8x1024xf32, #tpu.memory_space<vmem>>, vector<1x1x16xf32>,
        %get3A_871 = vector.shape_cast %get3A_870 : vector<1x1x16xf32> to vector<16xf32>
        %swap3A_872 = arith.constant 3 : i32
        %swap3A_873 = arith.index_cast %swap3A_872 : i32 to index
        %swap3A_874 = arith.index_cast %scan3A_438 : i32 to index
        %swap3A_875 = arith.constant 528 : index
        %swap3A_876 = tpu.vector_load %arg9[%swap3A_873, %swap3A_874, %swap3A_875] {strides = array<i32>} : memref<4x8x1024xf32, #tpu.memory_space<vmem>>, vector<1x1x16xf32>,
        %swap3A_877 = vector.shape_cast %swap3A_876 : vector<1x1x16xf32> to vector<16xf32>
        %swap3A_878 = vector.shape_cast %get3A_871 : vector<16xf32> to vector<1x1x16xf32>
        tpu.vector_store %arg9[%swap3A_873, %swap3A_874, %swap3A_875], %swap3A_878 {add = true, strides = array<i32>} : memref<4x8x1024xf32, #tpu.memory_space<vmem>>, vector<1x1x16xf32>,
        %get3A_879 = arith.constant 3 : i32
        %get3A_880 = arith.index_cast %get3A_879 : i32 to index
        %get3A_881 = arith.index_cast %scan3A_438 : i32 to index
        %get3A_882 = arith.constant 544 : index
        %get3A_883 = tpu.vector_load %arg10[%get3A_880, %get3A_881, %get3A_882] {strides = array<i32>} : memref<4x8x1024xf32, #tpu.memory_space<vmem>>, vector<1x1x16xf32>,
        %get3A_884 = vector.shape_cast %get3A_883 : vector<1x1x16xf32> to vector<16xf32>
        %swap3A_885 = arith.constant 3 : i32
        %swap3A_886 = arith.index_cast %swap3A_885 : i32 to index
        %swap3A_887 = arith.index_cast %scan3A_438 : i32 to index
        %swap3A_888 = arith.constant 544 : index
        %swap3A_889 = tpu.vector_load %arg9[%swap3A_886, %swap3A_887, %swap3A_888] {strides = array<i32>} : memref<4x8x1024xf32, #tpu.memory_space<vmem>>, vector<1x1x16xf32>,
        %swap3A_890 = vector.shape_cast %swap3A_889 : vector<1x1x16xf32> to vector<16xf32>
        %swap3A_891 = vector.shape_cast %get3A_884 : vector<16xf32> to vector<1x1x16xf32>
        tpu.vector_store %arg9[%swap3A_886, %swap3A_887, %swap3A_888], %swap3A_891 {add = true, strides = array<i32>} : memref<4x8x1024xf32, #tpu.memory_space<vmem>>, vector<1x1x16xf32>,
        %get3A_892 = arith.constant 3 : i32
        %get3A_893 = arith.index_cast %get3A_892 : i32 to index
        %get3A_894 = arith.index_cast %scan3A_438 : i32 to index
        %get3A_895 = arith.constant 560 : index
        %get3A_896 = tpu.vector_load %arg10[%get3A_893, %get3A_894, %get3A_895] {strides = array<i32>} : memref<4x8x1024xf32, #tpu.memory_space<vmem>>, vector<1x1x16xf32>,
        %get3A_897 = vector.shape_cast %get3A_896 : vector<1x1x16xf32> to vector<16xf32>
        %swap3A_898 = arith.constant 3 : i32
        %swap3A_899 = arith.index_cast %swap3A_898 : i32 to index
        %swap3A_900 = arith.index_cast %scan3A_438 : i32 to index
        %swap3A_901 = arith.constant 560 : index
        %swap3A_902 = tpu.vector_load %arg9[%swap3A_899, %swap3A_900, %swap3A_901] {strides = array<i32>} : memref<4x8x1024xf32, #tpu.memory_space<vmem>>, vector<1x1x16xf32>,
        %swap3A_903 = vector.shape_cast %swap3A_902 : vector<1x1x16xf32> to vector<16xf32>
        %swap3A_904 = vector.shape_cast %get3A_897 : vector<16xf32> to vector<1x1x16xf32>
        tpu.vector_store %arg9[%swap3A_899, %swap3A_900, %swap3A_901], %swap3A_904 {add = true, strides = array<i32>} : memref<4x8x1024xf32, #tpu.memory_space<vmem>>, vector<1x1x16xf32>,
        %get3A_905 = arith.constant 3 : i32
        %get3A_906 = arith.index_cast %get3A_905 : i32 to index
        %get3A_907 = arith.index_cast %scan3A_438 : i32 to index
        %get3A_908 = arith.constant 576 : index
        %get3A_909 = tpu.vector_load %arg10[%get3A_906, %get3A_907, %get3A_908] {strides = array<i32>} : memref<4x8x1024xf32, #tpu.memory_space<vmem>>, vector<1x1x16xf32>,
        %get3A_910 = vector.shape_cast %get3A_909 : vector<1x1x16xf32> to vector<16xf32>
        %swap3A_911 = arith.constant 3 : i32
        %swap3A_912 = arith.index_cast %swap3A_911 : i32 to index
        %swap3A_913 = arith.index_cast %scan3A_438 : i32 to index
        %swap3A_914 = arith.constant 576 : index
        %swap3A_915 = tpu.vector_load %arg9[%swap3A_912, %swap3A_913, %swap3A_914] {strides = array<i32>} : memref<4x8x1024xf32, #tpu.memory_space<vmem>>, vector<1x1x16xf32>,
        %swap3A_916 = vector.shape_cast %swap3A_915 : vector<1x1x16xf32> to vector<16xf32>
        %swap3A_917 = vector.shape_cast %get3A_910 : vector<16xf32> to vector<1x1x16xf32>
        tpu.vector_store %arg9[%swap3A_912, %swap3A_913, %swap3A_914], %swap3A_917 {add = true, strides = array<i32>} : memref<4x8x1024xf32, #tpu.memory_space<vmem>>, vector<1x1x16xf32>,
        %get3A_918 = arith.constant 3 : i32
        %get3A_919 = arith.index_cast %get3A_918 : i32 to index
        %get3A_920 = arith.index_cast %scan3A_438 : i32 to index
        %get3A_921 = arith.constant 592 : index
        %get3A_922 = tpu.vector_load %arg10[%get3A_919, %get3A_920, %get3A_921] {strides = array<i32>} : memref<4x8x1024xf32, #tpu.memory_space<vmem>>, vector<1x1x16xf32>,
        %get3A_923 = vector.shape_cast %get3A_922 : vector<1x1x16xf32> to vector<16xf32>
        %swap3A_924 = arith.constant 3 : i32
        %swap3A_925 = arith.index_cast %swap3A_924 : i32 to index
        %swap3A_926 = arith.index_cast %scan3A_438 : i32 to index
        %swap3A_927 = arith.constant 592 : index
        %swap3A_928 = tpu.vector_load %arg9[%swap3A_925, %swap3A_926, %swap3A_927] {strides = array<i32>} : memref<4x8x1024xf32, #tpu.memory_space<vmem>>, vector<1x1x16xf32>,
        %swap3A_929 = vector.shape_cast %swap3A_928 : vector<1x1x16xf32> to vector<16xf32>
        %swap3A_930 = vector.shape_cast %get3A_923 : vector<16xf32> to vector<1x1x16xf32>
        tpu.vector_store %arg9[%swap3A_925, %swap3A_926, %swap3A_927], %swap3A_930 {add = true, strides = array<i32>} : memref<4x8x1024xf32, #tpu.memory_space<vmem>>, vector<1x1x16xf32>,
        %get3A_931 = arith.constant 3 : i32
        %get3A_932 = arith.index_cast %get3A_931 : i32 to index
        %get3A_933 = arith.index_cast %scan3A_438 : i32 to index
        %get3A_934 = arith.constant 608 : index
        %get3A_935 = tpu.vector_load %arg10[%get3A_932, %get3A_933, %get3A_934] {strides = array<i32>} : memref<4x8x1024xf32, #tpu.memory_space<vmem>>, vector<1x1x16xf32>,
        %get3A_936 = vector.shape_cast %get3A_935 : vector<1x1x16xf32> to vector<16xf32>
        %swap3A_937 = arith.constant 3 : i32
        %swap3A_938 = arith.index_cast %swap3A_937 : i32 to index
        %swap3A_939 = arith.index_cast %scan3A_438 : i32 to index
        %swap3A_940 = arith.constant 608 : index
        %swap3A_941 = tpu.vector_load %arg9[%swap3A_938, %swap3A_939, %swap3A_940] {strides = array<i32>} : memref<4x8x1024xf32, #tpu.memory_space<vmem>>, vector<1x1x16xf32>,
        %swap3A_942 = vector.shape_cast %swap3A_941 : vector<1x1x16xf32> to vector<16xf32>
        %swap3A_943 = vector.shape_cast %get3A_936 : vector<16xf32> to vector<1x1x16xf32>
        tpu.vector_store %arg9[%swap3A_938, %swap3A_939, %swap3A_940], %swap3A_943 {add = true, strides = array<i32>} : memref<4x8x1024xf32, #tpu.memory_space<vmem>>, vector<1x1x16xf32>,
        %get3A_944 = arith.constant 3 : i32
        %get3A_945 = arith.index_cast %get3A_944 : i32 to index
        %get3A_946 = arith.index_cast %scan3A_438 : i32 to index
        %get3A_947 = arith.constant 624 : index
        %get3A_948 = tpu.vector_load %arg10[%get3A_945, %get3A_946, %get3A_947] {strides = array<i32>} : memref<4x8x1024xf32, #tpu.memory_space<vmem>>, vector<1x1x16xf32>,
        %get3A_949 = vector.shape_cast %get3A_948 : vector<1x1x16xf32> to vector<16xf32>
        %swap3A_950 = arith.constant 3 : i32
        %swap3A_951 = arith.index_cast %swap3A_950 : i32 to index
        %swap3A_952 = arith.index_cast %scan3A_438 : i32 to index
        %swap3A_953 = arith.constant 624 : index
        %swap3A_954 = tpu.vector_load %arg9[%swap3A_951, %swap3A_952, %swap3A_953] {strides = array<i32>} : memref<4x8x1024xf32, #tpu.memory_space<vmem>>, vector<1x1x16xf32>,
        %swap3A_955 = vector.shape_cast %swap3A_954 : vector<1x1x16xf32> to vector<16xf32>
        %swap3A_956 = vector.shape_cast %get3A_949 : vector<16xf32> to vector<1x1x16xf32>
        tpu.vector_store %arg9[%swap3A_951, %swap3A_952, %swap3A_953], %swap3A_956 {add = true, strides = array<i32>} : memref<4x8x1024xf32, #tpu.memory_space<vmem>>, vector<1x1x16xf32>,
        %get3A_957 = arith.constant 3 : i32
        %get3A_958 = arith.index_cast %get3A_957 : i32 to index
        %get3A_959 = arith.index_cast %scan3A_438 : i32 to index
        %get3A_960 = arith.constant 640 : index
        %get3A_961 = tpu.vector_load %arg10[%get3A_958, %get3A_959, %get3A_960] {strides = array<i32>} : memref<4x8x1024xf32, #tpu.memory_space<vmem>>, vector<1x1x16xf32>,
        %get3A_962 = vector.shape_cast %get3A_961 : vector<1x1x16xf32> to vector<16xf32>
        %swap3A_963 = arith.constant 3 : i32
        %swap3A_964 = arith.index_cast %swap3A_963 : i32 to index
        %swap3A_965 = arith.index_cast %scan3A_438 : i32 to index
        %swap3A_966 = arith.constant 640 : index
        %swap3A_967 = tpu.vector_load %arg9[%swap3A_964, %swap3A_965, %swap3A_966] {strides = array<i32>} : memref<4x8x1024xf32, #tpu.memory_space<vmem>>, vector<1x1x16xf32>,
        %swap3A_968 = vector.shape_cast %swap3A_967 : vector<1x1x16xf32> to vector<16xf32>
        %swap3A_969 = vector.shape_cast %get3A_962 : vector<16xf32> to vector<1x1x16xf32>
        tpu.vector_store %arg9[%swap3A_964, %swap3A_965, %swap3A_966], %swap3A_969 {add = true, strides = array<i32>} : memref<4x8x1024xf32, #tpu.memory_space<vmem>>, vector<1x1x16xf32>,
        %get3A_970 = arith.constant 3 : i32
        %get3A_971 = arith.index_cast %get3A_970 : i32 to index
        %get3A_972 = arith.index_cast %scan3A_438 : i32 to index
        %get3A_973 = arith.constant 656 : index
        %get3A_974 = tpu.vector_load %arg10[%get3A_971, %get3A_972, %get3A_973] {strides = array<i32>} : memref<4x8x1024xf32, #tpu.memory_space<vmem>>, vector<1x1x16xf32>,
        %get3A_975 = vector.shape_cast %get3A_974 : vector<1x1x16xf32> to vector<16xf32>
        %swap3A_976 = arith.constant 3 : i32
        %swap3A_977 = arith.index_cast %swap3A_976 : i32 to index
        %swap3A_978 = arith.index_cast %scan3A_438 : i32 to index
        %swap3A_979 = arith.constant 656 : index
        %swap3A_980 = tpu.vector_load %arg9[%swap3A_977, %swap3A_978, %swap3A_979] {strides = array<i32>} : memref<4x8x1024xf32, #tpu.memory_space<vmem>>, vector<1x1x16xf32>,
        %swap3A_981 = vector.shape_cast %swap3A_980 : vector<1x1x16xf32> to vector<16xf32>
        %swap3A_982 = vector.shape_cast %get3A_975 : vector<16xf32> to vector<1x1x16xf32>
        tpu.vector_store %arg9[%swap3A_977, %swap3A_978, %swap3A_979], %swap3A_982 {add = true, strides = array<i32>} : memref<4x8x1024xf32, #tpu.memory_space<vmem>>, vector<1x1x16xf32>,
        %get3A_983 = arith.constant 3 : i32
        %get3A_984 = arith.index_cast %get3A_983 : i32 to index
        %get3A_985 = arith.index_cast %scan3A_438 : i32 to index
        %get3A_986 = arith.constant 672 : index
        %get3A_987 = tpu.vector_load %arg10[%get3A_984, %get3A_985, %get3A_986] {strides = array<i32>} : memref<4x8x1024xf32, #tpu.memory_space<vmem>>, vector<1x1x16xf32>,
        %get3A_988 = vector.shape_cast %get3A_987 : vector<1x1x16xf32> to vector<16xf32>
        %swap3A_989 = arith.constant 3 : i32
        %swap3A_990 = arith.index_cast %swap3A_989 : i32 to index
        %swap3A_991 = arith.index_cast %scan3A_438 : i32 to index
        %swap3A_992 = arith.constant 672 : index
        %swap3A_993 = tpu.vector_load %arg9[%swap3A_990, %swap3A_991, %swap3A_992] {strides = array<i32>} : memref<4x8x1024xf32, #tpu.memory_space<vmem>>, vector<1x1x16xf32>,
        %swap3A_994 = vector.shape_cast %swap3A_993 : vector<1x1x16xf32> to vector<16xf32>
        %swap3A_995 = vector.shape_cast %get3A_988 : vector<16xf32> to vector<1x1x16xf32>
        tpu.vector_store %arg9[%swap3A_990, %swap3A_991, %swap3A_992], %swap3A_995 {add = true, strides = array<i32>} : memref<4x8x1024xf32, #tpu.memory_space<vmem>>, vector<1x1x16xf32>,
        %get3A_996 = arith.constant 3 : i32
        %get3A_997 = arith.index_cast %get3A_996 : i32 to index
        %get3A_998 = arith.index_cast %scan3A_438 : i32 to index
        %get3A_999 = arith.constant 688 : index
        %get3A_1000 = tpu.vector_load %arg10[%get3A_997, %get3A_998, %get3A_999] {strides = array<i32>} : memref<4x8x1024xf32, #tpu.memory_space<vmem>>, vector<1x1x16xf32>,
        %get3A_1001 = vector.shape_cast %get3A_1000 : vector<1x1x16xf32> to vector<16xf32>
        %swap3A_1002 = arith.constant 3 : i32
        %swap3A_1003 = arith.index_cast %swap3A_1002 : i32 to index
        %swap3A_1004 = arith.index_cast %scan3A_438 : i32 to index
        %swap3A_1005 = arith.constant 688 : index
        %swap3A_1006 = tpu.vector_load %arg9[%swap3A_1003, %swap3A_1004, %swap3A_1005] {strides = array<i32>} : memref<4x8x1024xf32, #tpu.memory_space<vmem>>, vector<1x1x16xf32>,
        %swap3A_1007 = vector.shape_cast %swap3A_1006 : vector<1x1x16xf32> to vector<16xf32>
        %swap3A_1008 = vector.shape_cast %get3A_1001 : vector<16xf32> to vector<1x1x16xf32>
        tpu.vector_store %arg9[%swap3A_1003, %swap3A_1004, %swap3A_1005], %swap3A_1008 {add = true, strides = array<i32>} : memref<4x8x1024xf32, #tpu.memory_space<vmem>>, vector<1x1x16xf32>,
        %get3A_1009 = arith.constant 3 : i32
        %get3A_1010 = arith.index_cast %get3A_1009 : i32 to index
        %get3A_1011 = arith.index_cast %scan3A_438 : i32 to index
        %get3A_1012 = arith.constant 704 : index
        %get3A_1013 = tpu.vector_load %arg10[%get3A_1010, %get3A_1011, %get3A_1012] {strides = array<i32>} : memref<4x8x1024xf32, #tpu.memory_space<vmem>>, vector<1x1x16xf32>,
        %get3A_1014 = vector.shape_cast %get3A_1013 : vector<1x1x16xf32> to vector<16xf32>
        %swap3A_1015 = arith.constant 3 : i32
        %swap3A_1016 = arith.index_cast %swap3A_1015 : i32 to index
        %swap3A_1017 = arith.index_cast %scan3A_438 : i32 to index
        %swap3A_1018 = arith.constant 704 : index
        %swap3A_1019 = tpu.vector_load %arg9[%swap3A_1016, %swap3A_1017, %swap3A_1018] {strides = array<i32>} : memref<4x8x1024xf32, #tpu.memory_space<vmem>>, vector<1x1x16xf32>,
        %swap3A_1020 = vector.shape_cast %swap3A_1019 : vector<1x1x16xf32> to vector<16xf32>
        %swap3A_1021 = vector.shape_cast %get3A_1014 : vector<16xf32> to vector<1x1x16xf32>
        tpu.vector_store %arg9[%swap3A_1016, %swap3A_1017, %swap3A_1018], %swap3A_1021 {add = true, strides = array<i32>} : memref<4x8x1024xf32, #tpu.memory_space<vmem>>, vector<1x1x16xf32>,
        %get3A_1022 = arith.constant 3 : i32
        %get3A_1023 = arith.index_cast %get3A_1022 : i32 to index
        %get3A_1024 = arith.index_cast %scan3A_438 : i32 to index
        %get3A_1025 = arith.constant 720 : index
        %get3A_1026 = tpu.vector_load %arg10[%get3A_1023, %get3A_1024, %get3A_1025] {strides = array<i32>} : memref<4x8x1024xf32, #tpu.memory_space<vmem>>, vector<1x1x16xf32>,
        %get3A_1027 = vector.shape_cast %get3A_1026 : vector<1x1x16xf32> to vector<16xf32>
        %swap3A_1028 = arith.constant 3 : i32
        %swap3A_1029 = arith.index_cast %swap3A_1028 : i32 to index
        %swap3A_1030 = arith.index_cast %scan3A_438 : i32 to index
        %swap3A_1031 = arith.constant 720 : index
        %swap3A_1032 = tpu.vector_load %arg9[%swap3A_1029, %swap3A_1030, %swap3A_1031] {strides = array<i32>} : memref<4x8x1024xf32, #tpu.memory_space<vmem>>, vector<1x1x16xf32>,
        %swap3A_1033 = vector.shape_cast %swap3A_1032 : vector<1x1x16xf32> to vector<16xf32>
        %swap3A_1034 = vector.shape_cast %get3A_1027 : vector<16xf32> to vector<1x1x16xf32>
        tpu.vector_store %arg9[%swap3A_1029, %swap3A_1030, %swap3A_1031], %swap3A_1034 {add = true, strides = array<i32>} : memref<4x8x1024xf32, #tpu.memory_space<vmem>>, vector<1x1x16xf32>,
        %get3A_1035 = arith.constant 3 : i32
        %get3A_1036 = arith.index_cast %get3A_1035 : i32 to index
        %get3A_1037 = arith.index_cast %scan3A_438 : i32 to index
        %get3A_1038 = arith.constant 736 : index
        %get3A_1039 = tpu.vector_load %arg10[%get3A_1036, %get3A_1037, %get3A_1038] {strides = array<i32>} : memref<4x8x1024xf32, #tpu.memory_space<vmem>>, vector<1x1x16xf32>,
        %get3A_1040 = vector.shape_cast %get3A_1039 : vector<1x1x16xf32> to vector<16xf32>
        %swap3A_1041 = arith.constant 3 : i32
        %swap3A_1042 = arith.index_cast %swap3A_1041 : i32 to index
        %swap3A_1043 = arith.index_cast %scan3A_438 : i32 to index
        %swap3A_1044 = arith.constant 736 : index
        %swap3A_1045 = tpu.vector_load %arg9[%swap3A_1042, %swap3A_1043, %swap3A_1044] {strides = array<i32>} : memref<4x8x1024xf32, #tpu.memory_space<vmem>>, vector<1x1x16xf32>,
        %swap3A_1046 = vector.shape_cast %swap3A_1045 : vector<1x1x16xf32> to vector<16xf32>
        %swap3A_1047 = vector.shape_cast %get3A_1040 : vector<16xf32> to vector<1x1x16xf32>
        tpu.vector_store %arg9[%swap3A_1042, %swap3A_1043, %swap3A_1044], %swap3A_1047 {add = true, strides = array<i32>} : memref<4x8x1024xf32, #tpu.memory_space<vmem>>, vector<1x1x16xf32>,
        %get3A_1048 = arith.constant 3 : i32
        %get3A_1049 = arith.index_cast %get3A_1048 : i32 to index
        %get3A_1050 = arith.index_cast %scan3A_438 : i32 to index
        %get3A_1051 = arith.constant 752 : index
        %get3A_1052 = tpu.vector_load %arg10[%get3A_1049, %get3A_1050, %get3A_1051] {strides = array<i32>} : memref<4x8x1024xf32, #tpu.memory_space<vmem>>, vector<1x1x16xf32>,
        %get3A_1053 = vector.shape_cast %get3A_1052 : vector<1x1x16xf32> to vector<16xf32>
        %swap3A_1054 = arith.constant 3 : i32
        %swap3A_1055 = arith.index_cast %swap3A_1054 : i32 to index
        %swap3A_1056 = arith.index_cast %scan3A_438 : i32 to index
        %swap3A_1057 = arith.constant 752 : index
        %swap3A_1058 = tpu.vector_load %arg9[%swap3A_1055, %swap3A_1056, %swap3A_1057] {strides = array<i32>} : memref<4x8x1024xf32, #tpu.memory_space<vmem>>, vector<1x1x16xf32>,
        %swap3A_1059 = vector.shape_cast %swap3A_1058 : vector<1x1x16xf32> to vector<16xf32>
        %swap3A_1060 = vector.shape_cast %get3A_1053 : vector<16xf32> to vector<1x1x16xf32>
        tpu.vector_store %arg9[%swap3A_1055, %swap3A_1056, %swap3A_1057], %swap3A_1060 {add = true, strides = array<i32>} : memref<4x8x1024xf32, #tpu.memory_space<vmem>>, vector<1x1x16xf32>,
        %get3A_1061 = arith.constant 3 : i32
        %get3A_1062 = arith.index_cast %get3A_1061 : i32 to index
        %get3A_1063 = arith.index_cast %scan3A_438 : i32 to index
        %get3A_1064 = arith.constant 768 : index
        %get3A_1065 = tpu.vector_load %arg10[%get3A_1062, %get3A_1063, %get3A_1064] {strides = array<i32>} : memref<4x8x1024xf32, #tpu.memory_space<vmem>>, vector<1x1x16xf32>,
        %get3A_1066 = vector.shape_cast %get3A_1065 : vector<1x1x16xf32> to vector<16xf32>
        %swap3A_1067 = arith.constant 3 : i32
        %swap3A_1068 = arith.index_cast %swap3A_1067 : i32 to index
        %swap3A_1069 = arith.index_cast %scan3A_438 : i32 to index
        %swap3A_1070 = arith.constant 768 : index
        %swap3A_1071 = tpu.vector_load %arg9[%swap3A_1068, %swap3A_1069, %swap3A_1070] {strides = array<i32>} : memref<4x8x1024xf32, #tpu.memory_space<vmem>>, vector<1x1x16xf32>,
        %swap3A_1072 = vector.shape_cast %swap3A_1071 : vector<1x1x16xf32> to vector<16xf32>
        %swap3A_1073 = vector.shape_cast %get3A_1066 : vector<16xf32> to vector<1x1x16xf32>
        tpu.vector_store %arg9[%swap3A_1068, %swap3A_1069, %swap3A_1070], %swap3A_1073 {add = true, strides = array<i32>} : memref<4x8x1024xf32, #tpu.memory_space<vmem>>, vector<1x1x16xf32>,
        %get3A_1074 = arith.constant 3 : i32
        %get3A_1075 = arith.index_cast %get3A_1074 : i32 to index
        %get3A_1076 = arith.index_cast %scan3A_438 : i32 to index
        %get3A_1077 = arith.constant 784 : index
        %get3A_1078 = tpu.vector_load %arg10[%get3A_1075, %get3A_1076, %get3A_1077] {strides = array<i32>} : memref<4x8x1024xf32, #tpu.memory_space<vmem>>, vector<1x1x16xf32>,
        %get3A_1079 = vector.shape_cast %get3A_1078 : vector<1x1x16xf32> to vector<16xf32>
        %swap3A_1080 = arith.constant 3 : i32
        %swap3A_1081 = arith.index_cast %swap3A_1080 : i32 to index
        %swap3A_1082 = arith.index_cast %scan3A_438 : i32 to index
        %swap3A_1083 = arith.constant 784 : index
        %swap3A_1084 = tpu.vector_load %arg9[%swap3A_1081, %swap3A_1082, %swap3A_1083] {strides = array<i32>} : memref<4x8x1024xf32, #tpu.memory_space<vmem>>, vector<1x1x16xf32>,
        %swap3A_1085 = vector.shape_cast %swap3A_1084 : vector<1x1x16xf32> to vector<16xf32>
        %swap3A_1086 = vector.shape_cast %get3A_1079 : vector<16xf32> to vector<1x1x16xf32>
        tpu.vector_store %arg9[%swap3A_1081, %swap3A_1082, %swap3A_1083], %swap3A_1086 {add = true, strides = array<i32>} : memref<4x8x1024xf32, #tpu.memory_space<vmem>>, vector<1x1x16xf32>,
        %get3A_1087 = arith.constant 3 : i32
        %get3A_1088 = arith.index_cast %get3A_1087 : i32 to index
        %get3A_1089 = arith.index_cast %scan3A_438 : i32 to index
        %get3A_1090 = arith.constant 800 : index
        %get3A_1091 = tpu.vector_load %arg10[%get3A_1088, %get3A_1089, %get3A_1090] {strides = array<i32>} : memref<4x8x1024xf32, #tpu.memory_space<vmem>>, vector<1x1x16xf32>,
        %get3A_1092 = vector.shape_cast %get3A_1091 : vector<1x1x16xf32> to vector<16xf32>
        %swap3A_1093 = arith.constant 3 : i32
        %swap3A_1094 = arith.index_cast %swap3A_1093 : i32 to index
        %swap3A_1095 = arith.index_cast %scan3A_438 : i32 to index
        %swap3A_1096 = arith.constant 800 : index
        %swap3A_1097 = tpu.vector_load %arg9[%swap3A_1094, %swap3A_1095, %swap3A_1096] {strides = array<i32>} : memref<4x8x1024xf32, #tpu.memory_space<vmem>>, vector<1x1x16xf32>,
        %swap3A_1098 = vector.shape_cast %swap3A_1097 : vector<1x1x16xf32> to vector<16xf32>
        %swap3A_1099 = vector.shape_cast %get3A_1092 : vector<16xf32> to vector<1x1x16xf32>
        tpu.vector_store %arg9[%swap3A_1094, %swap3A_1095, %swap3A_1096], %swap3A_1099 {add = true, strides = array<i32>} : memref<4x8x1024xf32, #tpu.memory_space<vmem>>, vector<1x1x16xf32>,
        %get3A_1100 = arith.constant 3 : i32
        %get3A_1101 = arith.index_cast %get3A_1100 : i32 to index
        %get3A_1102 = arith.index_cast %scan3A_438 : i32 to index
        %get3A_1103 = arith.constant 816 : index
        %get3A_1104 = tpu.vector_load %arg10[%get3A_1101, %get3A_1102, %get3A_1103] {strides = array<i32>} : memref<4x8x1024xf32, #tpu.memory_space<vmem>>, vector<1x1x16xf32>,
        %get3A_1105 = vector.shape_cast %get3A_1104 : vector<1x1x16xf32> to vector<16xf32>
        %swap3A_1106 = arith.constant 3 : i32
        %swap3A_1107 = arith.index_cast %swap3A_1106 : i32 to index
        %swap3A_1108 = arith.index_cast %scan3A_438 : i32 to index
        %swap3A_1109 = arith.constant 816 : index
        %swap3A_1110 = tpu.vector_load %arg9[%swap3A_1107, %swap3A_1108, %swap3A_1109] {strides = array<i32>} : memref<4x8x1024xf32, #tpu.memory_space<vmem>>, vector<1x1x16xf32>,
        %swap3A_1111 = vector.shape_cast %swap3A_1110 : vector<1x1x16xf32> to vector<16xf32>
        %swap3A_1112 = vector.shape_cast %get3A_1105 : vector<16xf32> to vector<1x1x16xf32>
        tpu.vector_store %arg9[%swap3A_1107, %swap3A_1108, %swap3A_1109], %swap3A_1112 {add = true, strides = array<i32>} : memref<4x8x1024xf32, #tpu.memory_space<vmem>>, vector<1x1x16xf32>,
        %get3A_1113 = arith.constant 3 : i32
        %get3A_1114 = arith.index_cast %get3A_1113 : i32 to index
        %get3A_1115 = arith.index_cast %scan3A_438 : i32 to index
        %get3A_1116 = arith.constant 832 : index
        %get3A_1117 = tpu.vector_load %arg10[%get3A_1114, %get3A_1115, %get3A_1116] {strides = array<i32>} : memref<4x8x1024xf32, #tpu.memory_space<vmem>>, vector<1x1x16xf32>,
        %get3A_1118 = vector.shape_cast %get3A_1117 : vector<1x1x16xf32> to vector<16xf32>
        %swap3A_1119 = arith.constant 3 : i32
        %swap3A_1120 = arith.index_cast %swap3A_1119 : i32 to index
        %swap3A_1121 = arith.index_cast %scan3A_438 : i32 to index
        %swap3A_1122 = arith.constant 832 : index
        %swap3A_1123 = tpu.vector_load %arg9[%swap3A_1120, %swap3A_1121, %swap3A_1122] {strides = array<i32>} : memref<4x8x1024xf32, #tpu.memory_space<vmem>>, vector<1x1x16xf32>,
        %swap3A_1124 = vector.shape_cast %swap3A_1123 : vector<1x1x16xf32> to vector<16xf32>
        %swap3A_1125 = vector.shape_cast %get3A_1118 : vector<16xf32> to vector<1x1x16xf32>
        tpu.vector_store %arg9[%swap3A_1120, %swap3A_1121, %swap3A_1122], %swap3A_1125 {add = true, strides = array<i32>} : memref<4x8x1024xf32, #tpu.memory_space<vmem>>, vector<1x1x16xf32>,
        %get3A_1126 = arith.constant 3 : i32
        %get3A_1127 = arith.index_cast %get3A_1126 : i32 to index
        %get3A_1128 = arith.index_cast %scan3A_438 : i32 to index
        %get3A_1129 = arith.constant 848 : index
        %get3A_1130 = tpu.vector_load %arg10[%get3A_1127, %get3A_1128, %get3A_1129] {strides = array<i32>} : memref<4x8x1024xf32, #tpu.memory_space<vmem>>, vector<1x1x16xf32>,
        %get3A_1131 = vector.shape_cast %get3A_1130 : vector<1x1x16xf32> to vector<16xf32>
        %swap3A_1132 = arith.constant 3 : i32
        %swap3A_1133 = arith.index_cast %swap3A_1132 : i32 to index
        %swap3A_1134 = arith.index_cast %scan3A_438 : i32 to index
        %swap3A_1135 = arith.constant 848 : index
        %swap3A_1136 = tpu.vector_load %arg9[%swap3A_1133, %swap3A_1134, %swap3A_1135] {strides = array<i32>} : memref<4x8x1024xf32, #tpu.memory_space<vmem>>, vector<1x1x16xf32>,
        %swap3A_1137 = vector.shape_cast %swap3A_1136 : vector<1x1x16xf32> to vector<16xf32>
        %swap3A_1138 = vector.shape_cast %get3A_1131 : vector<16xf32> to vector<1x1x16xf32>
        tpu.vector_store %arg9[%swap3A_1133, %swap3A_1134, %swap3A_1135], %swap3A_1138 {add = true, strides = array<i32>} : memref<4x8x1024xf32, #tpu.memory_space<vmem>>, vector<1x1x16xf32>,
        %get3A_1139 = arith.constant 3 : i32
        %get3A_1140 = arith.index_cast %get3A_1139 : i32 to index
        %get3A_1141 = arith.index_cast %scan3A_438 : i32 to index
        %get3A_1142 = arith.constant 864 : index
        %get3A_1143 = tpu.vector_load %arg10[%get3A_1140, %get3A_1141, %get3A_1142] {strides = array<i32>} : memref<4x8x1024xf32, #tpu.memory_space<vmem>>, vector<1x1x16xf32>,
        %get3A_1144 = vector.shape_cast %get3A_1143 : vector<1x1x16xf32> to vector<16xf32>
        %swap3A_1145 = arith.constant 3 : i32
        %swap3A_1146 = arith.index_cast %swap3A_1145 : i32 to index
        %swap3A_1147 = arith.index_cast %scan3A_438 : i32 to index
        %swap3A_1148 = arith.constant 864 : index
        %swap3A_1149 = tpu.vector_load %arg9[%swap3A_1146, %swap3A_1147, %swap3A_1148] {strides = array<i32>} : memref<4x8x1024xf32, #tpu.memory_space<vmem>>, vector<1x1x16xf32>,
        %swap3A_1150 = vector.shape_cast %swap3A_1149 : vector<1x1x16xf32> to vector<16xf32>
        %swap3A_1151 = vector.shape_cast %get3A_1144 : vector<16xf32> to vector<1x1x16xf32>
        tpu.vector_store %arg9[%swap3A_1146, %swap3A_1147, %swap3A_1148], %swap3A_1151 {add = true, strides = array<i32>} : memref<4x8x1024xf32, #tpu.memory_space<vmem>>, vector<1x1x16xf32>,
        %get3A_1152 = arith.constant 3 : i32
        %get3A_1153 = arith.index_cast %get3A_1152 : i32 to index
        %get3A_1154 = arith.index_cast %scan3A_438 : i32 to index
        %get3A_1155 = arith.constant 880 : index
        %get3A_1156 = tpu.vector_load %arg10[%get3A_1153, %get3A_1154, %get3A_1155] {strides = array<i32>} : memref<4x8x1024xf32, #tpu.memory_space<vmem>>, vector<1x1x16xf32>,
        %get3A_1157 = vector.shape_cast %get3A_1156 : vector<1x1x16xf32> to vector<16xf32>
        %swap3A_1158 = arith.constant 3 : i32
        %swap3A_1159 = arith.index_cast %swap3A_1158 : i32 to index
        %swap3A_1160 = arith.index_cast %scan3A_438 : i32 to index
        %swap3A_1161 = arith.constant 880 : index
        %swap3A_1162 = tpu.vector_load %arg9[%swap3A_1159, %swap3A_1160, %swap3A_1161] {strides = array<i32>} : memref<4x8x1024xf32, #tpu.memory_space<vmem>>, vector<1x1x16xf32>,
        %swap3A_1163 = vector.shape_cast %swap3A_1162 : vector<1x1x16xf32> to vector<16xf32>
        %swap3A_1164 = vector.shape_cast %get3A_1157 : vector<16xf32> to vector<1x1x16xf32>
        tpu.vector_store %arg9[%swap3A_1159, %swap3A_1160, %swap3A_1161], %swap3A_1164 {add = true, strides = array<i32>} : memref<4x8x1024xf32, #tpu.memory_space<vmem>>, vector<1x1x16xf32>,
        %get3A_1165 = arith.constant 3 : i32
        %get3A_1166 = arith.index_cast %get3A_1165 : i32 to index
        %get3A_1167 = arith.index_cast %scan3A_438 : i32 to index
        %get3A_1168 = arith.constant 896 : index
        %get3A_1169 = tpu.vector_load %arg10[%get3A_1166, %get3A_1167, %get3A_1168] {strides = array<i32>} : memref<4x8x1024xf32, #tpu.memory_space<vmem>>, vector<1x1x16xf32>,
        %get3A_1170 = vector.shape_cast %get3A_1169 : vector<1x1x16xf32> to vector<16xf32>
        %swap3A_1171 = arith.constant 3 : i32
        %swap3A_1172 = arith.index_cast %swap3A_1171 : i32 to index
        %swap3A_1173 = arith.index_cast %scan3A_438 : i32 to index
        %swap3A_1174 = arith.constant 896 : index
        %swap3A_1175 = tpu.vector_load %arg9[%swap3A_1172, %swap3A_1173, %swap3A_1174] {strides = array<i32>} : memref<4x8x1024xf32, #tpu.memory_space<vmem>>, vector<1x1x16xf32>,
        %swap3A_1176 = vector.shape_cast %swap3A_1175 : vector<1x1x16xf32> to vector<16xf32>
        %swap3A_1177 = vector.shape_cast %get3A_1170 : vector<16xf32> to vector<1x1x16xf32>
        tpu.vector_store %arg9[%swap3A_1172, %swap3A_1173, %swap3A_1174], %swap3A_1177 {add = true, strides = array<i32>} : memref<4x8x1024xf32, #tpu.memory_space<vmem>>, vector<1x1x16xf32>,
        %get3A_1178 = arith.constant 3 : i32
        %get3A_1179 = arith.index_cast %get3A_1178 : i32 to index
        %get3A_1180 = arith.index_cast %scan3A_438 : i32 to index
        %get3A_1181 = arith.constant 912 : index
        %get3A_1182 = tpu.vector_load %arg10[%get3A_1179, %get3A_1180, %get3A_1181] {strides = array<i32>} : memref<4x8x1024xf32, #tpu.memory_space<vmem>>, vector<1x1x16xf32>,
        %get3A_1183 = vector.shape_cast %get3A_1182 : vector<1x1x16xf32> to vector<16xf32>
        %swap3A_1184 = arith.constant 3 : i32
        %swap3A_1185 = arith.index_cast %swap3A_1184 : i32 to index
        %swap3A_1186 = arith.index_cast %scan3A_438 : i32 to index
        %swap3A_1187 = arith.constant 912 : index
        %swap3A_1188 = tpu.vector_load %arg9[%swap3A_1185, %swap3A_1186, %swap3A_1187] {strides = array<i32>} : memref<4x8x1024xf32, #tpu.memory_space<vmem>>, vector<1x1x16xf32>,
        %swap3A_1189 = vector.shape_cast %swap3A_1188 : vector<1x1x16xf32> to vector<16xf32>
        %swap3A_1190 = vector.shape_cast %get3A_1183 : vector<16xf32> to vector<1x1x16xf32>
        tpu.vector_store %arg9[%swap3A_1185, %swap3A_1186, %swap3A_1187], %swap3A_1190 {add = true, strides = array<i32>} : memref<4x8x1024xf32, #tpu.memory_space<vmem>>, vector<1x1x16xf32>,
        %get3A_1191 = arith.constant 3 : i32
        %get3A_1192 = arith.index_cast %get3A_1191 : i32 to index
        %get3A_1193 = arith.index_cast %scan3A_438 : i32 to index
        %get3A_1194 = arith.constant 928 : index
        %get3A_1195 = tpu.vector_load %arg10[%get3A_1192, %get3A_1193, %get3A_1194] {strides = array<i32>} : memref<4x8x1024xf32, #tpu.memory_space<vmem>>, vector<1x1x16xf32>,
        %get3A_1196 = vector.shape_cast %get3A_1195 : vector<1x1x16xf32> to vector<16xf32>
        %swap3A_1197 = arith.constant 3 : i32
        %swap3A_1198 = arith.index_cast %swap3A_1197 : i32 to index
        %swap3A_1199 = arith.index_cast %scan3A_438 : i32 to index
        %swap3A_1200 = arith.constant 928 : index
        %swap3A_1201 = tpu.vector_load %arg9[%swap3A_1198, %swap3A_1199, %swap3A_1200] {strides = array<i32>} : memref<4x8x1024xf32, #tpu.memory_space<vmem>>, vector<1x1x16xf32>,
        %swap3A_1202 = vector.shape_cast %swap3A_1201 : vector<1x1x16xf32> to vector<16xf32>
        %swap3A_1203 = vector.shape_cast %get3A_1196 : vector<16xf32> to vector<1x1x16xf32>
        tpu.vector_store %arg9[%swap3A_1198, %swap3A_1199, %swap3A_1200], %swap3A_1203 {add = true, strides = array<i32>} : memref<4x8x1024xf32, #tpu.memory_space<vmem>>, vector<1x1x16xf32>,
        %get3A_1204 = arith.constant 3 : i32
        %get3A_1205 = arith.index_cast %get3A_1204 : i32 to index
        %get3A_1206 = arith.index_cast %scan3A_438 : i32 to index
        %get3A_1207 = arith.constant 944 : index
        %get3A_1208 = tpu.vector_load %arg10[%get3A_1205, %get3A_1206, %get3A_1207] {strides = array<i32>} : memref<4x8x1024xf32, #tpu.memory_space<vmem>>, vector<1x1x16xf32>,
        %get3A_1209 = vector.shape_cast %get3A_1208 : vector<1x1x16xf32> to vector<16xf32>
        %swap3A_1210 = arith.constant 3 : i32
        %swap3A_1211 = arith.index_cast %swap3A_1210 : i32 to index
        %swap3A_1212 = arith.index_cast %scan3A_438 : i32 to index
        %swap3A_1213 = arith.constant 944 : index
        %swap3A_1214 = tpu.vector_load %arg9[%swap3A_1211, %swap3A_1212, %swap3A_1213] {strides = array<i32>} : memref<4x8x1024xf32, #tpu.memory_space<vmem>>, vector<1x1x16xf32>,
        %swap3A_1215 = vector.shape_cast %swap3A_1214 : vector<1x1x16xf32> to vector<16xf32>
        %swap3A_1216 = vector.shape_cast %get3A_1209 : vector<16xf32> to vector<1x1x16xf32>
        tpu.vector_store %arg9[%swap3A_1211, %swap3A_1212, %swap3A_1213], %swap3A_1216 {add = true, strides = array<i32>} : memref<4x8x1024xf32, #tpu.memory_space<vmem>>, vector<1x1x16xf32>,
        %get3A_1217 = arith.constant 3 : i32
        %get3A_1218 = arith.index_cast %get3A_1217 : i32 to index
        %get3A_1219 = arith.index_cast %scan3A_438 : i32 to index
        %get3A_1220 = arith.constant 960 : index
        %get3A_1221 = tpu.vector_load %arg10[%get3A_1218, %get3A_1219, %get3A_1220] {strides = array<i32>} : memref<4x8x1024xf32, #tpu.memory_space<vmem>>, vector<1x1x16xf32>,
        %get3A_1222 = vector.shape_cast %get3A_1221 : vector<1x1x16xf32> to vector<16xf32>
        %swap3A_1223 = arith.constant 3 : i32
        %swap3A_1224 = arith.index_cast %swap3A_1223 : i32 to index
        %swap3A_1225 = arith.index_cast %scan3A_438 : i32 to index
        %swap3A_1226 = arith.constant 960 : index
        %swap3A_1227 = tpu.vector_load %arg9[%swap3A_1224, %swap3A_1225, %swap3A_1226] {strides = array<i32>} : memref<4x8x1024xf32, #tpu.memory_space<vmem>>, vector<1x1x16xf32>,
        %swap3A_1228 = vector.shape_cast %swap3A_1227 : vector<1x1x16xf32> to vector<16xf32>
        %swap3A_1229 = vector.shape_cast %get3A_1222 : vector<16xf32> to vector<1x1x16xf32>
        tpu.vector_store %arg9[%swap3A_1224, %swap3A_1225, %swap3A_1226], %swap3A_1229 {add = true, strides = array<i32>} : memref<4x8x1024xf32, #tpu.memory_space<vmem>>, vector<1x1x16xf32>,
        %get3A_1230 = arith.constant 3 : i32
        %get3A_1231 = arith.index_cast %get3A_1230 : i32 to index
        %get3A_1232 = arith.index_cast %scan3A_438 : i32 to index
        %get3A_1233 = arith.constant 976 : index
        %get3A_1234 = tpu.vector_load %arg10[%get3A_1231, %get3A_1232, %get3A_1233] {strides = array<i32>} : memref<4x8x1024xf32, #tpu.memory_space<vmem>>, vector<1x1x16xf32>,
        %get3A_1235 = vector.shape_cast %get3A_1234 : vector<1x1x16xf32> to vector<16xf32>
        %swap3A_1236 = arith.constant 3 : i32
        %swap3A_1237 = arith.index_cast %swap3A_1236 : i32 to index
        %swap3A_1238 = arith.index_cast %scan3A_438 : i32 to index
        %swap3A_1239 = arith.constant 976 : index
        %swap3A_1240 = tpu.vector_load %arg9[%swap3A_1237, %swap3A_1238, %swap3A_1239] {strides = array<i32>} : memref<4x8x1024xf32, #tpu.memory_space<vmem>>, vector<1x1x16xf32>,
        %swap3A_1241 = vector.shape_cast %swap3A_1240 : vector<1x1x16xf32> to vector<16xf32>
        %swap3A_1242 = vector.shape_cast %get3A_1235 : vector<16xf32> to vector<1x1x16xf32>
        tpu.vector_store %arg9[%swap3A_1237, %swap3A_1238, %swap3A_1239], %swap3A_1242 {add = true, strides = array<i32>} : memref<4x8x1024xf32, #tpu.memory_space<vmem>>, vector<1x1x16xf32>,
        %get3A_1243 = arith.constant 3 : i32
        %get3A_1244 = arith.index_cast %get3A_1243 : i32 to index
        %get3A_1245 = arith.index_cast %scan3A_438 : i32 to index
        %get3A_1246 = arith.constant 992 : index
        %get3A_1247 = tpu.vector_load %arg10[%get3A_1244, %get3A_1245, %get3A_1246] {strides = array<i32>} : memref<4x8x1024xf32, #tpu.memory_space<vmem>>, vector<1x1x16xf32>,
        %get3A_1248 = vector.shape_cast %get3A_1247 : vector<1x1x16xf32> to vector<16xf32>
        %swap3A_1249 = arith.constant 3 : i32
        %swap3A_1250 = arith.index_cast %swap3A_1249 : i32 to index
        %swap3A_1251 = arith.index_cast %scan3A_438 : i32 to index
        %swap3A_1252 = arith.constant 992 : index
        %swap3A_1253 = tpu.vector_load %arg9[%swap3A_1250, %swap3A_1251, %swap3A_1252] {strides = array<i32>} : memref<4x8x1024xf32, #tpu.memory_space<vmem>>, vector<1x1x16xf32>,
        %swap3A_1254 = vector.shape_cast %swap3A_1253 : vector<1x1x16xf32> to vector<16xf32>
        %swap3A_1255 = vector.shape_cast %get3A_1248 : vector<16xf32> to vector<1x1x16xf32>
        tpu.vector_store %arg9[%swap3A_1250, %swap3A_1251, %swap3A_1252], %swap3A_1255 {add = true, strides = array<i32>} : memref<4x8x1024xf32, #tpu.memory_space<vmem>>, vector<1x1x16xf32>,
        %get3A_1256 = arith.constant 3 : i32
        %get3A_1257 = arith.index_cast %get3A_1256 : i32 to index
        %get3A_1258 = arith.index_cast %scan3A_438 : i32 to index
        %get3A_1259 = arith.constant 1008 : index
        %get3A_1260 = tpu.vector_load %arg10[%get3A_1257, %get3A_1258, %get3A_1259] {strides = array<i32>} : memref<4x8x1024xf32, #tpu.memory_space<vmem>>, vector<1x1x16xf32>,
        %get3A_1261 = vector.shape_cast %get3A_1260 : vector<1x1x16xf32> to vector<16xf32>
        %swap3A_1262 = arith.constant 3 : i32
        %swap3A_1263 = arith.index_cast %swap3A_1262 : i32 to index
        %swap3A_1264 = arith.index_cast %scan3A_438 : i32 to index
        %swap3A_1265 = arith.constant 1008 : index
        %swap3A_1266 = tpu.vector_load %arg9[%swap3A_1263, %swap3A_1264, %swap3A_1265] {strides = array<i32>} : memref<4x8x1024xf32, #tpu.memory_space<vmem>>, vector<1x1x16xf32>,
        %swap3A_1267 = vector.shape_cast %swap3A_1266 : vector<1x1x16xf32> to vector<16xf32>
        %swap3A_1268 = vector.shape_cast %get3A_1261 : vector<16xf32> to vector<1x1x16xf32>
        tpu.vector_store %arg9[%swap3A_1263, %swap3A_1264, %swap3A_1265], %swap3A_1268 {add = true, strides = array<i32>} : memref<4x8x1024xf32, #tpu.memory_space<vmem>>, vector<1x1x16xf32>,
      }
      %scan3A_419 = arith.constant 8 : i32
      %mul3A_420 = arith.constant 8 : i32
      %mul3A_421 = arith.muli %add3A_376, %mul3A_420 : i32
      %add3A_422 = arith.addi %mul3A_32, %mul3A_421 : i32
      %dma_start3A_423 = arith.constant 3 : i32
      %dma_start3A_424 = arith.constant 0 : i32
      %dma_start3A_425 = arith.constant 0 : i32
      %dma_start3A_426 = tpu.memref_slice %arg9[%dma_start3A_423, %dma_start3A_424, %dma_start3A_425] : memref<4x8x1024xf32, #tpu.memory_space<vmem>> -> memref<1x8x1024xf32, #tpu.memory_space<vmem>>
      %dma_start3A_427 = tpu.memref_squeeze %dma_start3A_426 : memref<1x8x1024xf32, #tpu.memory_space<vmem>> -> memref<8x1024xf32, #tpu.memory_space<vmem>>
      %dma_start3A_428 = arith.constant 0 : i32
      %dma_start3A_429 = tpu.memref_slice %arg6[%add3A_422, %select_n3A, %dma_start3A_428] : memref<4096x4x1024xf32, #tpu.memory_space<hbm>> -> memref<8x1x1024xf32, #tpu.memory_space<hbm>>
      %dma_start3A_430 = tpu.memref_squeeze %dma_start3A_429 : memref<8x1x1024xf32, #tpu.memory_space<hbm>> -> memref<8x1024xf32, #tpu.memory_space<hbm>>
      %dma_start3A_431 = arith.constant 0 : i32
      %dma_start3A_432 = tpu.memref_slice %arg6[%add3A_422, %select_n3A, %dma_start3A_431] : memref<4096x4x1024xf32, #tpu.memory_space<hbm>> -> memref<8x1x1024xf32, #tpu.memory_space<hbm>>
      %dma_start3A_433 = tpu.memref_squeeze %dma_start3A_432 : memref<8x1x1024xf32, #tpu.memory_space<hbm>> -> memref<8x1024xf32, #tpu.memory_space<hbm>>
      %dma_start3A_434 = arith.constant 0 : i32
      %dma_start3A_435 = arith.constant 0 : i32
      %dma_start3A_436 = tpu.memref_slice %arg9[%dma_start3A_423, %dma_start3A_434, %dma_start3A_435] : memref<4x8x1024xf32, #tpu.memory_space<vmem>> -> memref<1x8x1024xf32, #tpu.memory_space<vmem>>
      %dma_start3A_437 = tpu.memref_squeeze %dma_start3A_436 : memref<1x8x1024xf32, #tpu.memory_space<vmem>> -> memref<8x1024xf32, #tpu.memory_space<vmem>>
      tpu.enqueue_dma source(%dma_start3A_437 : memref<8x1024xf32, #tpu.memory_space<vmem>>) target(%dma_start3A_433 : memref<8x1024xf32, #tpu.memory_space<hbm>>) target_semaphore(%arg18 : memref<!tpu.dma_semaphore, #tpu.memory_space<semaphore_mem>>)
    }
    %scan3A_111 = arith.constant 16 : i32
    %add3A_112 = arith.constant 480 : i32
    %add3A_113 = arith.addi %mul3A_32, %add3A_112 : i32
    %dma_wait3A_114 = arith.constant 0 : i32
    %dma_wait3A_115 = arith.constant 0 : i32
    %dma_wait3A_116 = arith.constant 0 : i32
    %dma_wait3A_117 = tpu.memref_slice %arg9[%dma_wait3A_114, %dma_wait3A_115, %dma_wait3A_116] : memref<4x8x1024xf32, #tpu.memory_space<vmem>> -> memref<1x8x1024xf32, #tpu.memory_space<vmem>>
    %dma_wait3A_118 = tpu.memref_squeeze %dma_wait3A_117 : memref<1x8x1024xf32, #tpu.memory_space<vmem>> -> memref<8x1024xf32, #tpu.memory_space<vmem>>
    %dma_wait3A_119 = arith.constant 0 : i32
    %dma_wait3A_120 = tpu.memref_slice %arg6[%add3A_113, %select_n3A, %dma_wait3A_119] : memref<4096x4x1024xf32, #tpu.memory_space<hbm>> -> memref<8x1x1024xf32, #tpu.memory_space<hbm>>
    %dma_wait3A_121 = tpu.memref_squeeze %dma_wait3A_120 : memref<8x1x1024xf32, #tpu.memory_space<hbm>> -> memref<8x1024xf32, #tpu.memory_space<hbm>>
    %dma_wait3A_122 = arith.constant 0 : i32
    %dma_wait3A_123 = tpu.memref_slice %arg6[%add3A_113, %select_n3A, %dma_wait3A_122] : memref<4096x4x1024xf32, #tpu.memory_space<hbm>> -> memref<8x1x1024xf32, #tpu.memory_space<hbm>>
    %dma_wait3A_124 = tpu.memref_squeeze %dma_wait3A_123 : memref<8x1x1024xf32, #tpu.memory_space<hbm>> -> memref<8x1024xf32, #tpu.memory_space<hbm>>
    %dma_wait3A_125 = arith.constant 0 : i32
    %dma_wait3A_126 = arith.constant 0 : i32
    %dma_wait3A_127 = tpu.memref_slice %arg9[%dma_wait3A_114, %dma_wait3A_125, %dma_wait3A_126] : memref<4x8x1024xf32, #tpu.memory_space<vmem>> -> memref<1x8x1024xf32, #tpu.memory_space<vmem>>
    %dma_wait3A_128 = tpu.memref_squeeze %dma_wait3A_127 : memref<1x8x1024xf32, #tpu.memory_space<vmem>> -> memref<8x1024xf32, #tpu.memory_space<vmem>>
    tpu.wait_dma2 semaphore(%arg15 : memref<!tpu.dma_semaphore, #tpu.memory_space<semaphore_mem>>) src(%dma_wait3A_128 : memref<8x1024xf32, #tpu.memory_space<vmem>>) dst(%dma_wait3A_124 : memref<8x1024xf32, #tpu.memory_space<hbm>>)
    %add3A_129 = arith.constant 488 : i32
    %add3A_130 = arith.addi %mul3A_32, %add3A_129 : i32
    %dma_wait3A_131 = arith.constant 1 : i32
    %dma_wait3A_132 = arith.constant 0 : i32
    %dma_wait3A_133 = arith.constant 0 : i32
    %dma_wait3A_134 = tpu.memref_slice %arg9[%dma_wait3A_131, %dma_wait3A_132, %dma_wait3A_133] : memref<4x8x1024xf32, #tpu.memory_space<vmem>> -> memref<1x8x1024xf32, #tpu.memory_space<vmem>>
    %dma_wait3A_135 = tpu.memref_squeeze %dma_wait3A_134 : memref<1x8x1024xf32, #tpu.memory_space<vmem>> -> memref<8x1024xf32, #tpu.memory_space<vmem>>
    %dma_wait3A_136 = arith.constant 0 : i32
    %dma_wait3A_137 = tpu.memref_slice %arg6[%add3A_130, %select_n3A, %dma_wait3A_136] : memref<4096x4x1024xf32, #tpu.memory_space<hbm>> -> memref<8x1x1024xf32, #tpu.memory_space<hbm>>
    %dma_wait3A_138 = tpu.memref_squeeze %dma_wait3A_137 : memref<8x1x1024xf32, #tpu.memory_space<hbm>> -> memref<8x1024xf32, #tpu.memory_space<hbm>>
    %dma_wait3A_139 = arith.constant 0 : i32
    %dma_wait3A_140 = tpu.memref_slice %arg6[%add3A_130, %select_n3A, %dma_wait3A_139] : memref<4096x4x1024xf32, #tpu.memory_space<hbm>> -> memref<8x1x1024xf32, #tpu.memory_space<hbm>>
    %dma_wait3A_141 = tpu.memref_squeeze %dma_wait3A_140 : memref<8x1x1024xf32, #tpu.memory_space<hbm>> -> memref<8x1024xf32, #tpu.memory_space<hbm>>
    %dma_wait3A_142 = arith.constant 0 : i32
    %dma_wait3A_143 = arith.constant 0 : i32
    %dma_wait3A_144 = tpu.memref_slice %arg9[%dma_wait3A_131, %dma_wait3A_142, %dma_wait3A_143] : memref<4x8x1024xf32, #tpu.memory_space<vmem>> -> memref<1x8x1024xf32, #tpu.memory_space<vmem>>
    %dma_wait3A_145 = tpu.memref_squeeze %dma_wait3A_144 : memref<1x8x1024xf32, #tpu.memory_space<vmem>> -> memref<8x1024xf32, #tpu.memory_space<vmem>>
    tpu.wait_dma2 semaphore(%arg16 : memref<!tpu.dma_semaphore, #tpu.memory_space<semaphore_mem>>) src(%dma_wait3A_145 : memref<8x1024xf32, #tpu.memory_space<vmem>>) dst(%dma_wait3A_141 : memref<8x1024xf32, #tpu.memory_space<hbm>>)
    %add3A_146 = arith.constant 496 : i32
    %add3A_147 = arith.addi %mul3A_32, %add3A_146 : i32
    %dma_wait3A_148 = arith.constant 2 : i32
    %dma_wait3A_149 = arith.constant 0 : i32
    %dma_wait3A_150 = arith.constant 0 : i32
    %dma_wait3A_151 = tpu.memref_slice %arg9[%dma_wait3A_148, %dma_wait3A_149, %dma_wait3A_150] : memref<4x8x1024xf32, #tpu.memory_space<vmem>> -> memref<1x8x1024xf32, #tpu.memory_space<vmem>>
    %dma_wait3A_152 = tpu.memref_squeeze %dma_wait3A_151 : memref<1x8x1024xf32, #tpu.memory_space<vmem>> -> memref<8x1024xf32, #tpu.memory_space<vmem>>
    %dma_wait3A_153 = arith.constant 0 : i32
    %dma_wait3A_154 = tpu.memref_slice %arg6[%add3A_147, %select_n3A, %dma_wait3A_153] : memref<4096x4x1024xf32, #tpu.memory_space<hbm>> -> memref<8x1x1024xf32, #tpu.memory_space<hbm>>
    %dma_wait3A_155 = tpu.memref_squeeze %dma_wait3A_154 : memref<8x1x1024xf32, #tpu.memory_space<hbm>> -> memref<8x1024xf32, #tpu.memory_space<hbm>>
    %dma_wait3A_156 = arith.constant 0 : i32
    %dma_wait3A_157 = tpu.memref_slice %arg6[%add3A_147, %select_n3A, %dma_wait3A_156] : memref<4096x4x1024xf32, #tpu.memory_space<hbm>> -> memref<8x1x1024xf32, #tpu.memory_space<hbm>>
    %dma_wait3A_158 = tpu.memref_squeeze %dma_wait3A_157 : memref<8x1x1024xf32, #tpu.memory_space<hbm>> -> memref<8x1024xf32, #tpu.memory_space<hbm>>
    %dma_wait3A_159 = arith.constant 0 : i32
    %dma_wait3A_160 = arith.constant 0 : i32
    %dma_wait3A_161 = tpu.memref_slice %arg9[%dma_wait3A_148, %dma_wait3A_159, %dma_wait3A_160] : memref<4x8x1024xf32, #tpu.memory_space<vmem>> -> memref<1x8x1024xf32, #tpu.memory_space<vmem>>
    %dma_wait3A_162 = tpu.memref_squeeze %dma_wait3A_161 : memref<1x8x1024xf32, #tpu.memory_space<vmem>> -> memref<8x1024xf32, #tpu.memory_space<vmem>>
    tpu.wait_dma2 semaphore(%arg17 : memref<!tpu.dma_semaphore, #tpu.memory_space<semaphore_mem>>) src(%dma_wait3A_162 : memref<8x1024xf32, #tpu.memory_space<vmem>>) dst(%dma_wait3A_158 : memref<8x1024xf32, #tpu.memory_space<hbm>>)
    %add3A_163 = arith.constant 504 : i32
    %add3A_164 = arith.addi %mul3A_32, %add3A_163 : i32
    %dma_wait3A_165 = arith.constant 3 : i32
    %dma_wait3A_166 = arith.constant 0 : i32
    %dma_wait3A_167 = arith.constant 0 : i32
    %dma_wait3A_168 = tpu.memref_slice %arg9[%dma_wait3A_165, %dma_wait3A_166, %dma_wait3A_167] : memref<4x8x1024xf32, #tpu.memory_space<vmem>> -> memref<1x8x1024xf32, #tpu.memory_space<vmem>>
    %dma_wait3A_169 = tpu.memref_squeeze %dma_wait3A_168 : memref<1x8x1024xf32, #tpu.memory_space<vmem>> -> memref<8x1024xf32, #tpu.memory_space<vmem>>
    %dma_wait3A_170 = arith.constant 0 : i32
    %dma_wait3A_171 = tpu.memref_slice %arg6[%add3A_164, %select_n3A, %dma_wait3A_170] : memref<4096x4x1024xf32, #tpu.memory_space<hbm>> -> memref<8x1x1024xf32, #tpu.memory_space<hbm>>
    %dma_wait3A_172 = tpu.memref_squeeze %dma_wait3A_171 : memref<8x1x1024xf32, #tpu.memory_space<hbm>> -> memref<8x1024xf32, #tpu.memory_space<hbm>>
    %dma_wait3A_173 = arith.constant 0 : i32
    %dma_wait3A_174 = tpu.memref_slice %arg6[%add3A_164, %select_n3A, %dma_wait3A_173] : memref<4096x4x1024xf32, #tpu.memory_space<hbm>> -> memref<8x1x1024xf32, #tpu.memory_space<hbm>>
    %dma_wait3A_175 = tpu.memref_squeeze %dma_wait3A_174 : memref<8x1x1024xf32, #tpu.memory_space<hbm>> -> memref<8x1024xf32, #tpu.memory_space<hbm>>
    %dma_wait3A_176 = arith.constant 0 : i32
    %dma_wait3A_177 = arith.constant 0 : i32
    %dma_wait3A_178 = tpu.memref_slice %arg9[%dma_wait3A_165, %dma_wait3A_176, %dma_wait3A_177] : memref<4x8x1024xf32, #tpu.memory_space<vmem>> -> memref<1x8x1024xf32, #tpu.memory_space<vmem>>
    %dma_wait3A_179 = tpu.memref_squeeze %dma_wait3A_178 : memref<1x8x1024xf32, #tpu.memory_space<vmem>> -> memref<8x1024xf32, #tpu.memory_space<vmem>>
    tpu.wait_dma2 semaphore(%arg18 : memref<!tpu.dma_semaphore, #tpu.memory_space<semaphore_mem>>) src(%dma_wait3A_179 : memref<8x1024xf32, #tpu.memory_space<vmem>>) dst(%dma_wait3A_175 : memref<8x1024xf32, #tpu.memory_space<hbm>>)
    return
  }
}

</mosaic_0001>

<sc_bundles>
// kernel: kernel.3.cloned.1.call-start
scs
__scs_entry_jumppad:
0x0: {  	(pc) =	sbr.rel $0x88, $3  }
0x1: {  	(tag) =	ssettag $0x0;
	lr =	simm.s32 $0x1  }
0x2: {  	[smem:$0x3F9D] =	sst lr;
	_ =	strace $0xD0000000  }
0x3: {  	_ = 	snop  }
0x4: {  	_ = 	snop  }
0x5: {  	_ = 	snop  }
0x6: {  	_ = 	snop  }
0x7: {  	_ = 	snop  }
__scs_overlays_trampoline_lowered:
0x8: {  	[smem:$0x3FAC] =	sst s0  }
0x9: {  	[smem:$0x3FAD] =	sst s1  }
0xa: {  	[smem:$0x3FAE] =	sst s2  }
0xb: {  	[smem:$0x3FAF] =	sst s3  }
0xc: {  	[smem:$0x3FB0] =	sst s4  }
0xd: {  	[smem:$0x3FB1] =	sst s5  }
0xe: {  	[smem:$0x3FB2] =	sst s6  }
0xf: {  	[smem:$0x3FB3] =	sst s7  }
0x10: {  	[smem:$0x3FB4] =	sst s8  }
0x11: {  	[smem:$0x3FB5] =	sst s9;
	s0 =	simm.s32 @!p0 $0x0  }
0x12: {  	s1 =	sld [smem:$0x3F9B];
	s0 =	simm.s32 @p0 $0x1  }
0x13: {  	[smem:$0x3FB6] =	sst s0;
	s0 =	simm.s32 @!p1 $0x0  }
0x14: {  	s2 =	sld [smem:$0x3F9A];
	s0 =	simm.s32 @p1 $0x1  }
0x15: {  	[smem:$0x3FB7] =	sst s0;
	s0 =	simm.s32 @!p2 $0x0  }
0x16: {  	s3 =	sld [smem:$0x3FDB];
	s0 =	simm.s32 @p2 $0x1  }
0x17: {  	s4 =	simm.s32 $0x1BF5;
	[smem:$0x3FB9] =	sst s0  }
0x18: {  	s0 =	sld [smem:$0x3F9C];
	_ =	swait.ge [sflag:s4], $0x0  }
0x19: {  	s7 =	sld [smem:$0x3F9D]  }
0x1a: {  	s8 =	sadd.s32 $0xFFFFE003, lr  }
0x1b: {  	s9 =	sadd.s32 $0xFFFFFEF7, lr;
	s5 =	simm.s32 $0xFFFFFFFF;
	p2 =	slt.u32 s8, $0xFFFFF086  }
0x1c: {  	p1 =	slt.u32 s9, $0xF7A;
	s5 =	simm.s32 @!p2 $0x0  }
0x1d: {  	s5 =	simm.s32 @p1 $0x1;
	p0 =	seq.s32 s7, s2  }
0x1e: {  	s7 =	smul.u32 @!p0 $0xF7A, s2;
	p2 =	seq.s32 @!p0 s5, $0x0  }
0x1f: {  	s9 =	smul.u32 $0xF7A, s1;
	s8 =	simm.s32 @!p0 $0x1BF5;
	p2 =	por !p2, p0  }
0x20: {  	[sflag:s8] =	ssyncset.s32 @!p0 $0xFFFFF086;
	s6 =	sadd.s32 @!p0 s3, s7;
	s7 =	simm.s32 @!p0 $0x108  }
0x21: {  	s3 =	sadd.s32 s3, s9;
	s6 =	sadd.s32 @!p0 $0x88, s6;
	s7 =	simm.s32 @p2 $0x1082  }
0x22: {  	[simem:s7], [sflag:s8] =	dma.local @!p0 [hbm:s6], $0xF7A  }
0x23: {  	s9 =	sor.u32 $0xD0000000, s2;
	s6 =	simm.s32 $0x108;
	_ =	swait.ge @!p0 [sflag:s8], $0x0  }
0x24: {  	s3 =	sadd.s32 $0x88, s3;
	s6 =	simm.s32 @!p1 $0x1082;
	[sflag:s4] =	ssyncset.s32 $0xFFFFF086  }
0x25: {  	[simem:s6], [sflag:s4] =	dma.local [hbm:s3], $0xF7A  }
0x26: {  	[smem:$0x3F9D] =	sst s1;
	(tag) =	ssettag s2;
	_ =	strace s9  }
0x27: {  	s1 =	sld [smem:$0x3FAD]  }
0x28: {  	s2 =	sld [smem:$0x3FAE]  }
0x29: {  	s4 =	sld [smem:$0x3FB0]  }
0x2a: {  	p0 =	seq.s32 s5, $0x0;
	s5 =	sld [smem:$0x3FB1]  }
0x2b: {  	s6 =	sld [smem:$0x3FB2]  }
0x2c: {  	s7 =	sld [smem:$0x3FB3]  }
0x2d: {  	s3 =	simm.s32 $0x108;
	s8 =	sld [smem:$0x3FB4]  }
0x2e: {  	s3 =	simm.s32 @!p0 $0x1082;
	s9 =	sld [smem:$0x3FB5]  }
0x2f: {  	lr =	sadd.s32 s0, s3;
	s0 =	sld [smem:$0x3FAC]  }
0x30: {  	s3 =	sld [smem:$0x3FAF]  }
0x31: {  	[smem:$0x3FB8] =	sst s10  }
0x32: {  	s10 =	sld [smem:$0x3FB6];
	_ =	sdelay $0x3  }
0x33: {  	p0 =	seq.s32 s10, $0x1;
	s10 =	sld [smem:$0x3FB8];
	_ =	sdelay $0x3  }
0x34: {  	[smem:$0x3FB8] =	sst s10  }
0x35: {  	s10 =	sld [smem:$0x3FB7];
	_ =	sdelay $0x3  }
0x36: {  	p1 =	seq.s32 s10, $0x1;
	s10 =	sld [smem:$0x3FB8];
	_ =	sdelay $0x3  }
0x37: {  	[smem:$0x3FB8] =	sst s10  }
0x38: {  	s10 =	sld [smem:$0x3FB9]  }
0x39: {  	_ = 	snop;
	(pc) =	sbr.ind lr, $3  }
0x3a: {  	_ = 	snop  }
0x3b: {  	_ = 	snop  }
0x3c: {  	p2 =	seq.s32 s10, $0x1;
	s10 =	sld [smem:$0x3FB8]  }
0x3d: {  	_ =	shalt  }
0x3e: {  	_ =	shalt  }
0x3f: {  	_ =	shalt  }
0x40: {  	_ =	shalt  }
0x41: {  	_ =	shalt  }
0x42: {  	_ =	shalt  }
0x43: {  	_ =	shalt  }
0x44: {  	_ =	shalt  }
0x45: {  	_ =	shalt  }
0x46: {  	_ =	shalt  }
0x47: {  	_ =	shalt  }
0x48: {  	_ =	shalt  }
0x49: {  	_ =	shalt  }
0x4a: {  	_ =	shalt  }
0x4b: {  	_ =	shalt  }
0x4c: {  	_ =	shalt  }
0x4d: {  	_ =	shalt  }
0x4e: {  	_ =	shalt  }
0x4f: {  	_ =	shalt  }
0x50: {  	_ =	shalt  }
0x51: {  	_ =	shalt  }
0x52: {  	_ =	shalt  }
0x53: {  	_ =	shalt  }
0x54: {  	_ =	shalt  }
0x55: {  	_ =	shalt  }
0x56: {  	_ =	shalt  }
0x57: {  	_ =	shalt  }
0x58: {  	_ =	shalt  }
0x59: {  	_ =	shalt  }
0x5a: {  	_ =	shalt  }
0x5b: {  	_ =	shalt  }
0x5c: {  	_ =	shalt  }
0x5d: {  	_ =	shalt  }
0x5e: {  	_ =	shalt  }
0x5f: {  	_ =	shalt  }
0x60: {  	_ =	shalt  }
0x61: {  	_ =	shalt  }
0x62: {  	_ =	shalt  }
0x63: {  	_ =	shalt  }
0x64: {  	_ =	shalt  }
0x65: {  	_ =	shalt  }
0x66: {  	_ =	shalt  }
0x67: {  	_ =	shalt  }
0x68: {  	_ =	shalt  }
0x69: {  	_ =	shalt  }
0x6a: {  	_ =	shalt  }
0x6b: {  	_ =	shalt  }
0x6c: {  	_ =	shalt  }
0x6d: {  	_ =	shalt  }
0x6e: {  	_ =	shalt  }
0x6f: {  	_ =	shalt  }
0x70: {  	_ =	shalt  }
0x71: {  	_ =	shalt  }
0x72: {  	_ =	shalt  }
0x73: {  	_ =	shalt  }
0x74: {  	_ =	shalt  }
0x75: {  	_ =	shalt  }
0x76: {  	_ =	shalt  }
0x77: {  	_ =	shalt  }
0x78: {  	_ =	shalt  }
0x79: {  	_ =	shalt  }
0x7a: {  	_ =	shalt  }
0x7b: {  	_ =	shalt  }
0x7c: {  	_ =	shalt  }
0x7d: {  	_ =	shalt  }
0x7e: {  	_ =	shalt  }
0x7f: {  	_ =	shalt  }
0x80: {  	_ =	shalt  }
0x81: {  	_ =	shalt  }
0x82: {  	_ =	shalt  }
0x83: {  	_ =	shalt  }
0x84: {  	_ =	shalt  }
0x85: {  	_ =	shalt  }
0x86: {  	_ =	shalt  }
0x87: {  	_ =	shalt  }
.Lfunc_end0:
.L_simem_size_0:
called_computation_lowered:
.L_overlay_start_0:
0x88: {  	s2 =	sld [smem:$0x3FD9]  }
0x89: {  	s3 =	sld [smem:$0x3FFE];
	_ =	sdelay $0x1  }
0x8a: {  	s1 =	srdreg.scid  }
0x8b: {  	s0 =	sand.u32 $0x1, s1  }
0x8c: {  	s18 =	sshll.u32 s0, $0xA;
	s2 =	sadd.s32 s3, s2  }
0x8d: {  	s2 =	sadd.s32 s2, s18  }
0x8e: {  	[smem:$0x3FC4] =	sst s2  }
0x8f: {  	_ = 	snop  }
0x90: {  	s2 =	sld [smem:$0x3FC9]  }
0x91: {  	s19 =	sld [smem:$0x3FC8]  }
0x92: {  	s4 =	sld [smem:$0x3FC7]  }
0x93: {  	s5 =	sld [smem:$0x3FC6]  }
0x94: {  	s6 =	sld [smem:$0x3FD0];
	(tm) =	ssettm $0x1  }
0x95: {  	s7 =	sld [smem:$0x3FFB];
	_ =	sdelay $0x3  }
0x96: {  	_ =	strace s7  }
0x97: {  	s7 =	sld [smem:$0x3FFC];
	_ =	sdelay $0x3  }
0x98: {  	_ =	strace s7  }
0x99: {  	s7 =	sld [smem:$0x3FFD];
	_ =	sdelay $0x3  }
0x9a: {  	_ =	strace s7  }
0x9b: {  	_ =	strace $0x8FFFFFFF  }
0x9c: {  	s20 =	sld [smem:$0x3FDB];
	_ =	sdelay $0x1  }
0x9d: {  	s8 =	simm.s32 $_scs_section_size  }
0x9e: {  	s9 =	simm.s32 $_size__tile_overlayer_lowered;
	s10 =	simm.s32 $_tile_overlayer_lowered  }
0x9f: {  	s23 =	simm.s32 $0x1BFF;
	s22 =	sshll.u32 s10, $0x1;
	s7 =	sadd.s32 s8, s20  }
0xa0: {  	s11 =	simm.s32 $0x0;
	s21 =	sshll.u32 s9, $0x1;
	s9 =	sadd.s32 s22, s7  }
0xa1: {  	[timem:s11], [sflag:s23] =	dma.local [hbm:s9], s21  }
0xa2: {  	_ =	swait.ge [sflag:s23], s21  }
0xa3: {  	s8 =	ssub.s32 $0x0, s21;
	[sflag:s23] =	ssyncset.done $0x0  }
0xa4: {  	[sflag:s23] =	ssyncadd.s32 s8;
	_ =	sdelay $0x1  }
0xa5: {  	s24 =	simm.s32 $0x1B8B  }
0xa6: {  	_ =	swait.ge [sflag:s24], $0x1  }
0xa7: {  	[sflag:s24] =	ssyncset.done $0x0  }
0xa8: {  	s25 =	simm.s32 $0x1B8E;
	[sflag:s24] =	ssyncadd.s32 $0xFFFFFFFF  }
0xa9: {  	s26 =	simm.s32 $execute0_lowered;
	[smem:$0x3FD2] =	sst s25  }
0xaa: {  	s8 =	sshll.u32 s26, $0x1;
	_ =	strace $0x80000046;
	[dreg:$0x1] =	wrdreg $0xFFFFFFFF  }
0xab: {  	s28 =	simm.s32 $_size_execute0_lowered;
	s7 =	sadd.s32 s7, s8;
	[dreg:$0x0] =	wrdreg $0x0  }
0xac: {  	s8 =	sshll.u32 s28, $0x1;
	[dreg:$0x2] =	wrdreg s7  }
0xad: {  	[dreg:$0x3] =	wrdreg s8  }
0xae: {  	[dreg:$0x4] =	wrdreg $0xC0  }
0xaf: {  	_ =	task [dreg:s11], $0x5FFFF  }
0xb0: {  	[dreg:$0x1] =	wrdreg $0xFFFFFFFF  }
0xb1: {  	[dreg:$0x0] =	wrdreg $0x60  }
0xb2: {  	[dreg:$0x2] =	wrdreg s2  }
0xb3: {  	[dreg:$0x3] =	wrdreg s19  }
0xb4: {  	[dreg:$0x4] =	wrdreg s4  }
0xb5: {  	[dreg:$0x5] =	wrdreg s5  }
0xb6: {  	[dreg:$0x6] =	wrdreg s6  }
0xb7: {  	[dreg:$0x7] =	wrdreg $0x9  }
0xb8: {  	_ =	task.clear_ibuf [dreg:s11], $0x8FFFF;
	_ =	strace $0x90000046  }
0xb9: {  	s29 =	simm.s32 $0x9;
	_ =	strace $0x80000048  }
0xba: {  	_ =	swait.ge [sflag:s29], $0x1  }
0xbb: {  	[sflag:s29] =	ssyncadd.s32 $0xFFFFFFFF  }
0xbc: {  	_ =	strace $0x90000048  }
0xbd: {  	_ =	sfence  }
0xbe: {  	s30 =	sld [smem:$0x0];
	_ =	sdelay $0x2  }
0xbf: {  	s31 =	sshll.u32 s1, $0xD;
	s1 =	sshrl.u32 s1, $0x2  }
0xc0: {  	s3 =	sand.u32 $0x4000, s31;
	s1 =	sadd.s32 s1, s30  }
0xc1: {  	s0 =	sor.u32 s3, s0;
	s1 =	sshll.u32 s1, $0x11  }
0xc2: {  	s0 =	sor.u32 s1, s0  }
0xc3: {  	s0 =	sadd.s32 $0x8F2B, s0  }
0xc4: {  	[sflag:s0] =	ssyncadd.remote.s32 $0x1  }
0xc5: {  	_ =	sfence.sel $0xFFFF  }
0xc6: {  	[dreg:$0x0] =	wrdreg $0xFFFFFFFF;
	(pc) =	sbr.abs _section_cstart, $3  }
0xc7: {  	[dreg:$0x1] =	wrdreg $0xFFFFFFFF  }
0xc8: {  	_ =	task.clear_ibuf [dreg:s11], $0x2FFFF;
	_ =	strace $0x9FFFFFFF  }
0xc9: {  	(tm) =	ssettm $0x7FFFFFFF  }
tec
execute0_lowered:
.L_overlay_start_1:
0x0: {  	(tag) =	ssettag $0x1  }
0x1: {  	s0 =	rddreg [dreg:$0x0]  }
0x2: {  	s2 =	rddreg [dreg:$0x1]  }
0x3: {  	s1 =	rddreg [dreg:$0x2]  }
0x4: {  	s7 =	stileid.u32;
	s3 =	rddreg [dreg:$0x3]  }
0x5: {  	s5 =	srdreg.scid;
	s4 =	rddreg [dreg:$0x4];
	s9 =	simm.s32 $0x0  }
0x6: {  	s18 =	simm.s32 $0x80;
	s20 =	simm.s32 $0x1;
	s28 =	simm.s32 $0x5400  }
0x7: {  	s29 =	simm.s32 $0x5C00;
	s19 =	simm.s32 $0x6400;
	s17 =	simm.s32 $0x7C00  }
0x8: {  	s21 =	simm.s32 $0x2;
	s22 =	simm.s32 $0x3;
	s6 =	sshll.u32 s7, $0x1  }
0x9: {  	s5 =	sand.u32 $0x1, s5;
	s23 =	sshll.u32 s7, $0x5;
	[smem:$0x7FF] =	sst s9  }
0xa: {  	s11 =	sadd.s32 $0x200, s1;
	s12 =	sadd.s32 $0x300, s1;
	s13 =	sadd.s32 $0x100, s3  }
0xb: {  	s14 =	sadd.s32 $0x200, s3;
	s15 =	sadd.s32 $0x300, s3;
	s6 =	sand.u32 $0x6, s6  }
0xc: {  	s9 =	simm.s32 $0x7400;
	_ =	strace $0x80000047;
	s8 =	sor.u32 s5, s6  }
0xd: {  	s6 =	sand.u32 $0x180, s23;
	s5 =	ssub.s32 $0x2, s5;
	s23 =	simm.s32 $0x4  }
0xe: {  	s24 =	sshll.u32 s8, $0xB;
	s25 =	sshrl.u32 s5, $0x1;
	s30 =	sshll.u32 s8, $0x15  }
0xf: {  	s7 =	sor.u32 s6, s24;
	s5 =	ssub.s32 s5, s25;
	s16 =	sor.u32 s6, s30  }
0x10: {  	s24 =	simm.s32 $0x0;
	s10 =	sshrl.u32 s7, $0x3;
	s31 =	smax.u32 s5, $0x1  }
0x11: {  	v0 =	vlaneseq.u32;
	s7 =	sshll.u32 s8, $0x9;
	s0 =	sadd.s32 s0, s10;
	[dreg:$0x8] =	wrdreg s31  }
0x12: {  	v1 =	vshrl.u32 v0, $0x3;
	v0 =	vand.u32 $0x7, v0;
	s8 =	simm.s32 $0x6C00;
	s26 =	sadd.s32 s2, s10;
	[dreg:$0x6] =	wrdreg s0  }
0x13: {  	vm0 =	vmmov $0xffff;
	[tilespmem:$0x1FFF0] =	vst v0;
	v1 =	vmul.u32 $0x8, v1;
	s5 =	simm.s32 $0x1000;
	s10 =	sadd.s32 $0x100, s1;
	[dreg:$0x7] =	wrdreg s26  }
.LBB2_1:
0x14: {  	[dreg:$0x9] =	wrdreg s24  }
0x15: {  	s0 =	simm.s32 $0x0;
	s2 =	rddreg [dreg:$0x6];
	s25 =	simm.s32 $0x200  }
0x16: {  	[tilespmem:s0], [sflag:$0x1] =	stream.strided.gather [hbm4b:s2+s18], $0x200, s25, s18, $0x38;
	[tilespmem:$0x10400] =	vst v63  }
0x17: {  	s26 =	rddreg [dreg:$0x7]  }
0x18: {  	[tilespmem:s25], [sflag:$0x1] =	stream.strided.gather [hbm4b:s26+s18], $0x200, s25, s18, $0x38;
	[tilespmem:$0x10400] =	vst v63  }
0x19: {  	_ =	swait.ge [sflag:s20], $0x200  }
0x1a: {  	[sflag:s20] =	ssyncset.done $0x0  }
0x1b: {  	[sflag:s20] =	ssyncadd.s32 $0xFFFFFE00  }
0x1c: {  	_ =	swait.ge [sflag:s20], $0x200  }
0x1d: {  	[sflag:s20] =	ssyncset.done $0x0  }
0x1e: {  	[sflag:s20] =	ssyncadd.s32 $0xFFFFFE00  }
0x1f: {  	v2 =	vld.msk [tilespmem:$0x0], $0xff;
	_ =	sdelay $0x2  }
0x20: {  	v0 =	vld [tilespmem:$0x1FFF0];
	_ =	sdelay $0x1  }
0x21: {  	v3 =	vshll.u32 v2, $0x3  }
0x22: {  	v2 =	vand.u32 $0x7, v2;
	v3 =	vand.u32 $0xFFFFFFC0, v3  }
0x23: {  	v2 =	vor.u32 v2, v3  }
0x24: {  	v2 =	vperm.xlane v2, v0;
	_ =	sdelay $0x1  }
0x25: {  	v2 =	vadd.s32 v1, v2;
	_ =	sdelay $0x3  }
0x26: {  	s30 =	simm.s32 $0x400  }
0x27: {  	[tilespmem:s30], [sflag:$0x1] =	stream.indirect_vreg.gather [hbm4b:s1+s0], $0x80, v2, vm0, $0xb8;
	[tilespmem:$0x10400] =	vst v63  }
0x28: {  	s31 =	simm.s32 $0xC00  }
0x29: {  	[tilespmem:s31], [sflag:$0x1] =	stream.indirect_vreg.gather [hbm4b:s10+s0], $0x80, v2, vm0, $0xb8;
	[tilespmem:$0x10400] =	vst v63  }
0x2a: {  	s24 =	simm.s32 $0x1400  }
0x2b: {  	[tilespmem:s24], [sflag:$0x1] =	stream.indirect_vreg.gather [hbm4b:s11+s0], $0x80, v2, vm0, $0xb8;
	[tilespmem:$0x10400] =	vst v63  }
0x2c: {  	s25 =	simm.s32 $0x1C00  }
0x2d: {  	[tilespmem:s25], [sflag:$0x1] =	stream.indirect_vreg.gather [hbm4b:s12+s0], $0x80, v2, vm0, $0xb8;
	[tilespmem:$0x10400] =	vst v63  }
0x2e: {  	v2 =	vld.msk [tilespmem:$0x200], $0xff;
	_ =	sdelay $0x4  }
0x2f: {  	v3 =	vshll.u32 v2, $0x3  }
0x30: {  	v2 =	vand.u32 $0x7, v2;
	v3 =	vand.u32 $0xFFFFFFC0, v3  }
0x31: {  	v2 =	vor.u32 v2, v3  }
0x32: {  	v2 =	vperm.xlane v2, v0;
	_ =	sdelay $0x1  }
0x33: {  	v2 =	vadd.s32 v1, v2;
	_ =	sdelay $0x3  }
0x34: {  	s26 =	simm.s32 $0x8400  }
0x35: {  	[tilespmem:s26], [sflag:$0x1] =	stream.indirect_vreg.gather [hbm4b:s3+s0], $0x80, v2, vm0, $0xb8;
	[tilespmem:$0x10400] =	vst v63  }
0x36: {  	s30 =	simm.s32 $0x8C00  }
0x37: {  	[tilespmem:s30], [sflag:$0x1] =	stream.indirect_vreg.gather [hbm4b:s13+s0], $0x80, v2, vm0, $0xb8;
	[tilespmem:$0x10400] =	vst v63  }
0x38: {  	s31 =	simm.s32 $0x9400  }
0x39: {  	[tilespmem:s31], [sflag:$0x1] =	stream.indirect_vreg.gather [hbm4b:s14+s0], $0x80, v2, vm0, $0xb8;
	[tilespmem:$0x10400] =	vst v63  }
0x3a: {  	s24 =	simm.s32 $0x9C00  }
0x3b: {  	[tilespmem:s24], [sflag:$0x1] =	stream.indirect_vreg.gather [hbm4b:s15+s0], $0x80, v2, vm0, $0xb8;
	[tilespmem:$0x10400] =	vst v63  }
0x3c: {  	v2 =	vld.msk [tilespmem:$0x8], $0xff;
	_ =	sdelay $0x4  }
0x3d: {  	v3 =	vshll.u32 v2, $0x3  }
0x3e: {  	v2 =	vand.u32 $0x7, v2;
	v3 =	vand.u32 $0xFFFFFFC0, v3  }
0x3f: {  	v2 =	vor.u32 v2, v3  }
0x40: {  	v2 =	vperm.xlane v2, v0;
	_ =	sdelay $0x1  }
0x41: {  	v2 =	vadd.s32 v1, v2;
	_ =	sdelay $0x3  }
0x42: {  	s25 =	simm.s32 $0x2400  }
0x43: {  	[tilespmem:s25], [sflag:$0x2] =	stream.indirect_vreg.gather [hbm4b:s1+s0], $0x80, v2, vm0, $0xb8;
	[tilespmem:$0x10400] =	vst v63  }
0x44: {  	s26 =	simm.s32 $0x2C00  }
0x45: {  	[tilespmem:s26], [sflag:$0x2] =	stream.indirect_vreg.gather [hbm4b:s10+s0], $0x80, v2, vm0, $0xb8;
	[tilespmem:$0x10400] =	vst v63  }
0x46: {  	s30 =	simm.s32 $0x3400  }
0x47: {  	[tilespmem:s30], [sflag:$0x2] =	stream.indirect_vreg.gather [hbm4b:s11+s0], $0x80, v2, vm0, $0xb8;
	[tilespmem:$0x10400] =	vst v63  }
0x48: {  	s31 =	simm.s32 $0x3C00  }
0x49: {  	[tilespmem:s31], [sflag:$0x2] =	stream.indirect_vreg.gather [hbm4b:s12+s0], $0x80, v2, vm0, $0xb8;
	[tilespmem:$0x10400] =	vst v63  }
0x4a: {  	v2 =	vld.msk [tilespmem:$0x208], $0xff;
	_ =	sdelay $0x4  }
0x4b: {  	v3 =	vshll.u32 v2, $0x3  }
0x4c: {  	v2 =	vand.u32 $0x7, v2;
	v3 =	vand.u32 $0xFFFFFFC0, v3  }
0x4d: {  	v2 =	vor.u32 v2, v3  }
0x4e: {  	v2 =	vperm.xlane v2, v0;
	_ =	sdelay $0x1  }
0x4f: {  	v2 =	vadd.s32 v1, v2;
	_ =	sdelay $0x3  }
0x50: {  	s24 =	simm.s32 $0xA400  }
0x51: {  	[tilespmem:s24], [sflag:$0x2] =	stream.indirect_vreg.gather [hbm4b:s3+s0], $0x80, v2, vm0, $0xb8;
	[tilespmem:$0x10400] =	vst v63  }
0x52: {  	s25 =	simm.s32 $0xAC00  }
0x53: {  	[tilespmem:s25], [sflag:$0x2] =	stream.indirect_vreg.gather [hbm4b:s13+s0], $0x80, v2, vm0, $0xb8;
	[tilespmem:$0x10400] =	vst v63  }
0x54: {  	s26 =	simm.s32 $0xB400  }
0x55: {  	[tilespmem:s26], [sflag:$0x2] =	stream.indirect_vreg.gather [hbm4b:s14+s0], $0x80, v2, vm0, $0xb8;
	[tilespmem:$0x10400] =	vst v63  }
0x56: {  	s30 =	simm.s32 $0xBC00  }
0x57: {  	[tilespmem:s30], [sflag:$0x2] =	stream.indirect_vreg.gather [hbm4b:s15+s0], $0x80, v2, vm0, $0xb8;
	[tilespmem:$0x10400] =	vst v63  }
0x58: {  	v2 =	vld.msk [tilespmem:$0x10], $0xff;
	_ =	sdelay $0x4  }
0x59: {  	v3 =	vshll.u32 v2, $0x3  }
0x5a: {  	v2 =	vand.u32 $0x7, v2;
	v3 =	vand.u32 $0xFFFFFFC0, v3  }
0x5b: {  	v2 =	vor.u32 v2, v3  }
0x5c: {  	v2 =	vperm.xlane v2, v0;
	_ =	sdelay $0x1  }
0x5d: {  	v2 =	vadd.s32 v1, v2;
	_ =	sdelay $0x3  }
0x5e: {  	s31 =	simm.s32 $0x4400  }
0x5f: {  	[tilespmem:s31], [sflag:$0x3] =	stream.indirect_vreg.gather [hbm4b:s1+s0], $0x80, v2, vm0, $0xb8;
	[tilespmem:$0x10400] =	vst v63  }
0x60: {  	s24 =	simm.s32 $0x4C00  }
0x61: {  	[tilespmem:s24], [sflag:$0x3] =	stream.indirect_vreg.gather [hbm4b:s10+s0], $0x80, v2, vm0, $0xb8;
	[tilespmem:$0x10400] =	vst v63  }
0x62: {  	_ = 	snop  }
0x63: {  	[tilespmem:s28], [sflag:$0x3] =	stream.indirect_vreg.gather [hbm4b:s11+s0], $0x80, v2, vm0, $0xb8;
	[tilespmem:$0x10400] =	vst v63  }
0x64: {  	_ = 	snop  }
0x65: {  	[tilespmem:s29], [sflag:$0x3] =	stream.indirect_vreg.gather [hbm4b:s12+s0], $0x80, v2, vm0, $0xb8;
	[tilespmem:$0x10400] =	vst v63  }
0x66: {  	v2 =	vld.msk [tilespmem:$0x210], $0xff;
	_ =	sdelay $0x4  }
0x67: {  	v3 =	vshll.u32 v2, $0x3  }
0x68: {  	v2 =	vand.u32 $0x7, v2;
	v3 =	vand.u32 $0xFFFFFFC0, v3  }
0x69: {  	v2 =	vor.u32 v2, v3  }
0x6a: {  	v2 =	vperm.xlane v2, v0;
	_ =	sdelay $0x1  }
0x6b: {  	v2 =	vadd.s32 v1, v2;
	_ =	sdelay $0x3  }
0x6c: {  	s25 =	simm.s32 $0xC400  }
0x6d: {  	[tilespmem:s25], [sflag:$0x3] =	stream.indirect_vreg.gather [hbm4b:s3+s0], $0x80, v2, vm0, $0xb8;
	[tilespmem:$0x10400] =	vst v63  }
0x6e: {  	s26 =	simm.s32 $0xCC00  }
0x6f: {  	[tilespmem:s26], [sflag:$0x3] =	stream.indirect_vreg.gather [hbm4b:s13+s0], $0x80, v2, vm0, $0xb8;
	[tilespmem:$0x10400] =	vst v63  }
0x70: {  	s30 =	simm.s32 $0xD400  }
0x71: {  	[tilespmem:s30], [sflag:$0x3] =	stream.indirect_vreg.gather [hbm4b:s14+s0], $0x80, v2, vm0, $0xb8;
	[tilespmem:$0x10400] =	vst v63  }
0x72: {  	s31 =	simm.s32 $0xDC00;
	s24 =	simm.s32 $0x0  }
0x73: {  	[tilespmem:s31], [sflag:$0x3] =	stream.indirect_vreg.gather [hbm4b:s15+s0], $0x80, v2, vm0, $0xb8;
	[tilespmem:$0x10400] =	vst v63  }
.LBB2_2:
0x74: {  	_ =	swait.ge [sflag:s20], $0x2000  }
0x75: {  	[sflag:s20] =	ssyncset.done $0x0  }
0x76: {  	[sflag:s20] =	ssyncadd.s32 $0xFFFFE000  }
0x77: {  	_ =	swait.ge [sflag:s20], $0x2000  }
0x78: {  	p0 =	seq.s32 s24, $0x0;
	[sflag:s20] =	ssyncset.done $0x0  }
0x79: {  	s0 =	simm.s32 @!p0 $0x8;
	[sflag:s20] =	ssyncadd.s32 $0xFFFFE000  }
0x7a: {  	_ =	swait.ge @!p0 [sflag:s0], $0x2000  }
0x7b: {  	s30 =	sshllo.u32 s24, $0x2;
	[sflag:s0] =	ssyncset.done @!p0 $0x0  }
0x7c: {  	s26 =	sshll.u32 s30, $0x3;
	[sflag:s0] =	ssyncadd.s32 @!p0 $0xFFFFE000  }
0x7d: {  	v2 =	vld.msk [tilespmem:s26+$0x0], $0xff;
	_ =	sdelay $0x2  }
0x7e: {  	v0 =	vld [tilespmem:$0x1FFF0];
	_ =	sdelay $0x1  }
0x7f: {  	v3 =	vshll.u32 v2, $0x3  }
0x80: {  	v2 =	vand.u32 $0x7, v2;
	v3 =	vand.u32 $0xFFFFFFC0, v3  }
0x81: {  	v2 =	vor.u32 v2, v3  }
0x82: {  	v2 =	vperm.xlane v2, v0;
	_ =	sdelay $0x1  }
0x83: {  	v2 =	vadd.s32 v1, v2;
	_ =	sdelay $0x3  }
0x84: {  	s2 =	simm.s32 $0x0  }
0x85: {  	[tilespmem:s19], [sflag:$0x4] =	stream.indirect_vreg.gather [hbm4b:s1+s2], $0x80, v2, vm0, $0xb8;
	[tilespmem:$0x10400] =	vst v63  }
0x86: {  	_ = 	snop  }
0x87: {  	[tilespmem:s8], [sflag:$0x4] =	stream.indirect_vreg.gather [hbm4b:s10+s2], $0x80, v2, vm0, $0xb8;
	[tilespmem:$0x10400] =	vst v63  }
0x88: {  	_ = 	snop  }
0x89: {  	[tilespmem:s9], [sflag:$0x4] =	stream.indirect_vreg.gather [hbm4b:s11+s2], $0x80, v2, vm0, $0xb8;
	[tilespmem:$0x10400] =	vst v63  }
0x8a: {  	_ = 	snop  }
0x8b: {  	[tilespmem:s17], [sflag:$0x4] =	stream.indirect_vreg.gather [hbm4b:s12+s2], $0x80, v2, vm0, $0xb8;
	[tilespmem:$0x10400] =	vst v63  }
0x8c: {  	v2 =	vld.msk [tilespmem:s26+$0x200], $0xff;
	_ =	sdelay $0x4  }
0x8d: {  	v3 =	vshll.u32 v2, $0x3  }
0x8e: {  	v2 =	vand.u32 $0x7, v2;
	v3 =	vand.u32 $0xFFFFFFC0, v3  }
0x8f: {  	v2 =	vor.u32 v2, v3  }
0x90: {  	v2 =	vperm.xlane v2, v0;
	_ =	sdelay $0x1  }
0x91: {  	v2 =	vadd.s32 v1, v2;
	_ =	sdelay $0x3  }
0x92: {  	s31 =	simm.s32 $0xE400  }
0x93: {  	[tilespmem:s31], [sflag:$0x4] =	stream.indirect_vreg.gather [hbm4b:s3+s2], $0x80, v2, vm0, $0xb8;
	[tilespmem:$0x10400] =	vst v63  }
0x94: {  	s25 =	simm.s32 $0xEC00  }
0x95: {  	[tilespmem:s25], [sflag:$0x4] =	stream.indirect_vreg.gather [hbm4b:s13+s2], $0x80, v2, vm0, $0xb8;
	[tilespmem:$0x10400] =	vst v63  }
0x96: {  	s26 =	simm.s32 $0xF400  }
0x97: {  	[tilespmem:s26], [sflag:$0x4] =	stream.indirect_vreg.gather [hbm4b:s14+s2], $0x80, v2, vm0, $0xb8;
	[tilespmem:$0x10400] =	vst v63  }
0x98: {  	s31 =	simm.s32 $0xFC00  }
0x99: {  	[tilespmem:s31], [sflag:$0x4] =	stream.indirect_vreg.gather [hbm4b:s15+s2], $0x80, v2, vm0, $0xb8;
	[tilespmem:$0x10400] =	vst v63  }
0x9a: {  	s0 =	simm.s32 $0x0;
	s2 =	simm.s32 $0x200  }
.LBB2_3:
0x9b: {  	p0 =	sne.s32 s2, $0xE00;
	v2 =	vld [tilespmem:s0+$0xA070]  }
0x9c: {  	v3 =	vld [tilespmem:s0+$0x8400]  }
0x9d: {  	v4 =	vld [tilespmem:s0+$0x8410]  }
0x9e: {  	v5 =	vld [tilespmem:s0+$0x8420]  }
0x9f: {  	v6 =	vld [tilespmem:s0+$0x8430]  }
0xa0: {  	[tilespmem:s0+$0x2070] =	vst.add.f32.msk $0xffff, v2  }
0xa1: {  	v2 =	vld [tilespmem:s0+$0x8440]  }
0xa2: {  	v7 =	vld [tilespmem:s0+$0x8450]  }
0xa3: {  	v8 =	vld [tilespmem:s0+$0x8460]  }
0xa4: {  	v9 =	vld [tilespmem:s0+$0x8470]  }
0xa5: {  	v10 =	vld [tilespmem:s0+$0x8800]  }
0xa6: {  	v11 =	vld [tilespmem:s0+$0x8810]  }
0xa7: {  	v12 =	vld [tilespmem:s0+$0x8820]  }
0xa8: {  	v13 =	vld [tilespmem:s0+$0x8830]  }
0xa9: {  	v14 =	vld [tilespmem:s0+$0x8840]  }
0xaa: {  	v15 =	vld [tilespmem:s0+$0x8850]  }
0xab: {  	v16 =	vld [tilespmem:s0+$0x8860]  }
0xac: {  	v17 =	vld [tilespmem:s0+$0x8870]  }
0xad: {  	v18 =	vld [tilespmem:s0+$0x8C00]  }
0xae: {  	v19 =	vld [tilespmem:s0+$0x8C10]  }
0xaf: {  	v20 =	vld [tilespmem:s0+$0x8C20]  }
0xb0: {  	v21 =	vld [tilespmem:s0+$0x8C30]  }
0xb1: {  	v22 =	vld [tilespmem:s0+$0x8C40]  }
0xb2: {  	v23 =	vld [tilespmem:s0+$0x8C50]  }
0xb3: {  	v24 =	vld [tilespmem:s0+$0x8C60]  }
0xb4: {  	v25 =	vld [tilespmem:s0+$0x8C70]  }
0xb5: {  	v26 =	vld [tilespmem:s0+$0x9000]  }
0xb6: {  	v27 =	vld [tilespmem:s0+$0x9010]  }
0xb7: {  	v28 =	vld [tilespmem:s0+$0x9020]  }
0xb8: {  	v29 =	vld [tilespmem:s0+$0x9030]  }
0xb9: {  	v30 =	vld [tilespmem:s0+$0x9040]  }
0xba: {  	v31 =	vld [tilespmem:s0+$0x9050]  }
0xbb: {  	v32 =	vld [tilespmem:s0+$0x9060]  }
0xbc: {  	v33 =	vld [tilespmem:s0+$0x9070]  }
0xbd: {  	v34 =	vld [tilespmem:s0+$0x9400]  }
0xbe: {  	v35 =	vld [tilespmem:s0+$0x9410]  }
0xbf: {  	v36 =	vld [tilespmem:s0+$0x9420]  }
0xc0: {  	v37 =	vld [tilespmem:s0+$0x9430]  }
0xc1: {  	v38 =	vld [tilespmem:s0+$0x9440]  }
0xc2: {  	v39 =	vld [tilespmem:s0+$0x9450]  }
0xc3: {  	v40 =	vld [tilespmem:s0+$0x9460]  }
0xc4: {  	v41 =	vld [tilespmem:s0+$0x9470]  }
0xc5: {  	v42 =	vld [tilespmem:s0+$0x9800]  }
0xc6: {  	v43 =	vld [tilespmem:s0+$0x9810]  }
0xc7: {  	v44 =	vld [tilespmem:s0+$0x9820]  }
0xc8: {  	v45 =	vld [tilespmem:s0+$0x9830]  }
0xc9: {  	v46 =	vld [tilespmem:s0+$0x9840]  }
0xca: {  	v47 =	vld [tilespmem:s0+$0x9850]  }
0xcb: {  	v48 =	vld [tilespmem:s0+$0x9860]  }
0xcc: {  	v49 =	vld [tilespmem:s0+$0x9870]  }
0xcd: {  	v50 =	vld [tilespmem:s0+$0x9C00]  }
0xce: {  	v51 =	vld [tilespmem:s0+$0x9C10]  }
0xcf: {  	v52 =	vld [tilespmem:s0+$0x9C20]  }
0xd0: {  	v53 =	vld [tilespmem:s0+$0x9C30]  }
0xd1: {  	v54 =	vld [tilespmem:s0+$0x9C40]  }
0xd2: {  	v55 =	vld [tilespmem:s0+$0x9C50]  }
0xd3: {  	v56 =	vld [tilespmem:s0+$0x9C60]  }
0xd4: {  	v57 =	vld [tilespmem:s0+$0x9C70]  }
0xd5: {  	v58 =	vld [tilespmem:s0+$0xA000]  }
0xd6: {  	v59 =	vld [tilespmem:s0+$0xA010]  }
0xd7: {  	v60 =	vld [tilespmem:s0+$0xA020]  }
0xd8: {  	v61 =	vld [tilespmem:s0+$0xA030]  }
0xd9: {  	v62 =	vld [tilespmem:s0+$0xA040]  }
0xda: {  	v63 =	vld [tilespmem:s0+$0xA050]  }
0xdb: {  	v0 =	vld [tilespmem:s0+$0xA060]  }
0xdc: {  	[tilespmem:s0+$0x400] =	vst.add.f32.msk $0xffff, v3  }
0xdd: {  	[tilespmem:s0+$0x410] =	vst.add.f32.msk $0xffff, v4  }
0xde: {  	[tilespmem:s0+$0x420] =	vst.add.f32.msk $0xffff, v5  }
0xdf: {  	[tilespmem:s0+$0x430] =	vst.add.f32.msk $0xffff, v6  }
0xe0: {  	[tilespmem:s0+$0x440] =	vst.add.f32.msk $0xffff, v2  }
0xe1: {  	[tilespmem:s0+$0x450] =	vst.add.f32.msk $0xffff, v7  }
0xe2: {  	[tilespmem:s0+$0x460] =	vst.add.f32.msk $0xffff, v8  }
0xe3: {  	[tilespmem:s0+$0x470] =	vst.add.f32.msk $0xffff, v9  }
0xe4: {  	[tilespmem:s0+$0x800] =	vst.add.f32.msk $0xffff, v10  }
0xe5: {  	[tilespmem:s0+$0x810] =	vst.add.f32.msk $0xffff, v11  }
0xe6: {  	[tilespmem:s0+$0x820] =	vst.add.f32.msk $0xffff, v12  }
0xe7: {  	[tilespmem:s0+$0x830] =	vst.add.f32.msk $0xffff, v13  }
0xe8: {  	[tilespmem:s0+$0x840] =	vst.add.f32.msk $0xffff, v14  }
0xe9: {  	[tilespmem:s0+$0x850] =	vst.add.f32.msk $0xffff, v15  }
0xea: {  	[tilespmem:s0+$0x860] =	vst.add.f32.msk $0xffff, v16  }
0xeb: {  	[tilespmem:s0+$0x870] =	vst.add.f32.msk $0xffff, v17  }
0xec: {  	[tilespmem:s0+$0xC00] =	vst.add.f32.msk $0xffff, v18  }
0xed: {  	[tilespmem:s0+$0xC10] =	vst.add.f32.msk $0xffff, v19  }
0xee: {  	[tilespmem:s0+$0xC20] =	vst.add.f32.msk $0xffff, v20  }
0xef: {  	[tilespmem:s0+$0xC30] =	vst.add.f32.msk $0xffff, v21  }
0xf0: {  	[tilespmem:s0+$0xC40] =	vst.add.f32.msk $0xffff, v22  }
0xf1: {  	[tilespmem:s0+$0xC50] =	vst.add.f32.msk $0xffff, v23  }
0xf2: {  	[tilespmem:s0+$0xC60] =	vst.add.f32.msk $0xffff, v24  }
0xf3: {  	[tilespmem:s0+$0xC70] =	vst.add.f32.msk $0xffff, v25  }
0xf4: {  	[tilespmem:s0+$0x1000] =	vst.add.f32.msk $0xffff, v26  }
0xf5: {  	[tilespmem:s0+$0x1010] =	vst.add.f32.msk $0xffff, v27  }
0xf6: {  	[tilespmem:s0+$0x1020] =	vst.add.f32.msk $0xffff, v28  }
0xf7: {  	[tilespmem:s0+$0x1030] =	vst.add.f32.msk $0xffff, v29  }
0xf8: {  	[tilespmem:s0+$0x1040] =	vst.add.f32.msk $0xffff, v30  }
0xf9: {  	[tilespmem:s0+$0x1050] =	vst.add.f32.msk $0xffff, v31  }
0xfa: {  	[tilespmem:s0+$0x1060] =	vst.add.f32.msk $0xffff, v32  }
0xfb: {  	[tilespmem:s0+$0x1070] =	vst.add.f32.msk $0xffff, v33  }
0xfc: {  	[tilespmem:s0+$0x1400] =	vst.add.f32.msk $0xffff, v34  }
0xfd: {  	[tilespmem:s0+$0x1410] =	vst.add.f32.msk $0xffff, v35  }
0xfe: {  	[tilespmem:s0+$0x1420] =	vst.add.f32.msk $0xffff, v36  }
0xff: {  	[tilespmem:s0+$0x1430] =	vst.add.f32.msk $0xffff, v37  }
0x100: {  	[tilespmem:s0+$0x1440] =	vst.add.f32.msk $0xffff, v38  }
0x101: {  	[tilespmem:s0+$0x1450] =	vst.add.f32.msk $0xffff, v39  }
0x102: {  	[tilespmem:s0+$0x1460] =	vst.add.f32.msk $0xffff, v40  }
0x103: {  	[tilespmem:s0+$0x1470] =	vst.add.f32.msk $0xffff, v41  }
0x104: {  	[tilespmem:s0+$0x1800] =	vst.add.f32.msk $0xffff, v42  }
0x105: {  	[tilespmem:s0+$0x1810] =	vst.add.f32.msk $0xffff, v43  }
0x106: {  	[tilespmem:s0+$0x1820] =	vst.add.f32.msk $0xffff, v44  }
0x107: {  	[tilespmem:s0+$0x1830] =	vst.add.f32.msk $0xffff, v45  }
0x108: {  	[tilespmem:s0+$0x1840] =	vst.add.f32.msk $0xffff, v46  }
0x109: {  	[tilespmem:s0+$0x1850] =	vst.add.f32.msk $0xffff, v47  }
0x10a: {  	[tilespmem:s0+$0x1860] =	vst.add.f32.msk $0xffff, v48  }
0x10b: {  	[tilespmem:s0+$0x1870] =	vst.add.f32.msk $0xffff, v49  }
0x10c: {  	[tilespmem:s0+$0x1C00] =	vst.add.f32.msk $0xffff, v50  }
0x10d: {  	[tilespmem:s0+$0x1C10] =	vst.add.f32.msk $0xffff, v51  }
0x10e: {  	[tilespmem:s0+$0x1C20] =	vst.add.f32.msk $0xffff, v52  }
0x10f: {  	[tilespmem:s0+$0x1C30] =	vst.add.f32.msk $0xffff, v53  }
0x110: {  	[tilespmem:s0+$0x1C40] =	vst.add.f32.msk $0xffff, v54  }
0x111: {  	[tilespmem:s0+$0x1C50] =	vst.add.f32.msk $0xffff, v55  }
0x112: {  	[tilespmem:s0+$0x1C60] =	vst.add.f32.msk $0xffff, v56  }
0x113: {  	[tilespmem:s0+$0x1C70] =	vst.add.f32.msk $0xffff, v57  }
0x114: {  	[tilespmem:s0+$0x2000] =	vst.add.f32.msk $0xffff, v58  }
0x115: {  	[tilespmem:s0+$0x2010] =	vst.add.f32.msk $0xffff, v59  }
.Ltmp0:
0x116: {  	[tilespmem:s0+$0x2020] =	vst.add.f32.msk $0xffff, v60;
	(pc) =	sbr.rel @p0 .LBB2_3-.Ltmp0, $4  }
0x117: {  	[tilespmem:s0+$0x2030] =	vst.add.f32.msk $0xffff, v61  }
0x118: {  	[tilespmem:s0+$0x2040] =	vst.add.f32.msk $0xffff, v62  }
0x119: {  	[tilespmem:s0+$0x2050] =	vst.add.f32.msk $0xffff, v63  }
0x11a: {  	[tilespmem:s0+$0x2060] =	vst.add.f32.msk $0xffff, v0;
	s0 =	sshra.s32 s2, $0x2;
	s2 =	sadd.s32 $0x200, s2  }
0x11b: {  	v0 =	vld [tilespmem:s0+$0xA070]  }
0x11c: {  	v2 =	vld [tilespmem:s0+$0x8400]  }
0x11d: {  	v3 =	vld [tilespmem:s0+$0x8410]  }
0x11e: {  	v4 =	vld [tilespmem:s0+$0x8420]  }
0x11f: {  	v5 =	vld [tilespmem:s0+$0x8430]  }
0x120: {  	v6 =	vld [tilespmem:s0+$0x8450]  }
0x121: {  	v7 =	vld [tilespmem:s0+$0x8460]  }
0x122: {  	v8 =	vld [tilespmem:s0+$0x8470]  }
0x123: {  	v9 =	vld [tilespmem:s0+$0x8800]  }
0x124: {  	v10 =	vld [tilespmem:s0+$0x8810]  }
0x125: {  	v11 =	vld [tilespmem:s0+$0x8820]  }
0x126: {  	v12 =	vld [tilespmem:s0+$0x8830]  }
0x127: {  	v13 =	vld [tilespmem:s0+$0x8840]  }
0x128: {  	v14 =	vld [tilespmem:s0+$0x8850]  }
0x129: {  	v15 =	vld [tilespmem:s0+$0x8860]  }
0x12a: {  	v16 =	vld [tilespmem:s0+$0x8870]  }
0x12b: {  	v17 =	vld [tilespmem:s0+$0x8C00]  }
0x12c: {  	v18 =	vld [tilespmem:s0+$0x8C10]  }
0x12d: {  	v19 =	vld [tilespmem:s0+$0x8C20]  }
0x12e: {  	v20 =	vld [tilespmem:s0+$0x8C30]  }
0x12f: {  	v21 =	vld [tilespmem:s0+$0x8C40]  }
0x130: {  	v22 =	vld [tilespmem:s0+$0x8C50]  }
0x131: {  	v23 =	vld [tilespmem:s0+$0x8C60]  }
0x132: {  	v24 =	vld [tilespmem:s0+$0x8C70]  }
0x133: {  	v25 =	vld [tilespmem:s0+$0x9000]  }
0x134: {  	v26 =	vld [tilespmem:s0+$0x9010]  }
0x135: {  	v27 =	vld [tilespmem:s0+$0x9020]  }
0x136: {  	v28 =	vld [tilespmem:s0+$0x9030]  }
0x137: {  	v29 =	vld [tilespmem:s0+$0x9040]  }
0x138: {  	v30 =	vld [tilespmem:s0+$0x9050]  }
0x139: {  	v31 =	vld [tilespmem:s0+$0x9060]  }
0x13a: {  	v32 =	vld [tilespmem:s0+$0x9070]  }
0x13b: {  	v33 =	vld [tilespmem:s0+$0x9400]  }
0x13c: {  	v34 =	vld [tilespmem:s0+$0x9410]  }
0x13d: {  	v35 =	vld [tilespmem:s0+$0x9420]  }
0x13e: {  	v36 =	vld [tilespmem:s0+$0x9430]  }
0x13f: {  	v37 =	vld [tilespmem:s0+$0x9440]  }
0x140: {  	v38 =	vld [tilespmem:s0+$0x9450]  }
0x141: {  	v39 =	vld [tilespmem:s0+$0x9460]  }
0x142: {  	v40 =	vld [tilespmem:s0+$0x9470]  }
0x143: {  	v41 =	vld [tilespmem:s0+$0x9800]  }
0x144: {  	v42 =	vld [tilespmem:s0+$0x9810]  }
0x145: {  	v43 =	vld [tilespmem:s0+$0x9820]  }
0x146: {  	v44 =	vld [tilespmem:s0+$0x9830]  }
0x147: {  	v45 =	vld [tilespmem:s0+$0x9840]  }
0x148: {  	v46 =	vld [tilespmem:s0+$0x9850]  }
0x149: {  	v47 =	vld [tilespmem:s0+$0x9860]  }
0x14a: {  	v48 =	vld [tilespmem:s0+$0x9870]  }
0x14b: {  	v49 =	vld [tilespmem:s0+$0x9C00]  }
0x14c: {  	v50 =	vld [tilespmem:s0+$0x9C10]  }
0x14d: {  	v51 =	vld [tilespmem:s0+$0x9C20]  }
0x14e: {  	v52 =	vld [tilespmem:s0+$0x9C30]  }
0x14f: {  	v53 =	vld [tilespmem:s0+$0x9C40]  }
0x150: {  	v54 =	vld [tilespmem:s0+$0x9C50]  }
0x151: {  	v55 =	vld [tilespmem:s0+$0x9C60]  }
0x152: {  	v56 =	vld [tilespmem:s0+$0x9C70]  }
0x153: {  	v57 =	vld [tilespmem:s0+$0xA000]  }
0x154: {  	v58 =	vld [tilespmem:s0+$0xA010]  }
0x155: {  	v59 =	vld [tilespmem:s0+$0xA020]  }
0x156: {  	v60 =	vld [tilespmem:s0+$0xA030]  }
0x157: {  	v61 =	vld [tilespmem:s0+$0xA040]  }
0x158: {  	v62 =	vld [tilespmem:s0+$0xA050]  }
0x159: {  	v63 =	vld [tilespmem:s0+$0xA060]  }
0x15a: {  	[tilespmem:s0+$0x2070] =	vst.add.f32.msk $0xffff, v0  }
0x15b: {  	v0 =	vld [tilespmem:s0+$0x8440]  }
0x15c: {  	[tilespmem:s0+$0x400] =	vst.add.f32.msk $0xffff, v2  }
0x15d: {  	[tilespmem:s0+$0x410] =	vst.add.f32.msk $0xffff, v3  }
0x15e: {  	[tilespmem:s0+$0x420] =	vst.add.f32.msk $0xffff, v4  }
0x15f: {  	[tilespmem:s0+$0x430] =	vst.add.f32.msk $0xffff, v5  }
0x160: {  	[tilespmem:s0+$0x450] =	vst.add.f32.msk $0xffff, v6  }
0x161: {  	[tilespmem:s0+$0x460] =	vst.add.f32.msk $0xffff, v7  }
0x162: {  	[tilespmem:s0+$0x470] =	vst.add.f32.msk $0xffff, v8  }
0x163: {  	[tilespmem:s0+$0x800] =	vst.add.f32.msk $0xffff, v9  }
0x164: {  	[tilespmem:s0+$0x810] =	vst.add.f32.msk $0xffff, v10  }
0x165: {  	[tilespmem:s0+$0x820] =	vst.add.f32.msk $0xffff, v11  }
0x166: {  	[tilespmem:s0+$0x830] =	vst.add.f32.msk $0xffff, v12  }
0x167: {  	[tilespmem:s0+$0x840] =	vst.add.f32.msk $0xffff, v13  }
0x168: {  	[tilespmem:s0+$0x850] =	vst.add.f32.msk $0xffff, v14  }
0x169: {  	[tilespmem:s0+$0x860] =	vst.add.f32.msk $0xffff, v15  }
0x16a: {  	[tilespmem:s0+$0x870] =	vst.add.f32.msk $0xffff, v16  }
0x16b: {  	[tilespmem:s0+$0xC00] =	vst.add.f32.msk $0xffff, v17  }
0x16c: {  	[tilespmem:s0+$0xC10] =	vst.add.f32.msk $0xffff, v18  }
0x16d: {  	[tilespmem:s0+$0xC20] =	vst.add.f32.msk $0xffff, v19  }
0x16e: {  	[tilespmem:s0+$0xC30] =	vst.add.f32.msk $0xffff, v20  }
0x16f: {  	[tilespmem:s0+$0xC40] =	vst.add.f32.msk $0xffff, v21  }
0x170: {  	[tilespmem:s0+$0xC50] =	vst.add.f32.msk $0xffff, v22  }
0x171: {  	[tilespmem:s0+$0xC60] =	vst.add.f32.msk $0xffff, v23  }
0x172: {  	[tilespmem:s0+$0xC70] =	vst.add.f32.msk $0xffff, v24  }
0x173: {  	[tilespmem:s0+$0x1000] =	vst.add.f32.msk $0xffff, v25  }
0x174: {  	[tilespmem:s0+$0x1010] =	vst.add.f32.msk $0xffff, v26  }
0x175: {  	[tilespmem:s0+$0x1020] =	vst.add.f32.msk $0xffff, v27  }
0x176: {  	[tilespmem:s0+$0x1030] =	vst.add.f32.msk $0xffff, v28  }
0x177: {  	[tilespmem:s0+$0x1040] =	vst.add.f32.msk $0xffff, v29  }
0x178: {  	[tilespmem:s0+$0x1050] =	vst.add.f32.msk $0xffff, v30  }
0x179: {  	[tilespmem:s0+$0x1060] =	vst.add.f32.msk $0xffff, v31  }
0x17a: {  	[tilespmem:s0+$0x1070] =	vst.add.f32.msk $0xffff, v32  }
0x17b: {  	[tilespmem:s0+$0x1400] =	vst.add.f32.msk $0xffff, v33  }
0x17c: {  	[tilespmem:s0+$0x1410] =	vst.add.f32.msk $0xffff, v34  }
0x17d: {  	[tilespmem:s0+$0x1420] =	vst.add.f32.msk $0xffff, v35  }
0x17e: {  	[tilespmem:s0+$0x1430] =	vst.add.f32.msk $0xffff, v36  }
0x17f: {  	[tilespmem:s0+$0x1440] =	vst.add.f32.msk $0xffff, v37  }
0x180: {  	[tilespmem:s0+$0x1450] =	vst.add.f32.msk $0xffff, v38  }
0x181: {  	[tilespmem:s0+$0x1460] =	vst.add.f32.msk $0xffff, v39  }
0x182: {  	[tilespmem:s0+$0x1470] =	vst.add.f32.msk $0xffff, v40  }
0x183: {  	[tilespmem:s0+$0x1800] =	vst.add.f32.msk $0xffff, v41  }
0x184: {  	[tilespmem:s0+$0x1810] =	vst.add.f32.msk $0xffff, v42  }
0x185: {  	[tilespmem:s0+$0x1820] =	vst.add.f32.msk $0xffff, v43  }
0x186: {  	[tilespmem:s0+$0x1830] =	vst.add.f32.msk $0xffff, v44  }
0x187: {  	[tilespmem:s0+$0x1840] =	vst.add.f32.msk $0xffff, v45  }
0x188: {  	[tilespmem:s0+$0x1850] =	vst.add.f32.msk $0xffff, v46  }
0x189: {  	[tilespmem:s0+$0x1860] =	vst.add.f32.msk $0xffff, v47  }
0x18a: {  	[tilespmem:s0+$0x1870] =	vst.add.f32.msk $0xffff, v48  }
0x18b: {  	[tilespmem:s0+$0x1C00] =	vst.add.f32.msk $0xffff, v49  }
0x18c: {  	[tilespmem:s0+$0x1C10] =	vst.add.f32.msk $0xffff, v50  }
0x18d: {  	[tilespmem:s0+$0x1C20] =	vst.add.f32.msk $0xffff, v51  }
0x18e: {  	[tilespmem:s0+$0x1C30] =	vst.add.f32.msk $0xffff, v52  }
0x18f: {  	[tilespmem:s0+$0x1C40] =	vst.add.f32.msk $0xffff, v53  }
0x190: {  	[tilespmem:s0+$0x1C50] =	vst.add.f32.msk $0xffff, v54  }
0x191: {  	[tilespmem:s0+$0x1C60] =	vst.add.f32.msk $0xffff, v55  }
0x192: {  	[tilespmem:s0+$0x1C70] =	vst.add.f32.msk $0xffff, v56  }
0x193: {  	[tilespmem:s0+$0x2000] =	vst.add.f32.msk $0xffff, v57  }
0x194: {  	[tilespmem:s0+$0x2010] =	vst.add.f32.msk $0xffff, v58  }
0x195: {  	[tilespmem:s0+$0x2020] =	vst.add.f32.msk $0xffff, v59  }
0x196: {  	[tilespmem:s0+$0x2030] =	vst.add.f32.msk $0xffff, v60  }
0x197: {  	s2 =	sshll.u32 s24, $0x11;
	[tilespmem:s0+$0x2040] =	vst.add.f32.msk $0xffff, v61  }
0x198: {  	s2 =	sadd.s32 s16, s2;
	[tilespmem:s0+$0x2050] =	vst.add.f32.msk $0xffff, v62  }
0x199: {  	s2 =	sshrl.u32 s2, $0x3;
	[tilespmem:s0+$0x2060] =	vst.add.f32.msk $0xffff, v63  }
0x19a: {  	s26 =	simm.s32 $0x400;
	[tilespmem:s0+$0x440] =	vst.add.f32.msk $0xffff, v0;
	s0 =	sadd.s32 s4, s2  }
0x19b: {  	[hbm4b:s0+s18] =	stream.strided.scatter [tilespmem:s26], [sflag:$0x5], $0x400, s5, s18, $0x38;
	[tilespmem:$0x10400] =	vst v63  }
0x19c: {  	s25 =	simm.s32 $0x800;
	s31 =	sadd.s32 $0x40, s0  }
0x19d: {  	[hbm4b:s31+s18] =	stream.strided.scatter [tilespmem:s25], [sflag:$0x5], $0x400, s5, s18, $0x38;
	[tilespmem:$0x10400] =	vst v63  }
0x19e: {  	s26 =	sadd.s32 $0x80, s0;
	s31 =	simm.s32 $0xC00  }
0x19f: {  	[hbm4b:s26+s18] =	stream.strided.scatter [tilespmem:s31], [sflag:$0x5], $0x400, s5, s18, $0x38;
	[tilespmem:$0x10400] =	vst v63  }
0x1a0: {  	s25 =	sadd.s32 $0xC0, s0  }
0x1a1: {  	[hbm4b:s25+s18] =	stream.strided.scatter [tilespmem:s5], [sflag:$0x5], $0x400, s5, s18, $0x38;
	[tilespmem:$0x10400] =	vst v63  }
0x1a2: {  	s26 =	sadd.s32 $0x100, s0;
	s31 =	simm.s32 $0x1400  }
0x1a3: {  	[hbm4b:s26+s18] =	stream.strided.scatter [tilespmem:s31], [sflag:$0x5], $0x400, s5, s18, $0x38;
	[tilespmem:$0x10400] =	vst v63  }
0x1a4: {  	s26 =	sadd.s32 $0x140, s0;
	s31 =	simm.s32 $0x1800  }
0x1a5: {  	[hbm4b:s26+s18] =	stream.strided.scatter [tilespmem:s31], [sflag:$0x5], $0x400, s5, s18, $0x38;
	[tilespmem:$0x10400] =	vst v63  }
0x1a6: {  	s25 =	sadd.s32 $0x180, s0;
	s26 =	simm.s32 $0x1C00  }
0x1a7: {  	[hbm4b:s25+s18] =	stream.strided.scatter [tilespmem:s26], [sflag:$0x5], $0x400, s5, s18, $0x38;
	[tilespmem:$0x10400] =	vst v63  }
0x1a8: {  	s0 =	sadd.s32 $0x1C0, s0;
	s31 =	simm.s32 $0x2000  }
0x1a9: {  	[hbm4b:s0+s18] =	stream.strided.scatter [tilespmem:s31], [sflag:$0x5], $0x400, s5, s18, $0x38;
	[tilespmem:$0x10400] =	vst v63  }
0x1aa: {  	_ =	swait.ge [sflag:s21], $0x2000  }
0x1ab: {  	[sflag:s21] =	ssyncset.done $0x0  }
0x1ac: {  	[sflag:s21] =	ssyncadd.s32 $0xFFFFE000  }
0x1ad: {  	_ =	swait.ge [sflag:s21], $0x2000  }
0x1ae: {  	p0 =	seq.s32 s24, $0xF;
	[sflag:s21] =	ssyncset.done $0x0  }
0x1af: {  	s0 =	simm.s32 @!p0 $0x5;
	[sflag:s21] =	ssyncadd.s32 $0xFFFFE000  }
0x1b0: {  	_ =	swait.ge @!p0 [sflag:s0], $0x2000  }
0x1b1: {  	[sflag:s0] =	ssyncset.done @!p0 $0x0  }
0x1b2: {  	[sflag:s0] =	ssyncadd.s32 @!p0 $0xFFFFE000;
	s0 =	sshll.u32 @!p0 s24, $0x5  }
0x1b3: {  	v0 =	vld.msk @!p0 [tilespmem:s0+$0x20], $0xff;
	_ =	sdelay $0x4  }
0x1b4: {  	v2 =	vshll.u32 @!p0 v0, $0x3  }
0x1b5: {  	v3 =	vlaneseq.u32 @!p0;
	v0 =	vand.u32 @!p0 $0x7, v0;
	v2 =	vand.u32 @!p0 $0xFFFFFFC0, v2  }
0x1b6: {  	v0 =	vor.u32 @!p0 v0, v2;
	v2 =	vand.u32 @!p0 $0x7, v3;
	v3 =	vshrl.u32 @!p0 v3, $0x3  }
0x1b7: {  	v0 =	vperm.xlane @!p0 v0, v2;
	v3 =	vmul.u32 @!p0 $0x8, v3;
	_ =	sdelay $0x1  }
0x1b8: {  	v0 =	vadd.s32 @!p0 v3, v0;
	_ =	sdelay $0x3  }
0x1b9: {  	vm1 =	vmmov @!p0 $0xffff;
	s2 =	simm.s32 @!p0 $0x0;
	s25 =	simm.s32 @!p0 $0x400  }
0x1ba: {  	[tilespmem:s25], [sflag:$0x1] =	stream.indirect_vreg.gather @!p0 [hbm4b:s1+s2], $0x80, v0, vm1, $0xb8;
	[tilespmem:$0x10400] =	vst v63  }
0x1bb: {  	s25 =	simm.s32 @!p0 $0xC00  }
0x1bc: {  	[tilespmem:s25], [sflag:$0x1] =	stream.indirect_vreg.gather @!p0 [hbm4b:s10+s2], $0x80, v0, vm1, $0xb8;
	[tilespmem:$0x10400] =	vst v63  }
0x1bd: {  	s25 =	simm.s32 @!p0 $0x1400  }
0x1be: {  	[tilespmem:s25], [sflag:$0x1] =	stream.indirect_vreg.gather @!p0 [hbm4b:s11+s2], $0x80, v0, vm1, $0xb8;
	[tilespmem:$0x10400] =	vst v63  }
0x1bf: {  	s25 =	simm.s32 @!p0 $0x1C00  }
0x1c0: {  	[tilespmem:s25], [sflag:$0x1] =	stream.indirect_vreg.gather @!p0 [hbm4b:s12+s2], $0x80, v0, vm1, $0xb8;
	[tilespmem:$0x10400] =	vst v63  }
0x1c1: {  	v0 =	vld.msk @!p0 [tilespmem:s0+$0x220], $0xff;
	_ =	sdelay $0x4  }
0x1c2: {  	v4 =	vshll.u32 @!p0 v0, $0x3  }
0x1c3: {  	v0 =	vand.u32 @!p0 $0x7, v0;
	v4 =	vand.u32 @!p0 $0xFFFFFFC0, v4  }
0x1c4: {  	v0 =	vor.u32 @!p0 v0, v4  }
0x1c5: {  	v0 =	vperm.xlane @!p0 v0, v2;
	_ =	sdelay $0x1  }
0x1c6: {  	v0 =	vadd.s32 @!p0 v3, v0;
	_ =	sdelay $0x3  }
0x1c7: {  	s0 =	simm.s32 @!p0 $0x8400  }
0x1c8: {  	[tilespmem:s0], [sflag:$0x1] =	stream.indirect_vreg.gather @!p0 [hbm4b:s3+s2], $0x80, v0, vm1, $0xb8;
	[tilespmem:$0x10400] =	vst v63  }
0x1c9: {  	s0 =	simm.s32 @!p0 $0x8C00  }
0x1ca: {  	[tilespmem:s0], [sflag:$0x1] =	stream.indirect_vreg.gather @!p0 [hbm4b:s13+s2], $0x80, v0, vm1, $0xb8;
	[tilespmem:$0x10400] =	vst v63  }
0x1cb: {  	s0 =	simm.s32 @!p0 $0x9400  }
0x1cc: {  	[tilespmem:s0], [sflag:$0x1] =	stream.indirect_vreg.gather @!p0 [hbm4b:s14+s2], $0x80, v0, vm1, $0xb8;
	[tilespmem:$0x10400] =	vst v63  }
0x1cd: {  	s0 =	simm.s32 @!p0 $0x9C00  }
0x1ce: {  	[tilespmem:s0], [sflag:$0x1] =	stream.indirect_vreg.gather @!p0 [hbm4b:s15+s2], $0x80, v0, vm1, $0xb8;
	[tilespmem:$0x10400] =	vst v63  }
0x1cf: {  	s0 =	simm.s32 $0x0;
	s2 =	simm.s32 $0x200  }
.LBB2_5:
0x1d0: {  	p1 =	sne.s32 s2, $0xE00;
	v0 =	vld [tilespmem:s0+$0xC070]  }
0x1d1: {  	v2 =	vld [tilespmem:s0+$0xA400]  }
0x1d2: {  	v3 =	vld [tilespmem:s0+$0xA410]  }
0x1d3: {  	v4 =	vld [tilespmem:s0+$0xA420]  }
0x1d4: {  	v5 =	vld [tilespmem:s0+$0xA430]  }
0x1d5: {  	[tilespmem:s0+$0x4070] =	vst.add.f32.msk $0xffff, v0  }
0x1d6: {  	v0 =	vld [tilespmem:s0+$0xA440]  }
0x1d7: {  	v6 =	vld [tilespmem:s0+$0xA450]  }
0x1d8: {  	v7 =	vld [tilespmem:s0+$0xA460]  }
0x1d9: {  	v8 =	vld [tilespmem:s0+$0xA470]  }
0x1da: {  	v9 =	vld [tilespmem:s0+$0xA800]  }
0x1db: {  	v10 =	vld [tilespmem:s0+$0xA810]  }
0x1dc: {  	v11 =	vld [tilespmem:s0+$0xA820]  }
0x1dd: {  	v12 =	vld [tilespmem:s0+$0xA830]  }
0x1de: {  	v13 =	vld [tilespmem:s0+$0xA840]  }
0x1df: {  	v14 =	vld [tilespmem:s0+$0xA850]  }
0x1e0: {  	v15 =	vld [tilespmem:s0+$0xA860]  }
0x1e1: {  	v16 =	vld [tilespmem:s0+$0xA870]  }
0x1e2: {  	v17 =	vld [tilespmem:s0+$0xAC00]  }
0x1e3: {  	v18 =	vld [tilespmem:s0+$0xAC10]  }
0x1e4: {  	v19 =	vld [tilespmem:s0+$0xAC20]  }
0x1e5: {  	v20 =	vld [tilespmem:s0+$0xAC30]  }
0x1e6: {  	v21 =	vld [tilespmem:s0+$0xAC40]  }
0x1e7: {  	v22 =	vld [tilespmem:s0+$0xAC50]  }
0x1e8: {  	v23 =	vld [tilespmem:s0+$0xAC60]  }
0x1e9: {  	v24 =	vld [tilespmem:s0+$0xAC70]  }
0x1ea: {  	v25 =	vld [tilespmem:s0+$0xB000]  }
0x1eb: {  	v26 =	vld [tilespmem:s0+$0xB010]  }
0x1ec: {  	v27 =	vld [tilespmem:s0+$0xB020]  }
0x1ed: {  	v28 =	vld [tilespmem:s0+$0xB030]  }
0x1ee: {  	v29 =	vld [tilespmem:s0+$0xB040]  }
0x1ef: {  	v30 =	vld [tilespmem:s0+$0xB050]  }
0x1f0: {  	v31 =	vld [tilespmem:s0+$0xB060]  }
0x1f1: {  	v32 =	vld [tilespmem:s0+$0xB070]  }
0x1f2: {  	v33 =	vld [tilespmem:s0+$0xB400]  }
0x1f3: {  	v34 =	vld [tilespmem:s0+$0xB410]  }
0x1f4: {  	v35 =	vld [tilespmem:s0+$0xB420]  }
0x1f5: {  	v36 =	vld [tilespmem:s0+$0xB430]  }
0x1f6: {  	v37 =	vld [tilespmem:s0+$0xB440]  }
0x1f7: {  	v38 =	vld [tilespmem:s0+$0xB450]  }
0x1f8: {  	v39 =	vld [tilespmem:s0+$0xB460]  }
0x1f9: {  	v40 =	vld [tilespmem:s0+$0xB470]  }
0x1fa: {  	v41 =	vld [tilespmem:s0+$0xB800]  }
0x1fb: {  	v42 =	vld [tilespmem:s0+$0xB810]  }
0x1fc: {  	v43 =	vld [tilespmem:s0+$0xB820]  }
0x1fd: {  	v44 =	vld [tilespmem:s0+$0xB830]  }
0x1fe: {  	v45 =	vld [tilespmem:s0+$0xB840]  }
0x1ff: {  	v46 =	vld [tilespmem:s0+$0xB850]  }
0x200: {  	v47 =	vld [tilespmem:s0+$0xB860]  }
0x201: {  	v48 =	vld [tilespmem:s0+$0xB870]  }
0x202: {  	v49 =	vld [tilespmem:s0+$0xBC00]  }
0x203: {  	v50 =	vld [tilespmem:s0+$0xBC10]  }
0x204: {  	v51 =	vld [tilespmem:s0+$0xBC20]  }
0x205: {  	v52 =	vld [tilespmem:s0+$0xBC30]  }
0x206: {  	v53 =	vld [tilespmem:s0+$0xBC40]  }
0x207: {  	v54 =	vld [tilespmem:s0+$0xBC50]  }
0x208: {  	v55 =	vld [tilespmem:s0+$0xBC60]  }
0x209: {  	v56 =	vld [tilespmem:s0+$0xBC70]  }
0x20a: {  	v57 =	vld [tilespmem:s0+$0xC000]  }
0x20b: {  	v58 =	vld [tilespmem:s0+$0xC010]  }
0x20c: {  	v59 =	vld [tilespmem:s0+$0xC020]  }
0x20d: {  	v60 =	vld [tilespmem:s0+$0xC030]  }
0x20e: {  	v61 =	vld [tilespmem:s0+$0xC040]  }
0x20f: {  	v62 =	vld [tilespmem:s0+$0xC050]  }
0x210: {  	v63 =	vld [tilespmem:s0+$0xC060]  }
0x211: {  	[tilespmem:s0+$0x2400] =	vst.add.f32.msk $0xffff, v2  }
0x212: {  	[tilespmem:s0+$0x2410] =	vst.add.f32.msk $0xffff, v3  }
0x213: {  	[tilespmem:s0+$0x2420] =	vst.add.f32.msk $0xffff, v4  }
0x214: {  	[tilespmem:s0+$0x2430] =	vst.add.f32.msk $0xffff, v5  }
0x215: {  	[tilespmem:s0+$0x2440] =	vst.add.f32.msk $0xffff, v0  }
0x216: {  	[tilespmem:s0+$0x2450] =	vst.add.f32.msk $0xffff, v6  }
0x217: {  	[tilespmem:s0+$0x2460] =	vst.add.f32.msk $0xffff, v7  }
0x218: {  	[tilespmem:s0+$0x2470] =	vst.add.f32.msk $0xffff, v8  }
0x219: {  	[tilespmem:s0+$0x2800] =	vst.add.f32.msk $0xffff, v9  }
0x21a: {  	[tilespmem:s0+$0x2810] =	vst.add.f32.msk $0xffff, v10  }
0x21b: {  	[tilespmem:s0+$0x2820] =	vst.add.f32.msk $0xffff, v11  }
0x21c: {  	[tilespmem:s0+$0x2830] =	vst.add.f32.msk $0xffff, v12  }
0x21d: {  	[tilespmem:s0+$0x2840] =	vst.add.f32.msk $0xffff, v13  }
0x21e: {  	[tilespmem:s0+$0x2850] =	vst.add.f32.msk $0xffff, v14  }
0x21f: {  	[tilespmem:s0+$0x2860] =	vst.add.f32.msk $0xffff, v15  }
0x220: {  	[tilespmem:s0+$0x2870] =	vst.add.f32.msk $0xffff, v16  }
0x221: {  	[tilespmem:s0+$0x2C00] =	vst.add.f32.msk $0xffff, v17  }
0x222: {  	[tilespmem:s0+$0x2C10] =	vst.add.f32.msk $0xffff, v18  }
0x223: {  	[tilespmem:s0+$0x2C20] =	vst.add.f32.msk $0xffff, v19  }
0x224: {  	[tilespmem:s0+$0x2C30] =	vst.add.f32.msk $0xffff, v20  }
0x225: {  	[tilespmem:s0+$0x2C40] =	vst.add.f32.msk $0xffff, v21  }
0x226: {  	[tilespmem:s0+$0x2C50] =	vst.add.f32.msk $0xffff, v22  }
0x227: {  	[tilespmem:s0+$0x2C60] =	vst.add.f32.msk $0xffff, v23  }
0x228: {  	[tilespmem:s0+$0x2C70] =	vst.add.f32.msk $0xffff, v24  }
0x229: {  	[tilespmem:s0+$0x3000] =	vst.add.f32.msk $0xffff, v25  }
0x22a: {  	[tilespmem:s0+$0x3010] =	vst.add.f32.msk $0xffff, v26  }
0x22b: {  	[tilespmem:s0+$0x3020] =	vst.add.f32.msk $0xffff, v27  }
0x22c: {  	[tilespmem:s0+$0x3030] =	vst.add.f32.msk $0xffff, v28  }
0x22d: {  	[tilespmem:s0+$0x3040] =	vst.add.f32.msk $0xffff, v29  }
0x22e: {  	[tilespmem:s0+$0x3050] =	vst.add.f32.msk $0xffff, v30  }
0x22f: {  	[tilespmem:s0+$0x3060] =	vst.add.f32.msk $0xffff, v31  }
0x230: {  	[tilespmem:s0+$0x3070] =	vst.add.f32.msk $0xffff, v32  }
0x231: {  	[tilespmem:s0+$0x3400] =	vst.add.f32.msk $0xffff, v33  }
0x232: {  	[tilespmem:s0+$0x3410] =	vst.add.f32.msk $0xffff, v34  }
0x233: {  	[tilespmem:s0+$0x3420] =	vst.add.f32.msk $0xffff, v35  }
0x234: {  	[tilespmem:s0+$0x3430] =	vst.add.f32.msk $0xffff, v36  }
0x235: {  	[tilespmem:s0+$0x3440] =	vst.add.f32.msk $0xffff, v37  }
0x236: {  	[tilespmem:s0+$0x3450] =	vst.add.f32.msk $0xffff, v38  }
0x237: {  	[tilespmem:s0+$0x3460] =	vst.add.f32.msk $0xffff, v39  }
0x238: {  	[tilespmem:s0+$0x3470] =	vst.add.f32.msk $0xffff, v40  }
0x239: {  	[tilespmem:s0+$0x3800] =	vst.add.f32.msk $0xffff, v41  }
0x23a: {  	[tilespmem:s0+$0x3810] =	vst.add.f32.msk $0xffff, v42  }
0x23b: {  	[tilespmem:s0+$0x3820] =	vst.add.f32.msk $0xffff, v43  }
0x23c: {  	[tilespmem:s0+$0x3830] =	vst.add.f32.msk $0xffff, v44  }
0x23d: {  	[tilespmem:s0+$0x3840] =	vst.add.f32.msk $0xffff, v45  }
0x23e: {  	[tilespmem:s0+$0x3850] =	vst.add.f32.msk $0xffff, v46  }
0x23f: {  	[tilespmem:s0+$0x3860] =	vst.add.f32.msk $0xffff, v47  }
0x240: {  	[tilespmem:s0+$0x3870] =	vst.add.f32.msk $0xffff, v48  }
0x241: {  	[tilespmem:s0+$0x3C00] =	vst.add.f32.msk $0xffff, v49  }
0x242: {  	[tilespmem:s0+$0x3C10] =	vst.add.f32.msk $0xffff, v50  }
0x243: {  	[tilespmem:s0+$0x3C20] =	vst.add.f32.msk $0xffff, v51  }
0x244: {  	[tilespmem:s0+$0x3C30] =	vst.add.f32.msk $0xffff, v52  }
0x245: {  	[tilespmem:s0+$0x3C40] =	vst.add.f32.msk $0xffff, v53  }
0x246: {  	[tilespmem:s0+$0x3C50] =	vst.add.f32.msk $0xffff, v54  }
0x247: {  	[tilespmem:s0+$0x3C60] =	vst.add.f32.msk $0xffff, v55  }
0x248: {  	[tilespmem:s0+$0x3C70] =	vst.add.f32.msk $0xffff, v56  }
0x249: {  	[tilespmem:s0+$0x4000] =	vst.add.f32.msk $0xffff, v57  }
0x24a: {  	[tilespmem:s0+$0x4010] =	vst.add.f32.msk $0xffff, v58  }
.Ltmp1:
0x24b: {  	[tilespmem:s0+$0x4020] =	vst.add.f32.msk $0xffff, v59;
	(pc) =	sbr.rel @p1 .LBB2_5-.Ltmp1, $4  }
0x24c: {  	[tilespmem:s0+$0x4030] =	vst.add.f32.msk $0xffff, v60  }
0x24d: {  	[tilespmem:s0+$0x4040] =	vst.add.f32.msk $0xffff, v61  }
0x24e: {  	[tilespmem:s0+$0x4050] =	vst.add.f32.msk $0xffff, v62  }
0x24f: {  	[tilespmem:s0+$0x4060] =	vst.add.f32.msk $0xffff, v63;
	s0 =	sshra.s32 s2, $0x2;
	s2 =	sadd.s32 $0x200, s2  }
0x250: {  	v0 =	vld [tilespmem:s0+$0xC070]  }
0x251: {  	v2 =	vld [tilespmem:s0+$0xA400]  }
0x252: {  	v3 =	vld [tilespmem:s0+$0xA410]  }
0x253: {  	v4 =	vld [tilespmem:s0+$0xA420]  }
0x254: {  	v5 =	vld [tilespmem:s0+$0xA430]  }
0x255: {  	v6 =	vld [tilespmem:s0+$0xA450]  }
0x256: {  	v7 =	vld [tilespmem:s0+$0xA460]  }
0x257: {  	v8 =	vld [tilespmem:s0+$0xA470]  }
0x258: {  	v9 =	vld [tilespmem:s0+$0xA800]  }
0x259: {  	v10 =	vld [tilespmem:s0+$0xA810]  }
0x25a: {  	v11 =	vld [tilespmem:s0+$0xA820]  }
0x25b: {  	v12 =	vld [tilespmem:s0+$0xA830]  }
0x25c: {  	v13 =	vld [tilespmem:s0+$0xA840]  }
0x25d: {  	v14 =	vld [tilespmem:s0+$0xA850]  }
0x25e: {  	v15 =	vld [tilespmem:s0+$0xA860]  }
0x25f: {  	v16 =	vld [tilespmem:s0+$0xA870]  }
0x260: {  	v17 =	vld [tilespmem:s0+$0xAC00]  }
0x261: {  	v18 =	vld [tilespmem:s0+$0xAC10]  }
0x262: {  	v19 =	vld [tilespmem:s0+$0xAC20]  }
0x263: {  	v20 =	vld [tilespmem:s0+$0xAC30]  }
0x264: {  	v21 =	vld [tilespmem:s0+$0xAC40]  }
0x265: {  	v22 =	vld [tilespmem:s0+$0xAC50]  }
0x266: {  	v23 =	vld [tilespmem:s0+$0xAC60]  }
0x267: {  	v24 =	vld [tilespmem:s0+$0xAC70]  }
0x268: {  	v25 =	vld [tilespmem:s0+$0xB000]  }
0x269: {  	v26 =	vld [tilespmem:s0+$0xB010]  }
0x26a: {  	v27 =	vld [tilespmem:s0+$0xB020]  }
0x26b: {  	v28 =	vld [tilespmem:s0+$0xB030]  }
0x26c: {  	v29 =	vld [tilespmem:s0+$0xB040]  }
0x26d: {  	v30 =	vld [tilespmem:s0+$0xB050]  }
0x26e: {  	v31 =	vld [tilespmem:s0+$0xB060]  }
0x26f: {  	v32 =	vld [tilespmem:s0+$0xB070]  }
0x270: {  	v33 =	vld [tilespmem:s0+$0xB400]  }
0x271: {  	v34 =	vld [tilespmem:s0+$0xB410]  }
0x272: {  	v35 =	vld [tilespmem:s0+$0xB420]  }
0x273: {  	v36 =	vld [tilespmem:s0+$0xB430]  }
0x274: {  	v37 =	vld [tilespmem:s0+$0xB440]  }
0x275: {  	v38 =	vld [tilespmem:s0+$0xB450]  }
0x276: {  	v39 =	vld [tilespmem:s0+$0xB460]  }
0x277: {  	v40 =	vld [tilespmem:s0+$0xB470]  }
0x278: {  	v41 =	vld [tilespmem:s0+$0xB800]  }
0x279: {  	v42 =	vld [tilespmem:s0+$0xB810]  }
0x27a: {  	v43 =	vld [tilespmem:s0+$0xB820]  }
0x27b: {  	v44 =	vld [tilespmem:s0+$0xB830]  }
0x27c: {  	v45 =	vld [tilespmem:s0+$0xB840]  }
0x27d: {  	v46 =	vld [tilespmem:s0+$0xB850]  }
0x27e: {  	v47 =	vld [tilespmem:s0+$0xB860]  }
0x27f: {  	v48 =	vld [tilespmem:s0+$0xB870]  }
0x280: {  	v49 =	vld [tilespmem:s0+$0xBC00]  }
0x281: {  	v50 =	vld [tilespmem:s0+$0xBC10]  }
0x282: {  	v51 =	vld [tilespmem:s0+$0xBC20]  }
0x283: {  	v52 =	vld [tilespmem:s0+$0xBC30]  }
0x284: {  	v53 =	vld [tilespmem:s0+$0xBC40]  }
0x285: {  	v54 =	vld [tilespmem:s0+$0xBC50]  }
0x286: {  	v55 =	vld [tilespmem:s0+$0xBC60]  }
0x287: {  	v56 =	vld [tilespmem:s0+$0xBC70]  }
0x288: {  	v57 =	vld [tilespmem:s0+$0xC000]  }
0x289: {  	v58 =	vld [tilespmem:s0+$0xC010]  }
0x28a: {  	v59 =	vld [tilespmem:s0+$0xC020]  }
0x28b: {  	v60 =	vld [tilespmem:s0+$0xC030]  }
0x28c: {  	v61 =	vld [tilespmem:s0+$0xC040]  }
0x28d: {  	v62 =	vld [tilespmem:s0+$0xC050]  }
0x28e: {  	v63 =	vld [tilespmem:s0+$0xC060]  }
0x28f: {  	[tilespmem:s0+$0x4070] =	vst.add.f32.msk $0xffff, v0  }
0x290: {  	v0 =	vld [tilespmem:s0+$0xA440]  }
0x291: {  	[tilespmem:s0+$0x2400] =	vst.add.f32.msk $0xffff, v2  }
0x292: {  	[tilespmem:s0+$0x2410] =	vst.add.f32.msk $0xffff, v3  }
0x293: {  	[tilespmem:s0+$0x2420] =	vst.add.f32.msk $0xffff, v4  }
0x294: {  	[tilespmem:s0+$0x2430] =	vst.add.f32.msk $0xffff, v5  }
0x295: {  	[tilespmem:s0+$0x2450] =	vst.add.f32.msk $0xffff, v6  }
0x296: {  	[tilespmem:s0+$0x2460] =	vst.add.f32.msk $0xffff, v7  }
0x297: {  	[tilespmem:s0+$0x2470] =	vst.add.f32.msk $0xffff, v8  }
0x298: {  	[tilespmem:s0+$0x2800] =	vst.add.f32.msk $0xffff, v9  }
0x299: {  	[tilespmem:s0+$0x2810] =	vst.add.f32.msk $0xffff, v10  }
0x29a: {  	[tilespmem:s0+$0x2820] =	vst.add.f32.msk $0xffff, v11  }
0x29b: {  	[tilespmem:s0+$0x2830] =	vst.add.f32.msk $0xffff, v12  }
0x29c: {  	[tilespmem:s0+$0x2840] =	vst.add.f32.msk $0xffff, v13  }
0x29d: {  	[tilespmem:s0+$0x2850] =	vst.add.f32.msk $0xffff, v14  }
0x29e: {  	[tilespmem:s0+$0x2860] =	vst.add.f32.msk $0xffff, v15  }
0x29f: {  	[tilespmem:s0+$0x2870] =	vst.add.f32.msk $0xffff, v16  }
0x2a0: {  	[tilespmem:s0+$0x2C00] =	vst.add.f32.msk $0xffff, v17  }
0x2a1: {  	[tilespmem:s0+$0x2C10] =	vst.add.f32.msk $0xffff, v18  }
0x2a2: {  	[tilespmem:s0+$0x2C20] =	vst.add.f32.msk $0xffff, v19  }
0x2a3: {  	[tilespmem:s0+$0x2C30] =	vst.add.f32.msk $0xffff, v20  }
0x2a4: {  	[tilespmem:s0+$0x2C40] =	vst.add.f32.msk $0xffff, v21  }
0x2a5: {  	[tilespmem:s0+$0x2C50] =	vst.add.f32.msk $0xffff, v22  }
0x2a6: {  	[tilespmem:s0+$0x2C60] =	vst.add.f32.msk $0xffff, v23  }
0x2a7: {  	[tilespmem:s0+$0x2C70] =	vst.add.f32.msk $0xffff, v24  }
0x2a8: {  	[tilespmem:s0+$0x3000] =	vst.add.f32.msk $0xffff, v25  }
0x2a9: {  	[tilespmem:s0+$0x3010] =	vst.add.f32.msk $0xffff, v26  }
0x2aa: {  	[tilespmem:s0+$0x3020] =	vst.add.f32.msk $0xffff, v27  }
0x2ab: {  	[tilespmem:s0+$0x3030] =	vst.add.f32.msk $0xffff, v28  }
0x2ac: {  	[tilespmem:s0+$0x3040] =	vst.add.f32.msk $0xffff, v29  }
0x2ad: {  	[tilespmem:s0+$0x3050] =	vst.add.f32.msk $0xffff, v30  }
0x2ae: {  	[tilespmem:s0+$0x3060] =	vst.add.f32.msk $0xffff, v31  }
0x2af: {  	[tilespmem:s0+$0x3070] =	vst.add.f32.msk $0xffff, v32  }
0x2b0: {  	[tilespmem:s0+$0x3400] =	vst.add.f32.msk $0xffff, v33  }
0x2b1: {  	[tilespmem:s0+$0x3410] =	vst.add.f32.msk $0xffff, v34  }
0x2b2: {  	[tilespmem:s0+$0x3420] =	vst.add.f32.msk $0xffff, v35  }
0x2b3: {  	[tilespmem:s0+$0x3430] =	vst.add.f32.msk $0xffff, v36  }
0x2b4: {  	[tilespmem:s0+$0x3440] =	vst.add.f32.msk $0xffff, v37  }
0x2b5: {  	[tilespmem:s0+$0x3450] =	vst.add.f32.msk $0xffff, v38  }
0x2b6: {  	[tilespmem:s0+$0x3460] =	vst.add.f32.msk $0xffff, v39  }
0x2b7: {  	[tilespmem:s0+$0x3470] =	vst.add.f32.msk $0xffff, v40  }
0x2b8: {  	[tilespmem:s0+$0x3800] =	vst.add.f32.msk $0xffff, v41  }
0x2b9: {  	[tilespmem:s0+$0x3810] =	vst.add.f32.msk $0xffff, v42  }
0x2ba: {  	[tilespmem:s0+$0x3820] =	vst.add.f32.msk $0xffff, v43  }
0x2bb: {  	[tilespmem:s0+$0x3830] =	vst.add.f32.msk $0xffff, v44  }
0x2bc: {  	[tilespmem:s0+$0x3840] =	vst.add.f32.msk $0xffff, v45  }
0x2bd: {  	[tilespmem:s0+$0x3850] =	vst.add.f32.msk $0xffff, v46  }
0x2be: {  	[tilespmem:s0+$0x3860] =	vst.add.f32.msk $0xffff, v47  }
0x2bf: {  	[tilespmem:s0+$0x3870] =	vst.add.f32.msk $0xffff, v48  }
0x2c0: {  	[tilespmem:s0+$0x3C00] =	vst.add.f32.msk $0xffff, v49  }
0x2c1: {  	[tilespmem:s0+$0x3C10] =	vst.add.f32.msk $0xffff, v50  }
0x2c2: {  	[tilespmem:s0+$0x3C20] =	vst.add.f32.msk $0xffff, v51  }
0x2c3: {  	[tilespmem:s0+$0x3C30] =	vst.add.f32.msk $0xffff, v52  }
0x2c4: {  	[tilespmem:s0+$0x3C40] =	vst.add.f32.msk $0xffff, v53  }
0x2c5: {  	[tilespmem:s0+$0x3C50] =	vst.add.f32.msk $0xffff, v54  }
0x2c6: {  	[tilespmem:s0+$0x3C60] =	vst.add.f32.msk $0xffff, v55  }
0x2c7: {  	[tilespmem:s0+$0x3C70] =	vst.add.f32.msk $0xffff, v56  }
0x2c8: {  	[tilespmem:s0+$0x4000] =	vst.add.f32.msk $0xffff, v57  }
0x2c9: {  	s31 =	sshll.u32 s24, $0x5;
	[tilespmem:s0+$0x4010] =	vst.add.f32.msk $0xffff, v58  }
0x2ca: {  	s2 =	sadd.s32 s31, s7;
	[tilespmem:s0+$0x4020] =	vst.add.f32.msk $0xffff, v59  }
0x2cb: {  	s2 =	sshll.u32 s2, $0xC;
	[tilespmem:s0+$0x4030] =	vst.add.f32.msk $0xffff, v60  }
0x2cc: {  	s2 =	sor.u32 s6, s2;
	[tilespmem:s0+$0x4040] =	vst.add.f32.msk $0xffff, v61  }
0x2cd: {  	s25 =	sadd.s32 $0x8000, s2;
	[tilespmem:s0+$0x4050] =	vst.add.f32.msk $0xffff, v62  }
0x2ce: {  	s25 =	sshrl.u32 s25, $0x3;
	[tilespmem:s0+$0x4060] =	vst.add.f32.msk $0xffff, v63  }
0x2cf: {  	s26 =	simm.s32 $0x2400;
	[tilespmem:s0+$0x2440] =	vst.add.f32.msk $0xffff, v0;
	s0 =	sadd.s32 s4, s25  }
0x2d0: {  	[hbm4b:s0+s18] =	stream.strided.scatter [tilespmem:s26], [sflag:$0x6], $0x400, s5, s18, $0x38;
	[tilespmem:$0x10400] =	vst v63  }
0x2d1: {  	s25 =	sadd.s32 $0x40, s0;
	s26 =	simm.s32 $0x2800  }
0x2d2: {  	[hbm4b:s25+s18] =	stream.strided.scatter [tilespmem:s26], [sflag:$0x6], $0x400, s5, s18, $0x38;
	[tilespmem:$0x10400] =	vst v63  }
0x2d3: {  	s25 =	sadd.s32 $0x80, s0;
	s26 =	simm.s32 $0x2C00  }
0x2d4: {  	[hbm4b:s25+s18] =	stream.strided.scatter [tilespmem:s26], [sflag:$0x6], $0x400, s5, s18, $0x38;
	[tilespmem:$0x10400] =	vst v63  }
0x2d5: {  	s25 =	sadd.s32 $0xC0, s0;
	s26 =	simm.s32 $0x3000  }
0x2d6: {  	[hbm4b:s25+s18] =	stream.strided.scatter [tilespmem:s26], [sflag:$0x6], $0x400, s5, s18, $0x38;
	[tilespmem:$0x10400] =	vst v63  }
0x2d7: {  	s25 =	sadd.s32 $0x100, s0;
	s26 =	simm.s32 $0x3400  }
0x2d8: {  	[hbm4b:s25+s18] =	stream.strided.scatter [tilespmem:s26], [sflag:$0x6], $0x400, s5, s18, $0x38;
	[tilespmem:$0x10400] =	vst v63  }
0x2d9: {  	s25 =	sadd.s32 $0x140, s0;
	s26 =	simm.s32 $0x3800  }
0x2da: {  	[hbm4b:s25+s18] =	stream.strided.scatter [tilespmem:s26], [sflag:$0x6], $0x400, s5, s18, $0x38;
	[tilespmem:$0x10400] =	vst v63  }
0x2db: {  	s25 =	sadd.s32 $0x180, s0;
	s26 =	simm.s32 $0x3C00  }
0x2dc: {  	[hbm4b:s25+s18] =	stream.strided.scatter [tilespmem:s26], [sflag:$0x6], $0x400, s5, s18, $0x38;
	[tilespmem:$0x10400] =	vst v63  }
0x2dd: {  	s0 =	sadd.s32 $0x1C0, s0;
	s26 =	simm.s32 $0x4000  }
0x2de: {  	[hbm4b:s0+s18] =	stream.strided.scatter [tilespmem:s26], [sflag:$0x6], $0x400, s5, s18, $0x38;
	[tilespmem:$0x10400] =	vst v63  }
0x2df: {  	_ =	swait.ge [sflag:s22], $0x2000  }
0x2e0: {  	[sflag:s22] =	ssyncset.done $0x0  }
0x2e1: {  	[sflag:s22] =	ssyncadd.s32 $0xFFFFE000  }
0x2e2: {  	_ =	swait.ge [sflag:s22], $0x2000  }
0x2e3: {  	[sflag:s22] =	ssyncset.done $0x0  }
0x2e4: {  	s0 =	simm.s32 @!p0 $0x6;
	[sflag:s22] =	ssyncadd.s32 $0xFFFFE000  }
0x2e5: {  	_ =	swait.ge @!p0 [sflag:s0], $0x2000  }
0x2e6: {  	[sflag:s0] =	ssyncset.done @!p0 $0x0  }
0x2e7: {  	[sflag:s0] =	ssyncadd.s32 @!p0 $0xFFFFE000  }
0x2e8: {  	v0 =	vld.msk @!p0 [tilespmem:s31+$0x28], $0xff;
	_ =	sdelay $0x4  }
0x2e9: {  	v2 =	vshll.u32 @!p0 v0, $0x3  }
0x2ea: {  	v3 =	vlaneseq.u32 @!p0;
	v0 =	vand.u32 @!p0 $0x7, v0;
	v2 =	vand.u32 @!p0 $0xFFFFFFC0, v2  }
0x2eb: {  	v0 =	vor.u32 @!p0 v0, v2;
	v2 =	vand.u32 @!p0 $0x7, v3;
	v3 =	vshrl.u32 @!p0 v3, $0x3  }
0x2ec: {  	v0 =	vperm.xlane @!p0 v0, v2;
	v3 =	vmul.u32 @!p0 $0x8, v3;
	_ =	sdelay $0x1  }
0x2ed: {  	v0 =	vadd.s32 @!p0 v3, v0;
	_ =	sdelay $0x3  }
0x2ee: {  	s25 =	simm.s32 @!p0 $0x2400;
	s0 =	simm.s32 @!p0 $0x0  }
0x2ef: {  	[tilespmem:s25], [sflag:$0x2] =	stream.indirect_vreg.gather @!p0 [hbm4b:s1+s0], $0x80, v0, vm1, $0xb8;
	[tilespmem:$0x10400] =	vst v63  }
0x2f0: {  	s25 =	simm.s32 @!p0 $0x2C00  }
0x2f1: {  	[tilespmem:s25], [sflag:$0x2] =	stream.indirect_vreg.gather @!p0 [hbm4b:s10+s0], $0x80, v0, vm1, $0xb8;
	[tilespmem:$0x10400] =	vst v63  }
0x2f2: {  	s25 =	simm.s32 @!p0 $0x3400  }
0x2f3: {  	[tilespmem:s25], [sflag:$0x2] =	stream.indirect_vreg.gather @!p0 [hbm4b:s11+s0], $0x80, v0, vm1, $0xb8;
	[tilespmem:$0x10400] =	vst v63  }
0x2f4: {  	s25 =	simm.s32 @!p0 $0x3C00  }
0x2f5: {  	[tilespmem:s25], [sflag:$0x2] =	stream.indirect_vreg.gather @!p0 [hbm4b:s12+s0], $0x80, v0, vm1, $0xb8;
	[tilespmem:$0x10400] =	vst v63  }
0x2f6: {  	v0 =	vld.msk @!p0 [tilespmem:s31+$0x228], $0xff;
	_ =	sdelay $0x4  }
0x2f7: {  	v4 =	vshll.u32 @!p0 v0, $0x3  }
0x2f8: {  	v0 =	vand.u32 @!p0 $0x7, v0;
	v4 =	vand.u32 @!p0 $0xFFFFFFC0, v4  }
0x2f9: {  	v0 =	vor.u32 @!p0 v0, v4  }
0x2fa: {  	v0 =	vperm.xlane @!p0 v0, v2;
	_ =	sdelay $0x1  }
0x2fb: {  	v0 =	vadd.s32 @!p0 v3, v0;
	_ =	sdelay $0x3  }
0x2fc: {  	s25 =	simm.s32 @!p0 $0xA400  }
0x2fd: {  	[tilespmem:s25], [sflag:$0x2] =	stream.indirect_vreg.gather @!p0 [hbm4b:s3+s0], $0x80, v0, vm1, $0xb8;
	[tilespmem:$0x10400] =	vst v63  }
0x2fe: {  	s25 =	simm.s32 @!p0 $0xAC00  }
0x2ff: {  	[tilespmem:s25], [sflag:$0x2] =	stream.indirect_vreg.gather @!p0 [hbm4b:s13+s0], $0x80, v0, vm1, $0xb8;
	[tilespmem:$0x10400] =	vst v63  }
0x300: {  	s25 =	simm.s32 @!p0 $0xB400  }
0x301: {  	[tilespmem:s25], [sflag:$0x2] =	stream.indirect_vreg.gather @!p0 [hbm4b:s14+s0], $0x80, v0, vm1, $0xb8;
	[tilespmem:$0x10400] =	vst v63  }
0x302: {  	s25 =	simm.s32 @!p0 $0xBC00  }
0x303: {  	[tilespmem:s25], [sflag:$0x2] =	stream.indirect_vreg.gather @!p0 [hbm4b:s15+s0], $0x80, v0, vm1, $0xb8;
	[tilespmem:$0x10400] =	vst v63  }
0x304: {  	s0 =	simm.s32 $0x0;
	s25 =	simm.s32 $0x200  }
.LBB2_7:
0x305: {  	p1 =	sne.s32 s25, $0xE00;
	v0 =	vld [tilespmem:s0+$0xE070]  }
0x306: {  	v2 =	vld [tilespmem:s0+$0xC400]  }
0x307: {  	v3 =	vld [tilespmem:s0+$0xC410]  }
0x308: {  	v4 =	vld [tilespmem:s0+$0xC420]  }
0x309: {  	v5 =	vld [tilespmem:s0+$0xC430]  }
0x30a: {  	[tilespmem:s0+$0x6070] =	vst.add.f32.msk $0xffff, v0  }
0x30b: {  	v0 =	vld [tilespmem:s0+$0xC440]  }
0x30c: {  	v6 =	vld [tilespmem:s0+$0xC450]  }
0x30d: {  	v7 =	vld [tilespmem:s0+$0xC460]  }
0x30e: {  	v8 =	vld [tilespmem:s0+$0xC470]  }
0x30f: {  	v9 =	vld [tilespmem:s0+$0xC800]  }
0x310: {  	v10 =	vld [tilespmem:s0+$0xC810]  }
0x311: {  	v11 =	vld [tilespmem:s0+$0xC820]  }
0x312: {  	v12 =	vld [tilespmem:s0+$0xC830]  }
0x313: {  	v13 =	vld [tilespmem:s0+$0xC840]  }
0x314: {  	v14 =	vld [tilespmem:s0+$0xC850]  }
0x315: {  	v15 =	vld [tilespmem:s0+$0xC860]  }
0x316: {  	v16 =	vld [tilespmem:s0+$0xC870]  }
0x317: {  	v17 =	vld [tilespmem:s0+$0xCC00]  }
0x318: {  	v18 =	vld [tilespmem:s0+$0xCC10]  }
0x319: {  	v19 =	vld [tilespmem:s0+$0xCC20]  }
0x31a: {  	v20 =	vld [tilespmem:s0+$0xCC30]  }
0x31b: {  	v21 =	vld [tilespmem:s0+$0xCC40]  }
0x31c: {  	v22 =	vld [tilespmem:s0+$0xCC50]  }
0x31d: {  	v23 =	vld [tilespmem:s0+$0xCC60]  }
0x31e: {  	v24 =	vld [tilespmem:s0+$0xCC70]  }
0x31f: {  	v25 =	vld [tilespmem:s0+$0xD000]  }
0x320: {  	v26 =	vld [tilespmem:s0+$0xD010]  }
0x321: {  	v27 =	vld [tilespmem:s0+$0xD020]  }
0x322: {  	v28 =	vld [tilespmem:s0+$0xD030]  }
0x323: {  	v29 =	vld [tilespmem:s0+$0xD040]  }
0x324: {  	v30 =	vld [tilespmem:s0+$0xD050]  }
0x325: {  	v31 =	vld [tilespmem:s0+$0xD060]  }
0x326: {  	v32 =	vld [tilespmem:s0+$0xD070]  }
0x327: {  	v33 =	vld [tilespmem:s0+$0xD400]  }
0x328: {  	v34 =	vld [tilespmem:s0+$0xD410]  }
0x329: {  	v35 =	vld [tilespmem:s0+$0xD420]  }
0x32a: {  	v36 =	vld [tilespmem:s0+$0xD430]  }
0x32b: {  	v37 =	vld [tilespmem:s0+$0xD440]  }
0x32c: {  	v38 =	vld [tilespmem:s0+$0xD450]  }
0x32d: {  	v39 =	vld [tilespmem:s0+$0xD460]  }
0x32e: {  	v40 =	vld [tilespmem:s0+$0xD470]  }
0x32f: {  	v41 =	vld [tilespmem:s0+$0xD800]  }
0x330: {  	v42 =	vld [tilespmem:s0+$0xD810]  }
0x331: {  	v43 =	vld [tilespmem:s0+$0xD820]  }
0x332: {  	v44 =	vld [tilespmem:s0+$0xD830]  }
0x333: {  	v45 =	vld [tilespmem:s0+$0xD840]  }
0x334: {  	v46 =	vld [tilespmem:s0+$0xD850]  }
0x335: {  	v47 =	vld [tilespmem:s0+$0xD860]  }
0x336: {  	v48 =	vld [tilespmem:s0+$0xD870]  }
0x337: {  	v49 =	vld [tilespmem:s0+$0xDC00]  }
0x338: {  	v50 =	vld [tilespmem:s0+$0xDC10]  }
0x339: {  	v51 =	vld [tilespmem:s0+$0xDC20]  }
0x33a: {  	v52 =	vld [tilespmem:s0+$0xDC30]  }
0x33b: {  	v53 =	vld [tilespmem:s0+$0xDC40]  }
0x33c: {  	v54 =	vld [tilespmem:s0+$0xDC50]  }
0x33d: {  	v55 =	vld [tilespmem:s0+$0xDC60]  }
0x33e: {  	v56 =	vld [tilespmem:s0+$0xDC70]  }
0x33f: {  	v57 =	vld [tilespmem:s0+$0xE000]  }
0x340: {  	v58 =	vld [tilespmem:s0+$0xE010]  }
0x341: {  	v59 =	vld [tilespmem:s0+$0xE020]  }
0x342: {  	v60 =	vld [tilespmem:s0+$0xE030]  }
0x343: {  	v61 =	vld [tilespmem:s0+$0xE040]  }
0x344: {  	v62 =	vld [tilespmem:s0+$0xE050]  }
0x345: {  	v63 =	vld [tilespmem:s0+$0xE060]  }
0x346: {  	[tilespmem:s0+$0x4400] =	vst.add.f32.msk $0xffff, v2  }
0x347: {  	[tilespmem:s0+$0x4410] =	vst.add.f32.msk $0xffff, v3  }
0x348: {  	[tilespmem:s0+$0x4420] =	vst.add.f32.msk $0xffff, v4  }
0x349: {  	[tilespmem:s0+$0x4430] =	vst.add.f32.msk $0xffff, v5  }
0x34a: {  	[tilespmem:s0+$0x4440] =	vst.add.f32.msk $0xffff, v0  }
0x34b: {  	[tilespmem:s0+$0x4450] =	vst.add.f32.msk $0xffff, v6  }
0x34c: {  	[tilespmem:s0+$0x4460] =	vst.add.f32.msk $0xffff, v7  }
0x34d: {  	[tilespmem:s0+$0x4470] =	vst.add.f32.msk $0xffff, v8  }
0x34e: {  	[tilespmem:s0+$0x4800] =	vst.add.f32.msk $0xffff, v9  }
0x34f: {  	[tilespmem:s0+$0x4810] =	vst.add.f32.msk $0xffff, v10  }
0x350: {  	[tilespmem:s0+$0x4820] =	vst.add.f32.msk $0xffff, v11  }
0x351: {  	[tilespmem:s0+$0x4830] =	vst.add.f32.msk $0xffff, v12  }
0x352: {  	[tilespmem:s0+$0x4840] =	vst.add.f32.msk $0xffff, v13  }
0x353: {  	[tilespmem:s0+$0x4850] =	vst.add.f32.msk $0xffff, v14  }
0x354: {  	[tilespmem:s0+$0x4860] =	vst.add.f32.msk $0xffff, v15  }
0x355: {  	[tilespmem:s0+$0x4870] =	vst.add.f32.msk $0xffff, v16  }
0x356: {  	[tilespmem:s0+$0x4C00] =	vst.add.f32.msk $0xffff, v17  }
0x357: {  	[tilespmem:s0+$0x4C10] =	vst.add.f32.msk $0xffff, v18  }
0x358: {  	[tilespmem:s0+$0x4C20] =	vst.add.f32.msk $0xffff, v19  }
0x359: {  	[tilespmem:s0+$0x4C30] =	vst.add.f32.msk $0xffff, v20  }
0x35a: {  	[tilespmem:s0+$0x4C40] =	vst.add.f32.msk $0xffff, v21  }
0x35b: {  	[tilespmem:s0+$0x4C50] =	vst.add.f32.msk $0xffff, v22  }
0x35c: {  	[tilespmem:s0+$0x4C60] =	vst.add.f32.msk $0xffff, v23  }
0x35d: {  	[tilespmem:s0+$0x4C70] =	vst.add.f32.msk $0xffff, v24  }
0x35e: {  	[tilespmem:s0+$0x5000] =	vst.add.f32.msk $0xffff, v25  }
0x35f: {  	[tilespmem:s0+$0x5010] =	vst.add.f32.msk $0xffff, v26  }
0x360: {  	[tilespmem:s0+$0x5020] =	vst.add.f32.msk $0xffff, v27  }
0x361: {  	[tilespmem:s0+$0x5030] =	vst.add.f32.msk $0xffff, v28  }
0x362: {  	[tilespmem:s0+$0x5040] =	vst.add.f32.msk $0xffff, v29  }
0x363: {  	[tilespmem:s0+$0x5050] =	vst.add.f32.msk $0xffff, v30  }
0x364: {  	[tilespmem:s0+$0x5060] =	vst.add.f32.msk $0xffff, v31  }
0x365: {  	[tilespmem:s0+$0x5070] =	vst.add.f32.msk $0xffff, v32  }
0x366: {  	[tilespmem:s0+$0x5400] =	vst.add.f32.msk $0xffff, v33  }
0x367: {  	[tilespmem:s0+$0x5410] =	vst.add.f32.msk $0xffff, v34  }
0x368: {  	[tilespmem:s0+$0x5420] =	vst.add.f32.msk $0xffff, v35  }
0x369: {  	[tilespmem:s0+$0x5430] =	vst.add.f32.msk $0xffff, v36  }
0x36a: {  	[tilespmem:s0+$0x5440] =	vst.add.f32.msk $0xffff, v37  }
0x36b: {  	[tilespmem:s0+$0x5450] =	vst.add.f32.msk $0xffff, v38  }
0x36c: {  	[tilespmem:s0+$0x5460] =	vst.add.f32.msk $0xffff, v39  }
0x36d: {  	[tilespmem:s0+$0x5470] =	vst.add.f32.msk $0xffff, v40  }
0x36e: {  	[tilespmem:s0+$0x5800] =	vst.add.f32.msk $0xffff, v41  }
0x36f: {  	[tilespmem:s0+$0x5810] =	vst.add.f32.msk $0xffff, v42  }
0x370: {  	[tilespmem:s0+$0x5820] =	vst.add.f32.msk $0xffff, v43  }
0x371: {  	[tilespmem:s0+$0x5830] =	vst.add.f32.msk $0xffff, v44  }
0x372: {  	[tilespmem:s0+$0x5840] =	vst.add.f32.msk $0xffff, v45  }
0x373: {  	[tilespmem:s0+$0x5850] =	vst.add.f32.msk $0xffff, v46  }
0x374: {  	[tilespmem:s0+$0x5860] =	vst.add.f32.msk $0xffff, v47  }
0x375: {  	[tilespmem:s0+$0x5870] =	vst.add.f32.msk $0xffff, v48  }
0x376: {  	[tilespmem:s0+$0x5C00] =	vst.add.f32.msk $0xffff, v49  }
0x377: {  	[tilespmem:s0+$0x5C10] =	vst.add.f32.msk $0xffff, v50  }
0x378: {  	[tilespmem:s0+$0x5C20] =	vst.add.f32.msk $0xffff, v51  }
0x379: {  	[tilespmem:s0+$0x5C30] =	vst.add.f32.msk $0xffff, v52  }
0x37a: {  	[tilespmem:s0+$0x5C40] =	vst.add.f32.msk $0xffff, v53  }
0x37b: {  	[tilespmem:s0+$0x5C50] =	vst.add.f32.msk $0xffff, v54  }
0x37c: {  	[tilespmem:s0+$0x5C60] =	vst.add.f32.msk $0xffff, v55  }
0x37d: {  	[tilespmem:s0+$0x5C70] =	vst.add.f32.msk $0xffff, v56  }
0x37e: {  	[tilespmem:s0+$0x6000] =	vst.add.f32.msk $0xffff, v57  }
0x37f: {  	[tilespmem:s0+$0x6010] =	vst.add.f32.msk $0xffff, v58  }
.Ltmp2:
0x380: {  	[tilespmem:s0+$0x6020] =	vst.add.f32.msk $0xffff, v59;
	(pc) =	sbr.rel @p1 .LBB2_7-.Ltmp2, $4  }
0x381: {  	[tilespmem:s0+$0x6030] =	vst.add.f32.msk $0xffff, v60  }
0x382: {  	[tilespmem:s0+$0x6040] =	vst.add.f32.msk $0xffff, v61  }
0x383: {  	[tilespmem:s0+$0x6050] =	vst.add.f32.msk $0xffff, v62  }
0x384: {  	[tilespmem:s0+$0x6060] =	vst.add.f32.msk $0xffff, v63;
	s0 =	sshra.s32 s25, $0x2;
	s25 =	sadd.s32 $0x200, s25  }
0x385: {  	v0 =	vld [tilespmem:s0+$0xE070]  }
0x386: {  	v2 =	vld [tilespmem:s0+$0xC400]  }
0x387: {  	v3 =	vld [tilespmem:s0+$0xC410]  }
0x388: {  	v4 =	vld [tilespmem:s0+$0xC420]  }
0x389: {  	v5 =	vld [tilespmem:s0+$0xC430]  }
0x38a: {  	v6 =	vld [tilespmem:s0+$0xC450]  }
0x38b: {  	v7 =	vld [tilespmem:s0+$0xC460]  }
0x38c: {  	v8 =	vld [tilespmem:s0+$0xC470]  }
0x38d: {  	v9 =	vld [tilespmem:s0+$0xC800]  }
0x38e: {  	v10 =	vld [tilespmem:s0+$0xC810]  }
0x38f: {  	v11 =	vld [tilespmem:s0+$0xC820]  }
0x390: {  	v12 =	vld [tilespmem:s0+$0xC830]  }
0x391: {  	v13 =	vld [tilespmem:s0+$0xC840]  }
0x392: {  	v14 =	vld [tilespmem:s0+$0xC850]  }
0x393: {  	v15 =	vld [tilespmem:s0+$0xC860]  }
0x394: {  	v16 =	vld [tilespmem:s0+$0xC870]  }
0x395: {  	v17 =	vld [tilespmem:s0+$0xCC00]  }
0x396: {  	v18 =	vld [tilespmem:s0+$0xCC10]  }
0x397: {  	v19 =	vld [tilespmem:s0+$0xCC20]  }
0x398: {  	v20 =	vld [tilespmem:s0+$0xCC30]  }
0x399: {  	v21 =	vld [tilespmem:s0+$0xCC40]  }
0x39a: {  	v22 =	vld [tilespmem:s0+$0xCC50]  }
0x39b: {  	v23 =	vld [tilespmem:s0+$0xCC60]  }
0x39c: {  	v24 =	vld [tilespmem:s0+$0xCC70]  }
0x39d: {  	v25 =	vld [tilespmem:s0+$0xD000]  }
0x39e: {  	v26 =	vld [tilespmem:s0+$0xD010]  }
0x39f: {  	v27 =	vld [tilespmem:s0+$0xD020]  }
0x3a0: {  	v28 =	vld [tilespmem:s0+$0xD030]  }
0x3a1: {  	v29 =	vld [tilespmem:s0+$0xD040]  }
0x3a2: {  	v30 =	vld [tilespmem:s0+$0xD050]  }
0x3a3: {  	v31 =	vld [tilespmem:s0+$0xD060]  }
0x3a4: {  	v32 =	vld [tilespmem:s0+$0xD070]  }
0x3a5: {  	v33 =	vld [tilespmem:s0+$0xD400]  }
0x3a6: {  	v34 =	vld [tilespmem:s0+$0xD410]  }
0x3a7: {  	v35 =	vld [tilespmem:s0+$0xD420]  }
0x3a8: {  	v36 =	vld [tilespmem:s0+$0xD430]  }
0x3a9: {  	v37 =	vld [tilespmem:s0+$0xD440]  }
0x3aa: {  	v38 =	vld [tilespmem:s0+$0xD450]  }
0x3ab: {  	v39 =	vld [tilespmem:s0+$0xD460]  }
0x3ac: {  	v40 =	vld [tilespmem:s0+$0xD470]  }
0x3ad: {  	v41 =	vld [tilespmem:s0+$0xD800]  }
0x3ae: {  	v42 =	vld [tilespmem:s0+$0xD810]  }
0x3af: {  	v43 =	vld [tilespmem:s0+$0xD820]  }
0x3b0: {  	v44 =	vld [tilespmem:s0+$0xD830]  }
0x3b1: {  	v45 =	vld [tilespmem:s0+$0xD840]  }
0x3b2: {  	v46 =	vld [tilespmem:s0+$0xD850]  }
0x3b3: {  	v47 =	vld [tilespmem:s0+$0xD860]  }
0x3b4: {  	v48 =	vld [tilespmem:s0+$0xD870]  }
0x3b5: {  	v49 =	vld [tilespmem:s0+$0xDC00]  }
0x3b6: {  	v50 =	vld [tilespmem:s0+$0xDC10]  }
0x3b7: {  	v51 =	vld [tilespmem:s0+$0xDC20]  }
0x3b8: {  	v52 =	vld [tilespmem:s0+$0xDC30]  }
0x3b9: {  	v53 =	vld [tilespmem:s0+$0xDC40]  }
0x3ba: {  	v54 =	vld [tilespmem:s0+$0xDC50]  }
0x3bb: {  	v55 =	vld [tilespmem:s0+$0xDC60]  }
0x3bc: {  	v56 =	vld [tilespmem:s0+$0xDC70]  }
0x3bd: {  	v57 =	vld [tilespmem:s0+$0xE000]  }
0x3be: {  	v58 =	vld [tilespmem:s0+$0xE010]  }
0x3bf: {  	v59 =	vld [tilespmem:s0+$0xE020]  }
0x3c0: {  	v60 =	vld [tilespmem:s0+$0xE030]  }
0x3c1: {  	v61 =	vld [tilespmem:s0+$0xE040]  }
0x3c2: {  	v62 =	vld [tilespmem:s0+$0xE050]  }
0x3c3: {  	v63 =	vld [tilespmem:s0+$0xE060]  }
0x3c4: {  	[tilespmem:s0+$0x6070] =	vst.add.f32.msk $0xffff, v0  }
0x3c5: {  	v0 =	vld [tilespmem:s0+$0xC440]  }
0x3c6: {  	[tilespmem:s0+$0x4400] =	vst.add.f32.msk $0xffff, v2  }
0x3c7: {  	[tilespmem:s0+$0x4410] =	vst.add.f32.msk $0xffff, v3  }
0x3c8: {  	[tilespmem:s0+$0x4420] =	vst.add.f32.msk $0xffff, v4  }
0x3c9: {  	[tilespmem:s0+$0x4430] =	vst.add.f32.msk $0xffff, v5  }
0x3ca: {  	[tilespmem:s0+$0x4450] =	vst.add.f32.msk $0xffff, v6  }
0x3cb: {  	[tilespmem:s0+$0x4460] =	vst.add.f32.msk $0xffff, v7  }
0x3cc: {  	[tilespmem:s0+$0x4470] =	vst.add.f32.msk $0xffff, v8  }
0x3cd: {  	[tilespmem:s0+$0x4800] =	vst.add.f32.msk $0xffff, v9  }
0x3ce: {  	[tilespmem:s0+$0x4810] =	vst.add.f32.msk $0xffff, v10  }
0x3cf: {  	[tilespmem:s0+$0x4820] =	vst.add.f32.msk $0xffff, v11  }
0x3d0: {  	[tilespmem:s0+$0x4830] =	vst.add.f32.msk $0xffff, v12  }
0x3d1: {  	[tilespmem:s0+$0x4840] =	vst.add.f32.msk $0xffff, v13  }
0x3d2: {  	[tilespmem:s0+$0x4850] =	vst.add.f32.msk $0xffff, v14  }
0x3d3: {  	[tilespmem:s0+$0x4860] =	vst.add.f32.msk $0xffff, v15  }
0x3d4: {  	[tilespmem:s0+$0x4870] =	vst.add.f32.msk $0xffff, v16  }
0x3d5: {  	[tilespmem:s0+$0x4C00] =	vst.add.f32.msk $0xffff, v17  }
0x3d6: {  	[tilespmem:s0+$0x4C10] =	vst.add.f32.msk $0xffff, v18  }
0x3d7: {  	[tilespmem:s0+$0x4C20] =	vst.add.f32.msk $0xffff, v19  }
0x3d8: {  	[tilespmem:s0+$0x4C30] =	vst.add.f32.msk $0xffff, v20  }
0x3d9: {  	[tilespmem:s0+$0x4C40] =	vst.add.f32.msk $0xffff, v21  }
0x3da: {  	[tilespmem:s0+$0x4C50] =	vst.add.f32.msk $0xffff, v22  }
0x3db: {  	[tilespmem:s0+$0x4C60] =	vst.add.f32.msk $0xffff, v23  }
0x3dc: {  	[tilespmem:s0+$0x4C70] =	vst.add.f32.msk $0xffff, v24  }
0x3dd: {  	[tilespmem:s0+$0x5000] =	vst.add.f32.msk $0xffff, v25  }
0x3de: {  	[tilespmem:s0+$0x5010] =	vst.add.f32.msk $0xffff, v26  }
0x3df: {  	[tilespmem:s0+$0x5020] =	vst.add.f32.msk $0xffff, v27  }
0x3e0: {  	[tilespmem:s0+$0x5030] =	vst.add.f32.msk $0xffff, v28  }
0x3e1: {  	[tilespmem:s0+$0x5040] =	vst.add.f32.msk $0xffff, v29  }
0x3e2: {  	[tilespmem:s0+$0x5050] =	vst.add.f32.msk $0xffff, v30  }
0x3e3: {  	[tilespmem:s0+$0x5060] =	vst.add.f32.msk $0xffff, v31  }
0x3e4: {  	[tilespmem:s0+$0x5070] =	vst.add.f32.msk $0xffff, v32  }
0x3e5: {  	[tilespmem:s0+$0x5400] =	vst.add.f32.msk $0xffff, v33  }
0x3e6: {  	[tilespmem:s0+$0x5410] =	vst.add.f32.msk $0xffff, v34  }
0x3e7: {  	[tilespmem:s0+$0x5420] =	vst.add.f32.msk $0xffff, v35  }
0x3e8: {  	[tilespmem:s0+$0x5430] =	vst.add.f32.msk $0xffff, v36  }
0x3e9: {  	[tilespmem:s0+$0x5440] =	vst.add.f32.msk $0xffff, v37  }
0x3ea: {  	[tilespmem:s0+$0x5450] =	vst.add.f32.msk $0xffff, v38  }
0x3eb: {  	[tilespmem:s0+$0x5460] =	vst.add.f32.msk $0xffff, v39  }
0x3ec: {  	[tilespmem:s0+$0x5470] =	vst.add.f32.msk $0xffff, v40  }
0x3ed: {  	[tilespmem:s0+$0x5800] =	vst.add.f32.msk $0xffff, v41  }
0x3ee: {  	[tilespmem:s0+$0x5810] =	vst.add.f32.msk $0xffff, v42  }
0x3ef: {  	[tilespmem:s0+$0x5820] =	vst.add.f32.msk $0xffff, v43  }
0x3f0: {  	[tilespmem:s0+$0x5830] =	vst.add.f32.msk $0xffff, v44  }
0x3f1: {  	[tilespmem:s0+$0x5840] =	vst.add.f32.msk $0xffff, v45  }
0x3f2: {  	[tilespmem:s0+$0x5850] =	vst.add.f32.msk $0xffff, v46  }
0x3f3: {  	[tilespmem:s0+$0x5860] =	vst.add.f32.msk $0xffff, v47  }
0x3f4: {  	[tilespmem:s0+$0x5870] =	vst.add.f32.msk $0xffff, v48  }
0x3f5: {  	[tilespmem:s0+$0x5C00] =	vst.add.f32.msk $0xffff, v49  }
0x3f6: {  	[tilespmem:s0+$0x5C10] =	vst.add.f32.msk $0xffff, v50  }
0x3f7: {  	[tilespmem:s0+$0x5C20] =	vst.add.f32.msk $0xffff, v51  }
0x3f8: {  	[tilespmem:s0+$0x5C30] =	vst.add.f32.msk $0xffff, v52  }
0x3f9: {  	[tilespmem:s0+$0x5C40] =	vst.add.f32.msk $0xffff, v53  }
0x3fa: {  	[tilespmem:s0+$0x5C50] =	vst.add.f32.msk $0xffff, v54  }
0x3fb: {  	[tilespmem:s0+$0x5C60] =	vst.add.f32.msk $0xffff, v55  }
0x3fc: {  	[tilespmem:s0+$0x5C70] =	vst.add.f32.msk $0xffff, v56  }
0x3fd: {  	[tilespmem:s0+$0x6000] =	vst.add.f32.msk $0xffff, v57  }
0x3fe: {  	[tilespmem:s0+$0x6010] =	vst.add.f32.msk $0xffff, v58  }
0x3ff: {  	[tilespmem:s0+$0x6020] =	vst.add.f32.msk $0xffff, v59  }
0x400: {  	[tilespmem:s0+$0x6030] =	vst.add.f32.msk $0xffff, v60  }
0x401: {  	[tilespmem:s0+$0x6040] =	vst.add.f32.msk $0xffff, v61  }
0x402: {  	s2 =	sadd.s32 $0x10000, s2;
	[tilespmem:s0+$0x6050] =	vst.add.f32.msk $0xffff, v62  }
0x403: {  	s2 =	sshrl.u32 s2, $0x3;
	[tilespmem:s0+$0x6060] =	vst.add.f32.msk $0xffff, v63  }
0x404: {  	s25 =	simm.s32 $0x4400;
	[tilespmem:s0+$0x4440] =	vst.add.f32.msk $0xffff, v0;
	s0 =	sadd.s32 s4, s2  }
0x405: {  	[hbm4b:s0+s18] =	stream.strided.scatter [tilespmem:s25], [sflag:$0x7], $0x400, s5, s18, $0x38;
	[tilespmem:$0x10400] =	vst v63  }
0x406: {  	s26 =	sadd.s32 $0x40, s0;
	s25 =	simm.s32 $0x4800  }
0x407: {  	[hbm4b:s26+s18] =	stream.strided.scatter [tilespmem:s25], [sflag:$0x7], $0x400, s5, s18, $0x38;
	[tilespmem:$0x10400] =	vst v63  }
0x408: {  	s25 =	sadd.s32 $0x80, s0;
	s26 =	simm.s32 $0x4C00  }
0x409: {  	[hbm4b:s25+s18] =	stream.strided.scatter [tilespmem:s26], [sflag:$0x7], $0x400, s5, s18, $0x38;
	[tilespmem:$0x10400] =	vst v63  }
0x40a: {  	s25 =	sadd.s32 $0xC0, s0;
	s26 =	simm.s32 $0x5000  }
0x40b: {  	[hbm4b:s25+s18] =	stream.strided.scatter [tilespmem:s26], [sflag:$0x7], $0x400, s5, s18, $0x38;
	[tilespmem:$0x10400] =	vst v63  }
0x40c: {  	s26 =	sadd.s32 $0x100, s0  }
0x40d: {  	[hbm4b:s26+s18] =	stream.strided.scatter [tilespmem:s28], [sflag:$0x7], $0x400, s5, s18, $0x38;
	[tilespmem:$0x10400] =	vst v63  }
0x40e: {  	s25 =	sadd.s32 $0x140, s0;
	s26 =	simm.s32 $0x5800  }
0x40f: {  	[hbm4b:s25+s18] =	stream.strided.scatter [tilespmem:s26], [sflag:$0x7], $0x400, s5, s18, $0x38;
	[tilespmem:$0x10400] =	vst v63  }
0x410: {  	s25 =	sadd.s32 $0x180, s0  }
0x411: {  	[hbm4b:s25+s18] =	stream.strided.scatter [tilespmem:s29], [sflag:$0x7], $0x400, s5, s18, $0x38;
	[tilespmem:$0x10400] =	vst v63  }
0x412: {  	s0 =	sadd.s32 $0x1C0, s0;
	s26 =	simm.s32 $0x6000  }
0x413: {  	[hbm4b:s0+s18] =	stream.strided.scatter [tilespmem:s26], [sflag:$0x7], $0x400, s5, s18, $0x38;
	[tilespmem:$0x10400] =	vst v63  }
0x414: {  	_ =	swait.ge [sflag:s23], $0x2000  }
0x415: {  	[sflag:s23] =	ssyncset.done $0x0  }
0x416: {  	[sflag:s23] =	ssyncadd.s32 $0xFFFFE000  }
0x417: {  	_ =	swait.ge [sflag:s23], $0x2000  }
0x418: {  	[sflag:s23] =	ssyncset.done $0x0  }
0x419: {  	s0 =	simm.s32 @!p0 $0x7;
	[sflag:s23] =	ssyncadd.s32 $0xFFFFE000  }
0x41a: {  	_ =	swait.ge @!p0 [sflag:s0], $0x2000  }
0x41b: {  	[sflag:s0] =	ssyncset.done @!p0 $0x0  }
0x41c: {  	[sflag:s0] =	ssyncadd.s32 @!p0 $0xFFFFE000  }
0x41d: {  	v0 =	vld.msk @!p0 [tilespmem:s31+$0x30], $0xff;
	_ =	sdelay $0x4  }
0x41e: {  	v2 =	vshll.u32 @!p0 v0, $0x3  }
0x41f: {  	v3 =	vlaneseq.u32 @!p0;
	v0 =	vand.u32 @!p0 $0x7, v0;
	v2 =	vand.u32 @!p0 $0xFFFFFFC0, v2  }
0x420: {  	v0 =	vor.u32 @!p0 v0, v2;
	v2 =	vand.u32 @!p0 $0x7, v3;
	v3 =	vshrl.u32 @!p0 v3, $0x3  }
0x421: {  	v0 =	vperm.xlane @!p0 v0, v2;
	v3 =	vmul.u32 @!p0 $0x8, v3;
	_ =	sdelay $0x1  }
0x422: {  	v0 =	vadd.s32 @!p0 v3, v0;
	_ =	sdelay $0x3  }
0x423: {  	s2 =	simm.s32 @!p0 $0x4400;
	s0 =	simm.s32 @!p0 $0x0  }
0x424: {  	[tilespmem:s2], [sflag:$0x3] =	stream.indirect_vreg.gather @!p0 [hbm4b:s1+s0], $0x80, v0, vm1, $0xb8;
	[tilespmem:$0x10400] =	vst v63  }
0x425: {  	s2 =	simm.s32 @!p0 $0x4C00  }
0x426: {  	[tilespmem:s2], [sflag:$0x3] =	stream.indirect_vreg.gather @!p0 [hbm4b:s10+s0], $0x80, v0, vm1, $0xb8;
	[tilespmem:$0x10400] =	vst v63  }
0x427: {  	s2 =	simm.s32 @!p0 $0x5400  }
0x428: {  	[tilespmem:s2], [sflag:$0x3] =	stream.indirect_vreg.gather @!p0 [hbm4b:s11+s0], $0x80, v0, vm1, $0xb8;
	[tilespmem:$0x10400] =	vst v63  }
0x429: {  	s2 =	simm.s32 @!p0 $0x5C00  }
0x42a: {  	[tilespmem:s2], [sflag:$0x3] =	stream.indirect_vreg.gather @!p0 [hbm4b:s12+s0], $0x80, v0, vm1, $0xb8;
	[tilespmem:$0x10400] =	vst v63  }
0x42b: {  	v0 =	vld.msk @!p0 [tilespmem:s31+$0x230], $0xff;
	_ =	sdelay $0x4  }
0x42c: {  	v4 =	vshll.u32 @!p0 v0, $0x3  }
0x42d: {  	v0 =	vand.u32 @!p0 $0x7, v0;
	v4 =	vand.u32 @!p0 $0xFFFFFFC0, v4  }
0x42e: {  	v0 =	vor.u32 @!p0 v0, v4  }
0x42f: {  	v0 =	vperm.xlane @!p0 v0, v2;
	_ =	sdelay $0x1  }
0x430: {  	v0 =	vadd.s32 @!p0 v3, v0;
	_ =	sdelay $0x3  }
0x431: {  	s2 =	simm.s32 @!p0 $0xC400  }
0x432: {  	[tilespmem:s2], [sflag:$0x3] =	stream.indirect_vreg.gather @!p0 [hbm4b:s3+s0], $0x80, v0, vm1, $0xb8;
	[tilespmem:$0x10400] =	vst v63  }
0x433: {  	s2 =	simm.s32 @!p0 $0xCC00  }
0x434: {  	[tilespmem:s2], [sflag:$0x3] =	stream.indirect_vreg.gather @!p0 [hbm4b:s13+s0], $0x80, v0, vm1, $0xb8;
	[tilespmem:$0x10400] =	vst v63  }
0x435: {  	s2 =	simm.s32 @!p0 $0xD400  }
0x436: {  	[tilespmem:s2], [sflag:$0x3] =	stream.indirect_vreg.gather @!p0 [hbm4b:s14+s0], $0x80, v0, vm1, $0xb8;
	[tilespmem:$0x10400] =	vst v63  }
0x437: {  	s2 =	simm.s32 @!p0 $0xDC00  }
0x438: {  	[tilespmem:s2], [sflag:$0x3] =	stream.indirect_vreg.gather @!p0 [hbm4b:s15+s0], $0x80, v0, vm1, $0xb8;
	[tilespmem:$0x10400] =	vst v63  }
0x439: {  	s0 =	simm.s32 $0x0;
	s2 =	simm.s32 $0x200  }
.LBB2_9:
0x43a: {  	p0 =	sne.s32 s2, $0xE00;
	v0 =	vld [tilespmem:s0+$0x10070]  }
0x43b: {  	v2 =	vld [tilespmem:s0+$0xE400]  }
0x43c: {  	v3 =	vld [tilespmem:s0+$0xE410]  }
0x43d: {  	v4 =	vld [tilespmem:s0+$0xE420]  }
0x43e: {  	v5 =	vld [tilespmem:s0+$0xE430]  }
0x43f: {  	[tilespmem:s0+$0x8070] =	vst.add.f32.msk $0xffff, v0  }
0x440: {  	v0 =	vld [tilespmem:s0+$0xE440]  }
0x441: {  	v6 =	vld [tilespmem:s0+$0xE450]  }
0x442: {  	v7 =	vld [tilespmem:s0+$0xE460]  }
0x443: {  	v8 =	vld [tilespmem:s0+$0xE470]  }
0x444: {  	v9 =	vld [tilespmem:s0+$0xE800]  }
0x445: {  	v10 =	vld [tilespmem:s0+$0xE810]  }
0x446: {  	v11 =	vld [tilespmem:s0+$0xE820]  }
0x447: {  	v12 =	vld [tilespmem:s0+$0xE830]  }
0x448: {  	v13 =	vld [tilespmem:s0+$0xE840]  }
0x449: {  	v14 =	vld [tilespmem:s0+$0xE850]  }
0x44a: {  	v15 =	vld [tilespmem:s0+$0xE860]  }
0x44b: {  	v16 =	vld [tilespmem:s0+$0xE870]  }
0x44c: {  	v17 =	vld [tilespmem:s0+$0xEC00]  }
0x44d: {  	v18 =	vld [tilespmem:s0+$0xEC10]  }
0x44e: {  	v19 =	vld [tilespmem:s0+$0xEC20]  }
0x44f: {  	v20 =	vld [tilespmem:s0+$0xEC30]  }
0x450: {  	v21 =	vld [tilespmem:s0+$0xEC40]  }
0x451: {  	v22 =	vld [tilespmem:s0+$0xEC50]  }
0x452: {  	v23 =	vld [tilespmem:s0+$0xEC60]  }
0x453: {  	v24 =	vld [tilespmem:s0+$0xEC70]  }
0x454: {  	v25 =	vld [tilespmem:s0+$0xF000]  }
0x455: {  	v26 =	vld [tilespmem:s0+$0xF010]  }
0x456: {  	v27 =	vld [tilespmem:s0+$0xF020]  }
0x457: {  	v28 =	vld [tilespmem:s0+$0xF030]  }
0x458: {  	v29 =	vld [tilespmem:s0+$0xF040]  }
0x459: {  	v30 =	vld [tilespmem:s0+$0xF050]  }
0x45a: {  	v31 =	vld [tilespmem:s0+$0xF060]  }
0x45b: {  	v32 =	vld [tilespmem:s0+$0xF070]  }
0x45c: {  	v33 =	vld [tilespmem:s0+$0xF400]  }
0x45d: {  	v34 =	vld [tilespmem:s0+$0xF410]  }
0x45e: {  	v35 =	vld [tilespmem:s0+$0xF420]  }
0x45f: {  	v36 =	vld [tilespmem:s0+$0xF430]  }
0x460: {  	v37 =	vld [tilespmem:s0+$0xF440]  }
0x461: {  	v38 =	vld [tilespmem:s0+$0xF450]  }
0x462: {  	v39 =	vld [tilespmem:s0+$0xF460]  }
0x463: {  	v40 =	vld [tilespmem:s0+$0xF470]  }
0x464: {  	v41 =	vld [tilespmem:s0+$0xF800]  }
0x465: {  	v42 =	vld [tilespmem:s0+$0xF810]  }
0x466: {  	v43 =	vld [tilespmem:s0+$0xF820]  }
0x467: {  	v44 =	vld [tilespmem:s0+$0xF830]  }
0x468: {  	v45 =	vld [tilespmem:s0+$0xF840]  }
0x469: {  	v46 =	vld [tilespmem:s0+$0xF850]  }
0x46a: {  	v47 =	vld [tilespmem:s0+$0xF860]  }
0x46b: {  	v48 =	vld [tilespmem:s0+$0xF870]  }
0x46c: {  	v49 =	vld [tilespmem:s0+$0xFC00]  }
0x46d: {  	v50 =	vld [tilespmem:s0+$0xFC10]  }
0x46e: {  	v51 =	vld [tilespmem:s0+$0xFC20]  }
0x46f: {  	v52 =	vld [tilespmem:s0+$0xFC30]  }
0x470: {  	v53 =	vld [tilespmem:s0+$0xFC40]  }
0x471: {  	v54 =	vld [tilespmem:s0+$0xFC50]  }
0x472: {  	v55 =	vld [tilespmem:s0+$0xFC60]  }
0x473: {  	v56 =	vld [tilespmem:s0+$0xFC70]  }
0x474: {  	v57 =	vld [tilespmem:s0+$0x10000]  }
0x475: {  	v58 =	vld [tilespmem:s0+$0x10010]  }
0x476: {  	v59 =	vld [tilespmem:s0+$0x10020]  }
0x477: {  	v60 =	vld [tilespmem:s0+$0x10030]  }
0x478: {  	v61 =	vld [tilespmem:s0+$0x10040]  }
0x479: {  	v62 =	vld [tilespmem:s0+$0x10050]  }
0x47a: {  	v63 =	vld [tilespmem:s0+$0x10060]  }
0x47b: {  	[tilespmem:s0+$0x6400] =	vst.add.f32.msk $0xffff, v2  }
0x47c: {  	[tilespmem:s0+$0x6410] =	vst.add.f32.msk $0xffff, v3  }
0x47d: {  	[tilespmem:s0+$0x6420] =	vst.add.f32.msk $0xffff, v4  }
0x47e: {  	[tilespmem:s0+$0x6430] =	vst.add.f32.msk $0xffff, v5  }
0x47f: {  	[tilespmem:s0+$0x6440] =	vst.add.f32.msk $0xffff, v0  }
0x480: {  	[tilespmem:s0+$0x6450] =	vst.add.f32.msk $0xffff, v6  }
0x481: {  	[tilespmem:s0+$0x6460] =	vst.add.f32.msk $0xffff, v7  }
0x482: {  	[tilespmem:s0+$0x6470] =	vst.add.f32.msk $0xffff, v8  }
0x483: {  	[tilespmem:s0+$0x6800] =	vst.add.f32.msk $0xffff, v9  }
0x484: {  	[tilespmem:s0+$0x6810] =	vst.add.f32.msk $0xffff, v10  }
0x485: {  	[tilespmem:s0+$0x6820] =	vst.add.f32.msk $0xffff, v11  }
0x486: {  	[tilespmem:s0+$0x6830] =	vst.add.f32.msk $0xffff, v12  }
0x487: {  	[tilespmem:s0+$0x6840] =	vst.add.f32.msk $0xffff, v13  }
0x488: {  	[tilespmem:s0+$0x6850] =	vst.add.f32.msk $0xffff, v14  }
0x489: {  	[tilespmem:s0+$0x6860] =	vst.add.f32.msk $0xffff, v15  }
0x48a: {  	[tilespmem:s0+$0x6870] =	vst.add.f32.msk $0xffff, v16  }
0x48b: {  	[tilespmem:s0+$0x6C00] =	vst.add.f32.msk $0xffff, v17  }
0x48c: {  	[tilespmem:s0+$0x6C10] =	vst.add.f32.msk $0xffff, v18  }
0x48d: {  	[tilespmem:s0+$0x6C20] =	vst.add.f32.msk $0xffff, v19  }
0x48e: {  	[tilespmem:s0+$0x6C30] =	vst.add.f32.msk $0xffff, v20  }
0x48f: {  	[tilespmem:s0+$0x6C40] =	vst.add.f32.msk $0xffff, v21  }
0x490: {  	[tilespmem:s0+$0x6C50] =	vst.add.f32.msk $0xffff, v22  }
0x491: {  	[tilespmem:s0+$0x6C60] =	vst.add.f32.msk $0xffff, v23  }
0x492: {  	[tilespmem:s0+$0x6C70] =	vst.add.f32.msk $0xffff, v24  }
0x493: {  	[tilespmem:s0+$0x7000] =	vst.add.f32.msk $0xffff, v25  }
0x494: {  	[tilespmem:s0+$0x7010] =	vst.add.f32.msk $0xffff, v26  }
0x495: {  	[tilespmem:s0+$0x7020] =	vst.add.f32.msk $0xffff, v27  }
0x496: {  	[tilespmem:s0+$0x7030] =	vst.add.f32.msk $0xffff, v28  }
0x497: {  	[tilespmem:s0+$0x7040] =	vst.add.f32.msk $0xffff, v29  }
0x498: {  	[tilespmem:s0+$0x7050] =	vst.add.f32.msk $0xffff, v30  }
0x499: {  	[tilespmem:s0+$0x7060] =	vst.add.f32.msk $0xffff, v31  }
0x49a: {  	[tilespmem:s0+$0x7070] =	vst.add.f32.msk $0xffff, v32  }
0x49b: {  	[tilespmem:s0+$0x7400] =	vst.add.f32.msk $0xffff, v33  }
0x49c: {  	[tilespmem:s0+$0x7410] =	vst.add.f32.msk $0xffff, v34  }
0x49d: {  	[tilespmem:s0+$0x7420] =	vst.add.f32.msk $0xffff, v35  }
0x49e: {  	[tilespmem:s0+$0x7430] =	vst.add.f32.msk $0xffff, v36  }
0x49f: {  	[tilespmem:s0+$0x7440] =	vst.add.f32.msk $0xffff, v37  }
0x4a0: {  	[tilespmem:s0+$0x7450] =	vst.add.f32.msk $0xffff, v38  }
0x4a1: {  	[tilespmem:s0+$0x7460] =	vst.add.f32.msk $0xffff, v39  }
0x4a2: {  	[tilespmem:s0+$0x7470] =	vst.add.f32.msk $0xffff, v40  }
0x4a3: {  	[tilespmem:s0+$0x7800] =	vst.add.f32.msk $0xffff, v41  }
0x4a4: {  	[tilespmem:s0+$0x7810] =	vst.add.f32.msk $0xffff, v42  }
0x4a5: {  	[tilespmem:s0+$0x7820] =	vst.add.f32.msk $0xffff, v43  }
0x4a6: {  	[tilespmem:s0+$0x7830] =	vst.add.f32.msk $0xffff, v44  }
0x4a7: {  	[tilespmem:s0+$0x7840] =	vst.add.f32.msk $0xffff, v45  }
0x4a8: {  	[tilespmem:s0+$0x7850] =	vst.add.f32.msk $0xffff, v46  }
0x4a9: {  	[tilespmem:s0+$0x7860] =	vst.add.f32.msk $0xffff, v47  }
0x4aa: {  	[tilespmem:s0+$0x7870] =	vst.add.f32.msk $0xffff, v48  }
0x4ab: {  	[tilespmem:s0+$0x7C00] =	vst.add.f32.msk $0xffff, v49  }
0x4ac: {  	[tilespmem:s0+$0x7C10] =	vst.add.f32.msk $0xffff, v50  }
0x4ad: {  	[tilespmem:s0+$0x7C20] =	vst.add.f32.msk $0xffff, v51  }
0x4ae: {  	[tilespmem:s0+$0x7C30] =	vst.add.f32.msk $0xffff, v52  }
0x4af: {  	[tilespmem:s0+$0x7C40] =	vst.add.f32.msk $0xffff, v53  }
0x4b0: {  	[tilespmem:s0+$0x7C50] =	vst.add.f32.msk $0xffff, v54  }
0x4b1: {  	[tilespmem:s0+$0x7C60] =	vst.add.f32.msk $0xffff, v55  }
0x4b2: {  	[tilespmem:s0+$0x7C70] =	vst.add.f32.msk $0xffff, v56  }
0x4b3: {  	[tilespmem:s0+$0x8000] =	vst.add.f32.msk $0xffff, v57  }
0x4b4: {  	[tilespmem:s0+$0x8010] =	vst.add.f32.msk $0xffff, v58  }
.Ltmp3:
0x4b5: {  	[tilespmem:s0+$0x8020] =	vst.add.f32.msk $0xffff, v59;
	(pc) =	sbr.rel @p0 .LBB2_9-.Ltmp3, $4  }
0x4b6: {  	[tilespmem:s0+$0x8030] =	vst.add.f32.msk $0xffff, v60  }
0x4b7: {  	[tilespmem:s0+$0x8040] =	vst.add.f32.msk $0xffff, v61  }
0x4b8: {  	[tilespmem:s0+$0x8050] =	vst.add.f32.msk $0xffff, v62  }
0x4b9: {  	[tilespmem:s0+$0x8060] =	vst.add.f32.msk $0xffff, v63;
	s0 =	sshra.s32 s2, $0x2;
	s2 =	sadd.s32 $0x200, s2  }
0x4ba: {  	v0 =	vld [tilespmem:s0+$0x10070]  }
0x4bb: {  	v2 =	vld [tilespmem:s0+$0xE400]  }
0x4bc: {  	v3 =	vld [tilespmem:s0+$0xE410]  }
0x4bd: {  	v4 =	vld [tilespmem:s0+$0xE420]  }
0x4be: {  	v5 =	vld [tilespmem:s0+$0xE430]  }
0x4bf: {  	v6 =	vld [tilespmem:s0+$0xE450]  }
0x4c0: {  	v7 =	vld [tilespmem:s0+$0xE460]  }
0x4c1: {  	v8 =	vld [tilespmem:s0+$0xE470]  }
0x4c2: {  	v9 =	vld [tilespmem:s0+$0xE800]  }
0x4c3: {  	v10 =	vld [tilespmem:s0+$0xE810]  }
0x4c4: {  	v11 =	vld [tilespmem:s0+$0xE820]  }
0x4c5: {  	v12 =	vld [tilespmem:s0+$0xE830]  }
0x4c6: {  	v13 =	vld [tilespmem:s0+$0xE840]  }
0x4c7: {  	v14 =	vld [tilespmem:s0+$0xE850]  }
0x4c8: {  	v15 =	vld [tilespmem:s0+$0xE860]  }
0x4c9: {  	v16 =	vld [tilespmem:s0+$0xE870]  }
0x4ca: {  	v17 =	vld [tilespmem:s0+$0xEC00]  }
0x4cb: {  	v18 =	vld [tilespmem:s0+$0xEC10]  }
0x4cc: {  	v19 =	vld [tilespmem:s0+$0xEC20]  }
0x4cd: {  	v20 =	vld [tilespmem:s0+$0xEC30]  }
0x4ce: {  	v21 =	vld [tilespmem:s0+$0xEC40]  }
0x4cf: {  	v22 =	vld [tilespmem:s0+$0xEC50]  }
0x4d0: {  	v23 =	vld [tilespmem:s0+$0xEC60]  }
0x4d1: {  	v24 =	vld [tilespmem:s0+$0xEC70]  }
0x4d2: {  	v25 =	vld [tilespmem:s0+$0xF000]  }
0x4d3: {  	v26 =	vld [tilespmem:s0+$0xF010]  }
0x4d4: {  	v27 =	vld [tilespmem:s0+$0xF020]  }
0x4d5: {  	v28 =	vld [tilespmem:s0+$0xF030]  }
0x4d6: {  	v29 =	vld [tilespmem:s0+$0xF040]  }
0x4d7: {  	v30 =	vld [tilespmem:s0+$0xF050]  }
0x4d8: {  	v31 =	vld [tilespmem:s0+$0xF060]  }
0x4d9: {  	v32 =	vld [tilespmem:s0+$0xF070]  }
0x4da: {  	v33 =	vld [tilespmem:s0+$0xF400]  }
0x4db: {  	v34 =	vld [tilespmem:s0+$0xF410]  }
0x4dc: {  	v35 =	vld [tilespmem:s0+$0xF420]  }
0x4dd: {  	v36 =	vld [tilespmem:s0+$0xF430]  }
0x4de: {  	v37 =	vld [tilespmem:s0+$0xF440]  }
0x4df: {  	v38 =	vld [tilespmem:s0+$0xF450]  }
0x4e0: {  	v39 =	vld [tilespmem:s0+$0xF460]  }
0x4e1: {  	v40 =	vld [tilespmem:s0+$0xF470]  }
0x4e2: {  	v41 =	vld [tilespmem:s0+$0xF800]  }
0x4e3: {  	v42 =	vld [tilespmem:s0+$0xF810]  }
0x4e4: {  	v43 =	vld [tilespmem:s0+$0xF820]  }
0x4e5: {  	v44 =	vld [tilespmem:s0+$0xF830]  }
0x4e6: {  	v45 =	vld [tilespmem:s0+$0xF840]  }
0x4e7: {  	v46 =	vld [tilespmem:s0+$0xF850]  }
0x4e8: {  	v47 =	vld [tilespmem:s0+$0xF860]  }
0x4e9: {  	v48 =	vld [tilespmem:s0+$0xF870]  }
0x4ea: {  	v49 =	vld [tilespmem:s0+$0xFC00]  }
0x4eb: {  	v50 =	vld [tilespmem:s0+$0xFC10]  }
0x4ec: {  	v51 =	vld [tilespmem:s0+$0xFC20]  }
0x4ed: {  	v52 =	vld [tilespmem:s0+$0xFC30]  }
0x4ee: {  	v53 =	vld [tilespmem:s0+$0xFC40]  }
0x4ef: {  	v54 =	vld [tilespmem:s0+$0xFC50]  }
0x4f0: {  	v55 =	vld [tilespmem:s0+$0xFC60]  }
0x4f1: {  	v56 =	vld [tilespmem:s0+$0xFC70]  }
0x4f2: {  	v57 =	vld [tilespmem:s0+$0x10000]  }
0x4f3: {  	v58 =	vld [tilespmem:s0+$0x10010]  }
0x4f4: {  	v59 =	vld [tilespmem:s0+$0x10020]  }
0x4f5: {  	v60 =	vld [tilespmem:s0+$0x10030]  }
0x4f6: {  	v61 =	vld [tilespmem:s0+$0x10040]  }
0x4f7: {  	v62 =	vld [tilespmem:s0+$0x10050]  }
0x4f8: {  	v63 =	vld [tilespmem:s0+$0x10060]  }
0x4f9: {  	[tilespmem:s0+$0x8070] =	vst.add.f32.msk $0xffff, v0  }
0x4fa: {  	v0 =	vld [tilespmem:s0+$0xE440]  }
0x4fb: {  	[tilespmem:s0+$0x6400] =	vst.add.f32.msk $0xffff, v2  }
0x4fc: {  	[tilespmem:s0+$0x6410] =	vst.add.f32.msk $0xffff, v3  }
0x4fd: {  	[tilespmem:s0+$0x6420] =	vst.add.f32.msk $0xffff, v4  }
0x4fe: {  	[tilespmem:s0+$0x6430] =	vst.add.f32.msk $0xffff, v5  }
0x4ff: {  	[tilespmem:s0+$0x6450] =	vst.add.f32.msk $0xffff, v6  }
0x500: {  	[tilespmem:s0+$0x6460] =	vst.add.f32.msk $0xffff, v7  }
0x501: {  	[tilespmem:s0+$0x6470] =	vst.add.f32.msk $0xffff, v8  }
0x502: {  	[tilespmem:s0+$0x6800] =	vst.add.f32.msk $0xffff, v9  }
0x503: {  	[tilespmem:s0+$0x6810] =	vst.add.f32.msk $0xffff, v10  }
0x504: {  	[tilespmem:s0+$0x6820] =	vst.add.f32.msk $0xffff, v11  }
0x505: {  	[tilespmem:s0+$0x6830] =	vst.add.f32.msk $0xffff, v12  }
0x506: {  	[tilespmem:s0+$0x6840] =	vst.add.f32.msk $0xffff, v13  }
0x507: {  	[tilespmem:s0+$0x6850] =	vst.add.f32.msk $0xffff, v14  }
0x508: {  	[tilespmem:s0+$0x6860] =	vst.add.f32.msk $0xffff, v15  }
0x509: {  	[tilespmem:s0+$0x6870] =	vst.add.f32.msk $0xffff, v16  }
0x50a: {  	[tilespmem:s0+$0x6C00] =	vst.add.f32.msk $0xffff, v17  }
0x50b: {  	[tilespmem:s0+$0x6C10] =	vst.add.f32.msk $0xffff, v18  }
0x50c: {  	[tilespmem:s0+$0x6C20] =	vst.add.f32.msk $0xffff, v19  }
0x50d: {  	[tilespmem:s0+$0x6C30] =	vst.add.f32.msk $0xffff, v20  }
0x50e: {  	[tilespmem:s0+$0x6C40] =	vst.add.f32.msk $0xffff, v21  }
0x50f: {  	[tilespmem:s0+$0x6C50] =	vst.add.f32.msk $0xffff, v22  }
0x510: {  	[tilespmem:s0+$0x6C60] =	vst.add.f32.msk $0xffff, v23  }
0x511: {  	[tilespmem:s0+$0x6C70] =	vst.add.f32.msk $0xffff, v24  }
0x512: {  	[tilespmem:s0+$0x7000] =	vst.add.f32.msk $0xffff, v25  }
0x513: {  	[tilespmem:s0+$0x7010] =	vst.add.f32.msk $0xffff, v26  }
0x514: {  	[tilespmem:s0+$0x7020] =	vst.add.f32.msk $0xffff, v27  }
0x515: {  	[tilespmem:s0+$0x7030] =	vst.add.f32.msk $0xffff, v28  }
0x516: {  	[tilespmem:s0+$0x7040] =	vst.add.f32.msk $0xffff, v29  }
0x517: {  	[tilespmem:s0+$0x7050] =	vst.add.f32.msk $0xffff, v30  }
0x518: {  	[tilespmem:s0+$0x7060] =	vst.add.f32.msk $0xffff, v31  }
0x519: {  	[tilespmem:s0+$0x7070] =	vst.add.f32.msk $0xffff, v32  }
0x51a: {  	[tilespmem:s0+$0x7400] =	vst.add.f32.msk $0xffff, v33  }
0x51b: {  	[tilespmem:s0+$0x7410] =	vst.add.f32.msk $0xffff, v34  }
0x51c: {  	[tilespmem:s0+$0x7420] =	vst.add.f32.msk $0xffff, v35  }
0x51d: {  	[tilespmem:s0+$0x7430] =	vst.add.f32.msk $0xffff, v36  }
0x51e: {  	[tilespmem:s0+$0x7440] =	vst.add.f32.msk $0xffff, v37  }
0x51f: {  	[tilespmem:s0+$0x7450] =	vst.add.f32.msk $0xffff, v38  }
0x520: {  	[tilespmem:s0+$0x7460] =	vst.add.f32.msk $0xffff, v39  }
0x521: {  	[tilespmem:s0+$0x7470] =	vst.add.f32.msk $0xffff, v40  }
0x522: {  	[tilespmem:s0+$0x7800] =	vst.add.f32.msk $0xffff, v41  }
0x523: {  	[tilespmem:s0+$0x7810] =	vst.add.f32.msk $0xffff, v42  }
0x524: {  	[tilespmem:s0+$0x7820] =	vst.add.f32.msk $0xffff, v43  }
0x525: {  	[tilespmem:s0+$0x7830] =	vst.add.f32.msk $0xffff, v44  }
0x526: {  	[tilespmem:s0+$0x7840] =	vst.add.f32.msk $0xffff, v45  }
0x527: {  	[tilespmem:s0+$0x7850] =	vst.add.f32.msk $0xffff, v46  }
0x528: {  	[tilespmem:s0+$0x7860] =	vst.add.f32.msk $0xffff, v47  }
0x529: {  	[tilespmem:s0+$0x7870] =	vst.add.f32.msk $0xffff, v48  }
0x52a: {  	[tilespmem:s0+$0x7C00] =	vst.add.f32.msk $0xffff, v49  }
0x52b: {  	[tilespmem:s0+$0x7C10] =	vst.add.f32.msk $0xffff, v50  }
0x52c: {  	[tilespmem:s0+$0x7C20] =	vst.add.f32.msk $0xffff, v51  }
0x52d: {  	[tilespmem:s0+$0x7C30] =	vst.add.f32.msk $0xffff, v52  }
0x52e: {  	[tilespmem:s0+$0x7C40] =	vst.add.f32.msk $0xffff, v53  }
0x52f: {  	[tilespmem:s0+$0x7C50] =	vst.add.f32.msk $0xffff, v54  }
0x530: {  	[tilespmem:s0+$0x7C60] =	vst.add.f32.msk $0xffff, v55  }
0x531: {  	[tilespmem:s0+$0x7C70] =	vst.add.f32.msk $0xffff, v56  }
0x532: {  	[tilespmem:s0+$0x8000] =	vst.add.f32.msk $0xffff, v57  }
0x533: {  	[tilespmem:s0+$0x8010] =	vst.add.f32.msk $0xffff, v58  }
0x534: {  	[tilespmem:s0+$0x8020] =	vst.add.f32.msk $0xffff, v59  }
0x535: {  	[tilespmem:s0+$0x8030] =	vst.add.f32.msk $0xffff, v60  }
0x536: {  	s2 =	sshll.u32 s30, $0xF;
	[tilespmem:s0+$0x8040] =	vst.add.f32.msk $0xffff, v61  }
0x537: {  	s2 =	sadd.s32 s16, s2;
	[tilespmem:s0+$0x8050] =	vst.add.f32.msk $0xffff, v62  }
0x538: {  	s2 =	sshrl.u32 s2, $0x3;
	[tilespmem:s0+$0x8060] =	vst.add.f32.msk $0xffff, v63  }
0x539: {  	[tilespmem:s0+$0x6440] =	vst.add.f32.msk $0xffff, v0;
	s0 =	sadd.s32 s4, s2  }
0x53a: {  	[hbm4b:s0+s18] =	stream.strided.scatter [tilespmem:s19], [sflag:$0x8], $0x400, s5, s18, $0x38;
	[tilespmem:$0x10400] =	vst v63  }
0x53b: {  	s25 =	simm.s32 $0x6800;
	s2 =	sadd.s32 $0x40, s0  }
0x53c: {  	[hbm4b:s2+s18] =	stream.strided.scatter [tilespmem:s25], [sflag:$0x8], $0x400, s5, s18, $0x38;
	[tilespmem:$0x10400] =	vst v63  }
0x53d: {  	s25 =	sadd.s32 $0x80, s0  }
0x53e: {  	[hbm4b:s25+s18] =	stream.strided.scatter [tilespmem:s8], [sflag:$0x8], $0x400, s5, s18, $0x38;
	[tilespmem:$0x10400] =	vst v63  }
0x53f: {  	s30 =	simm.s32 $0x7000;
	s26 =	sadd.s32 $0xC0, s0  }
0x540: {  	[hbm4b:s26+s18] =	stream.strided.scatter [tilespmem:s30], [sflag:$0x8], $0x400, s5, s18, $0x38;
	[tilespmem:$0x10400] =	vst v63  }
0x541: {  	s24 =	sadd.s32 $0x1, s24;
	s31 =	sadd.s32 $0x100, s0  }
0x542: {  	[hbm4b:s31+s18] =	stream.strided.scatter [tilespmem:s9], [sflag:$0x8], $0x400, s5, s18, $0x38;
	[tilespmem:$0x10400] =	vst v63  }
0x543: {  	p0 =	sne.s32 s24, $0x10;
	s25 =	sadd.s32 $0x140, s0;
	s26 =	simm.s32 $0x7800  }
0x544: {  	[hbm4b:s25+s18] =	stream.strided.scatter [tilespmem:s26], [sflag:$0x8], $0x400, s5, s18, $0x38;
	[tilespmem:$0x10400] =	vst v63  }
.Ltmp4:
0x545: {  	_ = 	snop;
	(pc) =	sbr.rel @p0 .LBB2_2-.Ltmp4, $4  }
0x546: {  	s30 =	sadd.s32 $0x180, s0  }
0x547: {  	[hbm4b:s30+s18] =	stream.strided.scatter [tilespmem:s17], [sflag:$0x8], $0x400, s5, s18, $0x38;
	[tilespmem:$0x10400] =	vst v63  }
0x548: {  	s0 =	sadd.s32 $0x1C0, s0;
	s31 =	simm.s32 $0x8000  }
0x549: {  	[hbm4b:s0+s18] =	stream.strided.scatter [tilespmem:s31], [sflag:$0x8], $0x400, s5, s18, $0x38;
	[tilespmem:$0x10400] =	vst v63  }
0x54a: {  	s0 =	simm.s32 $0x5  }
0x54b: {  	_ =	swait.ge [sflag:s0], $0x2000  }
0x54c: {  	[sflag:s0] =	ssyncset.done $0x0  }
0x54d: {  	s26 =	simm.s32 $0x6;
	[sflag:s0] =	ssyncadd.s32 $0xFFFFE000  }
0x54e: {  	_ =	swait.ge [sflag:s26], $0x2000  }
0x54f: {  	[sflag:s26] =	ssyncset.done $0x0  }
0x550: {  	s30 =	simm.s32 $0x7;
	[sflag:s26] =	ssyncadd.s32 $0xFFFFE000  }
0x551: {  	_ =	swait.ge [sflag:s30], $0x2000  }
0x552: {  	[sflag:s30] =	ssyncset.done $0x0  }
0x553: {  	s2 =	simm.s32 $0x8;
	[sflag:s30] =	ssyncadd.s32 $0xFFFFE000  }
0x554: {  	_ =	swait.ge [sflag:s2], $0x2000  }
0x555: {  	s24 =	rddreg [dreg:$0x9]  }
0x556: {  	s31 =	rddreg [dreg:$0x8];
	s24 =	sadd.s32 $0x1, s24  }
0x557: {  	p0 =	sne.s32 s24, s31  }
.Ltmp5:
0x558: {  	_ = 	snop;
	(pc) =	sbr.rel @p0 .LBB2_1-.Ltmp5, $3  }
0x559: {  	_ =	sdelay $0x1  }
0x55a: {  	[sflag:s2] =	ssyncset.done $0x0  }
0x55b: {  	[sflag:s2] =	ssyncadd.s32 $0xFFFFE000  }
0x55c: {  	_ =	sfence.sel $0x180000  }
0x55d: {  	[bflag:$0x0] =	sbarrier.arrive $0xFFFF  }
0x55e: {  	_ =	strace $0x90000047  }
0x55f: {  	s0 =	stileid.u32;
	[bflag:$0x2] =	sbarrier.arrive $0xFFFF  }
0x560: {  	p0 =	sne.s32 s0, $0x0;
	s0 =	rddreg [dreg:$0x5]  }
0x561: {  	s0 =	sadd.s32 @!p0 $0x100000, s0  }
0x562: {  	[sflag:s0] =	ssyncadd.tile.s32 @!p0 $0x1;
	_ =	shalt  }
.Lfunc_end2:
_tile_overlayer_lowered:
.L_overlay_start_2:
0x563: {  	(tag) =	ssettag $0x2  }
0x564: {  	s0 =	rddreg [dreg:$0x0];
	s2 =	stileid.u32  }
0x565: {  	s1 =	rddreg [dreg:$0x1];
	p0 =	sne.s32 s2, $0x0  }
0x566: {  	s3 =	rddreg [dreg:$0x2];
	[bflag:$0x3] =	sbarrier.arrive $0xFFFF;
	s2 =	simm.s32 @!p0 $0x1C09  }
0x567: {  	[timem:s3], [sflag:s2] =	dma.local @!p0 [hbm:s0], s1  }
0x568: {  	s0 =	simm.s32 @!p0 $0x9  }
0x569: {  	_ =	swait.ge @!p0 [sflag:s0], s1  }
0x56a: {  	s1 =	ssub.s32 @!p0 $0x0, s1;
	[sflag:s0] =	ssyncset.done @!p0 $0x0  }
0x56b: {  	[sflag:s0] =	ssyncadd.s32 @!p0 s1  }
0x56c: {  	[bflag:$0x3] =	sbarrier.arrive $0xFFFF  }
0x56d: {  	_ =	shalt  }

</sc_bundles>
